<compile_context>
chip_gen: v7x
topology: tpu7x:2x2x1
jax: 0.10.2.dev20260603
libtpu: 0.0.44.dev20260713+nightly
codegen_flags: <defaults>
</compile_context>

<pallas_src>
import functools

import jax
import jax.numpy as jnp
import numpy as np
from jax import lax
from jax.experimental import pallas as pl
from jax.experimental.pallas import tpu as pltpu
from jax.experimental.pallas import tpu_sc as plsc

NUM_FIELDS = 26
VOCAB_PER_FIELD = 100000
EMBED_DIM = 16
BATCH = 16384
MLP_HIDDEN = 128
EMBED_OUT = NUM_FIELDS * EMBED_DIM
TOTAL_ROWS = NUM_FIELDS * VOCAB_PER_FIELD
BF = BATCH * NUM_FIELDS

NC = 2
NS = 16
NW = NC * NS

CCOL = 1024
NFULL = 2539
TAIL_OFF = NFULL * CCOL
TAILC = 64
ROWS_PAD = TOTAL_ROWS + TAILC
CHUNK_FLOATS = CCOL * EMBED_DIM


OUT_FLOATS = ROWS_PAD * EMBED_DIM


def _repack_body(
    tableT_hbm, tail_hbm, out_hbm,
    ibuf0, ibuf1, obuf0, obuf1, tbuf,
    isem0, isem1, osem0, osem1,
):
    c = lax.axis_index("c")
    s = lax.axis_index("s")
    wid = s * NC + c
    n_w = (NFULL - wid + NW - 1) // NW
    ivec = lax.iota(jnp.int32, 16) * EMBED_DIM
    ibufs, obufs = (ibuf0, ibuf1), (obuf0, obuf1)
    isems, osems = (isem0, isem1), (osem0, osem1)

    def in_cp(j, b):
        ch = wid + j * NW
        return pltpu.make_async_copy(
            tableT_hbm.at[:, pl.ds(ch * CCOL, CCOL)], ibufs[b], isems[b]
        )

    def out_cp(j, b):
        ch = wid + j * NW
        return pltpu.make_async_copy(
            obufs[b],
            out_hbm.at[pl.ds(ch * CHUNK_FLOATS, CHUNK_FLOATS)],
            osems[b],
        )

    def transpose_cols(ib, ob, nk4):
        for cc in range(16):
            idxc = ivec + cc
            def kbody(k4, _):
                for u in range(4):
                    k = k4 * 4 + u
                    xv = ib[cc, pl.ds(k * 16, 16)]
                    idx = idxc + k * 256
                    plsc.store_scatter(ob, [idx], xv)
                return 0

            lax.fori_loop(0, nk4, kbody, 0)

    in_cp(0, 0).start()

    def chunk_pair(j2, _):
        for b in (0, 1):
            j = j2 * 2 + b

            @pl.when(j < n_w)
            def _do():
                in_cp(j, b).wait()

                @pl.when(j + 1 < n_w)
                def _pre():
                    in_cp(j + 1, 1 - b).start()

                @pl.when(j >= 2)
                def _drain():
                    out_cp(j - 2, b).wait()

                transpose_cols(ibufs[b], obufs[b], CCOL // 64)
                out_cp(j, b).start()

        return 0

    lax.fori_loop(0, (81 + 1) // 2, chunk_pair, 0)

    for b in (0, 1):
        for d in (2, 1):
            @pl.when((n_w >= d) & ((n_w - d) % 2 == b))
            def _fin():
                out_cp(n_w - d, b).wait()

    @pl.when(wid == NW - 1)
    def _tail():
        pltpu.async_copy(tail_hbm, tbuf, isem0).wait()
        pltpu.async_copy(
            tbuf, out_hbm.at[pl.ds(TAIL_OFF * EMBED_DIM, 1024)], isem0
        ).wait()


_repack = functools.partial(
    pl.kernel,
    out_type=jax.ShapeDtypeStruct((OUT_FLOATS,), jnp.float32),
    mesh=plsc.VectorSubcoreMesh(core_axis_name="c", subcore_axis_name="s"),
    scratch_types=[
        pltpu.VMEM((16, CCOL), jnp.float32),
        pltpu.VMEM((16, CCOL), jnp.float32),
        pltpu.VMEM((CHUNK_FLOATS,), jnp.float32),
        pltpu.VMEM((CHUNK_FLOATS,), jnp.float32),
        pltpu.VMEM((1024,), jnp.float32),
        pltpu.SemaphoreType.DMA,
        pltpu.SemaphoreType.DMA,
        pltpu.SemaphoreType.DMA,
        pltpu.SemaphoreType.DMA,
    ],
    compiler_params=pltpu.CompilerParams(needs_layout_passes=False),
)(_repack_body)
CI = 128
ROWS_PER_W = BF // (NW * CI)
KIN = 13
NOUT = ROWS_PER_W // KIN
assert NOUT * KIN * CI * NW == BF


def _gather_body(idx_hbm, table_hbm, out_hbm, idx_v, rows_v, sem):
    c = lax.axis_index("c")
    s = lax.axis_index("s")
    wid = s * NC + c
    row0 = wid * ROWS_PER_W
    pltpu.sync_copy(idx_hbm.at[pl.ds(row0, ROWS_PER_W)], idx_v)

    def outer(o, carry):
        base_row = o * KIN
        cps = [
            pltpu.async_copy(
                table_hbm.at[idx_v.at[base_row + j]],
                rows_v.at[pl.ds(j * CI, CI)],
                sem,
            )
            for j in range(KIN)
        ]
        for cp in cps:
            cp.wait()
        out_row0 = row0 * CI + o * (KIN * CI)
        pltpu.sync_copy(rows_v, out_hbm.at[pl.ds(out_row0, KIN * CI)])
        return carry

    lax.fori_loop(0, NOUT, outer, 0)


_gather = functools.partial(
    pl.kernel,
    out_type=jax.ShapeDtypeStruct((BF, EMBED_DIM), jnp.float32),
    mesh=plsc.VectorSubcoreMesh(core_axis_name="c", subcore_axis_name="s"),
    scratch_types=[
        pltpu.VMEM((ROWS_PER_W, CI), jnp.int32),
        pltpu.VMEM((KIN * CI, EMBED_DIM), jnp.float32),
        pltpu.SemaphoreType.DMA,
    ],
    compiler_params=pltpu.CompilerParams(use_tc_tiling_on_sc=False),
)(_gather_body)


BM = 1024


def _mlp_body(flat_ref, w1_ref, b1_ref, w2_ref, b2_ref, out_ref):
    h = jnp.dot(flat_ref[...], w1_ref[...], preferred_element_type=jnp.float32)
    h = jnp.maximum(h + b1_ref[...][None, :], 0.0)
    logit = jnp.sum(h * w2_ref[...][None, :], axis=1) + b2_ref[0]
    out_ref[...] = jax.nn.sigmoid(logit)


def _mlp(flat, w1, b1, w2, b2):
    grid = (BATCH // BM,)
    return pl.pallas_call(
        _mlp_body,
        grid=grid,
        in_specs=[
            pl.BlockSpec((BM, EMBED_OUT), lambda i: (i, 0)),
            pl.BlockSpec((EMBED_OUT, MLP_HIDDEN), lambda i: (0, 0)),
            pl.BlockSpec((MLP_HIDDEN,), lambda i: (0,)),
            pl.BlockSpec((MLP_HIDDEN,), lambda i: (0,)),
            pl.BlockSpec((1,), lambda i: (0,)),
        ],
        out_specs=pl.BlockSpec((BM,), lambda i: (i,)),
        out_shape=jax.ShapeDtypeStruct((BATCH,), jnp.float32),
    )(flat, w1, b1, w2, b2)


def kernel(x, table, W1, b1, W2, b2):
    offsets = jnp.arange(NUM_FIELDS, dtype=jnp.int32) * VOCAB_PER_FIELD
    idx = (x + offsets[None, :]).reshape(BF // CI, CI)
    tail128 = table[TAIL_OFF:].reshape(1024)
    t128 = _repack(table.T, tail128)
    table_rm = t128.reshape(ROWS_PAD, EMBED_DIM)
    gathered = _gather(idx, table_rm)
    flat = gathered.reshape(BATCH, EMBED_OUT)
    return _mlp(flat, W1, b1, W2.reshape(MLP_HIDDEN), b2)

# --- scband reference (transcript-rebuilt; emitter-appended) ---
"""Pipeline reference for scband-factorization-supported-neural-network-66657892434148 (READ-ONLY COPY).

The authoritative reference and input builder live on the scoring server;
editing this copy changes nothing except your own understanding.
"""

import jax, jax.numpy as jnp
import numpy as np

NUM_FIELDS = 26
VOCAB_PER_FIELD = 100000
TOTAL_ROWS = NUM_FIELDS * VOCAB_PER_FIELD
EMBED_DIM = 16
BATCH = 16384
MLP_HIDDEN = 128
EMBED_OUT = NUM_FIELDS * EMBED_DIM


def setup_inputs(seed: int = 0) -> dict:
    key = jax.random.key(seed)
    k_x, k_tab, k_w1, k_b1, k_w2, k_b2 = jax.random.split(key, 6)
    x = jax.random.randint(k_x, (BATCH, NUM_FIELDS), 0, VOCAB_PER_FIELD, dtype=jnp.int64 if jax.config.read('jax_enable_x64') else jnp.int32)
    x = x.astype(jnp.int32)
    table = jax.random.normal(k_tab, (TOTAL_ROWS, EMBED_DIM), dtype=jnp.float32) * 0.01
    W1 = jax.random.normal(k_w1, (EMBED_OUT, MLP_HIDDEN), dtype=jnp.float32) * (1.0 / np.sqrt(EMBED_OUT))
    b1 = jnp.zeros((MLP_HIDDEN,), dtype=jnp.float32)
    W2 = jax.random.normal(k_w2, (MLP_HIDDEN, 1), dtype=jnp.float32) * (1.0 / np.sqrt(MLP_HIDDEN))
    b2 = jnp.zeros((1,), dtype=jnp.float32)
    return {"x": x, "table": table, "W1": W1, "b1": b1, "W2": W2, "b2": b2}


def reference(x, table, W1, b1, W2, b2):
    # field offsets: each field's indices are offset into the shared table
    offsets = jnp.asarray(np.arange(NUM_FIELDS, dtype=np.int32) * VOCAB_PER_FIELD)
    idx = x + offsets[None, :]  # [B, F]
    embed_x = jnp.take(table, idx, axis=0)  # [B, F, D] gather
    flat = embed_x.reshape(-1, EMBED_OUT)  # [B, F*D]
    h = jax.nn.relu(flat @ W1 + b1)  # dropout is identity at inference
    out = h @ W2 + b2  # [B, 1]
    label_logits = jax.nn.sigmoid(out.squeeze(1))  # [B]
    return label_logits

if __name__ == "__main__":
    import jax
    _d = setup_inputs()
    print(jax.jit(kernel)(*tuple(_d.values())))

</pallas_src>

<mosaic_0001>
#map = affine_map<(d0, d1) -> (0, 0)>
#map1 = affine_map<(d0, d1) -> (0)>
module attributes {stable_mosaic.version = 14 : i64} {
  func.func @_repack_body(%arg0: i32, %arg1: i32, %arg2: memref<16x2600000xf32, #tpu.memory_space<hbm>>, %arg3: memref<1024xf32, #tpu.memory_space<hbm>>, %arg4: memref<41601024xf32, #tpu.memory_space<hbm>>, %arg5: memref<16x1024xf32, #tpu.memory_space<vmem>>, %arg6: memref<16x1024xf32, #tpu.memory_space<vmem>>, %arg7: memref<16384xf32, #tpu.memory_space<vmem>>, %arg8: memref<16384xf32, #tpu.memory_space<vmem>>, %arg9: memref<1024xf32, #tpu.memory_space<vmem>>, %arg10: memref<!tpu.dma_semaphore, #tpu.memory_space<semaphore_mem>>, %arg11: memref<!tpu.dma_semaphore, #tpu.memory_space<semaphore_mem>>, %arg12: memref<!tpu.dma_semaphore, #tpu.memory_space<semaphore_mem>>, %arg13: memref<!tpu.dma_semaphore, #tpu.memory_space<semaphore_mem>>) attributes {dimension_semantics = [#tpu.dimension_semantics<core_parallel>, #tpu.dimension_semantics<subcore_parallel>], iteration_bounds = array<i64: 2, 16>, scalar_prefetch = 0 : i64, scratch_operands = 9 : i64, tpu.core_type = #tpu.core_type<sc_vector_subcore>, window_params = [{transform_indices = #map}, {transform_indices = #map1}, {transform_indices = #map1}]} {
    %mul3A = arith.constant 2 : i32
    %mul3A_0 = arith.muli %arg1, %mul3A : i32
    %add3A = arith.addi %mul3A_0, %arg0 : i32
    %sub3A = arith.constant 2539 : i32
    %sub3A_1 = arith.subi %sub3A, %add3A : i32
    %add3A_2 = arith.constant 32 : i32
    %add3A_3 = arith.addi %sub3A_1, %add3A_2 : i32
    %sub3A_4 = arith.constant 1 : i32
    %sub3A_5 = arith.subi %add3A_3, %sub3A_4 : i32
    %jit3A = arith.constant 32 : i32
    %div3A = arith.divsi %sub3A_5, %jit3A : i32
    %sign3A = arith.constant 0 : i32
    %sign3A_6 = arith.cmpi sgt, %sub3A_5, %sign3A : i32
    %sign3A_7 = arith.extui %sign3A_6 : i1 to i32
    %sign3A_8 = arith.constant 0 : i32
    %sign3A_9 = arith.cmpi slt, %sub3A_5, %sign3A_8 : i32
    %sign3A_10 = arith.extui %sign3A_9 : i1 to i32
    %sign3A_11 = arith.subi %sign3A_7, %sign3A_10 : i32
    %sign3A_12 = arith.constant 0 : i32
    %sign3A_13 = arith.cmpi sgt, %jit3A, %sign3A_12 : i32
    %sign3A_14 = arith.extui %sign3A_13 : i1 to i32
    %sign3A_15 = arith.constant 0 : i32
    %sign3A_16 = arith.cmpi slt, %jit3A, %sign3A_15 : i32
    %sign3A_17 = arith.extui %sign3A_16 : i1 to i32
    %sign3A_18 = arith.subi %sign3A_14, %sign3A_17 : i32
    %ne3A = arith.cmpi ne, %sign3A_11, %sign3A_18 : i32
    %rem3A = arith.remsi %sub3A_5, %jit3A : i32
    %ne3A_19 = arith.constant 0 : i32
    %ne3A_20 = arith.cmpi ne, %rem3A, %ne3A_19 : i32
    %and3A = arith.andi %ne3A, %ne3A_20 : i1
    %sub3A_21 = arith.constant 1 : i32
    %sub3A_22 = arith.subi %div3A, %sub3A_21 : i32
    %select_n3A = arith.select %and3A, %sub3A_22, %div3A : i32
    %iota3A = tpu.iota {dimensions = array<i32: 0>} : vector<16xi32>
    %mul3A_23 = arith.constant 16 : i32
    %mul3A_24 = vector.broadcast %mul3A_23 : i32 to vector<16xi32>
    %mul3A_25 = arith.muli %iota3A, %mul3A_24 : vector<16xi32>
    %add3A_26 = arith.constant 0 : i32
    %add3A_27 = arith.addi %add3A, %add3A_26 : i32
    %mul3A_28 = arith.constant 1024 : i32
    %mul3A_29 = arith.muli %add3A_27, %mul3A_28 : i32
    %dma_start3A = arith.constant 0 : i32
    %dma_start3A_30 = tpu.memref_slice %arg2[%dma_start3A, %mul3A_29] : memref<16x2600000xf32, #tpu.memory_space<hbm>> -> memref<16x1024xf32, #tpu.memory_space<hbm>>
    %dma_start3A_31 = arith.constant 0 : i32
    %dma_start3A_32 = tpu.memref_slice %arg2[%dma_start3A_31, %mul3A_29] : memref<16x2600000xf32, #tpu.memory_space<hbm>> -> memref<16x1024xf32, #tpu.memory_space<hbm>>
    tpu.enqueue_dma source(%dma_start3A_32 : memref<16x1024xf32, #tpu.memory_space<hbm>>) target(%arg5 : memref<16x1024xf32, #tpu.memory_space<vmem>>) target_semaphore(%arg10 : memref<!tpu.dma_semaphore, #tpu.memory_space<semaphore_mem>>)
    %scan3A = arith.constant 0 : i32
    %scan3A_33 = arith.constant 0 : i32
    %scan3A_34 = arith.constant 41 : i32
    %scan3A_35 = arith.addi %scan3A_33, %scan3A_34 : i32
    %scan3A_36 = arith.constant 1 : i32
    %scan3A_37 = scf.for %scan3A_143 = %scan3A_33 to %scan3A_35 step %scan3A_36 iter_args(%scan3A_144 = %scan3A) -> (i32)  : i32 {
      %mul3A_145 = arith.constant 2 : i32
      %mul3A_146 = arith.muli %scan3A_143, %mul3A_145 : i32
      %add3A_147 = arith.constant 0 : i32
      %add3A_148 = arith.addi %mul3A_146, %add3A_147 : i32
      %lt3A_149 = arith.cmpi slt, %add3A_148, %select_n3A : i32
      %convert_element_type3A_150 = arith.extui %lt3A_149 : i1 to i32
      %cond3A_151 = arith.constant 0 : i32
      %cond3A_152 = arith.cmpi ne, %convert_element_type3A_150, %cond3A_151 : i32
      scf.if %cond3A_152 {
        %mul3A_162 = arith.constant 32 : i32
        %mul3A_163 = arith.muli %add3A_148, %mul3A_162 : i32
        %add3A_164 = arith.addi %add3A, %mul3A_163 : i32
        %mul3A_165 = arith.constant 1024 : i32
        %mul3A_166 = arith.muli %add3A_164, %mul3A_165 : i32
        %dma_wait3A = arith.constant 0 : i32
        %dma_wait3A_167 = tpu.memref_slice %arg2[%dma_wait3A, %mul3A_166] : memref<16x2600000xf32, #tpu.memory_space<hbm>> -> memref<16x1024xf32, #tpu.memory_space<hbm>>
        %dma_wait3A_168 = arith.constant 0 : i32
        %dma_wait3A_169 = tpu.memref_slice %arg2[%dma_wait3A_168, %mul3A_166] : memref<16x2600000xf32, #tpu.memory_space<hbm>> -> memref<16x1024xf32, #tpu.memory_space<hbm>>
        tpu.wait_dma2 semaphore(%arg10 : memref<!tpu.dma_semaphore, #tpu.memory_space<semaphore_mem>>) src(%dma_wait3A_169 : memref<16x1024xf32, #tpu.memory_space<hbm>>) dst(%arg5 : memref<16x1024xf32, #tpu.memory_space<vmem>>)
        %add3A_170 = arith.constant 1 : i32
        %add3A_171 = arith.addi %add3A_148, %add3A_170 : i32
        %lt3A_172 = arith.cmpi slt, %add3A_171, %select_n3A : i32
        %convert_element_type3A_173 = arith.extui %lt3A_172 : i1 to i32
        %cond3A_174 = arith.constant 0 : i32
        %cond3A_175 = arith.cmpi ne, %convert_element_type3A_173, %cond3A_174 : i32
        scf.if %cond3A_175 {
          %add3A_348 = arith.constant 1 : i32
          %add3A_349 = arith.addi %add3A_148, %add3A_348 : i32
          %mul3A_350 = arith.constant 32 : i32
          %mul3A_351 = arith.muli %add3A_349, %mul3A_350 : i32
          %add3A_352 = arith.addi %add3A, %mul3A_351 : i32
          %mul3A_353 = arith.constant 1024 : i32
          %mul3A_354 = arith.muli %add3A_352, %mul3A_353 : i32
          %dma_start3A_355 = arith.constant 0 : i32
          %dma_start3A_356 = tpu.memref_slice %arg2[%dma_start3A_355, %mul3A_354] : memref<16x2600000xf32, #tpu.memory_space<hbm>> -> memref<16x1024xf32, #tpu.memory_space<hbm>>
          %dma_start3A_357 = arith.constant 0 : i32
          %dma_start3A_358 = tpu.memref_slice %arg2[%dma_start3A_357, %mul3A_354] : memref<16x2600000xf32, #tpu.memory_space<hbm>> -> memref<16x1024xf32, #tpu.memory_space<hbm>>
          tpu.enqueue_dma source(%dma_start3A_358 : memref<16x1024xf32, #tpu.memory_space<hbm>>) target(%arg6 : memref<16x1024xf32, #tpu.memory_space<vmem>>) target_semaphore(%arg11 : memref<!tpu.dma_semaphore, #tpu.memory_space<semaphore_mem>>)
        } else {
        }
        %ge3A_176 = arith.constant 2 : i32
        %ge3A_177 = arith.cmpi sge, %add3A_148, %ge3A_176 : i32
        %convert_element_type3A_178 = arith.extui %ge3A_177 : i1 to i32
        %cond3A_179 = arith.constant 0 : i32
        %cond3A_180 = arith.cmpi ne, %convert_element_type3A_178, %cond3A_179 : i32
        scf.if %cond3A_180 {
          %sub3A_348 = arith.constant 2 : i32
          %sub3A_349 = arith.subi %add3A_148, %sub3A_348 : i32
          %mul3A_350 = arith.constant 32 : i32
          %mul3A_351 = arith.muli %sub3A_349, %mul3A_350 : i32
          %add3A_352 = arith.addi %add3A, %mul3A_351 : i32
          %mul3A_353 = arith.constant 16384 : i32
          %mul3A_354 = arith.muli %add3A_352, %mul3A_353 : i32
          %dma_wait3A_355 = tpu.memref_slice %arg4[%mul3A_354] : memref<41601024xf32, #tpu.memory_space<hbm>> -> memref<16384xf32, #tpu.memory_space<hbm>>
          %dma_wait3A_356 = tpu.memref_slice %arg4[%mul3A_354] : memref<41601024xf32, #tpu.memory_space<hbm>> -> memref<16384xf32, #tpu.memory_space<hbm>>
          tpu.wait_dma2 semaphore(%arg12 : memref<!tpu.dma_semaphore, #tpu.memory_space<semaphore_mem>>) src(%arg7 : memref<16384xf32, #tpu.memory_space<vmem>>) dst(%dma_wait3A_356 : memref<16384xf32, #tpu.memory_space<hbm>>)
        } else {
        }
        %add3A_181 = arith.constant 0 : i32
        %add3A_182 = vector.broadcast %add3A_181 : i32 to vector<16xi32>
        %add3A_183 = arith.addi %mul3A_25, %add3A_182 : vector<16xi32>
        %scan3A_184 = arith.constant 0 : i32
        %scan3A_185 = arith.constant 0 : i32
        %scan3A_186 = arith.constant 16 : i32
        %scan3A_187 = arith.addi %scan3A_185, %scan3A_186 : i32
        %scan3A_188 = arith.constant 1 : i32
        %scan3A_189 = scf.for %scan3A_348 = %scan3A_185 to %scan3A_187 step %scan3A_188 iter_args(%scan3A_349 = %scan3A_184) -> (i32)  : i32 {
          %mul3A_350 = arith.constant 4 : i32
          %mul3A_351 = arith.muli %scan3A_348, %mul3A_350 : i32
          %add3A_352 = arith.constant 0 : i32
          %add3A_353 = arith.addi %mul3A_351, %add3A_352 : i32
          %mul3A_354 = arith.constant 16 : i32
          %mul3A_355 = arith.muli %add3A_353, %mul3A_354 : i32
          %get3A = arith.constant 0 : i32
          %get3A_356 = arith.index_cast %get3A : i32 to index
          %get3A_357 = arith.index_cast %mul3A_355 : i32 to index
          %get3A_358 = tpu.vector_load %arg5[%get3A_356, %get3A_357] {strides = array<i32>} : memref<16x1024xf32, #tpu.memory_space<vmem>>, vector<16xf32>,
          %mul3A_359 = arith.constant 256 : i32
          %mul3A_360 = arith.muli %add3A_353, %mul3A_359 : i32
          %add3A_361 = vector.broadcast %mul3A_360 : i32 to vector<16xi32>
          %add3A_362 = arith.addi %add3A_183, %add3A_361 : vector<16xi32>
          tpu.vector_store_idx %arg7[%add3A_362], %get3A_358 : memref<16384xf32, #tpu.memory_space<vmem>>[vector<16xi32>], vector<16xf32>,
          %mul3A_363 = arith.constant 4 : i32
          %mul3A_364 = arith.muli %scan3A_348, %mul3A_363 : i32
          %add3A_365 = arith.constant 1 : i32
          %add3A_366 = arith.addi %mul3A_364, %add3A_365 : i32
          %mul3A_367 = arith.constant 16 : i32
          %mul3A_368 = arith.muli %add3A_366, %mul3A_367 : i32
          %get3A_369 = arith.constant 0 : i32
          %get3A_370 = arith.index_cast %get3A_369 : i32 to index
          %get3A_371 = arith.index_cast %mul3A_368 : i32 to index
          %get3A_372 = tpu.vector_load %arg5[%get3A_370, %get3A_371] {strides = array<i32>} : memref<16x1024xf32, #tpu.memory_space<vmem>>, vector<16xf32>,
          %mul3A_373 = arith.constant 256 : i32
          %mul3A_374 = arith.muli %add3A_366, %mul3A_373 : i32
          %add3A_375 = vector.broadcast %mul3A_374 : i32 to vector<16xi32>
          %add3A_376 = arith.addi %add3A_183, %add3A_375 : vector<16xi32>
          tpu.vector_store_idx %arg7[%add3A_376], %get3A_372 : memref<16384xf32, #tpu.memory_space<vmem>>[vector<16xi32>], vector<16xf32>,
          %mul3A_377 = arith.constant 4 : i32
          %mul3A_378 = arith.muli %scan3A_348, %mul3A_377 : i32
          %add3A_379 = arith.constant 2 : i32
          %add3A_380 = arith.addi %mul3A_378, %add3A_379 : i32
          %mul3A_381 = arith.constant 16 : i32
          %mul3A_382 = arith.muli %add3A_380, %mul3A_381 : i32
          %get3A_383 = arith.constant 0 : i32
          %get3A_384 = arith.index_cast %get3A_383 : i32 to index
          %get3A_385 = arith.index_cast %mul3A_382 : i32 to index
          %get3A_386 = tpu.vector_load %arg5[%get3A_384, %get3A_385] {strides = array<i32>} : memref<16x1024xf32, #tpu.memory_space<vmem>>, vector<16xf32>,
          %mul3A_387 = arith.constant 256 : i32
          %mul3A_388 = arith.muli %add3A_380, %mul3A_387 : i32
          %add3A_389 = vector.broadcast %mul3A_388 : i32 to vector<16xi32>
          %add3A_390 = arith.addi %add3A_183, %add3A_389 : vector<16xi32>
          tpu.vector_store_idx %arg7[%add3A_390], %get3A_386 : memref<16384xf32, #tpu.memory_space<vmem>>[vector<16xi32>], vector<16xf32>,
          %mul3A_391 = arith.constant 4 : i32
          %mul3A_392 = arith.muli %scan3A_348, %mul3A_391 : i32
          %add3A_393 = arith.constant 3 : i32
          %add3A_394 = arith.addi %mul3A_392, %add3A_393 : i32
          %mul3A_395 = arith.constant 16 : i32
          %mul3A_396 = arith.muli %add3A_394, %mul3A_395 : i32
          %get3A_397 = arith.constant 0 : i32
          %get3A_398 = arith.index_cast %get3A_397 : i32 to index
          %get3A_399 = arith.index_cast %mul3A_396 : i32 to index
          %get3A_400 = tpu.vector_load %arg5[%get3A_398, %get3A_399] {strides = array<i32>} : memref<16x1024xf32, #tpu.memory_space<vmem>>, vector<16xf32>,
          %mul3A_401 = arith.constant 256 : i32
          %mul3A_402 = arith.muli %add3A_394, %mul3A_401 : i32
          %add3A_403 = vector.broadcast %mul3A_402 : i32 to vector<16xi32>
          %add3A_404 = arith.addi %add3A_183, %add3A_403 : vector<16xi32>
          tpu.vector_store_idx %arg7[%add3A_404], %get3A_400 : memref<16384xf32, #tpu.memory_space<vmem>>[vector<16xi32>], vector<16xf32>,
          %scan3A_405 = arith.constant 0 : i32
          scf.yield %scan3A_405 : i32
        }
        %scan3A_190 = arith.constant 16 : i32
        %add3A_191 = arith.constant 1 : i32
        %add3A_192 = vector.broadcast %add3A_191 : i32 to vector<16xi32>
        %add3A_193 = arith.addi %mul3A_25, %add3A_192 : vector<16xi32>
        %scan3A_194 = arith.constant 0 : i32
        %scan3A_195 = arith.constant 0 : i32
        %scan3A_196 = arith.constant 16 : i32
        %scan3A_197 = arith.addi %scan3A_195, %scan3A_196 : i32
        %scan3A_198 = arith.constant 1 : i32
        %scan3A_199 = scf.for %scan3A_348 = %scan3A_195 to %scan3A_197 step %scan3A_198 iter_args(%scan3A_349 = %scan3A_194) -> (i32)  : i32 {
          %mul3A_350 = arith.constant 4 : i32
          %mul3A_351 = arith.muli %scan3A_348, %mul3A_350 : i32
          %add3A_352 = arith.constant 0 : i32
          %add3A_353 = arith.addi %mul3A_351, %add3A_352 : i32
          %mul3A_354 = arith.constant 16 : i32
          %mul3A_355 = arith.muli %add3A_353, %mul3A_354 : i32
          %get3A = arith.constant 1 : i32
          %get3A_356 = arith.index_cast %get3A : i32 to index
          %get3A_357 = arith.index_cast %mul3A_355 : i32 to index
          %get3A_358 = tpu.vector_load %arg5[%get3A_356, %get3A_357] {strides = array<i32>} : memref<16x1024xf32, #tpu.memory_space<vmem>>, vector<16xf32>,
          %mul3A_359 = arith.constant 256 : i32
          %mul3A_360 = arith.muli %add3A_353, %mul3A_359 : i32
          %add3A_361 = vector.broadcast %mul3A_360 : i32 to vector<16xi32>
          %add3A_362 = arith.addi %add3A_193, %add3A_361 : vector<16xi32>
          tpu.vector_store_idx %arg7[%add3A_362], %get3A_358 : memref<16384xf32, #tpu.memory_space<vmem>>[vector<16xi32>], vector<16xf32>,
          %mul3A_363 = arith.constant 4 : i32
          %mul3A_364 = arith.muli %scan3A_348, %mul3A_363 : i32
          %add3A_365 = arith.constant 1 : i32
          %add3A_366 = arith.addi %mul3A_364, %add3A_365 : i32
          %mul3A_367 = arith.constant 16 : i32
          %mul3A_368 = arith.muli %add3A_366, %mul3A_367 : i32
          %get3A_369 = arith.constant 1 : i32
          %get3A_370 = arith.index_cast %get3A_369 : i32 to index
          %get3A_371 = arith.index_cast %mul3A_368 : i32 to index
          %get3A_372 = tpu.vector_load %arg5[%get3A_370, %get3A_371] {strides = array<i32>} : memref<16x1024xf32, #tpu.memory_space<vmem>>, vector<16xf32>,
          %mul3A_373 = arith.constant 256 : i32
          %mul3A_374 = arith.muli %add3A_366, %mul3A_373 : i32
          %add3A_375 = vector.broadcast %mul3A_374 : i32 to vector<16xi32>
          %add3A_376 = arith.addi %add3A_193, %add3A_375 : vector<16xi32>
          tpu.vector_store_idx %arg7[%add3A_376], %get3A_372 : memref<16384xf32, #tpu.memory_space<vmem>>[vector<16xi32>], vector<16xf32>,
          %mul3A_377 = arith.constant 4 : i32
          %mul3A_378 = arith.muli %scan3A_348, %mul3A_377 : i32
          %add3A_379 = arith.constant 2 : i32
          %add3A_380 = arith.addi %mul3A_378, %add3A_379 : i32
          %mul3A_381 = arith.constant 16 : i32
          %mul3A_382 = arith.muli %add3A_380, %mul3A_381 : i32
          %get3A_383 = arith.constant 1 : i32
          %get3A_384 = arith.index_cast %get3A_383 : i32 to index
          %get3A_385 = arith.index_cast %mul3A_382 : i32 to index
          %get3A_386 = tpu.vector_load %arg5[%get3A_384, %get3A_385] {strides = array<i32>} : memref<16x1024xf32, #tpu.memory_space<vmem>>, vector<16xf32>,
          %mul3A_387 = arith.constant 256 : i32
          %mul3A_388 = arith.muli %add3A_380, %mul3A_387 : i32
          %add3A_389 = vector.broadcast %mul3A_388 : i32 to vector<16xi32>
          %add3A_390 = arith.addi %add3A_193, %add3A_389 : vector<16xi32>
          tpu.vector_store_idx %arg7[%add3A_390], %get3A_386 : memref<16384xf32, #tpu.memory_space<vmem>>[vector<16xi32>], vector<16xf32>,
          %mul3A_391 = arith.constant 4 : i32
          %mul3A_392 = arith.muli %scan3A_348, %mul3A_391 : i32
          %add3A_393 = arith.constant 3 : i32
          %add3A_394 = arith.addi %mul3A_392, %add3A_393 : i32
          %mul3A_395 = arith.constant 16 : i32
          %mul3A_396 = arith.muli %add3A_394, %mul3A_395 : i32
          %get3A_397 = arith.constant 1 : i32
          %get3A_398 = arith.index_cast %get3A_397 : i32 to index
          %get3A_399 = arith.index_cast %mul3A_396 : i32 to index
          %get3A_400 = tpu.vector_load %arg5[%get3A_398, %get3A_399] {strides = array<i32>} : memref<16x1024xf32, #tpu.memory_space<vmem>>, vector<16xf32>,
          %mul3A_401 = arith.constant 256 : i32
          %mul3A_402 = arith.muli %add3A_394, %mul3A_401 : i32
          %add3A_403 = vector.broadcast %mul3A_402 : i32 to vector<16xi32>
          %add3A_404 = arith.addi %add3A_193, %add3A_403 : vector<16xi32>
          tpu.vector_store_idx %arg7[%add3A_404], %get3A_400 : memref<16384xf32, #tpu.memory_space<vmem>>[vector<16xi32>], vector<16xf32>,
          %scan3A_405 = arith.constant 0 : i32
          scf.yield %scan3A_405 : i32
        }
        %scan3A_200 = arith.constant 16 : i32
        %add3A_201 = arith.constant 2 : i32
        %add3A_202 = vector.broadcast %add3A_201 : i32 to vector<16xi32>
        %add3A_203 = arith.addi %mul3A_25, %add3A_202 : vector<16xi32>
        %scan3A_204 = arith.constant 0 : i32
        %scan3A_205 = arith.constant 0 : i32
        %scan3A_206 = arith.constant 16 : i32
        %scan3A_207 = arith.addi %scan3A_205, %scan3A_206 : i32
        %scan3A_208 = arith.constant 1 : i32
        %scan3A_209 = scf.for %scan3A_348 = %scan3A_205 to %scan3A_207 step %scan3A_208 iter_args(%scan3A_349 = %scan3A_204) -> (i32)  : i32 {
          %mul3A_350 = arith.constant 4 : i32
          %mul3A_351 = arith.muli %scan3A_348, %mul3A_350 : i32
          %add3A_352 = arith.constant 0 : i32
          %add3A_353 = arith.addi %mul3A_351, %add3A_352 : i32
          %mul3A_354 = arith.constant 16 : i32
          %mul3A_355 = arith.muli %add3A_353, %mul3A_354 : i32
          %get3A = arith.constant 2 : i32
          %get3A_356 = arith.index_cast %get3A : i32 to index
          %get3A_357 = arith.index_cast %mul3A_355 : i32 to index
          %get3A_358 = tpu.vector_load %arg5[%get3A_356, %get3A_357] {strides = array<i32>} : memref<16x1024xf32, #tpu.memory_space<vmem>>, vector<16xf32>,
          %mul3A_359 = arith.constant 256 : i32
          %mul3A_360 = arith.muli %add3A_353, %mul3A_359 : i32
          %add3A_361 = vector.broadcast %mul3A_360 : i32 to vector<16xi32>
          %add3A_362 = arith.addi %add3A_203, %add3A_361 : vector<16xi32>
          tpu.vector_store_idx %arg7[%add3A_362], %get3A_358 : memref<16384xf32, #tpu.memory_space<vmem>>[vector<16xi32>], vector<16xf32>,
          %mul3A_363 = arith.constant 4 : i32
          %mul3A_364 = arith.muli %scan3A_348, %mul3A_363 : i32
          %add3A_365 = arith.constant 1 : i32
          %add3A_366 = arith.addi %mul3A_364, %add3A_365 : i32
          %mul3A_367 = arith.constant 16 : i32
          %mul3A_368 = arith.muli %add3A_366, %mul3A_367 : i32
          %get3A_369 = arith.constant 2 : i32
          %get3A_370 = arith.index_cast %get3A_369 : i32 to index
          %get3A_371 = arith.index_cast %mul3A_368 : i32 to index
          %get3A_372 = tpu.vector_load %arg5[%get3A_370, %get3A_371] {strides = array<i32>} : memref<16x1024xf32, #tpu.memory_space<vmem>>, vector<16xf32>,
          %mul3A_373 = arith.constant 256 : i32
          %mul3A_374 = arith.muli %add3A_366, %mul3A_373 : i32
          %add3A_375 = vector.broadcast %mul3A_374 : i32 to vector<16xi32>
          %add3A_376 = arith.addi %add3A_203, %add3A_375 : vector<16xi32>
          tpu.vector_store_idx %arg7[%add3A_376], %get3A_372 : memref<16384xf32, #tpu.memory_space<vmem>>[vector<16xi32>], vector<16xf32>,
          %mul3A_377 = arith.constant 4 : i32
          %mul3A_378 = arith.muli %scan3A_348, %mul3A_377 : i32
          %add3A_379 = arith.constant 2 : i32
          %add3A_380 = arith.addi %mul3A_378, %add3A_379 : i32
          %mul3A_381 = arith.constant 16 : i32
          %mul3A_382 = arith.muli %add3A_380, %mul3A_381 : i32
          %get3A_383 = arith.constant 2 : i32
          %get3A_384 = arith.index_cast %get3A_383 : i32 to index
          %get3A_385 = arith.index_cast %mul3A_382 : i32 to index
          %get3A_386 = tpu.vector_load %arg5[%get3A_384, %get3A_385] {strides = array<i32>} : memref<16x1024xf32, #tpu.memory_space<vmem>>, vector<16xf32>,
          %mul3A_387 = arith.constant 256 : i32
          %mul3A_388 = arith.muli %add3A_380, %mul3A_387 : i32
          %add3A_389 = vector.broadcast %mul3A_388 : i32 to vector<16xi32>
          %add3A_390 = arith.addi %add3A_203, %add3A_389 : vector<16xi32>
          tpu.vector_store_idx %arg7[%add3A_390], %get3A_386 : memref<16384xf32, #tpu.memory_space<vmem>>[vector<16xi32>], vector<16xf32>,
          %mul3A_391 = arith.constant 4 : i32
          %mul3A_392 = arith.muli %scan3A_348, %mul3A_391 : i32
          %add3A_393 = arith.constant 3 : i32
          %add3A_394 = arith.addi %mul3A_392, %add3A_393 : i32
          %mul3A_395 = arith.constant 16 : i32
          %mul3A_396 = arith.muli %add3A_394, %mul3A_395 : i32
          %get3A_397 = arith.constant 2 : i32
          %get3A_398 = arith.index_cast %get3A_397 : i32 to index
          %get3A_399 = arith.index_cast %mul3A_396 : i32 to index
          %get3A_400 = tpu.vector_load %arg5[%get3A_398, %get3A_399] {strides = array<i32>} : memref<16x1024xf32, #tpu.memory_space<vmem>>, vector<16xf32>,
          %mul3A_401 = arith.constant 256 : i32
          %mul3A_402 = arith.muli %add3A_394, %mul3A_401 : i32
          %add3A_403 = vector.broadcast %mul3A_402 : i32 to vector<16xi32>
          %add3A_404 = arith.addi %add3A_203, %add3A_403 : vector<16xi32>
          tpu.vector_store_idx %arg7[%add3A_404], %get3A_400 : memref<16384xf32, #tpu.memory_space<vmem>>[vector<16xi32>], vector<16xf32>,
          %scan3A_405 = arith.constant 0 : i32
          scf.yield %scan3A_405 : i32
        }
        %scan3A_210 = arith.constant 16 : i32
        %add3A_211 = arith.constant 3 : i32
        %add3A_212 = vector.broadcast %add3A_211 : i32 to vector<16xi32>
        %add3A_213 = arith.addi %mul3A_25, %add3A_212 : vector<16xi32>
        %scan3A_214 = arith.constant 0 : i32
        %scan3A_215 = arith.constant 0 : i32
        %scan3A_216 = arith.constant 16 : i32
        %scan3A_217 = arith.addi %scan3A_215, %scan3A_216 : i32
        %scan3A_218 = arith.constant 1 : i32
        %scan3A_219 = scf.for %scan3A_348 = %scan3A_215 to %scan3A_217 step %scan3A_218 iter_args(%scan3A_349 = %scan3A_214) -> (i32)  : i32 {
          %mul3A_350 = arith.constant 4 : i32
          %mul3A_351 = arith.muli %scan3A_348, %mul3A_350 : i32
          %add3A_352 = arith.constant 0 : i32
          %add3A_353 = arith.addi %mul3A_351, %add3A_352 : i32
          %mul3A_354 = arith.constant 16 : i32
          %mul3A_355 = arith.muli %add3A_353, %mul3A_354 : i32
          %get3A = arith.constant 3 : i32
          %get3A_356 = arith.index_cast %get3A : i32 to index
          %get3A_357 = arith.index_cast %mul3A_355 : i32 to index
          %get3A_358 = tpu.vector_load %arg5[%get3A_356, %get3A_357] {strides = array<i32>} : memref<16x1024xf32, #tpu.memory_space<vmem>>, vector<16xf32>,
          %mul3A_359 = arith.constant 256 : i32
          %mul3A_360 = arith.muli %add3A_353, %mul3A_359 : i32
          %add3A_361 = vector.broadcast %mul3A_360 : i32 to vector<16xi32>
          %add3A_362 = arith.addi %add3A_213, %add3A_361 : vector<16xi32>
          tpu.vector_store_idx %arg7[%add3A_362], %get3A_358 : memref<16384xf32, #tpu.memory_space<vmem>>[vector<16xi32>], vector<16xf32>,
          %mul3A_363 = arith.constant 4 : i32
          %mul3A_364 = arith.muli %scan3A_348, %mul3A_363 : i32
          %add3A_365 = arith.constant 1 : i32
          %add3A_366 = arith.addi %mul3A_364, %add3A_365 : i32
          %mul3A_367 = arith.constant 16 : i32
          %mul3A_368 = arith.muli %add3A_366, %mul3A_367 : i32
          %get3A_369 = arith.constant 3 : i32
          %get3A_370 = arith.index_cast %get3A_369 : i32 to index
          %get3A_371 = arith.index_cast %mul3A_368 : i32 to index
          %get3A_372 = tpu.vector_load %arg5[%get3A_370, %get3A_371] {strides = array<i32>} : memref<16x1024xf32, #tpu.memory_space<vmem>>, vector<16xf32>,
          %mul3A_373 = arith.constant 256 : i32
          %mul3A_374 = arith.muli %add3A_366, %mul3A_373 : i32
          %add3A_375 = vector.broadcast %mul3A_374 : i32 to vector<16xi32>
          %add3A_376 = arith.addi %add3A_213, %add3A_375 : vector<16xi32>
          tpu.vector_store_idx %arg7[%add3A_376], %get3A_372 : memref<16384xf32, #tpu.memory_space<vmem>>[vector<16xi32>], vector<16xf32>,
          %mul3A_377 = arith.constant 4 : i32
          %mul3A_378 = arith.muli %scan3A_348, %mul3A_377 : i32
          %add3A_379 = arith.constant 2 : i32
          %add3A_380 = arith.addi %mul3A_378, %add3A_379 : i32
          %mul3A_381 = arith.constant 16 : i32
          %mul3A_382 = arith.muli %add3A_380, %mul3A_381 : i32
          %get3A_383 = arith.constant 3 : i32
          %get3A_384 = arith.index_cast %get3A_383 : i32 to index
          %get3A_385 = arith.index_cast %mul3A_382 : i32 to index
          %get3A_386 = tpu.vector_load %arg5[%get3A_384, %get3A_385] {strides = array<i32>} : memref<16x1024xf32, #tpu.memory_space<vmem>>, vector<16xf32>,
          %mul3A_387 = arith.constant 256 : i32
          %mul3A_388 = arith.muli %add3A_380, %mul3A_387 : i32
          %add3A_389 = vector.broadcast %mul3A_388 : i32 to vector<16xi32>
          %add3A_390 = arith.addi %add3A_213, %add3A_389 : vector<16xi32>
          tpu.vector_store_idx %arg7[%add3A_390], %get3A_386 : memref<16384xf32, #tpu.memory_space<vmem>>[vector<16xi32>], vector<16xf32>,
          %mul3A_391 = arith.constant 4 : i32
          %mul3A_392 = arith.muli %scan3A_348, %mul3A_391 : i32
          %add3A_393 = arith.constant 3 : i32
          %add3A_394 = arith.addi %mul3A_392, %add3A_393 : i32
          %mul3A_395 = arith.constant 16 : i32
          %mul3A_396 = arith.muli %add3A_394, %mul3A_395 : i32
          %get3A_397 = arith.constant 3 : i32
          %get3A_398 = arith.index_cast %get3A_397 : i32 to index
          %get3A_399 = arith.index_cast %mul3A_396 : i32 to index
          %get3A_400 = tpu.vector_load %arg5[%get3A_398, %get3A_399] {strides = array<i32>} : memref<16x1024xf32, #tpu.memory_space<vmem>>, vector<16xf32>,
          %mul3A_401 = arith.constant 256 : i32
          %mul3A_402 = arith.muli %add3A_394, %mul3A_401 : i32
          %add3A_403 = vector.broadcast %mul3A_402 : i32 to vector<16xi32>
          %add3A_404 = arith.addi %add3A_213, %add3A_403 : vector<16xi32>
          tpu.vector_store_idx %arg7[%add3A_404], %get3A_400 : memref<16384xf32, #tpu.memory_space<vmem>>[vector<16xi32>], vector<16xf32>,
          %scan3A_405 = arith.constant 0 : i32
          scf.yield %scan3A_405 : i32
        }
        %scan3A_220 = arith.constant 16 : i32
        %add3A_221 = arith.constant 4 : i32
        %add3A_222 = vector.broadcast %add3A_221 : i32 to vector<16xi32>
        %add3A_223 = arith.addi %mul3A_25, %add3A_222 : vector<16xi32>
        %scan3A_224 = arith.constant 0 : i32
        %scan3A_225 = arith.constant 0 : i32
        %scan3A_226 = arith.constant 16 : i32
        %scan3A_227 = arith.addi %scan3A_225, %scan3A_226 : i32
        %scan3A_228 = arith.constant 1 : i32
        %scan3A_229 = scf.for %scan3A_348 = %scan3A_225 to %scan3A_227 step %scan3A_228 iter_args(%scan3A_349 = %scan3A_224) -> (i32)  : i32 {
          %mul3A_350 = arith.constant 4 : i32
          %mul3A_351 = arith.muli %scan3A_348, %mul3A_350 : i32
          %add3A_352 = arith.constant 0 : i32
          %add3A_353 = arith.addi %mul3A_351, %add3A_352 : i32
          %mul3A_354 = arith.constant 16 : i32
          %mul3A_355 = arith.muli %add3A_353, %mul3A_354 : i32
          %get3A = arith.constant 4 : i32
          %get3A_356 = arith.index_cast %get3A : i32 to index
          %get3A_357 = arith.index_cast %mul3A_355 : i32 to index
          %get3A_358 = tpu.vector_load %arg5[%get3A_356, %get3A_357] {strides = array<i32>} : memref<16x1024xf32, #tpu.memory_space<vmem>>, vector<16xf32>,
          %mul3A_359 = arith.constant 256 : i32
          %mul3A_360 = arith.muli %add3A_353, %mul3A_359 : i32
          %add3A_361 = vector.broadcast %mul3A_360 : i32 to vector<16xi32>
          %add3A_362 = arith.addi %add3A_223, %add3A_361 : vector<16xi32>
          tpu.vector_store_idx %arg7[%add3A_362], %get3A_358 : memref<16384xf32, #tpu.memory_space<vmem>>[vector<16xi32>], vector<16xf32>,
          %mul3A_363 = arith.constant 4 : i32
          %mul3A_364 = arith.muli %scan3A_348, %mul3A_363 : i32
          %add3A_365 = arith.constant 1 : i32
          %add3A_366 = arith.addi %mul3A_364, %add3A_365 : i32
          %mul3A_367 = arith.constant 16 : i32
          %mul3A_368 = arith.muli %add3A_366, %mul3A_367 : i32
          %get3A_369 = arith.constant 4 : i32
          %get3A_370 = arith.index_cast %get3A_369 : i32 to index
          %get3A_371 = arith.index_cast %mul3A_368 : i32 to index
          %get3A_372 = tpu.vector_load %arg5[%get3A_370, %get3A_371] {strides = array<i32>} : memref<16x1024xf32, #tpu.memory_space<vmem>>, vector<16xf32>,
          %mul3A_373 = arith.constant 256 : i32
          %mul3A_374 = arith.muli %add3A_366, %mul3A_373 : i32
          %add3A_375 = vector.broadcast %mul3A_374 : i32 to vector<16xi32>
          %add3A_376 = arith.addi %add3A_223, %add3A_375 : vector<16xi32>
          tpu.vector_store_idx %arg7[%add3A_376], %get3A_372 : memref<16384xf32, #tpu.memory_space<vmem>>[vector<16xi32>], vector<16xf32>,
          %mul3A_377 = arith.constant 4 : i32
          %mul3A_378 = arith.muli %scan3A_348, %mul3A_377 : i32
          %add3A_379 = arith.constant 2 : i32
          %add3A_380 = arith.addi %mul3A_378, %add3A_379 : i32
          %mul3A_381 = arith.constant 16 : i32
          %mul3A_382 = arith.muli %add3A_380, %mul3A_381 : i32
          %get3A_383 = arith.constant 4 : i32
          %get3A_384 = arith.index_cast %get3A_383 : i32 to index
          %get3A_385 = arith.index_cast %mul3A_382 : i32 to index
          %get3A_386 = tpu.vector_load %arg5[%get3A_384, %get3A_385] {strides = array<i32>} : memref<16x1024xf32, #tpu.memory_space<vmem>>, vector<16xf32>,
          %mul3A_387 = arith.constant 256 : i32
          %mul3A_388 = arith.muli %add3A_380, %mul3A_387 : i32
          %add3A_389 = vector.broadcast %mul3A_388 : i32 to vector<16xi32>
          %add3A_390 = arith.addi %add3A_223, %add3A_389 : vector<16xi32>
          tpu.vector_store_idx %arg7[%add3A_390], %get3A_386 : memref<16384xf32, #tpu.memory_space<vmem>>[vector<16xi32>], vector<16xf32>,
          %mul3A_391 = arith.constant 4 : i32
          %mul3A_392 = arith.muli %scan3A_348, %mul3A_391 : i32
          %add3A_393 = arith.constant 3 : i32
          %add3A_394 = arith.addi %mul3A_392, %add3A_393 : i32
          %mul3A_395 = arith.constant 16 : i32
          %mul3A_396 = arith.muli %add3A_394, %mul3A_395 : i32
          %get3A_397 = arith.constant 4 : i32
          %get3A_398 = arith.index_cast %get3A_397 : i32 to index
          %get3A_399 = arith.index_cast %mul3A_396 : i32 to index
          %get3A_400 = tpu.vector_load %arg5[%get3A_398, %get3A_399] {strides = array<i32>} : memref<16x1024xf32, #tpu.memory_space<vmem>>, vector<16xf32>,
          %mul3A_401 = arith.constant 256 : i32
          %mul3A_402 = arith.muli %add3A_394, %mul3A_401 : i32
          %add3A_403 = vector.broadcast %mul3A_402 : i32 to vector<16xi32>
          %add3A_404 = arith.addi %add3A_223, %add3A_403 : vector<16xi32>
          tpu.vector_store_idx %arg7[%add3A_404], %get3A_400 : memref<16384xf32, #tpu.memory_space<vmem>>[vector<16xi32>], vector<16xf32>,
          %scan3A_405 = arith.constant 0 : i32
          scf.yield %scan3A_405 : i32
        }
        %scan3A_230 = arith.constant 16 : i32
        %add3A_231 = arith.constant 5 : i32
        %add3A_232 = vector.broadcast %add3A_231 : i32 to vector<16xi32>
        %add3A_233 = arith.addi %mul3A_25, %add3A_232 : vector<16xi32>
        %scan3A_234 = arith.constant 0 : i32
        %scan3A_235 = arith.constant 0 : i32
        %scan3A_236 = arith.constant 16 : i32
        %scan3A_237 = arith.addi %scan3A_235, %scan3A_236 : i32
        %scan3A_238 = arith.constant 1 : i32
        %scan3A_239 = scf.for %scan3A_348 = %scan3A_235 to %scan3A_237 step %scan3A_238 iter_args(%scan3A_349 = %scan3A_234) -> (i32)  : i32 {
          %mul3A_350 = arith.constant 4 : i32
          %mul3A_351 = arith.muli %scan3A_348, %mul3A_350 : i32
          %add3A_352 = arith.constant 0 : i32
          %add3A_353 = arith.addi %mul3A_351, %add3A_352 : i32
          %mul3A_354 = arith.constant 16 : i32
          %mul3A_355 = arith.muli %add3A_353, %mul3A_354 : i32
          %get3A = arith.constant 5 : i32
          %get3A_356 = arith.index_cast %get3A : i32 to index
          %get3A_357 = arith.index_cast %mul3A_355 : i32 to index
          %get3A_358 = tpu.vector_load %arg5[%get3A_356, %get3A_357] {strides = array<i32>} : memref<16x1024xf32, #tpu.memory_space<vmem>>, vector<16xf32>,
          %mul3A_359 = arith.constant 256 : i32
          %mul3A_360 = arith.muli %add3A_353, %mul3A_359 : i32
          %add3A_361 = vector.broadcast %mul3A_360 : i32 to vector<16xi32>
          %add3A_362 = arith.addi %add3A_233, %add3A_361 : vector<16xi32>
          tpu.vector_store_idx %arg7[%add3A_362], %get3A_358 : memref<16384xf32, #tpu.memory_space<vmem>>[vector<16xi32>], vector<16xf32>,
          %mul3A_363 = arith.constant 4 : i32
          %mul3A_364 = arith.muli %scan3A_348, %mul3A_363 : i32
          %add3A_365 = arith.constant 1 : i32
          %add3A_366 = arith.addi %mul3A_364, %add3A_365 : i32
          %mul3A_367 = arith.constant 16 : i32
          %mul3A_368 = arith.muli %add3A_366, %mul3A_367 : i32
          %get3A_369 = arith.constant 5 : i32
          %get3A_370 = arith.index_cast %get3A_369 : i32 to index
          %get3A_371 = arith.index_cast %mul3A_368 : i32 to index
          %get3A_372 = tpu.vector_load %arg5[%get3A_370, %get3A_371] {strides = array<i32>} : memref<16x1024xf32, #tpu.memory_space<vmem>>, vector<16xf32>,
          %mul3A_373 = arith.constant 256 : i32
          %mul3A_374 = arith.muli %add3A_366, %mul3A_373 : i32
          %add3A_375 = vector.broadcast %mul3A_374 : i32 to vector<16xi32>
          %add3A_376 = arith.addi %add3A_233, %add3A_375 : vector<16xi32>
          tpu.vector_store_idx %arg7[%add3A_376], %get3A_372 : memref<16384xf32, #tpu.memory_space<vmem>>[vector<16xi32>], vector<16xf32>,
          %mul3A_377 = arith.constant 4 : i32
          %mul3A_378 = arith.muli %scan3A_348, %mul3A_377 : i32
          %add3A_379 = arith.constant 2 : i32
          %add3A_380 = arith.addi %mul3A_378, %add3A_379 : i32
          %mul3A_381 = arith.constant 16 : i32
          %mul3A_382 = arith.muli %add3A_380, %mul3A_381 : i32
          %get3A_383 = arith.constant 5 : i32
          %get3A_384 = arith.index_cast %get3A_383 : i32 to index
          %get3A_385 = arith.index_cast %mul3A_382 : i32 to index
          %get3A_386 = tpu.vector_load %arg5[%get3A_384, %get3A_385] {strides = array<i32>} : memref<16x1024xf32, #tpu.memory_space<vmem>>, vector<16xf32>,
          %mul3A_387 = arith.constant 256 : i32
          %mul3A_388 = arith.muli %add3A_380, %mul3A_387 : i32
          %add3A_389 = vector.broadcast %mul3A_388 : i32 to vector<16xi32>
          %add3A_390 = arith.addi %add3A_233, %add3A_389 : vector<16xi32>
          tpu.vector_store_idx %arg7[%add3A_390], %get3A_386 : memref<16384xf32, #tpu.memory_space<vmem>>[vector<16xi32>], vector<16xf32>,
          %mul3A_391 = arith.constant 4 : i32
          %mul3A_392 = arith.muli %scan3A_348, %mul3A_391 : i32
          %add3A_393 = arith.constant 3 : i32
          %add3A_394 = arith.addi %mul3A_392, %add3A_393 : i32
          %mul3A_395 = arith.constant 16 : i32
          %mul3A_396 = arith.muli %add3A_394, %mul3A_395 : i32
          %get3A_397 = arith.constant 5 : i32
          %get3A_398 = arith.index_cast %get3A_397 : i32 to index
          %get3A_399 = arith.index_cast %mul3A_396 : i32 to index
          %get3A_400 = tpu.vector_load %arg5[%get3A_398, %get3A_399] {strides = array<i32>} : memref<16x1024xf32, #tpu.memory_space<vmem>>, vector<16xf32>,
          %mul3A_401 = arith.constant 256 : i32
          %mul3A_402 = arith.muli %add3A_394, %mul3A_401 : i32
          %add3A_403 = vector.broadcast %mul3A_402 : i32 to vector<16xi32>
          %add3A_404 = arith.addi %add3A_233, %add3A_403 : vector<16xi32>
          tpu.vector_store_idx %arg7[%add3A_404], %get3A_400 : memref<16384xf32, #tpu.memory_space<vmem>>[vector<16xi32>], vector<16xf32>,
          %scan3A_405 = arith.constant 0 : i32
          scf.yield %scan3A_405 : i32
        }
        %scan3A_240 = arith.constant 16 : i32
        %add3A_241 = arith.constant 6 : i32
        %add3A_242 = vector.broadcast %add3A_241 : i32 to vector<16xi32>
        %add3A_243 = arith.addi %mul3A_25, %add3A_242 : vector<16xi32>
        %scan3A_244 = arith.constant 0 : i32
        %scan3A_245 = arith.constant 0 : i32
        %scan3A_246 = arith.constant 16 : i32
        %scan3A_247 = arith.addi %scan3A_245, %scan3A_246 : i32
        %scan3A_248 = arith.constant 1 : i32
        %scan3A_249 = scf.for %scan3A_348 = %scan3A_245 to %scan3A_247 step %scan3A_248 iter_args(%scan3A_349 = %scan3A_244) -> (i32)  : i32 {
          %mul3A_350 = arith.constant 4 : i32
          %mul3A_351 = arith.muli %scan3A_348, %mul3A_350 : i32
          %add3A_352 = arith.constant 0 : i32
          %add3A_353 = arith.addi %mul3A_351, %add3A_352 : i32
          %mul3A_354 = arith.constant 16 : i32
          %mul3A_355 = arith.muli %add3A_353, %mul3A_354 : i32
          %get3A = arith.constant 6 : i32
          %get3A_356 = arith.index_cast %get3A : i32 to index
          %get3A_357 = arith.index_cast %mul3A_355 : i32 to index
          %get3A_358 = tpu.vector_load %arg5[%get3A_356, %get3A_357] {strides = array<i32>} : memref<16x1024xf32, #tpu.memory_space<vmem>>, vector<16xf32>,
          %mul3A_359 = arith.constant 256 : i32
          %mul3A_360 = arith.muli %add3A_353, %mul3A_359 : i32
          %add3A_361 = vector.broadcast %mul3A_360 : i32 to vector<16xi32>
          %add3A_362 = arith.addi %add3A_243, %add3A_361 : vector<16xi32>
          tpu.vector_store_idx %arg7[%add3A_362], %get3A_358 : memref<16384xf32, #tpu.memory_space<vmem>>[vector<16xi32>], vector<16xf32>,
          %mul3A_363 = arith.constant 4 : i32
          %mul3A_364 = arith.muli %scan3A_348, %mul3A_363 : i32
          %add3A_365 = arith.constant 1 : i32
          %add3A_366 = arith.addi %mul3A_364, %add3A_365 : i32
          %mul3A_367 = arith.constant 16 : i32
          %mul3A_368 = arith.muli %add3A_366, %mul3A_367 : i32
          %get3A_369 = arith.constant 6 : i32
          %get3A_370 = arith.index_cast %get3A_369 : i32 to index
          %get3A_371 = arith.index_cast %mul3A_368 : i32 to index
          %get3A_372 = tpu.vector_load %arg5[%get3A_370, %get3A_371] {strides = array<i32>} : memref<16x1024xf32, #tpu.memory_space<vmem>>, vector<16xf32>,
          %mul3A_373 = arith.constant 256 : i32
          %mul3A_374 = arith.muli %add3A_366, %mul3A_373 : i32
          %add3A_375 = vector.broadcast %mul3A_374 : i32 to vector<16xi32>
          %add3A_376 = arith.addi %add3A_243, %add3A_375 : vector<16xi32>
          tpu.vector_store_idx %arg7[%add3A_376], %get3A_372 : memref<16384xf32, #tpu.memory_space<vmem>>[vector<16xi32>], vector<16xf32>,
          %mul3A_377 = arith.constant 4 : i32
          %mul3A_378 = arith.muli %scan3A_348, %mul3A_377 : i32
          %add3A_379 = arith.constant 2 : i32
          %add3A_380 = arith.addi %mul3A_378, %add3A_379 : i32
          %mul3A_381 = arith.constant 16 : i32
          %mul3A_382 = arith.muli %add3A_380, %mul3A_381 : i32
          %get3A_383 = arith.constant 6 : i32
          %get3A_384 = arith.index_cast %get3A_383 : i32 to index
          %get3A_385 = arith.index_cast %mul3A_382 : i32 to index
          %get3A_386 = tpu.vector_load %arg5[%get3A_384, %get3A_385] {strides = array<i32>} : memref<16x1024xf32, #tpu.memory_space<vmem>>, vector<16xf32>,
          %mul3A_387 = arith.constant 256 : i32
          %mul3A_388 = arith.muli %add3A_380, %mul3A_387 : i32
          %add3A_389 = vector.broadcast %mul3A_388 : i32 to vector<16xi32>
          %add3A_390 = arith.addi %add3A_243, %add3A_389 : vector<16xi32>
          tpu.vector_store_idx %arg7[%add3A_390], %get3A_386 : memref<16384xf32, #tpu.memory_space<vmem>>[vector<16xi32>], vector<16xf32>,
          %mul3A_391 = arith.constant 4 : i32
          %mul3A_392 = arith.muli %scan3A_348, %mul3A_391 : i32
          %add3A_393 = arith.constant 3 : i32
          %add3A_394 = arith.addi %mul3A_392, %add3A_393 : i32
          %mul3A_395 = arith.constant 16 : i32
          %mul3A_396 = arith.muli %add3A_394, %mul3A_395 : i32
          %get3A_397 = arith.constant 6 : i32
          %get3A_398 = arith.index_cast %get3A_397 : i32 to index
          %get3A_399 = arith.index_cast %mul3A_396 : i32 to index
          %get3A_400 = tpu.vector_load %arg5[%get3A_398, %get3A_399] {strides = array<i32>} : memref<16x1024xf32, #tpu.memory_space<vmem>>, vector<16xf32>,
          %mul3A_401 = arith.constant 256 : i32
          %mul3A_402 = arith.muli %add3A_394, %mul3A_401 : i32
          %add3A_403 = vector.broadcast %mul3A_402 : i32 to vector<16xi32>
          %add3A_404 = arith.addi %add3A_243, %add3A_403 : vector<16xi32>
          tpu.vector_store_idx %arg7[%add3A_404], %get3A_400 : memref<16384xf32, #tpu.memory_space<vmem>>[vector<16xi32>], vector<16xf32>,
          %scan3A_405 = arith.constant 0 : i32
          scf.yield %scan3A_405 : i32
        }
        %scan3A_250 = arith.constant 16 : i32
        %add3A_251 = arith.constant 7 : i32
        %add3A_252 = vector.broadcast %add3A_251 : i32 to vector<16xi32>
        %add3A_253 = arith.addi %mul3A_25, %add3A_252 : vector<16xi32>
        %scan3A_254 = arith.constant 0 : i32
        %scan3A_255 = arith.constant 0 : i32
        %scan3A_256 = arith.constant 16 : i32
        %scan3A_257 = arith.addi %scan3A_255, %scan3A_256 : i32
        %scan3A_258 = arith.constant 1 : i32
        %scan3A_259 = scf.for %scan3A_348 = %scan3A_255 to %scan3A_257 step %scan3A_258 iter_args(%scan3A_349 = %scan3A_254) -> (i32)  : i32 {
          %mul3A_350 = arith.constant 4 : i32
          %mul3A_351 = arith.muli %scan3A_348, %mul3A_350 : i32
          %add3A_352 = arith.constant 0 : i32
          %add3A_353 = arith.addi %mul3A_351, %add3A_352 : i32
          %mul3A_354 = arith.constant 16 : i32
          %mul3A_355 = arith.muli %add3A_353, %mul3A_354 : i32
          %get3A = arith.constant 7 : i32
          %get3A_356 = arith.index_cast %get3A : i32 to index
          %get3A_357 = arith.index_cast %mul3A_355 : i32 to index
          %get3A_358 = tpu.vector_load %arg5[%get3A_356, %get3A_357] {strides = array<i32>} : memref<16x1024xf32, #tpu.memory_space<vmem>>, vector<16xf32>,
          %mul3A_359 = arith.constant 256 : i32
          %mul3A_360 = arith.muli %add3A_353, %mul3A_359 : i32
          %add3A_361 = vector.broadcast %mul3A_360 : i32 to vector<16xi32>
          %add3A_362 = arith.addi %add3A_253, %add3A_361 : vector<16xi32>
          tpu.vector_store_idx %arg7[%add3A_362], %get3A_358 : memref<16384xf32, #tpu.memory_space<vmem>>[vector<16xi32>], vector<16xf32>,
          %mul3A_363 = arith.constant 4 : i32
          %mul3A_364 = arith.muli %scan3A_348, %mul3A_363 : i32
          %add3A_365 = arith.constant 1 : i32
          %add3A_366 = arith.addi %mul3A_364, %add3A_365 : i32
          %mul3A_367 = arith.constant 16 : i32
          %mul3A_368 = arith.muli %add3A_366, %mul3A_367 : i32
          %get3A_369 = arith.constant 7 : i32
          %get3A_370 = arith.index_cast %get3A_369 : i32 to index
          %get3A_371 = arith.index_cast %mul3A_368 : i32 to index
          %get3A_372 = tpu.vector_load %arg5[%get3A_370, %get3A_371] {strides = array<i32>} : memref<16x1024xf32, #tpu.memory_space<vmem>>, vector<16xf32>,
          %mul3A_373 = arith.constant 256 : i32
          %mul3A_374 = arith.muli %add3A_366, %mul3A_373 : i32
          %add3A_375 = vector.broadcast %mul3A_374 : i32 to vector<16xi32>
          %add3A_376 = arith.addi %add3A_253, %add3A_375 : vector<16xi32>
          tpu.vector_store_idx %arg7[%add3A_376], %get3A_372 : memref<16384xf32, #tpu.memory_space<vmem>>[vector<16xi32>], vector<16xf32>,
          %mul3A_377 = arith.constant 4 : i32
          %mul3A_378 = arith.muli %scan3A_348, %mul3A_377 : i32
          %add3A_379 = arith.constant 2 : i32
          %add3A_380 = arith.addi %mul3A_378, %add3A_379 : i32
          %mul3A_381 = arith.constant 16 : i32
          %mul3A_382 = arith.muli %add3A_380, %mul3A_381 : i32
          %get3A_383 = arith.constant 7 : i32
          %get3A_384 = arith.index_cast %get3A_383 : i32 to index
          %get3A_385 = arith.index_cast %mul3A_382 : i32 to index
          %get3A_386 = tpu.vector_load %arg5[%get3A_384, %get3A_385] {strides = array<i32>} : memref<16x1024xf32, #tpu.memory_space<vmem>>, vector<16xf32>,
          %mul3A_387 = arith.constant 256 : i32
          %mul3A_388 = arith.muli %add3A_380, %mul3A_387 : i32
          %add3A_389 = vector.broadcast %mul3A_388 : i32 to vector<16xi32>
          %add3A_390 = arith.addi %add3A_253, %add3A_389 : vector<16xi32>
          tpu.vector_store_idx %arg7[%add3A_390], %get3A_386 : memref<16384xf32, #tpu.memory_space<vmem>>[vector<16xi32>], vector<16xf32>,
          %mul3A_391 = arith.constant 4 : i32
          %mul3A_392 = arith.muli %scan3A_348, %mul3A_391 : i32
          %add3A_393 = arith.constant 3 : i32
          %add3A_394 = arith.addi %mul3A_392, %add3A_393 : i32
          %mul3A_395 = arith.constant 16 : i32
          %mul3A_396 = arith.muli %add3A_394, %mul3A_395 : i32
          %get3A_397 = arith.constant 7 : i32
          %get3A_398 = arith.index_cast %get3A_397 : i32 to index
          %get3A_399 = arith.index_cast %mul3A_396 : i32 to index
          %get3A_400 = tpu.vector_load %arg5[%get3A_398, %get3A_399] {strides = array<i32>} : memref<16x1024xf32, #tpu.memory_space<vmem>>, vector<16xf32>,
          %mul3A_401 = arith.constant 256 : i32
          %mul3A_402 = arith.muli %add3A_394, %mul3A_401 : i32
          %add3A_403 = vector.broadcast %mul3A_402 : i32 to vector<16xi32>
          %add3A_404 = arith.addi %add3A_253, %add3A_403 : vector<16xi32>
          tpu.vector_store_idx %arg7[%add3A_404], %get3A_400 : memref<16384xf32, #tpu.memory_space<vmem>>[vector<16xi32>], vector<16xf32>,
          %scan3A_405 = arith.constant 0 : i32
          scf.yield %scan3A_405 : i32
        }
        %scan3A_260 = arith.constant 16 : i32
        %add3A_261 = arith.constant 8 : i32
        %add3A_262 = vector.broadcast %add3A_261 : i32 to vector<16xi32>
        %add3A_263 = arith.addi %mul3A_25, %add3A_262 : vector<16xi32>
        %scan3A_264 = arith.constant 0 : i32
        %scan3A_265 = arith.constant 0 : i32
        %scan3A_266 = arith.constant 16 : i32
        %scan3A_267 = arith.addi %scan3A_265, %scan3A_266 : i32
        %scan3A_268 = arith.constant 1 : i32
        %scan3A_269 = scf.for %scan3A_348 = %scan3A_265 to %scan3A_267 step %scan3A_268 iter_args(%scan3A_349 = %scan3A_264) -> (i32)  : i32 {
          %mul3A_350 = arith.constant 4 : i32
          %mul3A_351 = arith.muli %scan3A_348, %mul3A_350 : i32
          %add3A_352 = arith.constant 0 : i32
          %add3A_353 = arith.addi %mul3A_351, %add3A_352 : i32
          %mul3A_354 = arith.constant 16 : i32
          %mul3A_355 = arith.muli %add3A_353, %mul3A_354 : i32
          %get3A = arith.constant 8 : i32
          %get3A_356 = arith.index_cast %get3A : i32 to index
          %get3A_357 = arith.index_cast %mul3A_355 : i32 to index
          %get3A_358 = tpu.vector_load %arg5[%get3A_356, %get3A_357] {strides = array<i32>} : memref<16x1024xf32, #tpu.memory_space<vmem>>, vector<16xf32>,
          %mul3A_359 = arith.constant 256 : i32
          %mul3A_360 = arith.muli %add3A_353, %mul3A_359 : i32
          %add3A_361 = vector.broadcast %mul3A_360 : i32 to vector<16xi32>
          %add3A_362 = arith.addi %add3A_263, %add3A_361 : vector<16xi32>
          tpu.vector_store_idx %arg7[%add3A_362], %get3A_358 : memref<16384xf32, #tpu.memory_space<vmem>>[vector<16xi32>], vector<16xf32>,
          %mul3A_363 = arith.constant 4 : i32
          %mul3A_364 = arith.muli %scan3A_348, %mul3A_363 : i32
          %add3A_365 = arith.constant 1 : i32
          %add3A_366 = arith.addi %mul3A_364, %add3A_365 : i32
          %mul3A_367 = arith.constant 16 : i32
          %mul3A_368 = arith.muli %add3A_366, %mul3A_367 : i32
          %get3A_369 = arith.constant 8 : i32
          %get3A_370 = arith.index_cast %get3A_369 : i32 to index
          %get3A_371 = arith.index_cast %mul3A_368 : i32 to index
          %get3A_372 = tpu.vector_load %arg5[%get3A_370, %get3A_371] {strides = array<i32>} : memref<16x1024xf32, #tpu.memory_space<vmem>>, vector<16xf32>,
          %mul3A_373 = arith.constant 256 : i32
          %mul3A_374 = arith.muli %add3A_366, %mul3A_373 : i32
          %add3A_375 = vector.broadcast %mul3A_374 : i32 to vector<16xi32>
          %add3A_376 = arith.addi %add3A_263, %add3A_375 : vector<16xi32>
          tpu.vector_store_idx %arg7[%add3A_376], %get3A_372 : memref<16384xf32, #tpu.memory_space<vmem>>[vector<16xi32>], vector<16xf32>,
          %mul3A_377 = arith.constant 4 : i32
          %mul3A_378 = arith.muli %scan3A_348, %mul3A_377 : i32
          %add3A_379 = arith.constant 2 : i32
          %add3A_380 = arith.addi %mul3A_378, %add3A_379 : i32
          %mul3A_381 = arith.constant 16 : i32
          %mul3A_382 = arith.muli %add3A_380, %mul3A_381 : i32
          %get3A_383 = arith.constant 8 : i32
          %get3A_384 = arith.index_cast %get3A_383 : i32 to index
          %get3A_385 = arith.index_cast %mul3A_382 : i32 to index
          %get3A_386 = tpu.vector_load %arg5[%get3A_384, %get3A_385] {strides = array<i32>} : memref<16x1024xf32, #tpu.memory_space<vmem>>, vector<16xf32>,
          %mul3A_387 = arith.constant 256 : i32
          %mul3A_388 = arith.muli %add3A_380, %mul3A_387 : i32
          %add3A_389 = vector.broadcast %mul3A_388 : i32 to vector<16xi32>
          %add3A_390 = arith.addi %add3A_263, %add3A_389 : vector<16xi32>
          tpu.vector_store_idx %arg7[%add3A_390], %get3A_386 : memref<16384xf32, #tpu.memory_space<vmem>>[vector<16xi32>], vector<16xf32>,
          %mul3A_391 = arith.constant 4 : i32
          %mul3A_392 = arith.muli %scan3A_348, %mul3A_391 : i32
          %add3A_393 = arith.constant 3 : i32
          %add3A_394 = arith.addi %mul3A_392, %add3A_393 : i32
          %mul3A_395 = arith.constant 16 : i32
          %mul3A_396 = arith.muli %add3A_394, %mul3A_395 : i32
          %get3A_397 = arith.constant 8 : i32
          %get3A_398 = arith.index_cast %get3A_397 : i32 to index
          %get3A_399 = arith.index_cast %mul3A_396 : i32 to index
          %get3A_400 = tpu.vector_load %arg5[%get3A_398, %get3A_399] {strides = array<i32>} : memref<16x1024xf32, #tpu.memory_space<vmem>>, vector<16xf32>,
          %mul3A_401 = arith.constant 256 : i32
          %mul3A_402 = arith.muli %add3A_394, %mul3A_401 : i32
          %add3A_403 = vector.broadcast %mul3A_402 : i32 to vector<16xi32>
          %add3A_404 = arith.addi %add3A_263, %add3A_403 : vector<16xi32>
          tpu.vector_store_idx %arg7[%add3A_404], %get3A_400 : memref<16384xf32, #tpu.memory_space<vmem>>[vector<16xi32>], vector<16xf32>,
          %scan3A_405 = arith.constant 0 : i32
          scf.yield %scan3A_405 : i32
        }
        %scan3A_270 = arith.constant 16 : i32
        %add3A_271 = arith.constant 9 : i32
        %add3A_272 = vector.broadcast %add3A_271 : i32 to vector<16xi32>
        %add3A_273 = arith.addi %mul3A_25, %add3A_272 : vector<16xi32>
        %scan3A_274 = arith.constant 0 : i32
        %scan3A_275 = arith.constant 0 : i32
        %scan3A_276 = arith.constant 16 : i32
        %scan3A_277 = arith.addi %scan3A_275, %scan3A_276 : i32
        %scan3A_278 = arith.constant 1 : i32
        %scan3A_279 = scf.for %scan3A_348 = %scan3A_275 to %scan3A_277 step %scan3A_278 iter_args(%scan3A_349 = %scan3A_274) -> (i32)  : i32 {
          %mul3A_350 = arith.constant 4 : i32
          %mul3A_351 = arith.muli %scan3A_348, %mul3A_350 : i32
          %add3A_352 = arith.constant 0 : i32
          %add3A_353 = arith.addi %mul3A_351, %add3A_352 : i32
          %mul3A_354 = arith.constant 16 : i32
          %mul3A_355 = arith.muli %add3A_353, %mul3A_354 : i32
          %get3A = arith.constant 9 : i32
          %get3A_356 = arith.index_cast %get3A : i32 to index
          %get3A_357 = arith.index_cast %mul3A_355 : i32 to index
          %get3A_358 = tpu.vector_load %arg5[%get3A_356, %get3A_357] {strides = array<i32>} : memref<16x1024xf32, #tpu.memory_space<vmem>>, vector<16xf32>,
          %mul3A_359 = arith.constant 256 : i32
          %mul3A_360 = arith.muli %add3A_353, %mul3A_359 : i32
          %add3A_361 = vector.broadcast %mul3A_360 : i32 to vector<16xi32>
          %add3A_362 = arith.addi %add3A_273, %add3A_361 : vector<16xi32>
          tpu.vector_store_idx %arg7[%add3A_362], %get3A_358 : memref<16384xf32, #tpu.memory_space<vmem>>[vector<16xi32>], vector<16xf32>,
          %mul3A_363 = arith.constant 4 : i32
          %mul3A_364 = arith.muli %scan3A_348, %mul3A_363 : i32
          %add3A_365 = arith.constant 1 : i32
          %add3A_366 = arith.addi %mul3A_364, %add3A_365 : i32
          %mul3A_367 = arith.constant 16 : i32
          %mul3A_368 = arith.muli %add3A_366, %mul3A_367 : i32
          %get3A_369 = arith.constant 9 : i32
          %get3A_370 = arith.index_cast %get3A_369 : i32 to index
          %get3A_371 = arith.index_cast %mul3A_368 : i32 to index
          %get3A_372 = tpu.vector_load %arg5[%get3A_370, %get3A_371] {strides = array<i32>} : memref<16x1024xf32, #tpu.memory_space<vmem>>, vector<16xf32>,
          %mul3A_373 = arith.constant 256 : i32
          %mul3A_374 = arith.muli %add3A_366, %mul3A_373 : i32
          %add3A_375 = vector.broadcast %mul3A_374 : i32 to vector<16xi32>
          %add3A_376 = arith.addi %add3A_273, %add3A_375 : vector<16xi32>
          tpu.vector_store_idx %arg7[%add3A_376], %get3A_372 : memref<16384xf32, #tpu.memory_space<vmem>>[vector<16xi32>], vector<16xf32>,
          %mul3A_377 = arith.constant 4 : i32
          %mul3A_378 = arith.muli %scan3A_348, %mul3A_377 : i32
          %add3A_379 = arith.constant 2 : i32
          %add3A_380 = arith.addi %mul3A_378, %add3A_379 : i32
          %mul3A_381 = arith.constant 16 : i32
          %mul3A_382 = arith.muli %add3A_380, %mul3A_381 : i32
          %get3A_383 = arith.constant 9 : i32
          %get3A_384 = arith.index_cast %get3A_383 : i32 to index
          %get3A_385 = arith.index_cast %mul3A_382 : i32 to index
          %get3A_386 = tpu.vector_load %arg5[%get3A_384, %get3A_385] {strides = array<i32>} : memref<16x1024xf32, #tpu.memory_space<vmem>>, vector<16xf32>,
          %mul3A_387 = arith.constant 256 : i32
          %mul3A_388 = arith.muli %add3A_380, %mul3A_387 : i32
          %add3A_389 = vector.broadcast %mul3A_388 : i32 to vector<16xi32>
          %add3A_390 = arith.addi %add3A_273, %add3A_389 : vector<16xi32>
          tpu.vector_store_idx %arg7[%add3A_390], %get3A_386 : memref<16384xf32, #tpu.memory_space<vmem>>[vector<16xi32>], vector<16xf32>,
          %mul3A_391 = arith.constant 4 : i32
          %mul3A_392 = arith.muli %scan3A_348, %mul3A_391 : i32
          %add3A_393 = arith.constant 3 : i32
          %add3A_394 = arith.addi %mul3A_392, %add3A_393 : i32
          %mul3A_395 = arith.constant 16 : i32
          %mul3A_396 = arith.muli %add3A_394, %mul3A_395 : i32
          %get3A_397 = arith.constant 9 : i32
          %get3A_398 = arith.index_cast %get3A_397 : i32 to index
          %get3A_399 = arith.index_cast %mul3A_396 : i32 to index
          %get3A_400 = tpu.vector_load %arg5[%get3A_398, %get3A_399] {strides = array<i32>} : memref<16x1024xf32, #tpu.memory_space<vmem>>, vector<16xf32>,
          %mul3A_401 = arith.constant 256 : i32
          %mul3A_402 = arith.muli %add3A_394, %mul3A_401 : i32
          %add3A_403 = vector.broadcast %mul3A_402 : i32 to vector<16xi32>
          %add3A_404 = arith.addi %add3A_273, %add3A_403 : vector<16xi32>
          tpu.vector_store_idx %arg7[%add3A_404], %get3A_400 : memref<16384xf32, #tpu.memory_space<vmem>>[vector<16xi32>], vector<16xf32>,
          %scan3A_405 = arith.constant 0 : i32
          scf.yield %scan3A_405 : i32
        }
        %scan3A_280 = arith.constant 16 : i32
        %add3A_281 = arith.constant 10 : i32
        %add3A_282 = vector.broadcast %add3A_281 : i32 to vector<16xi32>
        %add3A_283 = arith.addi %mul3A_25, %add3A_282 : vector<16xi32>
        %scan3A_284 = arith.constant 0 : i32
        %scan3A_285 = arith.constant 0 : i32
        %scan3A_286 = arith.constant 16 : i32
        %scan3A_287 = arith.addi %scan3A_285, %scan3A_286 : i32
        %scan3A_288 = arith.constant 1 : i32
        %scan3A_289 = scf.for %scan3A_348 = %scan3A_285 to %scan3A_287 step %scan3A_288 iter_args(%scan3A_349 = %scan3A_284) -> (i32)  : i32 {
          %mul3A_350 = arith.constant 4 : i32
          %mul3A_351 = arith.muli %scan3A_348, %mul3A_350 : i32
          %add3A_352 = arith.constant 0 : i32
          %add3A_353 = arith.addi %mul3A_351, %add3A_352 : i32
          %mul3A_354 = arith.constant 16 : i32
          %mul3A_355 = arith.muli %add3A_353, %mul3A_354 : i32
          %get3A = arith.constant 10 : i32
          %get3A_356 = arith.index_cast %get3A : i32 to index
          %get3A_357 = arith.index_cast %mul3A_355 : i32 to index
          %get3A_358 = tpu.vector_load %arg5[%get3A_356, %get3A_357] {strides = array<i32>} : memref<16x1024xf32, #tpu.memory_space<vmem>>, vector<16xf32>,
          %mul3A_359 = arith.constant 256 : i32
          %mul3A_360 = arith.muli %add3A_353, %mul3A_359 : i32
          %add3A_361 = vector.broadcast %mul3A_360 : i32 to vector<16xi32>
          %add3A_362 = arith.addi %add3A_283, %add3A_361 : vector<16xi32>
          tpu.vector_store_idx %arg7[%add3A_362], %get3A_358 : memref<16384xf32, #tpu.memory_space<vmem>>[vector<16xi32>], vector<16xf32>,
          %mul3A_363 = arith.constant 4 : i32
          %mul3A_364 = arith.muli %scan3A_348, %mul3A_363 : i32
          %add3A_365 = arith.constant 1 : i32
          %add3A_366 = arith.addi %mul3A_364, %add3A_365 : i32
          %mul3A_367 = arith.constant 16 : i32
          %mul3A_368 = arith.muli %add3A_366, %mul3A_367 : i32
          %get3A_369 = arith.constant 10 : i32
          %get3A_370 = arith.index_cast %get3A_369 : i32 to index
          %get3A_371 = arith.index_cast %mul3A_368 : i32 to index
          %get3A_372 = tpu.vector_load %arg5[%get3A_370, %get3A_371] {strides = array<i32>} : memref<16x1024xf32, #tpu.memory_space<vmem>>, vector<16xf32>,
          %mul3A_373 = arith.constant 256 : i32
          %mul3A_374 = arith.muli %add3A_366, %mul3A_373 : i32
          %add3A_375 = vector.broadcast %mul3A_374 : i32 to vector<16xi32>
          %add3A_376 = arith.addi %add3A_283, %add3A_375 : vector<16xi32>
          tpu.vector_store_idx %arg7[%add3A_376], %get3A_372 : memref<16384xf32, #tpu.memory_space<vmem>>[vector<16xi32>], vector<16xf32>,
          %mul3A_377 = arith.constant 4 : i32
          %mul3A_378 = arith.muli %scan3A_348, %mul3A_377 : i32
          %add3A_379 = arith.constant 2 : i32
          %add3A_380 = arith.addi %mul3A_378, %add3A_379 : i32
          %mul3A_381 = arith.constant 16 : i32
          %mul3A_382 = arith.muli %add3A_380, %mul3A_381 : i32
          %get3A_383 = arith.constant 10 : i32
          %get3A_384 = arith.index_cast %get3A_383 : i32 to index
          %get3A_385 = arith.index_cast %mul3A_382 : i32 to index
          %get3A_386 = tpu.vector_load %arg5[%get3A_384, %get3A_385] {strides = array<i32>} : memref<16x1024xf32, #tpu.memory_space<vmem>>, vector<16xf32>,
          %mul3A_387 = arith.constant 256 : i32
          %mul3A_388 = arith.muli %add3A_380, %mul3A_387 : i32
          %add3A_389 = vector.broadcast %mul3A_388 : i32 to vector<16xi32>
          %add3A_390 = arith.addi %add3A_283, %add3A_389 : vector<16xi32>
          tpu.vector_store_idx %arg7[%add3A_390], %get3A_386 : memref<16384xf32, #tpu.memory_space<vmem>>[vector<16xi32>], vector<16xf32>,
          %mul3A_391 = arith.constant 4 : i32
          %mul3A_392 = arith.muli %scan3A_348, %mul3A_391 : i32
          %add3A_393 = arith.constant 3 : i32
          %add3A_394 = arith.addi %mul3A_392, %add3A_393 : i32
          %mul3A_395 = arith.constant 16 : i32
          %mul3A_396 = arith.muli %add3A_394, %mul3A_395 : i32
          %get3A_397 = arith.constant 10 : i32
          %get3A_398 = arith.index_cast %get3A_397 : i32 to index
          %get3A_399 = arith.index_cast %mul3A_396 : i32 to index
          %get3A_400 = tpu.vector_load %arg5[%get3A_398, %get3A_399] {strides = array<i32>} : memref<16x1024xf32, #tpu.memory_space<vmem>>, vector<16xf32>,
          %mul3A_401 = arith.constant 256 : i32
          %mul3A_402 = arith.muli %add3A_394, %mul3A_401 : i32
          %add3A_403 = vector.broadcast %mul3A_402 : i32 to vector<16xi32>
          %add3A_404 = arith.addi %add3A_283, %add3A_403 : vector<16xi32>
          tpu.vector_store_idx %arg7[%add3A_404], %get3A_400 : memref<16384xf32, #tpu.memory_space<vmem>>[vector<16xi32>], vector<16xf32>,
          %scan3A_405 = arith.constant 0 : i32
          scf.yield %scan3A_405 : i32
        }
        %scan3A_290 = arith.constant 16 : i32
        %add3A_291 = arith.constant 11 : i32
        %add3A_292 = vector.broadcast %add3A_291 : i32 to vector<16xi32>
        %add3A_293 = arith.addi %mul3A_25, %add3A_292 : vector<16xi32>
        %scan3A_294 = arith.constant 0 : i32
        %scan3A_295 = arith.constant 0 : i32
        %scan3A_296 = arith.constant 16 : i32
        %scan3A_297 = arith.addi %scan3A_295, %scan3A_296 : i32
        %scan3A_298 = arith.constant 1 : i32
        %scan3A_299 = scf.for %scan3A_348 = %scan3A_295 to %scan3A_297 step %scan3A_298 iter_args(%scan3A_349 = %scan3A_294) -> (i32)  : i32 {
          %mul3A_350 = arith.constant 4 : i32
          %mul3A_351 = arith.muli %scan3A_348, %mul3A_350 : i32
          %add3A_352 = arith.constant 0 : i32
          %add3A_353 = arith.addi %mul3A_351, %add3A_352 : i32
          %mul3A_354 = arith.constant 16 : i32
          %mul3A_355 = arith.muli %add3A_353, %mul3A_354 : i32
          %get3A = arith.constant 11 : i32
          %get3A_356 = arith.index_cast %get3A : i32 to index
          %get3A_357 = arith.index_cast %mul3A_355 : i32 to index
          %get3A_358 = tpu.vector_load %arg5[%get3A_356, %get3A_357] {strides = array<i32>} : memref<16x1024xf32, #tpu.memory_space<vmem>>, vector<16xf32>,
          %mul3A_359 = arith.constant 256 : i32
          %mul3A_360 = arith.muli %add3A_353, %mul3A_359 : i32
          %add3A_361 = vector.broadcast %mul3A_360 : i32 to vector<16xi32>
          %add3A_362 = arith.addi %add3A_293, %add3A_361 : vector<16xi32>
          tpu.vector_store_idx %arg7[%add3A_362], %get3A_358 : memref<16384xf32, #tpu.memory_space<vmem>>[vector<16xi32>], vector<16xf32>,
          %mul3A_363 = arith.constant 4 : i32
          %mul3A_364 = arith.muli %scan3A_348, %mul3A_363 : i32
          %add3A_365 = arith.constant 1 : i32
          %add3A_366 = arith.addi %mul3A_364, %add3A_365 : i32
          %mul3A_367 = arith.constant 16 : i32
          %mul3A_368 = arith.muli %add3A_366, %mul3A_367 : i32
          %get3A_369 = arith.constant 11 : i32
          %get3A_370 = arith.index_cast %get3A_369 : i32 to index
          %get3A_371 = arith.index_cast %mul3A_368 : i32 to index
          %get3A_372 = tpu.vector_load %arg5[%get3A_370, %get3A_371] {strides = array<i32>} : memref<16x1024xf32, #tpu.memory_space<vmem>>, vector<16xf32>,
          %mul3A_373 = arith.constant 256 : i32
          %mul3A_374 = arith.muli %add3A_366, %mul3A_373 : i32
          %add3A_375 = vector.broadcast %mul3A_374 : i32 to vector<16xi32>
          %add3A_376 = arith.addi %add3A_293, %add3A_375 : vector<16xi32>
          tpu.vector_store_idx %arg7[%add3A_376], %get3A_372 : memref<16384xf32, #tpu.memory_space<vmem>>[vector<16xi32>], vector<16xf32>,
          %mul3A_377 = arith.constant 4 : i32
          %mul3A_378 = arith.muli %scan3A_348, %mul3A_377 : i32
          %add3A_379 = arith.constant 2 : i32
          %add3A_380 = arith.addi %mul3A_378, %add3A_379 : i32
          %mul3A_381 = arith.constant 16 : i32
          %mul3A_382 = arith.muli %add3A_380, %mul3A_381 : i32
          %get3A_383 = arith.constant 11 : i32
          %get3A_384 = arith.index_cast %get3A_383 : i32 to index
          %get3A_385 = arith.index_cast %mul3A_382 : i32 to index
          %get3A_386 = tpu.vector_load %arg5[%get3A_384, %get3A_385] {strides = array<i32>} : memref<16x1024xf32, #tpu.memory_space<vmem>>, vector<16xf32>,
          %mul3A_387 = arith.constant 256 : i32
          %mul3A_388 = arith.muli %add3A_380, %mul3A_387 : i32
          %add3A_389 = vector.broadcast %mul3A_388 : i32 to vector<16xi32>
          %add3A_390 = arith.addi %add3A_293, %add3A_389 : vector<16xi32>
          tpu.vector_store_idx %arg7[%add3A_390], %get3A_386 : memref<16384xf32, #tpu.memory_space<vmem>>[vector<16xi32>], vector<16xf32>,
          %mul3A_391 = arith.constant 4 : i32
          %mul3A_392 = arith.muli %scan3A_348, %mul3A_391 : i32
          %add3A_393 = arith.constant 3 : i32
          %add3A_394 = arith.addi %mul3A_392, %add3A_393 : i32
          %mul3A_395 = arith.constant 16 : i32
          %mul3A_396 = arith.muli %add3A_394, %mul3A_395 : i32
          %get3A_397 = arith.constant 11 : i32
          %get3A_398 = arith.index_cast %get3A_397 : i32 to index
          %get3A_399 = arith.index_cast %mul3A_396 : i32 to index
          %get3A_400 = tpu.vector_load %arg5[%get3A_398, %get3A_399] {strides = array<i32>} : memref<16x1024xf32, #tpu.memory_space<vmem>>, vector<16xf32>,
          %mul3A_401 = arith.constant 256 : i32
          %mul3A_402 = arith.muli %add3A_394, %mul3A_401 : i32
          %add3A_403 = vector.broadcast %mul3A_402 : i32 to vector<16xi32>
          %add3A_404 = arith.addi %add3A_293, %add3A_403 : vector<16xi32>
          tpu.vector_store_idx %arg7[%add3A_404], %get3A_400 : memref<16384xf32, #tpu.memory_space<vmem>>[vector<16xi32>], vector<16xf32>,
          %scan3A_405 = arith.constant 0 : i32
          scf.yield %scan3A_405 : i32
        }
        %scan3A_300 = arith.constant 16 : i32
        %add3A_301 = arith.constant 12 : i32
        %add3A_302 = vector.broadcast %add3A_301 : i32 to vector<16xi32>
        %add3A_303 = arith.addi %mul3A_25, %add3A_302 : vector<16xi32>
        %scan3A_304 = arith.constant 0 : i32
        %scan3A_305 = arith.constant 0 : i32
        %scan3A_306 = arith.constant 16 : i32
        %scan3A_307 = arith.addi %scan3A_305, %scan3A_306 : i32
        %scan3A_308 = arith.constant 1 : i32
        %scan3A_309 = scf.for %scan3A_348 = %scan3A_305 to %scan3A_307 step %scan3A_308 iter_args(%scan3A_349 = %scan3A_304) -> (i32)  : i32 {
          %mul3A_350 = arith.constant 4 : i32
          %mul3A_351 = arith.muli %scan3A_348, %mul3A_350 : i32
          %add3A_352 = arith.constant 0 : i32
          %add3A_353 = arith.addi %mul3A_351, %add3A_352 : i32
          %mul3A_354 = arith.constant 16 : i32
          %mul3A_355 = arith.muli %add3A_353, %mul3A_354 : i32
          %get3A = arith.constant 12 : i32
          %get3A_356 = arith.index_cast %get3A : i32 to index
          %get3A_357 = arith.index_cast %mul3A_355 : i32 to index
          %get3A_358 = tpu.vector_load %arg5[%get3A_356, %get3A_357] {strides = array<i32>} : memref<16x1024xf32, #tpu.memory_space<vmem>>, vector<16xf32>,
          %mul3A_359 = arith.constant 256 : i32
          %mul3A_360 = arith.muli %add3A_353, %mul3A_359 : i32
          %add3A_361 = vector.broadcast %mul3A_360 : i32 to vector<16xi32>
          %add3A_362 = arith.addi %add3A_303, %add3A_361 : vector<16xi32>
          tpu.vector_store_idx %arg7[%add3A_362], %get3A_358 : memref<16384xf32, #tpu.memory_space<vmem>>[vector<16xi32>], vector<16xf32>,
          %mul3A_363 = arith.constant 4 : i32
          %mul3A_364 = arith.muli %scan3A_348, %mul3A_363 : i32
          %add3A_365 = arith.constant 1 : i32
          %add3A_366 = arith.addi %mul3A_364, %add3A_365 : i32
          %mul3A_367 = arith.constant 16 : i32
          %mul3A_368 = arith.muli %add3A_366, %mul3A_367 : i32
          %get3A_369 = arith.constant 12 : i32
          %get3A_370 = arith.index_cast %get3A_369 : i32 to index
          %get3A_371 = arith.index_cast %mul3A_368 : i32 to index
          %get3A_372 = tpu.vector_load %arg5[%get3A_370, %get3A_371] {strides = array<i32>} : memref<16x1024xf32, #tpu.memory_space<vmem>>, vector<16xf32>,
          %mul3A_373 = arith.constant 256 : i32
          %mul3A_374 = arith.muli %add3A_366, %mul3A_373 : i32
          %add3A_375 = vector.broadcast %mul3A_374 : i32 to vector<16xi32>
          %add3A_376 = arith.addi %add3A_303, %add3A_375 : vector<16xi32>
          tpu.vector_store_idx %arg7[%add3A_376], %get3A_372 : memref<16384xf32, #tpu.memory_space<vmem>>[vector<16xi32>], vector<16xf32>,
          %mul3A_377 = arith.constant 4 : i32
          %mul3A_378 = arith.muli %scan3A_348, %mul3A_377 : i32
          %add3A_379 = arith.constant 2 : i32
          %add3A_380 = arith.addi %mul3A_378, %add3A_379 : i32
          %mul3A_381 = arith.constant 16 : i32
          %mul3A_382 = arith.muli %add3A_380, %mul3A_381 : i32
          %get3A_383 = arith.constant 12 : i32
          %get3A_384 = arith.index_cast %get3A_383 : i32 to index
          %get3A_385 = arith.index_cast %mul3A_382 : i32 to index
          %get3A_386 = tpu.vector_load %arg5[%get3A_384, %get3A_385] {strides = array<i32>} : memref<16x1024xf32, #tpu.memory_space<vmem>>, vector<16xf32>,
          %mul3A_387 = arith.constant 256 : i32
          %mul3A_388 = arith.muli %add3A_380, %mul3A_387 : i32
          %add3A_389 = vector.broadcast %mul3A_388 : i32 to vector<16xi32>
          %add3A_390 = arith.addi %add3A_303, %add3A_389 : vector<16xi32>
          tpu.vector_store_idx %arg7[%add3A_390], %get3A_386 : memref<16384xf32, #tpu.memory_space<vmem>>[vector<16xi32>], vector<16xf32>,
          %mul3A_391 = arith.constant 4 : i32
          %mul3A_392 = arith.muli %scan3A_348, %mul3A_391 : i32
          %add3A_393 = arith.constant 3 : i32
          %add3A_394 = arith.addi %mul3A_392, %add3A_393 : i32
          %mul3A_395 = arith.constant 16 : i32
          %mul3A_396 = arith.muli %add3A_394, %mul3A_395 : i32
          %get3A_397 = arith.constant 12 : i32
          %get3A_398 = arith.index_cast %get3A_397 : i32 to index
          %get3A_399 = arith.index_cast %mul3A_396 : i32 to index
          %get3A_400 = tpu.vector_load %arg5[%get3A_398, %get3A_399] {strides = array<i32>} : memref<16x1024xf32, #tpu.memory_space<vmem>>, vector<16xf32>,
          %mul3A_401 = arith.constant 256 : i32
          %mul3A_402 = arith.muli %add3A_394, %mul3A_401 : i32
          %add3A_403 = vector.broadcast %mul3A_402 : i32 to vector<16xi32>
          %add3A_404 = arith.addi %add3A_303, %add3A_403 : vector<16xi32>
          tpu.vector_store_idx %arg7[%add3A_404], %get3A_400 : memref<16384xf32, #tpu.memory_space<vmem>>[vector<16xi32>], vector<16xf32>,
          %scan3A_405 = arith.constant 0 : i32
          scf.yield %scan3A_405 : i32
        }
        %scan3A_310 = arith.constant 16 : i32
        %add3A_311 = arith.constant 13 : i32
        %add3A_312 = vector.broadcast %add3A_311 : i32 to vector<16xi32>
        %add3A_313 = arith.addi %mul3A_25, %add3A_312 : vector<16xi32>
        %scan3A_314 = arith.constant 0 : i32
        %scan3A_315 = arith.constant 0 : i32
        %scan3A_316 = arith.constant 16 : i32
        %scan3A_317 = arith.addi %scan3A_315, %scan3A_316 : i32
        %scan3A_318 = arith.constant 1 : i32
        %scan3A_319 = scf.for %scan3A_348 = %scan3A_315 to %scan3A_317 step %scan3A_318 iter_args(%scan3A_349 = %scan3A_314) -> (i32)  : i32 {
          %mul3A_350 = arith.constant 4 : i32
          %mul3A_351 = arith.muli %scan3A_348, %mul3A_350 : i32
          %add3A_352 = arith.constant 0 : i32
          %add3A_353 = arith.addi %mul3A_351, %add3A_352 : i32
          %mul3A_354 = arith.constant 16 : i32
          %mul3A_355 = arith.muli %add3A_353, %mul3A_354 : i32
          %get3A = arith.constant 13 : i32
          %get3A_356 = arith.index_cast %get3A : i32 to index
          %get3A_357 = arith.index_cast %mul3A_355 : i32 to index
          %get3A_358 = tpu.vector_load %arg5[%get3A_356, %get3A_357] {strides = array<i32>} : memref<16x1024xf32, #tpu.memory_space<vmem>>, vector<16xf32>,
          %mul3A_359 = arith.constant 256 : i32
          %mul3A_360 = arith.muli %add3A_353, %mul3A_359 : i32
          %add3A_361 = vector.broadcast %mul3A_360 : i32 to vector<16xi32>
          %add3A_362 = arith.addi %add3A_313, %add3A_361 : vector<16xi32>
          tpu.vector_store_idx %arg7[%add3A_362], %get3A_358 : memref<16384xf32, #tpu.memory_space<vmem>>[vector<16xi32>], vector<16xf32>,
          %mul3A_363 = arith.constant 4 : i32
          %mul3A_364 = arith.muli %scan3A_348, %mul3A_363 : i32
          %add3A_365 = arith.constant 1 : i32
          %add3A_366 = arith.addi %mul3A_364, %add3A_365 : i32
          %mul3A_367 = arith.constant 16 : i32
          %mul3A_368 = arith.muli %add3A_366, %mul3A_367 : i32
          %get3A_369 = arith.constant 13 : i32
          %get3A_370 = arith.index_cast %get3A_369 : i32 to index
          %get3A_371 = arith.index_cast %mul3A_368 : i32 to index
          %get3A_372 = tpu.vector_load %arg5[%get3A_370, %get3A_371] {strides = array<i32>} : memref<16x1024xf32, #tpu.memory_space<vmem>>, vector<16xf32>,
          %mul3A_373 = arith.constant 256 : i32
          %mul3A_374 = arith.muli %add3A_366, %mul3A_373 : i32
          %add3A_375 = vector.broadcast %mul3A_374 : i32 to vector<16xi32>
          %add3A_376 = arith.addi %add3A_313, %add3A_375 : vector<16xi32>
          tpu.vector_store_idx %arg7[%add3A_376], %get3A_372 : memref<16384xf32, #tpu.memory_space<vmem>>[vector<16xi32>], vector<16xf32>,
          %mul3A_377 = arith.constant 4 : i32
          %mul3A_378 = arith.muli %scan3A_348, %mul3A_377 : i32
          %add3A_379 = arith.constant 2 : i32
          %add3A_380 = arith.addi %mul3A_378, %add3A_379 : i32
          %mul3A_381 = arith.constant 16 : i32
          %mul3A_382 = arith.muli %add3A_380, %mul3A_381 : i32
          %get3A_383 = arith.constant 13 : i32
          %get3A_384 = arith.index_cast %get3A_383 : i32 to index
          %get3A_385 = arith.index_cast %mul3A_382 : i32 to index
          %get3A_386 = tpu.vector_load %arg5[%get3A_384, %get3A_385] {strides = array<i32>} : memref<16x1024xf32, #tpu.memory_space<vmem>>, vector<16xf32>,
          %mul3A_387 = arith.constant 256 : i32
          %mul3A_388 = arith.muli %add3A_380, %mul3A_387 : i32
          %add3A_389 = vector.broadcast %mul3A_388 : i32 to vector<16xi32>
          %add3A_390 = arith.addi %add3A_313, %add3A_389 : vector<16xi32>
          tpu.vector_store_idx %arg7[%add3A_390], %get3A_386 : memref<16384xf32, #tpu.memory_space<vmem>>[vector<16xi32>], vector<16xf32>,
          %mul3A_391 = arith.constant 4 : i32
          %mul3A_392 = arith.muli %scan3A_348, %mul3A_391 : i32
          %add3A_393 = arith.constant 3 : i32
          %add3A_394 = arith.addi %mul3A_392, %add3A_393 : i32
          %mul3A_395 = arith.constant 16 : i32
          %mul3A_396 = arith.muli %add3A_394, %mul3A_395 : i32
          %get3A_397 = arith.constant 13 : i32
          %get3A_398 = arith.index_cast %get3A_397 : i32 to index
          %get3A_399 = arith.index_cast %mul3A_396 : i32 to index
          %get3A_400 = tpu.vector_load %arg5[%get3A_398, %get3A_399] {strides = array<i32>} : memref<16x1024xf32, #tpu.memory_space<vmem>>, vector<16xf32>,
          %mul3A_401 = arith.constant 256 : i32
          %mul3A_402 = arith.muli %add3A_394, %mul3A_401 : i32
          %add3A_403 = vector.broadcast %mul3A_402 : i32 to vector<16xi32>
          %add3A_404 = arith.addi %add3A_313, %add3A_403 : vector<16xi32>
          tpu.vector_store_idx %arg7[%add3A_404], %get3A_400 : memref<16384xf32, #tpu.memory_space<vmem>>[vector<16xi32>], vector<16xf32>,
          %scan3A_405 = arith.constant 0 : i32
          scf.yield %scan3A_405 : i32
        }
        %scan3A_320 = arith.constant 16 : i32
        %add3A_321 = arith.constant 14 : i32
        %add3A_322 = vector.broadcast %add3A_321 : i32 to vector<16xi32>
        %add3A_323 = arith.addi %mul3A_25, %add3A_322 : vector<16xi32>
        %scan3A_324 = arith.constant 0 : i32
        %scan3A_325 = arith.constant 0 : i32
        %scan3A_326 = arith.constant 16 : i32
        %scan3A_327 = arith.addi %scan3A_325, %scan3A_326 : i32
        %scan3A_328 = arith.constant 1 : i32
        %scan3A_329 = scf.for %scan3A_348 = %scan3A_325 to %scan3A_327 step %scan3A_328 iter_args(%scan3A_349 = %scan3A_324) -> (i32)  : i32 {
          %mul3A_350 = arith.constant 4 : i32
          %mul3A_351 = arith.muli %scan3A_348, %mul3A_350 : i32
          %add3A_352 = arith.constant 0 : i32
          %add3A_353 = arith.addi %mul3A_351, %add3A_352 : i32
          %mul3A_354 = arith.constant 16 : i32
          %mul3A_355 = arith.muli %add3A_353, %mul3A_354 : i32
          %get3A = arith.constant 14 : i32
          %get3A_356 = arith.index_cast %get3A : i32 to index
          %get3A_357 = arith.index_cast %mul3A_355 : i32 to index
          %get3A_358 = tpu.vector_load %arg5[%get3A_356, %get3A_357] {strides = array<i32>} : memref<16x1024xf32, #tpu.memory_space<vmem>>, vector<16xf32>,
          %mul3A_359 = arith.constant 256 : i32
          %mul3A_360 = arith.muli %add3A_353, %mul3A_359 : i32
          %add3A_361 = vector.broadcast %mul3A_360 : i32 to vector<16xi32>
          %add3A_362 = arith.addi %add3A_323, %add3A_361 : vector<16xi32>
          tpu.vector_store_idx %arg7[%add3A_362], %get3A_358 : memref<16384xf32, #tpu.memory_space<vmem>>[vector<16xi32>], vector<16xf32>,
          %mul3A_363 = arith.constant 4 : i32
          %mul3A_364 = arith.muli %scan3A_348, %mul3A_363 : i32
          %add3A_365 = arith.constant 1 : i32
          %add3A_366 = arith.addi %mul3A_364, %add3A_365 : i32
          %mul3A_367 = arith.constant 16 : i32
          %mul3A_368 = arith.muli %add3A_366, %mul3A_367 : i32
          %get3A_369 = arith.constant 14 : i32
          %get3A_370 = arith.index_cast %get3A_369 : i32 to index
          %get3A_371 = arith.index_cast %mul3A_368 : i32 to index
          %get3A_372 = tpu.vector_load %arg5[%get3A_370, %get3A_371] {strides = array<i32>} : memref<16x1024xf32, #tpu.memory_space<vmem>>, vector<16xf32>,
          %mul3A_373 = arith.constant 256 : i32
          %mul3A_374 = arith.muli %add3A_366, %mul3A_373 : i32
          %add3A_375 = vector.broadcast %mul3A_374 : i32 to vector<16xi32>
          %add3A_376 = arith.addi %add3A_323, %add3A_375 : vector<16xi32>
          tpu.vector_store_idx %arg7[%add3A_376], %get3A_372 : memref<16384xf32, #tpu.memory_space<vmem>>[vector<16xi32>], vector<16xf32>,
          %mul3A_377 = arith.constant 4 : i32
          %mul3A_378 = arith.muli %scan3A_348, %mul3A_377 : i32
          %add3A_379 = arith.constant 2 : i32
          %add3A_380 = arith.addi %mul3A_378, %add3A_379 : i32
          %mul3A_381 = arith.constant 16 : i32
          %mul3A_382 = arith.muli %add3A_380, %mul3A_381 : i32
          %get3A_383 = arith.constant 14 : i32
          %get3A_384 = arith.index_cast %get3A_383 : i32 to index
          %get3A_385 = arith.index_cast %mul3A_382 : i32 to index
          %get3A_386 = tpu.vector_load %arg5[%get3A_384, %get3A_385] {strides = array<i32>} : memref<16x1024xf32, #tpu.memory_space<vmem>>, vector<16xf32>,
          %mul3A_387 = arith.constant 256 : i32
          %mul3A_388 = arith.muli %add3A_380, %mul3A_387 : i32
          %add3A_389 = vector.broadcast %mul3A_388 : i32 to vector<16xi32>
          %add3A_390 = arith.addi %add3A_323, %add3A_389 : vector<16xi32>
          tpu.vector_store_idx %arg7[%add3A_390], %get3A_386 : memref<16384xf32, #tpu.memory_space<vmem>>[vector<16xi32>], vector<16xf32>,
          %mul3A_391 = arith.constant 4 : i32
          %mul3A_392 = arith.muli %scan3A_348, %mul3A_391 : i32
          %add3A_393 = arith.constant 3 : i32
          %add3A_394 = arith.addi %mul3A_392, %add3A_393 : i32
          %mul3A_395 = arith.constant 16 : i32
          %mul3A_396 = arith.muli %add3A_394, %mul3A_395 : i32
          %get3A_397 = arith.constant 14 : i32
          %get3A_398 = arith.index_cast %get3A_397 : i32 to index
          %get3A_399 = arith.index_cast %mul3A_396 : i32 to index
          %get3A_400 = tpu.vector_load %arg5[%get3A_398, %get3A_399] {strides = array<i32>} : memref<16x1024xf32, #tpu.memory_space<vmem>>, vector<16xf32>,
          %mul3A_401 = arith.constant 256 : i32
          %mul3A_402 = arith.muli %add3A_394, %mul3A_401 : i32
          %add3A_403 = vector.broadcast %mul3A_402 : i32 to vector<16xi32>
          %add3A_404 = arith.addi %add3A_323, %add3A_403 : vector<16xi32>
          tpu.vector_store_idx %arg7[%add3A_404], %get3A_400 : memref<16384xf32, #tpu.memory_space<vmem>>[vector<16xi32>], vector<16xf32>,
          %scan3A_405 = arith.constant 0 : i32
          scf.yield %scan3A_405 : i32
        }
        %scan3A_330 = arith.constant 16 : i32
        %add3A_331 = arith.constant 15 : i32
        %add3A_332 = vector.broadcast %add3A_331 : i32 to vector<16xi32>
        %add3A_333 = arith.addi %mul3A_25, %add3A_332 : vector<16xi32>
        %scan3A_334 = arith.constant 0 : i32
        %scan3A_335 = arith.constant 0 : i32
        %scan3A_336 = arith.constant 16 : i32
        %scan3A_337 = arith.addi %scan3A_335, %scan3A_336 : i32
        %scan3A_338 = arith.constant 1 : i32
        %scan3A_339 = scf.for %scan3A_348 = %scan3A_335 to %scan3A_337 step %scan3A_338 iter_args(%scan3A_349 = %scan3A_334) -> (i32)  : i32 {
          %mul3A_350 = arith.constant 4 : i32
          %mul3A_351 = arith.muli %scan3A_348, %mul3A_350 : i32
          %add3A_352 = arith.constant 0 : i32
          %add3A_353 = arith.addi %mul3A_351, %add3A_352 : i32
          %mul3A_354 = arith.constant 16 : i32
          %mul3A_355 = arith.muli %add3A_353, %mul3A_354 : i32
          %get3A = arith.constant 15 : i32
          %get3A_356 = arith.index_cast %get3A : i32 to index
          %get3A_357 = arith.index_cast %mul3A_355 : i32 to index
          %get3A_358 = tpu.vector_load %arg5[%get3A_356, %get3A_357] {strides = array<i32>} : memref<16x1024xf32, #tpu.memory_space<vmem>>, vector<16xf32>,
          %mul3A_359 = arith.constant 256 : i32
          %mul3A_360 = arith.muli %add3A_353, %mul3A_359 : i32
          %add3A_361 = vector.broadcast %mul3A_360 : i32 to vector<16xi32>
          %add3A_362 = arith.addi %add3A_333, %add3A_361 : vector<16xi32>
          tpu.vector_store_idx %arg7[%add3A_362], %get3A_358 : memref<16384xf32, #tpu.memory_space<vmem>>[vector<16xi32>], vector<16xf32>,
          %mul3A_363 = arith.constant 4 : i32
          %mul3A_364 = arith.muli %scan3A_348, %mul3A_363 : i32
          %add3A_365 = arith.constant 1 : i32
          %add3A_366 = arith.addi %mul3A_364, %add3A_365 : i32
          %mul3A_367 = arith.constant 16 : i32
          %mul3A_368 = arith.muli %add3A_366, %mul3A_367 : i32
          %get3A_369 = arith.constant 15 : i32
          %get3A_370 = arith.index_cast %get3A_369 : i32 to index
          %get3A_371 = arith.index_cast %mul3A_368 : i32 to index
          %get3A_372 = tpu.vector_load %arg5[%get3A_370, %get3A_371] {strides = array<i32>} : memref<16x1024xf32, #tpu.memory_space<vmem>>, vector<16xf32>,
          %mul3A_373 = arith.constant 256 : i32
          %mul3A_374 = arith.muli %add3A_366, %mul3A_373 : i32
          %add3A_375 = vector.broadcast %mul3A_374 : i32 to vector<16xi32>
          %add3A_376 = arith.addi %add3A_333, %add3A_375 : vector<16xi32>
          tpu.vector_store_idx %arg7[%add3A_376], %get3A_372 : memref<16384xf32, #tpu.memory_space<vmem>>[vector<16xi32>], vector<16xf32>,
          %mul3A_377 = arith.constant 4 : i32
          %mul3A_378 = arith.muli %scan3A_348, %mul3A_377 : i32
          %add3A_379 = arith.constant 2 : i32
          %add3A_380 = arith.addi %mul3A_378, %add3A_379 : i32
          %mul3A_381 = arith.constant 16 : i32
          %mul3A_382 = arith.muli %add3A_380, %mul3A_381 : i32
          %get3A_383 = arith.constant 15 : i32
          %get3A_384 = arith.index_cast %get3A_383 : i32 to index
          %get3A_385 = arith.index_cast %mul3A_382 : i32 to index
          %get3A_386 = tpu.vector_load %arg5[%get3A_384, %get3A_385] {strides = array<i32>} : memref<16x1024xf32, #tpu.memory_space<vmem>>, vector<16xf32>,
          %mul3A_387 = arith.constant 256 : i32
          %mul3A_388 = arith.muli %add3A_380, %mul3A_387 : i32
          %add3A_389 = vector.broadcast %mul3A_388 : i32 to vector<16xi32>
          %add3A_390 = arith.addi %add3A_333, %add3A_389 : vector<16xi32>
          tpu.vector_store_idx %arg7[%add3A_390], %get3A_386 : memref<16384xf32, #tpu.memory_space<vmem>>[vector<16xi32>], vector<16xf32>,
          %mul3A_391 = arith.constant 4 : i32
          %mul3A_392 = arith.muli %scan3A_348, %mul3A_391 : i32
          %add3A_393 = arith.constant 3 : i32
          %add3A_394 = arith.addi %mul3A_392, %add3A_393 : i32
          %mul3A_395 = arith.constant 16 : i32
          %mul3A_396 = arith.muli %add3A_394, %mul3A_395 : i32
          %get3A_397 = arith.constant 15 : i32
          %get3A_398 = arith.index_cast %get3A_397 : i32 to index
          %get3A_399 = arith.index_cast %mul3A_396 : i32 to index
          %get3A_400 = tpu.vector_load %arg5[%get3A_398, %get3A_399] {strides = array<i32>} : memref<16x1024xf32, #tpu.memory_space<vmem>>, vector<16xf32>,
          %mul3A_401 = arith.constant 256 : i32
          %mul3A_402 = arith.muli %add3A_394, %mul3A_401 : i32
          %add3A_403 = vector.broadcast %mul3A_402 : i32 to vector<16xi32>
          %add3A_404 = arith.addi %add3A_333, %add3A_403 : vector<16xi32>
          tpu.vector_store_idx %arg7[%add3A_404], %get3A_400 : memref<16384xf32, #tpu.memory_space<vmem>>[vector<16xi32>], vector<16xf32>,
          %scan3A_405 = arith.constant 0 : i32
          scf.yield %scan3A_405 : i32
        }
        %scan3A_340 = arith.constant 16 : i32
        %mul3A_341 = arith.constant 32 : i32
        %mul3A_342 = arith.muli %add3A_148, %mul3A_341 : i32
        %add3A_343 = arith.addi %add3A, %mul3A_342 : i32
        %mul3A_344 = arith.constant 16384 : i32
        %mul3A_345 = arith.muli %add3A_343, %mul3A_344 : i32
        %dma_start3A_346 = tpu.memref_slice %arg4[%mul3A_345] : memref<41601024xf32, #tpu.memory_space<hbm>> -> memref<16384xf32, #tpu.memory_space<hbm>>
        %dma_start3A_347 = tpu.memref_slice %arg4[%mul3A_345] : memref<41601024xf32, #tpu.memory_space<hbm>> -> memref<16384xf32, #tpu.memory_space<hbm>>
        tpu.enqueue_dma source(%arg7 : memref<16384xf32, #tpu.memory_space<vmem>>) target(%dma_start3A_347 : memref<16384xf32, #tpu.memory_space<hbm>>) target_semaphore(%arg12 : memref<!tpu.dma_semaphore, #tpu.memory_space<semaphore_mem>>)
      } else {
      }
      %mul3A_153 = arith.constant 2 : i32
      %mul3A_154 = arith.muli %scan3A_143, %mul3A_153 : i32
      %add3A_155 = arith.constant 1 : i32
      %add3A_156 = arith.addi %mul3A_154, %add3A_155 : i32
      %lt3A_157 = arith.cmpi slt, %add3A_156, %select_n3A : i32
      %convert_element_type3A_158 = arith.extui %lt3A_157 : i1 to i32
      %cond3A_159 = arith.constant 0 : i32
      %cond3A_160 = arith.cmpi ne, %convert_element_type3A_158, %cond3A_159 : i32
      scf.if %cond3A_160 {
        %mul3A_162 = arith.constant 32 : i32
        %mul3A_163 = arith.muli %add3A_156, %mul3A_162 : i32
        %add3A_164 = arith.addi %add3A, %mul3A_163 : i32
        %mul3A_165 = arith.constant 1024 : i32
        %mul3A_166 = arith.muli %add3A_164, %mul3A_165 : i32
        %dma_wait3A = arith.constant 0 : i32
        %dma_wait3A_167 = tpu.memref_slice %arg2[%dma_wait3A, %mul3A_166] : memref<16x2600000xf32, #tpu.memory_space<hbm>> -> memref<16x1024xf32, #tpu.memory_space<hbm>>
        %dma_wait3A_168 = arith.constant 0 : i32
        %dma_wait3A_169 = tpu.memref_slice %arg2[%dma_wait3A_168, %mul3A_166] : memref<16x2600000xf32, #tpu.memory_space<hbm>> -> memref<16x1024xf32, #tpu.memory_space<hbm>>
        tpu.wait_dma2 semaphore(%arg11 : memref<!tpu.dma_semaphore, #tpu.memory_space<semaphore_mem>>) src(%dma_wait3A_169 : memref<16x1024xf32, #tpu.memory_space<hbm>>) dst(%arg6 : memref<16x1024xf32, #tpu.memory_space<vmem>>)
        %add3A_170 = arith.constant 1 : i32
        %add3A_171 = arith.addi %add3A_156, %add3A_170 : i32
        %lt3A_172 = arith.cmpi slt, %add3A_171, %select_n3A : i32
        %convert_element_type3A_173 = arith.extui %lt3A_172 : i1 to i32
        %cond3A_174 = arith.constant 0 : i32
        %cond3A_175 = arith.cmpi ne, %convert_element_type3A_173, %cond3A_174 : i32
        scf.if %cond3A_175 {
          %add3A_348 = arith.constant 1 : i32
          %add3A_349 = arith.addi %add3A_156, %add3A_348 : i32
          %mul3A_350 = arith.constant 32 : i32
          %mul3A_351 = arith.muli %add3A_349, %mul3A_350 : i32
          %add3A_352 = arith.addi %add3A, %mul3A_351 : i32
          %mul3A_353 = arith.constant 1024 : i32
          %mul3A_354 = arith.muli %add3A_352, %mul3A_353 : i32
          %dma_start3A_355 = arith.constant 0 : i32
          %dma_start3A_356 = tpu.memref_slice %arg2[%dma_start3A_355, %mul3A_354] : memref<16x2600000xf32, #tpu.memory_space<hbm>> -> memref<16x1024xf32, #tpu.memory_space<hbm>>
          %dma_start3A_357 = arith.constant 0 : i32
          %dma_start3A_358 = tpu.memref_slice %arg2[%dma_start3A_357, %mul3A_354] : memref<16x2600000xf32, #tpu.memory_space<hbm>> -> memref<16x1024xf32, #tpu.memory_space<hbm>>
          tpu.enqueue_dma source(%dma_start3A_358 : memref<16x1024xf32, #tpu.memory_space<hbm>>) target(%arg5 : memref<16x1024xf32, #tpu.memory_space<vmem>>) target_semaphore(%arg10 : memref<!tpu.dma_semaphore, #tpu.memory_space<semaphore_mem>>)
        } else {
        }
        %ge3A_176 = arith.constant 2 : i32
        %ge3A_177 = arith.cmpi sge, %add3A_156, %ge3A_176 : i32
        %convert_element_type3A_178 = arith.extui %ge3A_177 : i1 to i32
        %cond3A_179 = arith.constant 0 : i32
        %cond3A_180 = arith.cmpi ne, %convert_element_type3A_178, %cond3A_179 : i32
        scf.if %cond3A_180 {
          %sub3A_348 = arith.constant 2 : i32
          %sub3A_349 = arith.subi %add3A_156, %sub3A_348 : i32
          %mul3A_350 = arith.constant 32 : i32
          %mul3A_351 = arith.muli %sub3A_349, %mul3A_350 : i32
          %add3A_352 = arith.addi %add3A, %mul3A_351 : i32
          %mul3A_353 = arith.constant 16384 : i32
          %mul3A_354 = arith.muli %add3A_352, %mul3A_353 : i32
          %dma_wait3A_355 = tpu.memref_slice %arg4[%mul3A_354] : memref<41601024xf32, #tpu.memory_space<hbm>> -> memref<16384xf32, #tpu.memory_space<hbm>>
          %dma_wait3A_356 = tpu.memref_slice %arg4[%mul3A_354] : memref<41601024xf32, #tpu.memory_space<hbm>> -> memref<16384xf32, #tpu.memory_space<hbm>>
          tpu.wait_dma2 semaphore(%arg13 : memref<!tpu.dma_semaphore, #tpu.memory_space<semaphore_mem>>) src(%arg8 : memref<16384xf32, #tpu.memory_space<vmem>>) dst(%dma_wait3A_356 : memref<16384xf32, #tpu.memory_space<hbm>>)
        } else {
        }
        %add3A_181 = arith.constant 0 : i32
        %add3A_182 = vector.broadcast %add3A_181 : i32 to vector<16xi32>
        %add3A_183 = arith.addi %mul3A_25, %add3A_182 : vector<16xi32>
        %scan3A_184 = arith.constant 0 : i32
        %scan3A_185 = arith.constant 0 : i32
        %scan3A_186 = arith.constant 16 : i32
        %scan3A_187 = arith.addi %scan3A_185, %scan3A_186 : i32
        %scan3A_188 = arith.constant 1 : i32
        %scan3A_189 = scf.for %scan3A_348 = %scan3A_185 to %scan3A_187 step %scan3A_188 iter_args(%scan3A_349 = %scan3A_184) -> (i32)  : i32 {
          %mul3A_350 = arith.constant 4 : i32
          %mul3A_351 = arith.muli %scan3A_348, %mul3A_350 : i32
          %add3A_352 = arith.constant 0 : i32
          %add3A_353 = arith.addi %mul3A_351, %add3A_352 : i32
          %mul3A_354 = arith.constant 16 : i32
          %mul3A_355 = arith.muli %add3A_353, %mul3A_354 : i32
          %get3A = arith.constant 0 : i32
          %get3A_356 = arith.index_cast %get3A : i32 to index
          %get3A_357 = arith.index_cast %mul3A_355 : i32 to index
          %get3A_358 = tpu.vector_load %arg6[%get3A_356, %get3A_357] {strides = array<i32>} : memref<16x1024xf32, #tpu.memory_space<vmem>>, vector<16xf32>,
          %mul3A_359 = arith.constant 256 : i32
          %mul3A_360 = arith.muli %add3A_353, %mul3A_359 : i32
          %add3A_361 = vector.broadcast %mul3A_360 : i32 to vector<16xi32>
          %add3A_362 = arith.addi %add3A_183, %add3A_361 : vector<16xi32>
          tpu.vector_store_idx %arg8[%add3A_362], %get3A_358 : memref<16384xf32, #tpu.memory_space<vmem>>[vector<16xi32>], vector<16xf32>,
          %mul3A_363 = arith.constant 4 : i32
          %mul3A_364 = arith.muli %scan3A_348, %mul3A_363 : i32
          %add3A_365 = arith.constant 1 : i32
          %add3A_366 = arith.addi %mul3A_364, %add3A_365 : i32
          %mul3A_367 = arith.constant 16 : i32
          %mul3A_368 = arith.muli %add3A_366, %mul3A_367 : i32
          %get3A_369 = arith.constant 0 : i32
          %get3A_370 = arith.index_cast %get3A_369 : i32 to index
          %get3A_371 = arith.index_cast %mul3A_368 : i32 to index
          %get3A_372 = tpu.vector_load %arg6[%get3A_370, %get3A_371] {strides = array<i32>} : memref<16x1024xf32, #tpu.memory_space<vmem>>, vector<16xf32>,
          %mul3A_373 = arith.constant 256 : i32
          %mul3A_374 = arith.muli %add3A_366, %mul3A_373 : i32
          %add3A_375 = vector.broadcast %mul3A_374 : i32 to vector<16xi32>
          %add3A_376 = arith.addi %add3A_183, %add3A_375 : vector<16xi32>
          tpu.vector_store_idx %arg8[%add3A_376], %get3A_372 : memref<16384xf32, #tpu.memory_space<vmem>>[vector<16xi32>], vector<16xf32>,
          %mul3A_377 = arith.constant 4 : i32
          %mul3A_378 = arith.muli %scan3A_348, %mul3A_377 : i32
          %add3A_379 = arith.constant 2 : i32
          %add3A_380 = arith.addi %mul3A_378, %add3A_379 : i32
          %mul3A_381 = arith.constant 16 : i32
          %mul3A_382 = arith.muli %add3A_380, %mul3A_381 : i32
          %get3A_383 = arith.constant 0 : i32
          %get3A_384 = arith.index_cast %get3A_383 : i32 to index
          %get3A_385 = arith.index_cast %mul3A_382 : i32 to index
          %get3A_386 = tpu.vector_load %arg6[%get3A_384, %get3A_385] {strides = array<i32>} : memref<16x1024xf32, #tpu.memory_space<vmem>>, vector<16xf32>,
          %mul3A_387 = arith.constant 256 : i32
          %mul3A_388 = arith.muli %add3A_380, %mul3A_387 : i32
          %add3A_389 = vector.broadcast %mul3A_388 : i32 to vector<16xi32>
          %add3A_390 = arith.addi %add3A_183, %add3A_389 : vector<16xi32>
          tpu.vector_store_idx %arg8[%add3A_390], %get3A_386 : memref<16384xf32, #tpu.memory_space<vmem>>[vector<16xi32>], vector<16xf32>,
          %mul3A_391 = arith.constant 4 : i32
          %mul3A_392 = arith.muli %scan3A_348, %mul3A_391 : i32
          %add3A_393 = arith.constant 3 : i32
          %add3A_394 = arith.addi %mul3A_392, %add3A_393 : i32
          %mul3A_395 = arith.constant 16 : i32
          %mul3A_396 = arith.muli %add3A_394, %mul3A_395 : i32
          %get3A_397 = arith.constant 0 : i32
          %get3A_398 = arith.index_cast %get3A_397 : i32 to index
          %get3A_399 = arith.index_cast %mul3A_396 : i32 to index
          %get3A_400 = tpu.vector_load %arg6[%get3A_398, %get3A_399] {strides = array<i32>} : memref<16x1024xf32, #tpu.memory_space<vmem>>, vector<16xf32>,
          %mul3A_401 = arith.constant 256 : i32
          %mul3A_402 = arith.muli %add3A_394, %mul3A_401 : i32
          %add3A_403 = vector.broadcast %mul3A_402 : i32 to vector<16xi32>
          %add3A_404 = arith.addi %add3A_183, %add3A_403 : vector<16xi32>
          tpu.vector_store_idx %arg8[%add3A_404], %get3A_400 : memref<16384xf32, #tpu.memory_space<vmem>>[vector<16xi32>], vector<16xf32>,
          %scan3A_405 = arith.constant 0 : i32
          scf.yield %scan3A_405 : i32
        }
        %scan3A_190 = arith.constant 16 : i32
        %add3A_191 = arith.constant 1 : i32
        %add3A_192 = vector.broadcast %add3A_191 : i32 to vector<16xi32>
        %add3A_193 = arith.addi %mul3A_25, %add3A_192 : vector<16xi32>
        %scan3A_194 = arith.constant 0 : i32
        %scan3A_195 = arith.constant 0 : i32
        %scan3A_196 = arith.constant 16 : i32
        %scan3A_197 = arith.addi %scan3A_195, %scan3A_196 : i32
        %scan3A_198 = arith.constant 1 : i32
        %scan3A_199 = scf.for %scan3A_348 = %scan3A_195 to %scan3A_197 step %scan3A_198 iter_args(%scan3A_349 = %scan3A_194) -> (i32)  : i32 {
          %mul3A_350 = arith.constant 4 : i32
          %mul3A_351 = arith.muli %scan3A_348, %mul3A_350 : i32
          %add3A_352 = arith.constant 0 : i32
          %add3A_353 = arith.addi %mul3A_351, %add3A_352 : i32
          %mul3A_354 = arith.constant 16 : i32
          %mul3A_355 = arith.muli %add3A_353, %mul3A_354 : i32
          %get3A = arith.constant 1 : i32
          %get3A_356 = arith.index_cast %get3A : i32 to index
          %get3A_357 = arith.index_cast %mul3A_355 : i32 to index
          %get3A_358 = tpu.vector_load %arg6[%get3A_356, %get3A_357] {strides = array<i32>} : memref<16x1024xf32, #tpu.memory_space<vmem>>, vector<16xf32>,
          %mul3A_359 = arith.constant 256 : i32
          %mul3A_360 = arith.muli %add3A_353, %mul3A_359 : i32
          %add3A_361 = vector.broadcast %mul3A_360 : i32 to vector<16xi32>
          %add3A_362 = arith.addi %add3A_193, %add3A_361 : vector<16xi32>
          tpu.vector_store_idx %arg8[%add3A_362], %get3A_358 : memref<16384xf32, #tpu.memory_space<vmem>>[vector<16xi32>], vector<16xf32>,
          %mul3A_363 = arith.constant 4 : i32
          %mul3A_364 = arith.muli %scan3A_348, %mul3A_363 : i32
          %add3A_365 = arith.constant 1 : i32
          %add3A_366 = arith.addi %mul3A_364, %add3A_365 : i32
          %mul3A_367 = arith.constant 16 : i32
          %mul3A_368 = arith.muli %add3A_366, %mul3A_367 : i32
          %get3A_369 = arith.constant 1 : i32
          %get3A_370 = arith.index_cast %get3A_369 : i32 to index
          %get3A_371 = arith.index_cast %mul3A_368 : i32 to index
          %get3A_372 = tpu.vector_load %arg6[%get3A_370, %get3A_371] {strides = array<i32>} : memref<16x1024xf32, #tpu.memory_space<vmem>>, vector<16xf32>,
          %mul3A_373 = arith.constant 256 : i32
          %mul3A_374 = arith.muli %add3A_366, %mul3A_373 : i32
          %add3A_375 = vector.broadcast %mul3A_374 : i32 to vector<16xi32>
          %add3A_376 = arith.addi %add3A_193, %add3A_375 : vector<16xi32>
          tpu.vector_store_idx %arg8[%add3A_376], %get3A_372 : memref<16384xf32, #tpu.memory_space<vmem>>[vector<16xi32>], vector<16xf32>,
          %mul3A_377 = arith.constant 4 : i32
          %mul3A_378 = arith.muli %scan3A_348, %mul3A_377 : i32
          %add3A_379 = arith.constant 2 : i32
          %add3A_380 = arith.addi %mul3A_378, %add3A_379 : i32
          %mul3A_381 = arith.constant 16 : i32
          %mul3A_382 = arith.muli %add3A_380, %mul3A_381 : i32
          %get3A_383 = arith.constant 1 : i32
          %get3A_384 = arith.index_cast %get3A_383 : i32 to index
          %get3A_385 = arith.index_cast %mul3A_382 : i32 to index
          %get3A_386 = tpu.vector_load %arg6[%get3A_384, %get3A_385] {strides = array<i32>} : memref<16x1024xf32, #tpu.memory_space<vmem>>, vector<16xf32>,
          %mul3A_387 = arith.constant 256 : i32
          %mul3A_388 = arith.muli %add3A_380, %mul3A_387 : i32
          %add3A_389 = vector.broadcast %mul3A_388 : i32 to vector<16xi32>
          %add3A_390 = arith.addi %add3A_193, %add3A_389 : vector<16xi32>
          tpu.vector_store_idx %arg8[%add3A_390], %get3A_386 : memref<16384xf32, #tpu.memory_space<vmem>>[vector<16xi32>], vector<16xf32>,
          %mul3A_391 = arith.constant 4 : i32
          %mul3A_392 = arith.muli %scan3A_348, %mul3A_391 : i32
          %add3A_393 = arith.constant 3 : i32
          %add3A_394 = arith.addi %mul3A_392, %add3A_393 : i32
          %mul3A_395 = arith.constant 16 : i32
          %mul3A_396 = arith.muli %add3A_394, %mul3A_395 : i32
          %get3A_397 = arith.constant 1 : i32
          %get3A_398 = arith.index_cast %get3A_397 : i32 to index
          %get3A_399 = arith.index_cast %mul3A_396 : i32 to index
          %get3A_400 = tpu.vector_load %arg6[%get3A_398, %get3A_399] {strides = array<i32>} : memref<16x1024xf32, #tpu.memory_space<vmem>>, vector<16xf32>,
          %mul3A_401 = arith.constant 256 : i32
          %mul3A_402 = arith.muli %add3A_394, %mul3A_401 : i32
          %add3A_403 = vector.broadcast %mul3A_402 : i32 to vector<16xi32>
          %add3A_404 = arith.addi %add3A_193, %add3A_403 : vector<16xi32>
          tpu.vector_store_idx %arg8[%add3A_404], %get3A_400 : memref<16384xf32, #tpu.memory_space<vmem>>[vector<16xi32>], vector<16xf32>,
          %scan3A_405 = arith.constant 0 : i32
          scf.yield %scan3A_405 : i32
        }
        %scan3A_200 = arith.constant 16 : i32
        %add3A_201 = arith.constant 2 : i32
        %add3A_202 = vector.broadcast %add3A_201 : i32 to vector<16xi32>
        %add3A_203 = arith.addi %mul3A_25, %add3A_202 : vector<16xi32>
        %scan3A_204 = arith.constant 0 : i32
        %scan3A_205 = arith.constant 0 : i32
        %scan3A_206 = arith.constant 16 : i32
        %scan3A_207 = arith.addi %scan3A_205, %scan3A_206 : i32
        %scan3A_208 = arith.constant 1 : i32
        %scan3A_209 = scf.for %scan3A_348 = %scan3A_205 to %scan3A_207 step %scan3A_208 iter_args(%scan3A_349 = %scan3A_204) -> (i32)  : i32 {
          %mul3A_350 = arith.constant 4 : i32
          %mul3A_351 = arith.muli %scan3A_348, %mul3A_350 : i32
          %add3A_352 = arith.constant 0 : i32
          %add3A_353 = arith.addi %mul3A_351, %add3A_352 : i32
          %mul3A_354 = arith.constant 16 : i32
          %mul3A_355 = arith.muli %add3A_353, %mul3A_354 : i32
          %get3A = arith.constant 2 : i32
          %get3A_356 = arith.index_cast %get3A : i32 to index
          %get3A_357 = arith.index_cast %mul3A_355 : i32 to index
          %get3A_358 = tpu.vector_load %arg6[%get3A_356, %get3A_357] {strides = array<i32>} : memref<16x1024xf32, #tpu.memory_space<vmem>>, vector<16xf32>,
          %mul3A_359 = arith.constant 256 : i32
          %mul3A_360 = arith.muli %add3A_353, %mul3A_359 : i32
          %add3A_361 = vector.broadcast %mul3A_360 : i32 to vector<16xi32>
          %add3A_362 = arith.addi %add3A_203, %add3A_361 : vector<16xi32>
          tpu.vector_store_idx %arg8[%add3A_362], %get3A_358 : memref<16384xf32, #tpu.memory_space<vmem>>[vector<16xi32>], vector<16xf32>,
          %mul3A_363 = arith.constant 4 : i32
          %mul3A_364 = arith.muli %scan3A_348, %mul3A_363 : i32
          %add3A_365 = arith.constant 1 : i32
          %add3A_366 = arith.addi %mul3A_364, %add3A_365 : i32
          %mul3A_367 = arith.constant 16 : i32
          %mul3A_368 = arith.muli %add3A_366, %mul3A_367 : i32
          %get3A_369 = arith.constant 2 : i32
          %get3A_370 = arith.index_cast %get3A_369 : i32 to index
          %get3A_371 = arith.index_cast %mul3A_368 : i32 to index
          %get3A_372 = tpu.vector_load %arg6[%get3A_370, %get3A_371] {strides = array<i32>} : memref<16x1024xf32, #tpu.memory_space<vmem>>, vector<16xf32>,
          %mul3A_373 = arith.constant 256 : i32
          %mul3A_374 = arith.muli %add3A_366, %mul3A_373 : i32
          %add3A_375 = vector.broadcast %mul3A_374 : i32 to vector<16xi32>
          %add3A_376 = arith.addi %add3A_203, %add3A_375 : vector<16xi32>
          tpu.vector_store_idx %arg8[%add3A_376], %get3A_372 : memref<16384xf32, #tpu.memory_space<vmem>>[vector<16xi32>], vector<16xf32>,
          %mul3A_377 = arith.constant 4 : i32
          %mul3A_378 = arith.muli %scan3A_348, %mul3A_377 : i32
          %add3A_379 = arith.constant 2 : i32
          %add3A_380 = arith.addi %mul3A_378, %add3A_379 : i32
          %mul3A_381 = arith.constant 16 : i32
          %mul3A_382 = arith.muli %add3A_380, %mul3A_381 : i32
          %get3A_383 = arith.constant 2 : i32
          %get3A_384 = arith.index_cast %get3A_383 : i32 to index
          %get3A_385 = arith.index_cast %mul3A_382 : i32 to index
          %get3A_386 = tpu.vector_load %arg6[%get3A_384, %get3A_385] {strides = array<i32>} : memref<16x1024xf32, #tpu.memory_space<vmem>>, vector<16xf32>,
          %mul3A_387 = arith.constant 256 : i32
          %mul3A_388 = arith.muli %add3A_380, %mul3A_387 : i32
          %add3A_389 = vector.broadcast %mul3A_388 : i32 to vector<16xi32>
          %add3A_390 = arith.addi %add3A_203, %add3A_389 : vector<16xi32>
          tpu.vector_store_idx %arg8[%add3A_390], %get3A_386 : memref<16384xf32, #tpu.memory_space<vmem>>[vector<16xi32>], vector<16xf32>,
          %mul3A_391 = arith.constant 4 : i32
          %mul3A_392 = arith.muli %scan3A_348, %mul3A_391 : i32
          %add3A_393 = arith.constant 3 : i32
          %add3A_394 = arith.addi %mul3A_392, %add3A_393 : i32
          %mul3A_395 = arith.constant 16 : i32
          %mul3A_396 = arith.muli %add3A_394, %mul3A_395 : i32
          %get3A_397 = arith.constant 2 : i32
          %get3A_398 = arith.index_cast %get3A_397 : i32 to index
          %get3A_399 = arith.index_cast %mul3A_396 : i32 to index
          %get3A_400 = tpu.vector_load %arg6[%get3A_398, %get3A_399] {strides = array<i32>} : memref<16x1024xf32, #tpu.memory_space<vmem>>, vector<16xf32>,
          %mul3A_401 = arith.constant 256 : i32
          %mul3A_402 = arith.muli %add3A_394, %mul3A_401 : i32
          %add3A_403 = vector.broadcast %mul3A_402 : i32 to vector<16xi32>
          %add3A_404 = arith.addi %add3A_203, %add3A_403 : vector<16xi32>
          tpu.vector_store_idx %arg8[%add3A_404], %get3A_400 : memref<16384xf32, #tpu.memory_space<vmem>>[vector<16xi32>], vector<16xf32>,
          %scan3A_405 = arith.constant 0 : i32
          scf.yield %scan3A_405 : i32
        }
        %scan3A_210 = arith.constant 16 : i32
        %add3A_211 = arith.constant 3 : i32
        %add3A_212 = vector.broadcast %add3A_211 : i32 to vector<16xi32>
        %add3A_213 = arith.addi %mul3A_25, %add3A_212 : vector<16xi32>
        %scan3A_214 = arith.constant 0 : i32
        %scan3A_215 = arith.constant 0 : i32
        %scan3A_216 = arith.constant 16 : i32
        %scan3A_217 = arith.addi %scan3A_215, %scan3A_216 : i32
        %scan3A_218 = arith.constant 1 : i32
        %scan3A_219 = scf.for %scan3A_348 = %scan3A_215 to %scan3A_217 step %scan3A_218 iter_args(%scan3A_349 = %scan3A_214) -> (i32)  : i32 {
          %mul3A_350 = arith.constant 4 : i32
          %mul3A_351 = arith.muli %scan3A_348, %mul3A_350 : i32
          %add3A_352 = arith.constant 0 : i32
          %add3A_353 = arith.addi %mul3A_351, %add3A_352 : i32
          %mul3A_354 = arith.constant 16 : i32
          %mul3A_355 = arith.muli %add3A_353, %mul3A_354 : i32
          %get3A = arith.constant 3 : i32
          %get3A_356 = arith.index_cast %get3A : i32 to index
          %get3A_357 = arith.index_cast %mul3A_355 : i32 to index
          %get3A_358 = tpu.vector_load %arg6[%get3A_356, %get3A_357] {strides = array<i32>} : memref<16x1024xf32, #tpu.memory_space<vmem>>, vector<16xf32>,
          %mul3A_359 = arith.constant 256 : i32
          %mul3A_360 = arith.muli %add3A_353, %mul3A_359 : i32
          %add3A_361 = vector.broadcast %mul3A_360 : i32 to vector<16xi32>
          %add3A_362 = arith.addi %add3A_213, %add3A_361 : vector<16xi32>
          tpu.vector_store_idx %arg8[%add3A_362], %get3A_358 : memref<16384xf32, #tpu.memory_space<vmem>>[vector<16xi32>], vector<16xf32>,
          %mul3A_363 = arith.constant 4 : i32
          %mul3A_364 = arith.muli %scan3A_348, %mul3A_363 : i32
          %add3A_365 = arith.constant 1 : i32
          %add3A_366 = arith.addi %mul3A_364, %add3A_365 : i32
          %mul3A_367 = arith.constant 16 : i32
          %mul3A_368 = arith.muli %add3A_366, %mul3A_367 : i32
          %get3A_369 = arith.constant 3 : i32
          %get3A_370 = arith.index_cast %get3A_369 : i32 to index
          %get3A_371 = arith.index_cast %mul3A_368 : i32 to index
          %get3A_372 = tpu.vector_load %arg6[%get3A_370, %get3A_371] {strides = array<i32>} : memref<16x1024xf32, #tpu.memory_space<vmem>>, vector<16xf32>,
          %mul3A_373 = arith.constant 256 : i32
          %mul3A_374 = arith.muli %add3A_366, %mul3A_373 : i32
          %add3A_375 = vector.broadcast %mul3A_374 : i32 to vector<16xi32>
          %add3A_376 = arith.addi %add3A_213, %add3A_375 : vector<16xi32>
          tpu.vector_store_idx %arg8[%add3A_376], %get3A_372 : memref<16384xf32, #tpu.memory_space<vmem>>[vector<16xi32>], vector<16xf32>,
          %mul3A_377 = arith.constant 4 : i32
          %mul3A_378 = arith.muli %scan3A_348, %mul3A_377 : i32
          %add3A_379 = arith.constant 2 : i32
          %add3A_380 = arith.addi %mul3A_378, %add3A_379 : i32
          %mul3A_381 = arith.constant 16 : i32
          %mul3A_382 = arith.muli %add3A_380, %mul3A_381 : i32
          %get3A_383 = arith.constant 3 : i32
          %get3A_384 = arith.index_cast %get3A_383 : i32 to index
          %get3A_385 = arith.index_cast %mul3A_382 : i32 to index
          %get3A_386 = tpu.vector_load %arg6[%get3A_384, %get3A_385] {strides = array<i32>} : memref<16x1024xf32, #tpu.memory_space<vmem>>, vector<16xf32>,
          %mul3A_387 = arith.constant 256 : i32
          %mul3A_388 = arith.muli %add3A_380, %mul3A_387 : i32
          %add3A_389 = vector.broadcast %mul3A_388 : i32 to vector<16xi32>
          %add3A_390 = arith.addi %add3A_213, %add3A_389 : vector<16xi32>
          tpu.vector_store_idx %arg8[%add3A_390], %get3A_386 : memref<16384xf32, #tpu.memory_space<vmem>>[vector<16xi32>], vector<16xf32>,
          %mul3A_391 = arith.constant 4 : i32
          %mul3A_392 = arith.muli %scan3A_348, %mul3A_391 : i32
          %add3A_393 = arith.constant 3 : i32
          %add3A_394 = arith.addi %mul3A_392, %add3A_393 : i32
          %mul3A_395 = arith.constant 16 : i32
          %mul3A_396 = arith.muli %add3A_394, %mul3A_395 : i32
          %get3A_397 = arith.constant 3 : i32
          %get3A_398 = arith.index_cast %get3A_397 : i32 to index
          %get3A_399 = arith.index_cast %mul3A_396 : i32 to index
          %get3A_400 = tpu.vector_load %arg6[%get3A_398, %get3A_399] {strides = array<i32>} : memref<16x1024xf32, #tpu.memory_space<vmem>>, vector<16xf32>,
          %mul3A_401 = arith.constant 256 : i32
          %mul3A_402 = arith.muli %add3A_394, %mul3A_401 : i32
          %add3A_403 = vector.broadcast %mul3A_402 : i32 to vector<16xi32>
          %add3A_404 = arith.addi %add3A_213, %add3A_403 : vector<16xi32>
          tpu.vector_store_idx %arg8[%add3A_404], %get3A_400 : memref<16384xf32, #tpu.memory_space<vmem>>[vector<16xi32>], vector<16xf32>,
          %scan3A_405 = arith.constant 0 : i32
          scf.yield %scan3A_405 : i32
        }
        %scan3A_220 = arith.constant 16 : i32
        %add3A_221 = arith.constant 4 : i32
        %add3A_222 = vector.broadcast %add3A_221 : i32 to vector<16xi32>
        %add3A_223 = arith.addi %mul3A_25, %add3A_222 : vector<16xi32>
        %scan3A_224 = arith.constant 0 : i32
        %scan3A_225 = arith.constant 0 : i32
        %scan3A_226 = arith.constant 16 : i32
        %scan3A_227 = arith.addi %scan3A_225, %scan3A_226 : i32
        %scan3A_228 = arith.constant 1 : i32
        %scan3A_229 = scf.for %scan3A_348 = %scan3A_225 to %scan3A_227 step %scan3A_228 iter_args(%scan3A_349 = %scan3A_224) -> (i32)  : i32 {
          %mul3A_350 = arith.constant 4 : i32
          %mul3A_351 = arith.muli %scan3A_348, %mul3A_350 : i32
          %add3A_352 = arith.constant 0 : i32
          %add3A_353 = arith.addi %mul3A_351, %add3A_352 : i32
          %mul3A_354 = arith.constant 16 : i32
          %mul3A_355 = arith.muli %add3A_353, %mul3A_354 : i32
          %get3A = arith.constant 4 : i32
          %get3A_356 = arith.index_cast %get3A : i32 to index
          %get3A_357 = arith.index_cast %mul3A_355 : i32 to index
          %get3A_358 = tpu.vector_load %arg6[%get3A_356, %get3A_357] {strides = array<i32>} : memref<16x1024xf32, #tpu.memory_space<vmem>>, vector<16xf32>,
          %mul3A_359 = arith.constant 256 : i32
          %mul3A_360 = arith.muli %add3A_353, %mul3A_359 : i32
          %add3A_361 = vector.broadcast %mul3A_360 : i32 to vector<16xi32>
          %add3A_362 = arith.addi %add3A_223, %add3A_361 : vector<16xi32>
          tpu.vector_store_idx %arg8[%add3A_362], %get3A_358 : memref<16384xf32, #tpu.memory_space<vmem>>[vector<16xi32>], vector<16xf32>,
          %mul3A_363 = arith.constant 4 : i32
          %mul3A_364 = arith.muli %scan3A_348, %mul3A_363 : i32
          %add3A_365 = arith.constant 1 : i32
          %add3A_366 = arith.addi %mul3A_364, %add3A_365 : i32
          %mul3A_367 = arith.constant 16 : i32
          %mul3A_368 = arith.muli %add3A_366, %mul3A_367 : i32
          %get3A_369 = arith.constant 4 : i32
          %get3A_370 = arith.index_cast %get3A_369 : i32 to index
          %get3A_371 = arith.index_cast %mul3A_368 : i32 to index
          %get3A_372 = tpu.vector_load %arg6[%get3A_370, %get3A_371] {strides = array<i32>} : memref<16x1024xf32, #tpu.memory_space<vmem>>, vector<16xf32>,
          %mul3A_373 = arith.constant 256 : i32
          %mul3A_374 = arith.muli %add3A_366, %mul3A_373 : i32
          %add3A_375 = vector.broadcast %mul3A_374 : i32 to vector<16xi32>
          %add3A_376 = arith.addi %add3A_223, %add3A_375 : vector<16xi32>
          tpu.vector_store_idx %arg8[%add3A_376], %get3A_372 : memref<16384xf32, #tpu.memory_space<vmem>>[vector<16xi32>], vector<16xf32>,
          %mul3A_377 = arith.constant 4 : i32
          %mul3A_378 = arith.muli %scan3A_348, %mul3A_377 : i32
          %add3A_379 = arith.constant 2 : i32
          %add3A_380 = arith.addi %mul3A_378, %add3A_379 : i32
          %mul3A_381 = arith.constant 16 : i32
          %mul3A_382 = arith.muli %add3A_380, %mul3A_381 : i32
          %get3A_383 = arith.constant 4 : i32
          %get3A_384 = arith.index_cast %get3A_383 : i32 to index
          %get3A_385 = arith.index_cast %mul3A_382 : i32 to index
          %get3A_386 = tpu.vector_load %arg6[%get3A_384, %get3A_385] {strides = array<i32>} : memref<16x1024xf32, #tpu.memory_space<vmem>>, vector<16xf32>,
          %mul3A_387 = arith.constant 256 : i32
          %mul3A_388 = arith.muli %add3A_380, %mul3A_387 : i32
          %add3A_389 = vector.broadcast %mul3A_388 : i32 to vector<16xi32>
          %add3A_390 = arith.addi %add3A_223, %add3A_389 : vector<16xi32>
          tpu.vector_store_idx %arg8[%add3A_390], %get3A_386 : memref<16384xf32, #tpu.memory_space<vmem>>[vector<16xi32>], vector<16xf32>,
          %mul3A_391 = arith.constant 4 : i32
          %mul3A_392 = arith.muli %scan3A_348, %mul3A_391 : i32
          %add3A_393 = arith.constant 3 : i32
          %add3A_394 = arith.addi %mul3A_392, %add3A_393 : i32
          %mul3A_395 = arith.constant 16 : i32
          %mul3A_396 = arith.muli %add3A_394, %mul3A_395 : i32
          %get3A_397 = arith.constant 4 : i32
          %get3A_398 = arith.index_cast %get3A_397 : i32 to index
          %get3A_399 = arith.index_cast %mul3A_396 : i32 to index
          %get3A_400 = tpu.vector_load %arg6[%get3A_398, %get3A_399] {strides = array<i32>} : memref<16x1024xf32, #tpu.memory_space<vmem>>, vector<16xf32>,
          %mul3A_401 = arith.constant 256 : i32
          %mul3A_402 = arith.muli %add3A_394, %mul3A_401 : i32
          %add3A_403 = vector.broadcast %mul3A_402 : i32 to vector<16xi32>
          %add3A_404 = arith.addi %add3A_223, %add3A_403 : vector<16xi32>
          tpu.vector_store_idx %arg8[%add3A_404], %get3A_400 : memref<16384xf32, #tpu.memory_space<vmem>>[vector<16xi32>], vector<16xf32>,
          %scan3A_405 = arith.constant 0 : i32
          scf.yield %scan3A_405 : i32
        }
        %scan3A_230 = arith.constant 16 : i32
        %add3A_231 = arith.constant 5 : i32
        %add3A_232 = vector.broadcast %add3A_231 : i32 to vector<16xi32>
        %add3A_233 = arith.addi %mul3A_25, %add3A_232 : vector<16xi32>
        %scan3A_234 = arith.constant 0 : i32
        %scan3A_235 = arith.constant 0 : i32
        %scan3A_236 = arith.constant 16 : i32
        %scan3A_237 = arith.addi %scan3A_235, %scan3A_236 : i32
        %scan3A_238 = arith.constant 1 : i32
        %scan3A_239 = scf.for %scan3A_348 = %scan3A_235 to %scan3A_237 step %scan3A_238 iter_args(%scan3A_349 = %scan3A_234) -> (i32)  : i32 {
          %mul3A_350 = arith.constant 4 : i32
          %mul3A_351 = arith.muli %scan3A_348, %mul3A_350 : i32
          %add3A_352 = arith.constant 0 : i32
          %add3A_353 = arith.addi %mul3A_351, %add3A_352 : i32
          %mul3A_354 = arith.constant 16 : i32
          %mul3A_355 = arith.muli %add3A_353, %mul3A_354 : i32
          %get3A = arith.constant 5 : i32
          %get3A_356 = arith.index_cast %get3A : i32 to index
          %get3A_357 = arith.index_cast %mul3A_355 : i32 to index
          %get3A_358 = tpu.vector_load %arg6[%get3A_356, %get3A_357] {strides = array<i32>} : memref<16x1024xf32, #tpu.memory_space<vmem>>, vector<16xf32>,
          %mul3A_359 = arith.constant 256 : i32
          %mul3A_360 = arith.muli %add3A_353, %mul3A_359 : i32
          %add3A_361 = vector.broadcast %mul3A_360 : i32 to vector<16xi32>
          %add3A_362 = arith.addi %add3A_233, %add3A_361 : vector<16xi32>
          tpu.vector_store_idx %arg8[%add3A_362], %get3A_358 : memref<16384xf32, #tpu.memory_space<vmem>>[vector<16xi32>], vector<16xf32>,
          %mul3A_363 = arith.constant 4 : i32
          %mul3A_364 = arith.muli %scan3A_348, %mul3A_363 : i32
          %add3A_365 = arith.constant 1 : i32
          %add3A_366 = arith.addi %mul3A_364, %add3A_365 : i32
          %mul3A_367 = arith.constant 16 : i32
          %mul3A_368 = arith.muli %add3A_366, %mul3A_367 : i32
          %get3A_369 = arith.constant 5 : i32
          %get3A_370 = arith.index_cast %get3A_369 : i32 to index
          %get3A_371 = arith.index_cast %mul3A_368 : i32 to index
          %get3A_372 = tpu.vector_load %arg6[%get3A_370, %get3A_371] {strides = array<i32>} : memref<16x1024xf32, #tpu.memory_space<vmem>>, vector<16xf32>,
          %mul3A_373 = arith.constant 256 : i32
          %mul3A_374 = arith.muli %add3A_366, %mul3A_373 : i32
          %add3A_375 = vector.broadcast %mul3A_374 : i32 to vector<16xi32>
          %add3A_376 = arith.addi %add3A_233, %add3A_375 : vector<16xi32>
          tpu.vector_store_idx %arg8[%add3A_376], %get3A_372 : memref<16384xf32, #tpu.memory_space<vmem>>[vector<16xi32>], vector<16xf32>,
          %mul3A_377 = arith.constant 4 : i32
          %mul3A_378 = arith.muli %scan3A_348, %mul3A_377 : i32
          %add3A_379 = arith.constant 2 : i32
          %add3A_380 = arith.addi %mul3A_378, %add3A_379 : i32
          %mul3A_381 = arith.constant 16 : i32
          %mul3A_382 = arith.muli %add3A_380, %mul3A_381 : i32
          %get3A_383 = arith.constant 5 : i32
          %get3A_384 = arith.index_cast %get3A_383 : i32 to index
          %get3A_385 = arith.index_cast %mul3A_382 : i32 to index
          %get3A_386 = tpu.vector_load %arg6[%get3A_384, %get3A_385] {strides = array<i32>} : memref<16x1024xf32, #tpu.memory_space<vmem>>, vector<16xf32>,
          %mul3A_387 = arith.constant 256 : i32
          %mul3A_388 = arith.muli %add3A_380, %mul3A_387 : i32
          %add3A_389 = vector.broadcast %mul3A_388 : i32 to vector<16xi32>
          %add3A_390 = arith.addi %add3A_233, %add3A_389 : vector<16xi32>
          tpu.vector_store_idx %arg8[%add3A_390], %get3A_386 : memref<16384xf32, #tpu.memory_space<vmem>>[vector<16xi32>], vector<16xf32>,
          %mul3A_391 = arith.constant 4 : i32
          %mul3A_392 = arith.muli %scan3A_348, %mul3A_391 : i32
          %add3A_393 = arith.constant 3 : i32
          %add3A_394 = arith.addi %mul3A_392, %add3A_393 : i32
          %mul3A_395 = arith.constant 16 : i32
          %mul3A_396 = arith.muli %add3A_394, %mul3A_395 : i32
          %get3A_397 = arith.constant 5 : i32
          %get3A_398 = arith.index_cast %get3A_397 : i32 to index
          %get3A_399 = arith.index_cast %mul3A_396 : i32 to index
          %get3A_400 = tpu.vector_load %arg6[%get3A_398, %get3A_399] {strides = array<i32>} : memref<16x1024xf32, #tpu.memory_space<vmem>>, vector<16xf32>,
          %mul3A_401 = arith.constant 256 : i32
          %mul3A_402 = arith.muli %add3A_394, %mul3A_401 : i32
          %add3A_403 = vector.broadcast %mul3A_402 : i32 to vector<16xi32>
          %add3A_404 = arith.addi %add3A_233, %add3A_403 : vector<16xi32>
          tpu.vector_store_idx %arg8[%add3A_404], %get3A_400 : memref<16384xf32, #tpu.memory_space<vmem>>[vector<16xi32>], vector<16xf32>,
          %scan3A_405 = arith.constant 0 : i32
          scf.yield %scan3A_405 : i32
        }
        %scan3A_240 = arith.constant 16 : i32
        %add3A_241 = arith.constant 6 : i32
        %add3A_242 = vector.broadcast %add3A_241 : i32 to vector<16xi32>
        %add3A_243 = arith.addi %mul3A_25, %add3A_242 : vector<16xi32>
        %scan3A_244 = arith.constant 0 : i32
        %scan3A_245 = arith.constant 0 : i32
        %scan3A_246 = arith.constant 16 : i32
        %scan3A_247 = arith.addi %scan3A_245, %scan3A_246 : i32
        %scan3A_248 = arith.constant 1 : i32
        %scan3A_249 = scf.for %scan3A_348 = %scan3A_245 to %scan3A_247 step %scan3A_248 iter_args(%scan3A_349 = %scan3A_244) -> (i32)  : i32 {
          %mul3A_350 = arith.constant 4 : i32
          %mul3A_351 = arith.muli %scan3A_348, %mul3A_350 : i32
          %add3A_352 = arith.constant 0 : i32
          %add3A_353 = arith.addi %mul3A_351, %add3A_352 : i32
          %mul3A_354 = arith.constant 16 : i32
          %mul3A_355 = arith.muli %add3A_353, %mul3A_354 : i32
          %get3A = arith.constant 6 : i32
          %get3A_356 = arith.index_cast %get3A : i32 to index
          %get3A_357 = arith.index_cast %mul3A_355 : i32 to index
          %get3A_358 = tpu.vector_load %arg6[%get3A_356, %get3A_357] {strides = array<i32>} : memref<16x1024xf32, #tpu.memory_space<vmem>>, vector<16xf32>,
          %mul3A_359 = arith.constant 256 : i32
          %mul3A_360 = arith.muli %add3A_353, %mul3A_359 : i32
          %add3A_361 = vector.broadcast %mul3A_360 : i32 to vector<16xi32>
          %add3A_362 = arith.addi %add3A_243, %add3A_361 : vector<16xi32>
          tpu.vector_store_idx %arg8[%add3A_362], %get3A_358 : memref<16384xf32, #tpu.memory_space<vmem>>[vector<16xi32>], vector<16xf32>,
          %mul3A_363 = arith.constant 4 : i32
          %mul3A_364 = arith.muli %scan3A_348, %mul3A_363 : i32
          %add3A_365 = arith.constant 1 : i32
          %add3A_366 = arith.addi %mul3A_364, %add3A_365 : i32
          %mul3A_367 = arith.constant 16 : i32
          %mul3A_368 = arith.muli %add3A_366, %mul3A_367 : i32
          %get3A_369 = arith.constant 6 : i32
          %get3A_370 = arith.index_cast %get3A_369 : i32 to index
          %get3A_371 = arith.index_cast %mul3A_368 : i32 to index
          %get3A_372 = tpu.vector_load %arg6[%get3A_370, %get3A_371] {strides = array<i32>} : memref<16x1024xf32, #tpu.memory_space<vmem>>, vector<16xf32>,
          %mul3A_373 = arith.constant 256 : i32
          %mul3A_374 = arith.muli %add3A_366, %mul3A_373 : i32
          %add3A_375 = vector.broadcast %mul3A_374 : i32 to vector<16xi32>
          %add3A_376 = arith.addi %add3A_243, %add3A_375 : vector<16xi32>
          tpu.vector_store_idx %arg8[%add3A_376], %get3A_372 : memref<16384xf32, #tpu.memory_space<vmem>>[vector<16xi32>], vector<16xf32>,
          %mul3A_377 = arith.constant 4 : i32
          %mul3A_378 = arith.muli %scan3A_348, %mul3A_377 : i32
          %add3A_379 = arith.constant 2 : i32
          %add3A_380 = arith.addi %mul3A_378, %add3A_379 : i32
          %mul3A_381 = arith.constant 16 : i32
          %mul3A_382 = arith.muli %add3A_380, %mul3A_381 : i32
          %get3A_383 = arith.constant 6 : i32
          %get3A_384 = arith.index_cast %get3A_383 : i32 to index
          %get3A_385 = arith.index_cast %mul3A_382 : i32 to index
          %get3A_386 = tpu.vector_load %arg6[%get3A_384, %get3A_385] {strides = array<i32>} : memref<16x1024xf32, #tpu.memory_space<vmem>>, vector<16xf32>,
          %mul3A_387 = arith.constant 256 : i32
          %mul3A_388 = arith.muli %add3A_380, %mul3A_387 : i32
          %add3A_389 = vector.broadcast %mul3A_388 : i32 to vector<16xi32>
          %add3A_390 = arith.addi %add3A_243, %add3A_389 : vector<16xi32>
          tpu.vector_store_idx %arg8[%add3A_390], %get3A_386 : memref<16384xf32, #tpu.memory_space<vmem>>[vector<16xi32>], vector<16xf32>,
          %mul3A_391 = arith.constant 4 : i32
          %mul3A_392 = arith.muli %scan3A_348, %mul3A_391 : i32
          %add3A_393 = arith.constant 3 : i32
          %add3A_394 = arith.addi %mul3A_392, %add3A_393 : i32
          %mul3A_395 = arith.constant 16 : i32
          %mul3A_396 = arith.muli %add3A_394, %mul3A_395 : i32
          %get3A_397 = arith.constant 6 : i32
          %get3A_398 = arith.index_cast %get3A_397 : i32 to index
          %get3A_399 = arith.index_cast %mul3A_396 : i32 to index
          %get3A_400 = tpu.vector_load %arg6[%get3A_398, %get3A_399] {strides = array<i32>} : memref<16x1024xf32, #tpu.memory_space<vmem>>, vector<16xf32>,
          %mul3A_401 = arith.constant 256 : i32
          %mul3A_402 = arith.muli %add3A_394, %mul3A_401 : i32
          %add3A_403 = vector.broadcast %mul3A_402 : i32 to vector<16xi32>
          %add3A_404 = arith.addi %add3A_243, %add3A_403 : vector<16xi32>
          tpu.vector_store_idx %arg8[%add3A_404], %get3A_400 : memref<16384xf32, #tpu.memory_space<vmem>>[vector<16xi32>], vector<16xf32>,
          %scan3A_405 = arith.constant 0 : i32
          scf.yield %scan3A_405 : i32
        }
        %scan3A_250 = arith.constant 16 : i32
        %add3A_251 = arith.constant 7 : i32
        %add3A_252 = vector.broadcast %add3A_251 : i32 to vector<16xi32>
        %add3A_253 = arith.addi %mul3A_25, %add3A_252 : vector<16xi32>
        %scan3A_254 = arith.constant 0 : i32
        %scan3A_255 = arith.constant 0 : i32
        %scan3A_256 = arith.constant 16 : i32
        %scan3A_257 = arith.addi %scan3A_255, %scan3A_256 : i32
        %scan3A_258 = arith.constant 1 : i32
        %scan3A_259 = scf.for %scan3A_348 = %scan3A_255 to %scan3A_257 step %scan3A_258 iter_args(%scan3A_349 = %scan3A_254) -> (i32)  : i32 {
          %mul3A_350 = arith.constant 4 : i32
          %mul3A_351 = arith.muli %scan3A_348, %mul3A_350 : i32
          %add3A_352 = arith.constant 0 : i32
          %add3A_353 = arith.addi %mul3A_351, %add3A_352 : i32
          %mul3A_354 = arith.constant 16 : i32
          %mul3A_355 = arith.muli %add3A_353, %mul3A_354 : i32
          %get3A = arith.constant 7 : i32
          %get3A_356 = arith.index_cast %get3A : i32 to index
          %get3A_357 = arith.index_cast %mul3A_355 : i32 to index
          %get3A_358 = tpu.vector_load %arg6[%get3A_356, %get3A_357] {strides = array<i32>} : memref<16x1024xf32, #tpu.memory_space<vmem>>, vector<16xf32>,
          %mul3A_359 = arith.constant 256 : i32
          %mul3A_360 = arith.muli %add3A_353, %mul3A_359 : i32
          %add3A_361 = vector.broadcast %mul3A_360 : i32 to vector<16xi32>
          %add3A_362 = arith.addi %add3A_253, %add3A_361 : vector<16xi32>
          tpu.vector_store_idx %arg8[%add3A_362], %get3A_358 : memref<16384xf32, #tpu.memory_space<vmem>>[vector<16xi32>], vector<16xf32>,
          %mul3A_363 = arith.constant 4 : i32
          %mul3A_364 = arith.muli %scan3A_348, %mul3A_363 : i32
          %add3A_365 = arith.constant 1 : i32
          %add3A_366 = arith.addi %mul3A_364, %add3A_365 : i32
          %mul3A_367 = arith.constant 16 : i32
          %mul3A_368 = arith.muli %add3A_366, %mul3A_367 : i32
          %get3A_369 = arith.constant 7 : i32
          %get3A_370 = arith.index_cast %get3A_369 : i32 to index
          %get3A_371 = arith.index_cast %mul3A_368 : i32 to index
          %get3A_372 = tpu.vector_load %arg6[%get3A_370, %get3A_371] {strides = array<i32>} : memref<16x1024xf32, #tpu.memory_space<vmem>>, vector<16xf32>,
          %mul3A_373 = arith.constant 256 : i32
          %mul3A_374 = arith.muli %add3A_366, %mul3A_373 : i32
          %add3A_375 = vector.broadcast %mul3A_374 : i32 to vector<16xi32>
          %add3A_376 = arith.addi %add3A_253, %add3A_375 : vector<16xi32>
          tpu.vector_store_idx %arg8[%add3A_376], %get3A_372 : memref<16384xf32, #tpu.memory_space<vmem>>[vector<16xi32>], vector<16xf32>,
          %mul3A_377 = arith.constant 4 : i32
          %mul3A_378 = arith.muli %scan3A_348, %mul3A_377 : i32
          %add3A_379 = arith.constant 2 : i32
          %add3A_380 = arith.addi %mul3A_378, %add3A_379 : i32
          %mul3A_381 = arith.constant 16 : i32
          %mul3A_382 = arith.muli %add3A_380, %mul3A_381 : i32
          %get3A_383 = arith.constant 7 : i32
          %get3A_384 = arith.index_cast %get3A_383 : i32 to index
          %get3A_385 = arith.index_cast %mul3A_382 : i32 to index
          %get3A_386 = tpu.vector_load %arg6[%get3A_384, %get3A_385] {strides = array<i32>} : memref<16x1024xf32, #tpu.memory_space<vmem>>, vector<16xf32>,
          %mul3A_387 = arith.constant 256 : i32
          %mul3A_388 = arith.muli %add3A_380, %mul3A_387 : i32
          %add3A_389 = vector.broadcast %mul3A_388 : i32 to vector<16xi32>
          %add3A_390 = arith.addi %add3A_253, %add3A_389 : vector<16xi32>
          tpu.vector_store_idx %arg8[%add3A_390], %get3A_386 : memref<16384xf32, #tpu.memory_space<vmem>>[vector<16xi32>], vector<16xf32>,
          %mul3A_391 = arith.constant 4 : i32
          %mul3A_392 = arith.muli %scan3A_348, %mul3A_391 : i32
          %add3A_393 = arith.constant 3 : i32
          %add3A_394 = arith.addi %mul3A_392, %add3A_393 : i32
          %mul3A_395 = arith.constant 16 : i32
          %mul3A_396 = arith.muli %add3A_394, %mul3A_395 : i32
          %get3A_397 = arith.constant 7 : i32
          %get3A_398 = arith.index_cast %get3A_397 : i32 to index
          %get3A_399 = arith.index_cast %mul3A_396 : i32 to index
          %get3A_400 = tpu.vector_load %arg6[%get3A_398, %get3A_399] {strides = array<i32>} : memref<16x1024xf32, #tpu.memory_space<vmem>>, vector<16xf32>,
          %mul3A_401 = arith.constant 256 : i32
          %mul3A_402 = arith.muli %add3A_394, %mul3A_401 : i32
          %add3A_403 = vector.broadcast %mul3A_402 : i32 to vector<16xi32>
          %add3A_404 = arith.addi %add3A_253, %add3A_403 : vector<16xi32>
          tpu.vector_store_idx %arg8[%add3A_404], %get3A_400 : memref<16384xf32, #tpu.memory_space<vmem>>[vector<16xi32>], vector<16xf32>,
          %scan3A_405 = arith.constant 0 : i32
          scf.yield %scan3A_405 : i32
        }
        %scan3A_260 = arith.constant 16 : i32
        %add3A_261 = arith.constant 8 : i32
        %add3A_262 = vector.broadcast %add3A_261 : i32 to vector<16xi32>
        %add3A_263 = arith.addi %mul3A_25, %add3A_262 : vector<16xi32>
        %scan3A_264 = arith.constant 0 : i32
        %scan3A_265 = arith.constant 0 : i32
        %scan3A_266 = arith.constant 16 : i32
        %scan3A_267 = arith.addi %scan3A_265, %scan3A_266 : i32
        %scan3A_268 = arith.constant 1 : i32
        %scan3A_269 = scf.for %scan3A_348 = %scan3A_265 to %scan3A_267 step %scan3A_268 iter_args(%scan3A_349 = %scan3A_264) -> (i32)  : i32 {
          %mul3A_350 = arith.constant 4 : i32
          %mul3A_351 = arith.muli %scan3A_348, %mul3A_350 : i32
          %add3A_352 = arith.constant 0 : i32
          %add3A_353 = arith.addi %mul3A_351, %add3A_352 : i32
          %mul3A_354 = arith.constant 16 : i32
          %mul3A_355 = arith.muli %add3A_353, %mul3A_354 : i32
          %get3A = arith.constant 8 : i32
          %get3A_356 = arith.index_cast %get3A : i32 to index
          %get3A_357 = arith.index_cast %mul3A_355 : i32 to index
          %get3A_358 = tpu.vector_load %arg6[%get3A_356, %get3A_357] {strides = array<i32>} : memref<16x1024xf32, #tpu.memory_space<vmem>>, vector<16xf32>,
          %mul3A_359 = arith.constant 256 : i32
          %mul3A_360 = arith.muli %add3A_353, %mul3A_359 : i32
          %add3A_361 = vector.broadcast %mul3A_360 : i32 to vector<16xi32>
          %add3A_362 = arith.addi %add3A_263, %add3A_361 : vector<16xi32>
          tpu.vector_store_idx %arg8[%add3A_362], %get3A_358 : memref<16384xf32, #tpu.memory_space<vmem>>[vector<16xi32>], vector<16xf32>,
          %mul3A_363 = arith.constant 4 : i32
          %mul3A_364 = arith.muli %scan3A_348, %mul3A_363 : i32
          %add3A_365 = arith.constant 1 : i32
          %add3A_366 = arith.addi %mul3A_364, %add3A_365 : i32
          %mul3A_367 = arith.constant 16 : i32
          %mul3A_368 = arith.muli %add3A_366, %mul3A_367 : i32
          %get3A_369 = arith.constant 8 : i32
          %get3A_370 = arith.index_cast %get3A_369 : i32 to index
          %get3A_371 = arith.index_cast %mul3A_368 : i32 to index
          %get3A_372 = tpu.vector_load %arg6[%get3A_370, %get3A_371] {strides = array<i32>} : memref<16x1024xf32, #tpu.memory_space<vmem>>, vector<16xf32>,
          %mul3A_373 = arith.constant 256 : i32
          %mul3A_374 = arith.muli %add3A_366, %mul3A_373 : i32
          %add3A_375 = vector.broadcast %mul3A_374 : i32 to vector<16xi32>
          %add3A_376 = arith.addi %add3A_263, %add3A_375 : vector<16xi32>
          tpu.vector_store_idx %arg8[%add3A_376], %get3A_372 : memref<16384xf32, #tpu.memory_space<vmem>>[vector<16xi32>], vector<16xf32>,
          %mul3A_377 = arith.constant 4 : i32
          %mul3A_378 = arith.muli %scan3A_348, %mul3A_377 : i32
          %add3A_379 = arith.constant 2 : i32
          %add3A_380 = arith.addi %mul3A_378, %add3A_379 : i32
          %mul3A_381 = arith.constant 16 : i32
          %mul3A_382 = arith.muli %add3A_380, %mul3A_381 : i32
          %get3A_383 = arith.constant 8 : i32
          %get3A_384 = arith.index_cast %get3A_383 : i32 to index
          %get3A_385 = arith.index_cast %mul3A_382 : i32 to index
          %get3A_386 = tpu.vector_load %arg6[%get3A_384, %get3A_385] {strides = array<i32>} : memref<16x1024xf32, #tpu.memory_space<vmem>>, vector<16xf32>,
          %mul3A_387 = arith.constant 256 : i32
          %mul3A_388 = arith.muli %add3A_380, %mul3A_387 : i32
          %add3A_389 = vector.broadcast %mul3A_388 : i32 to vector<16xi32>
          %add3A_390 = arith.addi %add3A_263, %add3A_389 : vector<16xi32>
          tpu.vector_store_idx %arg8[%add3A_390], %get3A_386 : memref<16384xf32, #tpu.memory_space<vmem>>[vector<16xi32>], vector<16xf32>,
          %mul3A_391 = arith.constant 4 : i32
          %mul3A_392 = arith.muli %scan3A_348, %mul3A_391 : i32
          %add3A_393 = arith.constant 3 : i32
          %add3A_394 = arith.addi %mul3A_392, %add3A_393 : i32
          %mul3A_395 = arith.constant 16 : i32
          %mul3A_396 = arith.muli %add3A_394, %mul3A_395 : i32
          %get3A_397 = arith.constant 8 : i32
          %get3A_398 = arith.index_cast %get3A_397 : i32 to index
          %get3A_399 = arith.index_cast %mul3A_396 : i32 to index
          %get3A_400 = tpu.vector_load %arg6[%get3A_398, %get3A_399] {strides = array<i32>} : memref<16x1024xf32, #tpu.memory_space<vmem>>, vector<16xf32>,
          %mul3A_401 = arith.constant 256 : i32
          %mul3A_402 = arith.muli %add3A_394, %mul3A_401 : i32
          %add3A_403 = vector.broadcast %mul3A_402 : i32 to vector<16xi32>
          %add3A_404 = arith.addi %add3A_263, %add3A_403 : vector<16xi32>
          tpu.vector_store_idx %arg8[%add3A_404], %get3A_400 : memref<16384xf32, #tpu.memory_space<vmem>>[vector<16xi32>], vector<16xf32>,
          %scan3A_405 = arith.constant 0 : i32
          scf.yield %scan3A_405 : i32
        }
        %scan3A_270 = arith.constant 16 : i32
        %add3A_271 = arith.constant 9 : i32
        %add3A_272 = vector.broadcast %add3A_271 : i32 to vector<16xi32>
        %add3A_273 = arith.addi %mul3A_25, %add3A_272 : vector<16xi32>
        %scan3A_274 = arith.constant 0 : i32
        %scan3A_275 = arith.constant 0 : i32
        %scan3A_276 = arith.constant 16 : i32
        %scan3A_277 = arith.addi %scan3A_275, %scan3A_276 : i32
        %scan3A_278 = arith.constant 1 : i32
        %scan3A_279 = scf.for %scan3A_348 = %scan3A_275 to %scan3A_277 step %scan3A_278 iter_args(%scan3A_349 = %scan3A_274) -> (i32)  : i32 {
          %mul3A_350 = arith.constant 4 : i32
          %mul3A_351 = arith.muli %scan3A_348, %mul3A_350 : i32
          %add3A_352 = arith.constant 0 : i32
          %add3A_353 = arith.addi %mul3A_351, %add3A_352 : i32
          %mul3A_354 = arith.constant 16 : i32
          %mul3A_355 = arith.muli %add3A_353, %mul3A_354 : i32
          %get3A = arith.constant 9 : i32
          %get3A_356 = arith.index_cast %get3A : i32 to index
          %get3A_357 = arith.index_cast %mul3A_355 : i32 to index
          %get3A_358 = tpu.vector_load %arg6[%get3A_356, %get3A_357] {strides = array<i32>} : memref<16x1024xf32, #tpu.memory_space<vmem>>, vector<16xf32>,
          %mul3A_359 = arith.constant 256 : i32
          %mul3A_360 = arith.muli %add3A_353, %mul3A_359 : i32
          %add3A_361 = vector.broadcast %mul3A_360 : i32 to vector<16xi32>
          %add3A_362 = arith.addi %add3A_273, %add3A_361 : vector<16xi32>
          tpu.vector_store_idx %arg8[%add3A_362], %get3A_358 : memref<16384xf32, #tpu.memory_space<vmem>>[vector<16xi32>], vector<16xf32>,
          %mul3A_363 = arith.constant 4 : i32
          %mul3A_364 = arith.muli %scan3A_348, %mul3A_363 : i32
          %add3A_365 = arith.constant 1 : i32
          %add3A_366 = arith.addi %mul3A_364, %add3A_365 : i32
          %mul3A_367 = arith.constant 16 : i32
          %mul3A_368 = arith.muli %add3A_366, %mul3A_367 : i32
          %get3A_369 = arith.constant 9 : i32
          %get3A_370 = arith.index_cast %get3A_369 : i32 to index
          %get3A_371 = arith.index_cast %mul3A_368 : i32 to index
          %get3A_372 = tpu.vector_load %arg6[%get3A_370, %get3A_371] {strides = array<i32>} : memref<16x1024xf32, #tpu.memory_space<vmem>>, vector<16xf32>,
          %mul3A_373 = arith.constant 256 : i32
          %mul3A_374 = arith.muli %add3A_366, %mul3A_373 : i32
          %add3A_375 = vector.broadcast %mul3A_374 : i32 to vector<16xi32>
          %add3A_376 = arith.addi %add3A_273, %add3A_375 : vector<16xi32>
          tpu.vector_store_idx %arg8[%add3A_376], %get3A_372 : memref<16384xf32, #tpu.memory_space<vmem>>[vector<16xi32>], vector<16xf32>,
          %mul3A_377 = arith.constant 4 : i32
          %mul3A_378 = arith.muli %scan3A_348, %mul3A_377 : i32
          %add3A_379 = arith.constant 2 : i32
          %add3A_380 = arith.addi %mul3A_378, %add3A_379 : i32
          %mul3A_381 = arith.constant 16 : i32
          %mul3A_382 = arith.muli %add3A_380, %mul3A_381 : i32
          %get3A_383 = arith.constant 9 : i32
          %get3A_384 = arith.index_cast %get3A_383 : i32 to index
          %get3A_385 = arith.index_cast %mul3A_382 : i32 to index
          %get3A_386 = tpu.vector_load %arg6[%get3A_384, %get3A_385] {strides = array<i32>} : memref<16x1024xf32, #tpu.memory_space<vmem>>, vector<16xf32>,
          %mul3A_387 = arith.constant 256 : i32
          %mul3A_388 = arith.muli %add3A_380, %mul3A_387 : i32
          %add3A_389 = vector.broadcast %mul3A_388 : i32 to vector<16xi32>
          %add3A_390 = arith.addi %add3A_273, %add3A_389 : vector<16xi32>
          tpu.vector_store_idx %arg8[%add3A_390], %get3A_386 : memref<16384xf32, #tpu.memory_space<vmem>>[vector<16xi32>], vector<16xf32>,
          %mul3A_391 = arith.constant 4 : i32
          %mul3A_392 = arith.muli %scan3A_348, %mul3A_391 : i32
          %add3A_393 = arith.constant 3 : i32
          %add3A_394 = arith.addi %mul3A_392, %add3A_393 : i32
          %mul3A_395 = arith.constant 16 : i32
          %mul3A_396 = arith.muli %add3A_394, %mul3A_395 : i32
          %get3A_397 = arith.constant 9 : i32
          %get3A_398 = arith.index_cast %get3A_397 : i32 to index
          %get3A_399 = arith.index_cast %mul3A_396 : i32 to index
          %get3A_400 = tpu.vector_load %arg6[%get3A_398, %get3A_399] {strides = array<i32>} : memref<16x1024xf32, #tpu.memory_space<vmem>>, vector<16xf32>,
          %mul3A_401 = arith.constant 256 : i32
          %mul3A_402 = arith.muli %add3A_394, %mul3A_401 : i32
          %add3A_403 = vector.broadcast %mul3A_402 : i32 to vector<16xi32>
          %add3A_404 = arith.addi %add3A_273, %add3A_403 : vector<16xi32>
          tpu.vector_store_idx %arg8[%add3A_404], %get3A_400 : memref<16384xf32, #tpu.memory_space<vmem>>[vector<16xi32>], vector<16xf32>,
          %scan3A_405 = arith.constant 0 : i32
          scf.yield %scan3A_405 : i32
        }
        %scan3A_280 = arith.constant 16 : i32
        %add3A_281 = arith.constant 10 : i32
        %add3A_282 = vector.broadcast %add3A_281 : i32 to vector<16xi32>
        %add3A_283 = arith.addi %mul3A_25, %add3A_282 : vector<16xi32>
        %scan3A_284 = arith.constant 0 : i32
        %scan3A_285 = arith.constant 0 : i32
        %scan3A_286 = arith.constant 16 : i32
        %scan3A_287 = arith.addi %scan3A_285, %scan3A_286 : i32
        %scan3A_288 = arith.constant 1 : i32
        %scan3A_289 = scf.for %scan3A_348 = %scan3A_285 to %scan3A_287 step %scan3A_288 iter_args(%scan3A_349 = %scan3A_284) -> (i32)  : i32 {
          %mul3A_350 = arith.constant 4 : i32
          %mul3A_351 = arith.muli %scan3A_348, %mul3A_350 : i32
          %add3A_352 = arith.constant 0 : i32
          %add3A_353 = arith.addi %mul3A_351, %add3A_352 : i32
          %mul3A_354 = arith.constant 16 : i32
          %mul3A_355 = arith.muli %add3A_353, %mul3A_354 : i32
          %get3A = arith.constant 10 : i32
          %get3A_356 = arith.index_cast %get3A : i32 to index
          %get3A_357 = arith.index_cast %mul3A_355 : i32 to index
          %get3A_358 = tpu.vector_load %arg6[%get3A_356, %get3A_357] {strides = array<i32>} : memref<16x1024xf32, #tpu.memory_space<vmem>>, vector<16xf32>,
          %mul3A_359 = arith.constant 256 : i32
          %mul3A_360 = arith.muli %add3A_353, %mul3A_359 : i32
          %add3A_361 = vector.broadcast %mul3A_360 : i32 to vector<16xi32>
          %add3A_362 = arith.addi %add3A_283, %add3A_361 : vector<16xi32>
          tpu.vector_store_idx %arg8[%add3A_362], %get3A_358 : memref<16384xf32, #tpu.memory_space<vmem>>[vector<16xi32>], vector<16xf32>,
          %mul3A_363 = arith.constant 4 : i32
          %mul3A_364 = arith.muli %scan3A_348, %mul3A_363 : i32
          %add3A_365 = arith.constant 1 : i32
          %add3A_366 = arith.addi %mul3A_364, %add3A_365 : i32
          %mul3A_367 = arith.constant 16 : i32
          %mul3A_368 = arith.muli %add3A_366, %mul3A_367 : i32
          %get3A_369 = arith.constant 10 : i32
          %get3A_370 = arith.index_cast %get3A_369 : i32 to index
          %get3A_371 = arith.index_cast %mul3A_368 : i32 to index
          %get3A_372 = tpu.vector_load %arg6[%get3A_370, %get3A_371] {strides = array<i32>} : memref<16x1024xf32, #tpu.memory_space<vmem>>, vector<16xf32>,
          %mul3A_373 = arith.constant 256 : i32
          %mul3A_374 = arith.muli %add3A_366, %mul3A_373 : i32
          %add3A_375 = vector.broadcast %mul3A_374 : i32 to vector<16xi32>
          %add3A_376 = arith.addi %add3A_283, %add3A_375 : vector<16xi32>
          tpu.vector_store_idx %arg8[%add3A_376], %get3A_372 : memref<16384xf32, #tpu.memory_space<vmem>>[vector<16xi32>], vector<16xf32>,
          %mul3A_377 = arith.constant 4 : i32
          %mul3A_378 = arith.muli %scan3A_348, %mul3A_377 : i32
          %add3A_379 = arith.constant 2 : i32
          %add3A_380 = arith.addi %mul3A_378, %add3A_379 : i32
          %mul3A_381 = arith.constant 16 : i32
          %mul3A_382 = arith.muli %add3A_380, %mul3A_381 : i32
          %get3A_383 = arith.constant 10 : i32
          %get3A_384 = arith.index_cast %get3A_383 : i32 to index
          %get3A_385 = arith.index_cast %mul3A_382 : i32 to index
          %get3A_386 = tpu.vector_load %arg6[%get3A_384, %get3A_385] {strides = array<i32>} : memref<16x1024xf32, #tpu.memory_space<vmem>>, vector<16xf32>,
          %mul3A_387 = arith.constant 256 : i32
          %mul3A_388 = arith.muli %add3A_380, %mul3A_387 : i32
          %add3A_389 = vector.broadcast %mul3A_388 : i32 to vector<16xi32>
          %add3A_390 = arith.addi %add3A_283, %add3A_389 : vector<16xi32>
          tpu.vector_store_idx %arg8[%add3A_390], %get3A_386 : memref<16384xf32, #tpu.memory_space<vmem>>[vector<16xi32>], vector<16xf32>,
          %mul3A_391 = arith.constant 4 : i32
          %mul3A_392 = arith.muli %scan3A_348, %mul3A_391 : i32
          %add3A_393 = arith.constant 3 : i32
          %add3A_394 = arith.addi %mul3A_392, %add3A_393 : i32
          %mul3A_395 = arith.constant 16 : i32
          %mul3A_396 = arith.muli %add3A_394, %mul3A_395 : i32
          %get3A_397 = arith.constant 10 : i32
          %get3A_398 = arith.index_cast %get3A_397 : i32 to index
          %get3A_399 = arith.index_cast %mul3A_396 : i32 to index
          %get3A_400 = tpu.vector_load %arg6[%get3A_398, %get3A_399] {strides = array<i32>} : memref<16x1024xf32, #tpu.memory_space<vmem>>, vector<16xf32>,
          %mul3A_401 = arith.constant 256 : i32
          %mul3A_402 = arith.muli %add3A_394, %mul3A_401 : i32
          %add3A_403 = vector.broadcast %mul3A_402 : i32 to vector<16xi32>
          %add3A_404 = arith.addi %add3A_283, %add3A_403 : vector<16xi32>
          tpu.vector_store_idx %arg8[%add3A_404], %get3A_400 : memref<16384xf32, #tpu.memory_space<vmem>>[vector<16xi32>], vector<16xf32>,
          %scan3A_405 = arith.constant 0 : i32
          scf.yield %scan3A_405 : i32
        }
        %scan3A_290 = arith.constant 16 : i32
        %add3A_291 = arith.constant 11 : i32
        %add3A_292 = vector.broadcast %add3A_291 : i32 to vector<16xi32>
        %add3A_293 = arith.addi %mul3A_25, %add3A_292 : vector<16xi32>
        %scan3A_294 = arith.constant 0 : i32
        %scan3A_295 = arith.constant 0 : i32
        %scan3A_296 = arith.constant 16 : i32
        %scan3A_297 = arith.addi %scan3A_295, %scan3A_296 : i32
        %scan3A_298 = arith.constant 1 : i32
        %scan3A_299 = scf.for %scan3A_348 = %scan3A_295 to %scan3A_297 step %scan3A_298 iter_args(%scan3A_349 = %scan3A_294) -> (i32)  : i32 {
          %mul3A_350 = arith.constant 4 : i32
          %mul3A_351 = arith.muli %scan3A_348, %mul3A_350 : i32
          %add3A_352 = arith.constant 0 : i32
          %add3A_353 = arith.addi %mul3A_351, %add3A_352 : i32
          %mul3A_354 = arith.constant 16 : i32
          %mul3A_355 = arith.muli %add3A_353, %mul3A_354 : i32
          %get3A = arith.constant 11 : i32
          %get3A_356 = arith.index_cast %get3A : i32 to index
          %get3A_357 = arith.index_cast %mul3A_355 : i32 to index
          %get3A_358 = tpu.vector_load %arg6[%get3A_356, %get3A_357] {strides = array<i32>} : memref<16x1024xf32, #tpu.memory_space<vmem>>, vector<16xf32>,
          %mul3A_359 = arith.constant 256 : i32
          %mul3A_360 = arith.muli %add3A_353, %mul3A_359 : i32
          %add3A_361 = vector.broadcast %mul3A_360 : i32 to vector<16xi32>
          %add3A_362 = arith.addi %add3A_293, %add3A_361 : vector<16xi32>
          tpu.vector_store_idx %arg8[%add3A_362], %get3A_358 : memref<16384xf32, #tpu.memory_space<vmem>>[vector<16xi32>], vector<16xf32>,
          %mul3A_363 = arith.constant 4 : i32
          %mul3A_364 = arith.muli %scan3A_348, %mul3A_363 : i32
          %add3A_365 = arith.constant 1 : i32
          %add3A_366 = arith.addi %mul3A_364, %add3A_365 : i32
          %mul3A_367 = arith.constant 16 : i32
          %mul3A_368 = arith.muli %add3A_366, %mul3A_367 : i32
          %get3A_369 = arith.constant 11 : i32
          %get3A_370 = arith.index_cast %get3A_369 : i32 to index
          %get3A_371 = arith.index_cast %mul3A_368 : i32 to index
          %get3A_372 = tpu.vector_load %arg6[%get3A_370, %get3A_371] {strides = array<i32>} : memref<16x1024xf32, #tpu.memory_space<vmem>>, vector<16xf32>,
          %mul3A_373 = arith.constant 256 : i32
          %mul3A_374 = arith.muli %add3A_366, %mul3A_373 : i32
          %add3A_375 = vector.broadcast %mul3A_374 : i32 to vector<16xi32>
          %add3A_376 = arith.addi %add3A_293, %add3A_375 : vector<16xi32>
          tpu.vector_store_idx %arg8[%add3A_376], %get3A_372 : memref<16384xf32, #tpu.memory_space<vmem>>[vector<16xi32>], vector<16xf32>,
          %mul3A_377 = arith.constant 4 : i32
          %mul3A_378 = arith.muli %scan3A_348, %mul3A_377 : i32
          %add3A_379 = arith.constant 2 : i32
          %add3A_380 = arith.addi %mul3A_378, %add3A_379 : i32
          %mul3A_381 = arith.constant 16 : i32
          %mul3A_382 = arith.muli %add3A_380, %mul3A_381 : i32
          %get3A_383 = arith.constant 11 : i32
          %get3A_384 = arith.index_cast %get3A_383 : i32 to index
          %get3A_385 = arith.index_cast %mul3A_382 : i32 to index
          %get3A_386 = tpu.vector_load %arg6[%get3A_384, %get3A_385] {strides = array<i32>} : memref<16x1024xf32, #tpu.memory_space<vmem>>, vector<16xf32>,
          %mul3A_387 = arith.constant 256 : i32
          %mul3A_388 = arith.muli %add3A_380, %mul3A_387 : i32
          %add3A_389 = vector.broadcast %mul3A_388 : i32 to vector<16xi32>
          %add3A_390 = arith.addi %add3A_293, %add3A_389 : vector<16xi32>
          tpu.vector_store_idx %arg8[%add3A_390], %get3A_386 : memref<16384xf32, #tpu.memory_space<vmem>>[vector<16xi32>], vector<16xf32>,
          %mul3A_391 = arith.constant 4 : i32
          %mul3A_392 = arith.muli %scan3A_348, %mul3A_391 : i32
          %add3A_393 = arith.constant 3 : i32
          %add3A_394 = arith.addi %mul3A_392, %add3A_393 : i32
          %mul3A_395 = arith.constant 16 : i32
          %mul3A_396 = arith.muli %add3A_394, %mul3A_395 : i32
          %get3A_397 = arith.constant 11 : i32
          %get3A_398 = arith.index_cast %get3A_397 : i32 to index
          %get3A_399 = arith.index_cast %mul3A_396 : i32 to index
          %get3A_400 = tpu.vector_load %arg6[%get3A_398, %get3A_399] {strides = array<i32>} : memref<16x1024xf32, #tpu.memory_space<vmem>>, vector<16xf32>,
          %mul3A_401 = arith.constant 256 : i32
          %mul3A_402 = arith.muli %add3A_394, %mul3A_401 : i32
          %add3A_403 = vector.broadcast %mul3A_402 : i32 to vector<16xi32>
          %add3A_404 = arith.addi %add3A_293, %add3A_403 : vector<16xi32>
          tpu.vector_store_idx %arg8[%add3A_404], %get3A_400 : memref<16384xf32, #tpu.memory_space<vmem>>[vector<16xi32>], vector<16xf32>,
          %scan3A_405 = arith.constant 0 : i32
          scf.yield %scan3A_405 : i32
        }
        %scan3A_300 = arith.constant 16 : i32
        %add3A_301 = arith.constant 12 : i32
        %add3A_302 = vector.broadcast %add3A_301 : i32 to vector<16xi32>
        %add3A_303 = arith.addi %mul3A_25, %add3A_302 : vector<16xi32>
        %scan3A_304 = arith.constant 0 : i32
        %scan3A_305 = arith.constant 0 : i32
        %scan3A_306 = arith.constant 16 : i32
        %scan3A_307 = arith.addi %scan3A_305, %scan3A_306 : i32
        %scan3A_308 = arith.constant 1 : i32
        %scan3A_309 = scf.for %scan3A_348 = %scan3A_305 to %scan3A_307 step %scan3A_308 iter_args(%scan3A_349 = %scan3A_304) -> (i32)  : i32 {
          %mul3A_350 = arith.constant 4 : i32
          %mul3A_351 = arith.muli %scan3A_348, %mul3A_350 : i32
          %add3A_352 = arith.constant 0 : i32
          %add3A_353 = arith.addi %mul3A_351, %add3A_352 : i32
          %mul3A_354 = arith.constant 16 : i32
          %mul3A_355 = arith.muli %add3A_353, %mul3A_354 : i32
          %get3A = arith.constant 12 : i32
          %get3A_356 = arith.index_cast %get3A : i32 to index
          %get3A_357 = arith.index_cast %mul3A_355 : i32 to index
          %get3A_358 = tpu.vector_load %arg6[%get3A_356, %get3A_357] {strides = array<i32>} : memref<16x1024xf32, #tpu.memory_space<vmem>>, vector<16xf32>,
          %mul3A_359 = arith.constant 256 : i32
          %mul3A_360 = arith.muli %add3A_353, %mul3A_359 : i32
          %add3A_361 = vector.broadcast %mul3A_360 : i32 to vector<16xi32>
          %add3A_362 = arith.addi %add3A_303, %add3A_361 : vector<16xi32>
          tpu.vector_store_idx %arg8[%add3A_362], %get3A_358 : memref<16384xf32, #tpu.memory_space<vmem>>[vector<16xi32>], vector<16xf32>,
          %mul3A_363 = arith.constant 4 : i32
          %mul3A_364 = arith.muli %scan3A_348, %mul3A_363 : i32
          %add3A_365 = arith.constant 1 : i32
          %add3A_366 = arith.addi %mul3A_364, %add3A_365 : i32
          %mul3A_367 = arith.constant 16 : i32
          %mul3A_368 = arith.muli %add3A_366, %mul3A_367 : i32
          %get3A_369 = arith.constant 12 : i32
          %get3A_370 = arith.index_cast %get3A_369 : i32 to index
          %get3A_371 = arith.index_cast %mul3A_368 : i32 to index
          %get3A_372 = tpu.vector_load %arg6[%get3A_370, %get3A_371] {strides = array<i32>} : memref<16x1024xf32, #tpu.memory_space<vmem>>, vector<16xf32>,
          %mul3A_373 = arith.constant 256 : i32
          %mul3A_374 = arith.muli %add3A_366, %mul3A_373 : i32
          %add3A_375 = vector.broadcast %mul3A_374 : i32 to vector<16xi32>
          %add3A_376 = arith.addi %add3A_303, %add3A_375 : vector<16xi32>
          tpu.vector_store_idx %arg8[%add3A_376], %get3A_372 : memref<16384xf32, #tpu.memory_space<vmem>>[vector<16xi32>], vector<16xf32>,
          %mul3A_377 = arith.constant 4 : i32
          %mul3A_378 = arith.muli %scan3A_348, %mul3A_377 : i32
          %add3A_379 = arith.constant 2 : i32
          %add3A_380 = arith.addi %mul3A_378, %add3A_379 : i32
          %mul3A_381 = arith.constant 16 : i32
          %mul3A_382 = arith.muli %add3A_380, %mul3A_381 : i32
          %get3A_383 = arith.constant 12 : i32
          %get3A_384 = arith.index_cast %get3A_383 : i32 to index
          %get3A_385 = arith.index_cast %mul3A_382 : i32 to index
          %get3A_386 = tpu.vector_load %arg6[%get3A_384, %get3A_385] {strides = array<i32>} : memref<16x1024xf32, #tpu.memory_space<vmem>>, vector<16xf32>,
          %mul3A_387 = arith.constant 256 : i32
          %mul3A_388 = arith.muli %add3A_380, %mul3A_387 : i32
          %add3A_389 = vector.broadcast %mul3A_388 : i32 to vector<16xi32>
          %add3A_390 = arith.addi %add3A_303, %add3A_389 : vector<16xi32>
          tpu.vector_store_idx %arg8[%add3A_390], %get3A_386 : memref<16384xf32, #tpu.memory_space<vmem>>[vector<16xi32>], vector<16xf32>,
          %mul3A_391 = arith.constant 4 : i32
          %mul3A_392 = arith.muli %scan3A_348, %mul3A_391 : i32
          %add3A_393 = arith.constant 3 : i32
          %add3A_394 = arith.addi %mul3A_392, %add3A_393 : i32
          %mul3A_395 = arith.constant 16 : i32
          %mul3A_396 = arith.muli %add3A_394, %mul3A_395 : i32
          %get3A_397 = arith.constant 12 : i32
          %get3A_398 = arith.index_cast %get3A_397 : i32 to index
          %get3A_399 = arith.index_cast %mul3A_396 : i32 to index
          %get3A_400 = tpu.vector_load %arg6[%get3A_398, %get3A_399] {strides = array<i32>} : memref<16x1024xf32, #tpu.memory_space<vmem>>, vector<16xf32>,
          %mul3A_401 = arith.constant 256 : i32
          %mul3A_402 = arith.muli %add3A_394, %mul3A_401 : i32
          %add3A_403 = vector.broadcast %mul3A_402 : i32 to vector<16xi32>
          %add3A_404 = arith.addi %add3A_303, %add3A_403 : vector<16xi32>
          tpu.vector_store_idx %arg8[%add3A_404], %get3A_400 : memref<16384xf32, #tpu.memory_space<vmem>>[vector<16xi32>], vector<16xf32>,
          %scan3A_405 = arith.constant 0 : i32
          scf.yield %scan3A_405 : i32
        }
        %scan3A_310 = arith.constant 16 : i32
        %add3A_311 = arith.constant 13 : i32
        %add3A_312 = vector.broadcast %add3A_311 : i32 to vector<16xi32>
        %add3A_313 = arith.addi %mul3A_25, %add3A_312 : vector<16xi32>
        %scan3A_314 = arith.constant 0 : i32
        %scan3A_315 = arith.constant 0 : i32
        %scan3A_316 = arith.constant 16 : i32
        %scan3A_317 = arith.addi %scan3A_315, %scan3A_316 : i32
        %scan3A_318 = arith.constant 1 : i32
        %scan3A_319 = scf.for %scan3A_348 = %scan3A_315 to %scan3A_317 step %scan3A_318 iter_args(%scan3A_349 = %scan3A_314) -> (i32)  : i32 {
          %mul3A_350 = arith.constant 4 : i32
          %mul3A_351 = arith.muli %scan3A_348, %mul3A_350 : i32
          %add3A_352 = arith.constant 0 : i32
          %add3A_353 = arith.addi %mul3A_351, %add3A_352 : i32
          %mul3A_354 = arith.constant 16 : i32
          %mul3A_355 = arith.muli %add3A_353, %mul3A_354 : i32
          %get3A = arith.constant 13 : i32
          %get3A_356 = arith.index_cast %get3A : i32 to index
          %get3A_357 = arith.index_cast %mul3A_355 : i32 to index
          %get3A_358 = tpu.vector_load %arg6[%get3A_356, %get3A_357] {strides = array<i32>} : memref<16x1024xf32, #tpu.memory_space<vmem>>, vector<16xf32>,
          %mul3A_359 = arith.constant 256 : i32
          %mul3A_360 = arith.muli %add3A_353, %mul3A_359 : i32
          %add3A_361 = vector.broadcast %mul3A_360 : i32 to vector<16xi32>
          %add3A_362 = arith.addi %add3A_313, %add3A_361 : vector<16xi32>
          tpu.vector_store_idx %arg8[%add3A_362], %get3A_358 : memref<16384xf32, #tpu.memory_space<vmem>>[vector<16xi32>], vector<16xf32>,
          %mul3A_363 = arith.constant 4 : i32
          %mul3A_364 = arith.muli %scan3A_348, %mul3A_363 : i32
          %add3A_365 = arith.constant 1 : i32
          %add3A_366 = arith.addi %mul3A_364, %add3A_365 : i32
          %mul3A_367 = arith.constant 16 : i32
          %mul3A_368 = arith.muli %add3A_366, %mul3A_367 : i32
          %get3A_369 = arith.constant 13 : i32
          %get3A_370 = arith.index_cast %get3A_369 : i32 to index
          %get3A_371 = arith.index_cast %mul3A_368 : i32 to index
          %get3A_372 = tpu.vector_load %arg6[%get3A_370, %get3A_371] {strides = array<i32>} : memref<16x1024xf32, #tpu.memory_space<vmem>>, vector<16xf32>,
          %mul3A_373 = arith.constant 256 : i32
          %mul3A_374 = arith.muli %add3A_366, %mul3A_373 : i32
          %add3A_375 = vector.broadcast %mul3A_374 : i32 to vector<16xi32>
          %add3A_376 = arith.addi %add3A_313, %add3A_375 : vector<16xi32>
          tpu.vector_store_idx %arg8[%add3A_376], %get3A_372 : memref<16384xf32, #tpu.memory_space<vmem>>[vector<16xi32>], vector<16xf32>,
          %mul3A_377 = arith.constant 4 : i32
          %mul3A_378 = arith.muli %scan3A_348, %mul3A_377 : i32
          %add3A_379 = arith.constant 2 : i32
          %add3A_380 = arith.addi %mul3A_378, %add3A_379 : i32
          %mul3A_381 = arith.constant 16 : i32
          %mul3A_382 = arith.muli %add3A_380, %mul3A_381 : i32
          %get3A_383 = arith.constant 13 : i32
          %get3A_384 = arith.index_cast %get3A_383 : i32 to index
          %get3A_385 = arith.index_cast %mul3A_382 : i32 to index
          %get3A_386 = tpu.vector_load %arg6[%get3A_384, %get3A_385] {strides = array<i32>} : memref<16x1024xf32, #tpu.memory_space<vmem>>, vector<16xf32>,
          %mul3A_387 = arith.constant 256 : i32
          %mul3A_388 = arith.muli %add3A_380, %mul3A_387 : i32
          %add3A_389 = vector.broadcast %mul3A_388 : i32 to vector<16xi32>
          %add3A_390 = arith.addi %add3A_313, %add3A_389 : vector<16xi32>
          tpu.vector_store_idx %arg8[%add3A_390], %get3A_386 : memref<16384xf32, #tpu.memory_space<vmem>>[vector<16xi32>], vector<16xf32>,
          %mul3A_391 = arith.constant 4 : i32
          %mul3A_392 = arith.muli %scan3A_348, %mul3A_391 : i32
          %add3A_393 = arith.constant 3 : i32
          %add3A_394 = arith.addi %mul3A_392, %add3A_393 : i32
          %mul3A_395 = arith.constant 16 : i32
          %mul3A_396 = arith.muli %add3A_394, %mul3A_395 : i32
          %get3A_397 = arith.constant 13 : i32
          %get3A_398 = arith.index_cast %get3A_397 : i32 to index
          %get3A_399 = arith.index_cast %mul3A_396 : i32 to index
          %get3A_400 = tpu.vector_load %arg6[%get3A_398, %get3A_399] {strides = array<i32>} : memref<16x1024xf32, #tpu.memory_space<vmem>>, vector<16xf32>,
          %mul3A_401 = arith.constant 256 : i32
          %mul3A_402 = arith.muli %add3A_394, %mul3A_401 : i32
          %add3A_403 = vector.broadcast %mul3A_402 : i32 to vector<16xi32>
          %add3A_404 = arith.addi %add3A_313, %add3A_403 : vector<16xi32>
          tpu.vector_store_idx %arg8[%add3A_404], %get3A_400 : memref<16384xf32, #tpu.memory_space<vmem>>[vector<16xi32>], vector<16xf32>,
          %scan3A_405 = arith.constant 0 : i32
          scf.yield %scan3A_405 : i32
        }
        %scan3A_320 = arith.constant 16 : i32
        %add3A_321 = arith.constant 14 : i32
        %add3A_322 = vector.broadcast %add3A_321 : i32 to vector<16xi32>
        %add3A_323 = arith.addi %mul3A_25, %add3A_322 : vector<16xi32>
        %scan3A_324 = arith.constant 0 : i32
        %scan3A_325 = arith.constant 0 : i32
        %scan3A_326 = arith.constant 16 : i32
        %scan3A_327 = arith.addi %scan3A_325, %scan3A_326 : i32
        %scan3A_328 = arith.constant 1 : i32
        %scan3A_329 = scf.for %scan3A_348 = %scan3A_325 to %scan3A_327 step %scan3A_328 iter_args(%scan3A_349 = %scan3A_324) -> (i32)  : i32 {
          %mul3A_350 = arith.constant 4 : i32
          %mul3A_351 = arith.muli %scan3A_348, %mul3A_350 : i32
          %add3A_352 = arith.constant 0 : i32
          %add3A_353 = arith.addi %mul3A_351, %add3A_352 : i32
          %mul3A_354 = arith.constant 16 : i32
          %mul3A_355 = arith.muli %add3A_353, %mul3A_354 : i32
          %get3A = arith.constant 14 : i32
          %get3A_356 = arith.index_cast %get3A : i32 to index
          %get3A_357 = arith.index_cast %mul3A_355 : i32 to index
          %get3A_358 = tpu.vector_load %arg6[%get3A_356, %get3A_357] {strides = array<i32>} : memref<16x1024xf32, #tpu.memory_space<vmem>>, vector<16xf32>,
          %mul3A_359 = arith.constant 256 : i32
          %mul3A_360 = arith.muli %add3A_353, %mul3A_359 : i32
          %add3A_361 = vector.broadcast %mul3A_360 : i32 to vector<16xi32>
          %add3A_362 = arith.addi %add3A_323, %add3A_361 : vector<16xi32>
          tpu.vector_store_idx %arg8[%add3A_362], %get3A_358 : memref<16384xf32, #tpu.memory_space<vmem>>[vector<16xi32>], vector<16xf32>,
          %mul3A_363 = arith.constant 4 : i32
          %mul3A_364 = arith.muli %scan3A_348, %mul3A_363 : i32
          %add3A_365 = arith.constant 1 : i32
          %add3A_366 = arith.addi %mul3A_364, %add3A_365 : i32
          %mul3A_367 = arith.constant 16 : i32
          %mul3A_368 = arith.muli %add3A_366, %mul3A_367 : i32
          %get3A_369 = arith.constant 14 : i32
          %get3A_370 = arith.index_cast %get3A_369 : i32 to index
          %get3A_371 = arith.index_cast %mul3A_368 : i32 to index
          %get3A_372 = tpu.vector_load %arg6[%get3A_370, %get3A_371] {strides = array<i32>} : memref<16x1024xf32, #tpu.memory_space<vmem>>, vector<16xf32>,
          %mul3A_373 = arith.constant 256 : i32
          %mul3A_374 = arith.muli %add3A_366, %mul3A_373 : i32
          %add3A_375 = vector.broadcast %mul3A_374 : i32 to vector<16xi32>
          %add3A_376 = arith.addi %add3A_323, %add3A_375 : vector<16xi32>
          tpu.vector_store_idx %arg8[%add3A_376], %get3A_372 : memref<16384xf32, #tpu.memory_space<vmem>>[vector<16xi32>], vector<16xf32>,
          %mul3A_377 = arith.constant 4 : i32
          %mul3A_378 = arith.muli %scan3A_348, %mul3A_377 : i32
          %add3A_379 = arith.constant 2 : i32
          %add3A_380 = arith.addi %mul3A_378, %add3A_379 : i32
          %mul3A_381 = arith.constant 16 : i32
          %mul3A_382 = arith.muli %add3A_380, %mul3A_381 : i32
          %get3A_383 = arith.constant 14 : i32
          %get3A_384 = arith.index_cast %get3A_383 : i32 to index
          %get3A_385 = arith.index_cast %mul3A_382 : i32 to index
          %get3A_386 = tpu.vector_load %arg6[%get3A_384, %get3A_385] {strides = array<i32>} : memref<16x1024xf32, #tpu.memory_space<vmem>>, vector<16xf32>,
          %mul3A_387 = arith.constant 256 : i32
          %mul3A_388 = arith.muli %add3A_380, %mul3A_387 : i32
          %add3A_389 = vector.broadcast %mul3A_388 : i32 to vector<16xi32>
          %add3A_390 = arith.addi %add3A_323, %add3A_389 : vector<16xi32>
          tpu.vector_store_idx %arg8[%add3A_390], %get3A_386 : memref<16384xf32, #tpu.memory_space<vmem>>[vector<16xi32>], vector<16xf32>,
          %mul3A_391 = arith.constant 4 : i32
          %mul3A_392 = arith.muli %scan3A_348, %mul3A_391 : i32
          %add3A_393 = arith.constant 3 : i32
          %add3A_394 = arith.addi %mul3A_392, %add3A_393 : i32
          %mul3A_395 = arith.constant 16 : i32
          %mul3A_396 = arith.muli %add3A_394, %mul3A_395 : i32
          %get3A_397 = arith.constant 14 : i32
          %get3A_398 = arith.index_cast %get3A_397 : i32 to index
          %get3A_399 = arith.index_cast %mul3A_396 : i32 to index
          %get3A_400 = tpu.vector_load %arg6[%get3A_398, %get3A_399] {strides = array<i32>} : memref<16x1024xf32, #tpu.memory_space<vmem>>, vector<16xf32>,
          %mul3A_401 = arith.constant 256 : i32
          %mul3A_402 = arith.muli %add3A_394, %mul3A_401 : i32
          %add3A_403 = vector.broadcast %mul3A_402 : i32 to vector<16xi32>
          %add3A_404 = arith.addi %add3A_323, %add3A_403 : vector<16xi32>
          tpu.vector_store_idx %arg8[%add3A_404], %get3A_400 : memref<16384xf32, #tpu.memory_space<vmem>>[vector<16xi32>], vector<16xf32>,
          %scan3A_405 = arith.constant 0 : i32
          scf.yield %scan3A_405 : i32
        }
        %scan3A_330 = arith.constant 16 : i32
        %add3A_331 = arith.constant 15 : i32
        %add3A_332 = vector.broadcast %add3A_331 : i32 to vector<16xi32>
        %add3A_333 = arith.addi %mul3A_25, %add3A_332 : vector<16xi32>
        %scan3A_334 = arith.constant 0 : i32
        %scan3A_335 = arith.constant 0 : i32
        %scan3A_336 = arith.constant 16 : i32
        %scan3A_337 = arith.addi %scan3A_335, %scan3A_336 : i32
        %scan3A_338 = arith.constant 1 : i32
        %scan3A_339 = scf.for %scan3A_348 = %scan3A_335 to %scan3A_337 step %scan3A_338 iter_args(%scan3A_349 = %scan3A_334) -> (i32)  : i32 {
          %mul3A_350 = arith.constant 4 : i32
          %mul3A_351 = arith.muli %scan3A_348, %mul3A_350 : i32
          %add3A_352 = arith.constant 0 : i32
          %add3A_353 = arith.addi %mul3A_351, %add3A_352 : i32
          %mul3A_354 = arith.constant 16 : i32
          %mul3A_355 = arith.muli %add3A_353, %mul3A_354 : i32
          %get3A = arith.constant 15 : i32
          %get3A_356 = arith.index_cast %get3A : i32 to index
          %get3A_357 = arith.index_cast %mul3A_355 : i32 to index
          %get3A_358 = tpu.vector_load %arg6[%get3A_356, %get3A_357] {strides = array<i32>} : memref<16x1024xf32, #tpu.memory_space<vmem>>, vector<16xf32>,
          %mul3A_359 = arith.constant 256 : i32
          %mul3A_360 = arith.muli %add3A_353, %mul3A_359 : i32
          %add3A_361 = vector.broadcast %mul3A_360 : i32 to vector<16xi32>
          %add3A_362 = arith.addi %add3A_333, %add3A_361 : vector<16xi32>
          tpu.vector_store_idx %arg8[%add3A_362], %get3A_358 : memref<16384xf32, #tpu.memory_space<vmem>>[vector<16xi32>], vector<16xf32>,
          %mul3A_363 = arith.constant 4 : i32
          %mul3A_364 = arith.muli %scan3A_348, %mul3A_363 : i32
          %add3A_365 = arith.constant 1 : i32
          %add3A_366 = arith.addi %mul3A_364, %add3A_365 : i32
          %mul3A_367 = arith.constant 16 : i32
          %mul3A_368 = arith.muli %add3A_366, %mul3A_367 : i32
          %get3A_369 = arith.constant 15 : i32
          %get3A_370 = arith.index_cast %get3A_369 : i32 to index
          %get3A_371 = arith.index_cast %mul3A_368 : i32 to index
          %get3A_372 = tpu.vector_load %arg6[%get3A_370, %get3A_371] {strides = array<i32>} : memref<16x1024xf32, #tpu.memory_space<vmem>>, vector<16xf32>,
          %mul3A_373 = arith.constant 256 : i32
          %mul3A_374 = arith.muli %add3A_366, %mul3A_373 : i32
          %add3A_375 = vector.broadcast %mul3A_374 : i32 to vector<16xi32>
          %add3A_376 = arith.addi %add3A_333, %add3A_375 : vector<16xi32>
          tpu.vector_store_idx %arg8[%add3A_376], %get3A_372 : memref<16384xf32, #tpu.memory_space<vmem>>[vector<16xi32>], vector<16xf32>,
          %mul3A_377 = arith.constant 4 : i32
          %mul3A_378 = arith.muli %scan3A_348, %mul3A_377 : i32
          %add3A_379 = arith.constant 2 : i32
          %add3A_380 = arith.addi %mul3A_378, %add3A_379 : i32
          %mul3A_381 = arith.constant 16 : i32
          %mul3A_382 = arith.muli %add3A_380, %mul3A_381 : i32
          %get3A_383 = arith.constant 15 : i32
          %get3A_384 = arith.index_cast %get3A_383 : i32 to index
          %get3A_385 = arith.index_cast %mul3A_382 : i32 to index
          %get3A_386 = tpu.vector_load %arg6[%get3A_384, %get3A_385] {strides = array<i32>} : memref<16x1024xf32, #tpu.memory_space<vmem>>, vector<16xf32>,
          %mul3A_387 = arith.constant 256 : i32
          %mul3A_388 = arith.muli %add3A_380, %mul3A_387 : i32
          %add3A_389 = vector.broadcast %mul3A_388 : i32 to vector<16xi32>
          %add3A_390 = arith.addi %add3A_333, %add3A_389 : vector<16xi32>
          tpu.vector_store_idx %arg8[%add3A_390], %get3A_386 : memref<16384xf32, #tpu.memory_space<vmem>>[vector<16xi32>], vector<16xf32>,
          %mul3A_391 = arith.constant 4 : i32
          %mul3A_392 = arith.muli %scan3A_348, %mul3A_391 : i32
          %add3A_393 = arith.constant 3 : i32
          %add3A_394 = arith.addi %mul3A_392, %add3A_393 : i32
          %mul3A_395 = arith.constant 16 : i32
          %mul3A_396 = arith.muli %add3A_394, %mul3A_395 : i32
          %get3A_397 = arith.constant 15 : i32
          %get3A_398 = arith.index_cast %get3A_397 : i32 to index
          %get3A_399 = arith.index_cast %mul3A_396 : i32 to index
          %get3A_400 = tpu.vector_load %arg6[%get3A_398, %get3A_399] {strides = array<i32>} : memref<16x1024xf32, #tpu.memory_space<vmem>>, vector<16xf32>,
          %mul3A_401 = arith.constant 256 : i32
          %mul3A_402 = arith.muli %add3A_394, %mul3A_401 : i32
          %add3A_403 = vector.broadcast %mul3A_402 : i32 to vector<16xi32>
          %add3A_404 = arith.addi %add3A_333, %add3A_403 : vector<16xi32>
          tpu.vector_store_idx %arg8[%add3A_404], %get3A_400 : memref<16384xf32, #tpu.memory_space<vmem>>[vector<16xi32>], vector<16xf32>,
          %scan3A_405 = arith.constant 0 : i32
          scf.yield %scan3A_405 : i32
        }
        %scan3A_340 = arith.constant 16 : i32
        %mul3A_341 = arith.constant 32 : i32
        %mul3A_342 = arith.muli %add3A_156, %mul3A_341 : i32
        %add3A_343 = arith.addi %add3A, %mul3A_342 : i32
        %mul3A_344 = arith.constant 16384 : i32
        %mul3A_345 = arith.muli %add3A_343, %mul3A_344 : i32
        %dma_start3A_346 = tpu.memref_slice %arg4[%mul3A_345] : memref<41601024xf32, #tpu.memory_space<hbm>> -> memref<16384xf32, #tpu.memory_space<hbm>>
        %dma_start3A_347 = tpu.memref_slice %arg4[%mul3A_345] : memref<41601024xf32, #tpu.memory_space<hbm>> -> memref<16384xf32, #tpu.memory_space<hbm>>
        tpu.enqueue_dma source(%arg8 : memref<16384xf32, #tpu.memory_space<vmem>>) target(%dma_start3A_347 : memref<16384xf32, #tpu.memory_space<hbm>>) target_semaphore(%arg13 : memref<!tpu.dma_semaphore, #tpu.memory_space<semaphore_mem>>)
      } else {
      }
      %scan3A_161 = arith.constant 0 : i32
      scf.yield %scan3A_161 : i32
    }
    %scan3A_38 = arith.constant 41 : i32
    %ge3A = arith.constant 2 : i32
    %ge3A_39 = arith.cmpi sge, %select_n3A, %ge3A : i32
    %sub3A_40 = arith.constant 2 : i32
    %sub3A_41 = arith.subi %select_n3A, %sub3A_40 : i32
    %jit3A_42 = arith.constant 2 : i32
    %eq3A = arith.constant 0 : i32
    %eq3A_43 = arith.cmpi eq, %jit3A_42, %eq3A : i32
    %jit3A_44 = arith.constant 1 : i32
    %select_n3A_45 = arith.select %eq3A_43, %jit3A_44, %jit3A_42 : i32
    %rem3A_46 = arith.remsi %sub3A_41, %select_n3A_45 : i32
    %ne3A_47 = arith.constant 0 : i32
    %ne3A_48 = arith.cmpi ne, %rem3A_46, %ne3A_47 : i32
    %lt3A = arith.constant 0 : i32
    %lt3A_49 = arith.cmpi slt, %rem3A_46, %lt3A : i32
    %lt3A_50 = arith.constant 0 : i32
    %lt3A_51 = arith.cmpi slt, %select_n3A_45, %lt3A_50 : i32
    %ne3A_52 = arith.xori %lt3A_49, %lt3A_51 : i1
    %and3A_53 = arith.andi %ne3A_52, %ne3A_48 : i1
    %add3A_54 = arith.addi %rem3A_46, %select_n3A_45 : i32
    %select_n3A_55 = arith.select %and3A_53, %add3A_54, %rem3A_46 : i32
    %eq3A_56 = arith.constant 0 : i32
    %eq3A_57 = arith.cmpi eq, %select_n3A_55, %eq3A_56 : i32
    %and3A_58 = arith.andi %ge3A_39, %eq3A_57 : i1
    %convert_element_type3A = arith.extui %and3A_58 : i1 to i32
    %cond3A = arith.constant 0 : i32
    %cond3A_59 = arith.cmpi ne, %convert_element_type3A, %cond3A : i32
    scf.if %cond3A_59 {
      %sub3A_143 = arith.constant 2 : i32
      %sub3A_144 = arith.subi %select_n3A, %sub3A_143 : i32
      %mul3A_145 = arith.constant 32 : i32
      %mul3A_146 = arith.muli %sub3A_144, %mul3A_145 : i32
      %add3A_147 = arith.addi %add3A, %mul3A_146 : i32
      %mul3A_148 = arith.constant 16384 : i32
      %mul3A_149 = arith.muli %add3A_147, %mul3A_148 : i32
      %dma_wait3A = tpu.memref_slice %arg4[%mul3A_149] : memref<41601024xf32, #tpu.memory_space<hbm>> -> memref<16384xf32, #tpu.memory_space<hbm>>
      %dma_wait3A_150 = tpu.memref_slice %arg4[%mul3A_149] : memref<41601024xf32, #tpu.memory_space<hbm>> -> memref<16384xf32, #tpu.memory_space<hbm>>
      tpu.wait_dma2 semaphore(%arg12 : memref<!tpu.dma_semaphore, #tpu.memory_space<semaphore_mem>>) src(%arg7 : memref<16384xf32, #tpu.memory_space<vmem>>) dst(%dma_wait3A_150 : memref<16384xf32, #tpu.memory_space<hbm>>)
    } else {
    }
    %ge3A_60 = arith.constant 1 : i32
    %ge3A_61 = arith.cmpi sge, %select_n3A, %ge3A_60 : i32
    %sub3A_62 = arith.constant 1 : i32
    %sub3A_63 = arith.subi %select_n3A, %sub3A_62 : i32
    %jit3A_64 = arith.constant 2 : i32
    %eq3A_65 = arith.constant 0 : i32
    %eq3A_66 = arith.cmpi eq, %jit3A_64, %eq3A_65 : i32
    %jit3A_67 = arith.constant 1 : i32
    %select_n3A_68 = arith.select %eq3A_66, %jit3A_67, %jit3A_64 : i32
    %rem3A_69 = arith.remsi %sub3A_63, %select_n3A_68 : i32
    %ne3A_70 = arith.constant 0 : i32
    %ne3A_71 = arith.cmpi ne, %rem3A_69, %ne3A_70 : i32
    %lt3A_72 = arith.constant 0 : i32
    %lt3A_73 = arith.cmpi slt, %rem3A_69, %lt3A_72 : i32
    %lt3A_74 = arith.constant 0 : i32
    %lt3A_75 = arith.cmpi slt, %select_n3A_68, %lt3A_74 : i32
    %ne3A_76 = arith.xori %lt3A_73, %lt3A_75 : i1
    %and3A_77 = arith.andi %ne3A_76, %ne3A_71 : i1
    %add3A_78 = arith.addi %rem3A_69, %select_n3A_68 : i32
    %select_n3A_79 = arith.select %and3A_77, %add3A_78, %rem3A_69 : i32
    %eq3A_80 = arith.constant 0 : i32
    %eq3A_81 = arith.cmpi eq, %select_n3A_79, %eq3A_80 : i32
    %and3A_82 = arith.andi %ge3A_61, %eq3A_81 : i1
    %convert_element_type3A_83 = arith.extui %and3A_82 : i1 to i32
    %cond3A_84 = arith.constant 0 : i32
    %cond3A_85 = arith.cmpi ne, %convert_element_type3A_83, %cond3A_84 : i32
    scf.if %cond3A_85 {
      %sub3A_143 = arith.constant 1 : i32
      %sub3A_144 = arith.subi %select_n3A, %sub3A_143 : i32
      %mul3A_145 = arith.constant 32 : i32
      %mul3A_146 = arith.muli %sub3A_144, %mul3A_145 : i32
      %add3A_147 = arith.addi %add3A, %mul3A_146 : i32
      %mul3A_148 = arith.constant 16384 : i32
      %mul3A_149 = arith.muli %add3A_147, %mul3A_148 : i32
      %dma_wait3A = tpu.memref_slice %arg4[%mul3A_149] : memref<41601024xf32, #tpu.memory_space<hbm>> -> memref<16384xf32, #tpu.memory_space<hbm>>
      %dma_wait3A_150 = tpu.memref_slice %arg4[%mul3A_149] : memref<41601024xf32, #tpu.memory_space<hbm>> -> memref<16384xf32, #tpu.memory_space<hbm>>
      tpu.wait_dma2 semaphore(%arg12 : memref<!tpu.dma_semaphore, #tpu.memory_space<semaphore_mem>>) src(%arg7 : memref<16384xf32, #tpu.memory_space<vmem>>) dst(%dma_wait3A_150 : memref<16384xf32, #tpu.memory_space<hbm>>)
    } else {
    }
    %ge3A_86 = arith.constant 2 : i32
    %ge3A_87 = arith.cmpi sge, %select_n3A, %ge3A_86 : i32
    %sub3A_88 = arith.constant 2 : i32
    %sub3A_89 = arith.subi %select_n3A, %sub3A_88 : i32
    %jit3A_90 = arith.constant 2 : i32
    %eq3A_91 = arith.constant 0 : i32
    %eq3A_92 = arith.cmpi eq, %jit3A_90, %eq3A_91 : i32
    %jit3A_93 = arith.constant 1 : i32
    %select_n3A_94 = arith.select %eq3A_92, %jit3A_93, %jit3A_90 : i32
    %rem3A_95 = arith.remsi %sub3A_89, %select_n3A_94 : i32
    %ne3A_96 = arith.constant 0 : i32
    %ne3A_97 = arith.cmpi ne, %rem3A_95, %ne3A_96 : i32
    %lt3A_98 = arith.constant 0 : i32
    %lt3A_99 = arith.cmpi slt, %rem3A_95, %lt3A_98 : i32
    %lt3A_100 = arith.constant 0 : i32
    %lt3A_101 = arith.cmpi slt, %select_n3A_94, %lt3A_100 : i32
    %ne3A_102 = arith.xori %lt3A_99, %lt3A_101 : i1
    %and3A_103 = arith.andi %ne3A_102, %ne3A_97 : i1
    %add3A_104 = arith.addi %rem3A_95, %select_n3A_94 : i32
    %select_n3A_105 = arith.select %and3A_103, %add3A_104, %rem3A_95 : i32
    %eq3A_106 = arith.constant 1 : i32
    %eq3A_107 = arith.cmpi eq, %select_n3A_105, %eq3A_106 : i32
    %and3A_108 = arith.andi %ge3A_87, %eq3A_107 : i1
    %convert_element_type3A_109 = arith.extui %and3A_108 : i1 to i32
    %cond3A_110 = arith.constant 0 : i32
    %cond3A_111 = arith.cmpi ne, %convert_element_type3A_109, %cond3A_110 : i32
    scf.if %cond3A_111 {
      %sub3A_143 = arith.constant 2 : i32
      %sub3A_144 = arith.subi %select_n3A, %sub3A_143 : i32
      %mul3A_145 = arith.constant 32 : i32
      %mul3A_146 = arith.muli %sub3A_144, %mul3A_145 : i32
      %add3A_147 = arith.addi %add3A, %mul3A_146 : i32
      %mul3A_148 = arith.constant 16384 : i32
      %mul3A_149 = arith.muli %add3A_147, %mul3A_148 : i32
      %dma_wait3A = tpu.memref_slice %arg4[%mul3A_149] : memref<41601024xf32, #tpu.memory_space<hbm>> -> memref<16384xf32, #tpu.memory_space<hbm>>
      %dma_wait3A_150 = tpu.memref_slice %arg4[%mul3A_149] : memref<41601024xf32, #tpu.memory_space<hbm>> -> memref<16384xf32, #tpu.memory_space<hbm>>
      tpu.wait_dma2 semaphore(%arg13 : memref<!tpu.dma_semaphore, #tpu.memory_space<semaphore_mem>>) src(%arg8 : memref<16384xf32, #tpu.memory_space<vmem>>) dst(%dma_wait3A_150 : memref<16384xf32, #tpu.memory_space<hbm>>)
    } else {
    }
    %ge3A_112 = arith.constant 1 : i32
    %ge3A_113 = arith.cmpi sge, %select_n3A, %ge3A_112 : i32
    %sub3A_114 = arith.constant 1 : i32
    %sub3A_115 = arith.subi %select_n3A, %sub3A_114 : i32
    %jit3A_116 = arith.constant 2 : i32
    %eq3A_117 = arith.constant 0 : i32
    %eq3A_118 = arith.cmpi eq, %jit3A_116, %eq3A_117 : i32
    %jit3A_119 = arith.constant 1 : i32
    %select_n3A_120 = arith.select %eq3A_118, %jit3A_119, %jit3A_116 : i32
    %rem3A_121 = arith.remsi %sub3A_115, %select_n3A_120 : i32
    %ne3A_122 = arith.constant 0 : i32
    %ne3A_123 = arith.cmpi ne, %rem3A_121, %ne3A_122 : i32
    %lt3A_124 = arith.constant 0 : i32
    %lt3A_125 = arith.cmpi slt, %rem3A_121, %lt3A_124 : i32
    %lt3A_126 = arith.constant 0 : i32
    %lt3A_127 = arith.cmpi slt, %select_n3A_120, %lt3A_126 : i32
    %ne3A_128 = arith.xori %lt3A_125, %lt3A_127 : i1
    %and3A_129 = arith.andi %ne3A_128, %ne3A_123 : i1
    %add3A_130 = arith.addi %rem3A_121, %select_n3A_120 : i32
    %select_n3A_131 = arith.select %and3A_129, %add3A_130, %rem3A_121 : i32
    %eq3A_132 = arith.constant 1 : i32
    %eq3A_133 = arith.cmpi eq, %select_n3A_131, %eq3A_132 : i32
    %and3A_134 = arith.andi %ge3A_113, %eq3A_133 : i1
    %convert_element_type3A_135 = arith.extui %and3A_134 : i1 to i32
    %cond3A_136 = arith.constant 0 : i32
    %cond3A_137 = arith.cmpi ne, %convert_element_type3A_135, %cond3A_136 : i32
    scf.if %cond3A_137 {
      %sub3A_143 = arith.constant 1 : i32
      %sub3A_144 = arith.subi %select_n3A, %sub3A_143 : i32
      %mul3A_145 = arith.constant 32 : i32
      %mul3A_146 = arith.muli %sub3A_144, %mul3A_145 : i32
      %add3A_147 = arith.addi %add3A, %mul3A_146 : i32
      %mul3A_148 = arith.constant 16384 : i32
      %mul3A_149 = arith.muli %add3A_147, %mul3A_148 : i32
      %dma_wait3A = tpu.memref_slice %arg4[%mul3A_149] : memref<41601024xf32, #tpu.memory_space<hbm>> -> memref<16384xf32, #tpu.memory_space<hbm>>
      %dma_wait3A_150 = tpu.memref_slice %arg4[%mul3A_149] : memref<41601024xf32, #tpu.memory_space<hbm>> -> memref<16384xf32, #tpu.memory_space<hbm>>
      tpu.wait_dma2 semaphore(%arg13 : memref<!tpu.dma_semaphore, #tpu.memory_space<semaphore_mem>>) src(%arg8 : memref<16384xf32, #tpu.memory_space<vmem>>) dst(%dma_wait3A_150 : memref<16384xf32, #tpu.memory_space<hbm>>)
    } else {
    }
    %eq3A_138 = arith.constant 31 : i32
    %eq3A_139 = arith.cmpi eq, %add3A, %eq3A_138 : i32
    %convert_element_type3A_140 = arith.extui %eq3A_139 : i1 to i32
    %cond3A_141 = arith.constant 0 : i32
    %cond3A_142 = arith.cmpi ne, %convert_element_type3A_140, %cond3A_141 : i32
    scf.if %cond3A_142 {
      tpu.enqueue_dma source(%arg3 : memref<1024xf32, #tpu.memory_space<hbm>>) target(%arg9 : memref<1024xf32, #tpu.memory_space<vmem>>) target_semaphore(%arg10 : memref<!tpu.dma_semaphore, #tpu.memory_space<semaphore_mem>>)
      tpu.wait_dma2 semaphore(%arg10 : memref<!tpu.dma_semaphore, #tpu.memory_space<semaphore_mem>>) src(%arg3 : memref<1024xf32, #tpu.memory_space<hbm>>) dst(%arg9 : memref<1024xf32, #tpu.memory_space<vmem>>)
      %dma_start3A_143 = arith.constant 41598976 : i32
      %dma_start3A_144 = tpu.memref_slice %arg4[%dma_start3A_143] : memref<41601024xf32, #tpu.memory_space<hbm>> -> memref<1024xf32, #tpu.memory_space<hbm>>
      %dma_start3A_145 = arith.constant 41598976 : i32
      %dma_start3A_146 = tpu.memref_slice %arg4[%dma_start3A_145] : memref<41601024xf32, #tpu.memory_space<hbm>> -> memref<1024xf32, #tpu.memory_space<hbm>>
      tpu.enqueue_dma source(%arg9 : memref<1024xf32, #tpu.memory_space<vmem>>) target(%dma_start3A_146 : memref<1024xf32, #tpu.memory_space<hbm>>) target_semaphore(%arg10 : memref<!tpu.dma_semaphore, #tpu.memory_space<semaphore_mem>>)
      %dma_wait3A = arith.constant 41598976 : i32
      %dma_wait3A_147 = tpu.memref_slice %arg4[%dma_wait3A] : memref<41601024xf32, #tpu.memory_space<hbm>> -> memref<1024xf32, #tpu.memory_space<hbm>>
      %dma_wait3A_148 = arith.constant 41598976 : i32
      %dma_wait3A_149 = tpu.memref_slice %arg4[%dma_wait3A_148] : memref<41601024xf32, #tpu.memory_space<hbm>> -> memref<1024xf32, #tpu.memory_space<hbm>>
      tpu.wait_dma2 semaphore(%arg10 : memref<!tpu.dma_semaphore, #tpu.memory_space<semaphore_mem>>) src(%arg9 : memref<1024xf32, #tpu.memory_space<vmem>>) dst(%dma_wait3A_149 : memref<1024xf32, #tpu.memory_space<hbm>>)
    } else {
    }
    return
  }
}

#map = affine_map<(d0, d1) -> (0, 0)>
module attributes {stable_mosaic.version = 14 : i64} {
  func.func @_gather_body(%arg0: i32, %arg1: i32, %arg2: memref<3328x128xi32, #tpu.memory_space<hbm>>, %arg3: memref<2600064x16xf32, #tpu.memory_space<hbm>>, %arg4: memref<425984x16xf32, #tpu.memory_space<hbm>>, %arg5: memref<104x128xi32, #tpu.memory_space<vmem>>, %arg6: memref<1664x16xf32, #tpu.memory_space<vmem>>, %arg7: memref<!tpu.dma_semaphore, #tpu.memory_space<semaphore_mem>>) attributes {dimension_semantics = [#tpu.dimension_semantics<core_parallel>, #tpu.dimension_semantics<subcore_parallel>], iteration_bounds = array<i64: 2, 16>, scalar_prefetch = 0 : i64, scratch_operands = 3 : i64, tpu.core_type = #tpu.core_type<sc_vector_subcore>, window_params = [{transform_indices = #map}, {transform_indices = #map}, {transform_indices = #map}]} {
    %mul3A = arith.constant 2 : i32
    %mul3A_0 = arith.muli %arg1, %mul3A : i32
    %add3A = arith.addi %mul3A_0, %arg0 : i32
    %mul3A_1 = arith.constant 104 : i32
    %mul3A_2 = arith.muli %add3A, %mul3A_1 : i32
    "tpu.region"() ({
      %run_scoped3A = tpu.sem_alloc : memref<!tpu.dma_semaphore, #tpu.memory_space<semaphore_mem>>
      %dma_start3A = arith.constant 0 : i32
      %dma_start3A_8 = tpu.memref_slice %arg2[%mul3A_2, %dma_start3A] : memref<3328x128xi32, #tpu.memory_space<hbm>> -> memref<104x128xi32, #tpu.memory_space<hbm>>
      %dma_start3A_9 = arith.constant 0 : i32
      %dma_start3A_10 = tpu.memref_slice %arg2[%mul3A_2, %dma_start3A_9] : memref<3328x128xi32, #tpu.memory_space<hbm>> -> memref<104x128xi32, #tpu.memory_space<hbm>>
      tpu.enqueue_dma source(%dma_start3A_10 : memref<104x128xi32, #tpu.memory_space<hbm>>) target(%arg5 : memref<104x128xi32, #tpu.memory_space<vmem>>) target_semaphore(%run_scoped3A : memref<!tpu.dma_semaphore, #tpu.memory_space<semaphore_mem>>)
      %dma_wait3A = arith.constant 0 : i32
      %dma_wait3A_11 = tpu.memref_slice %arg2[%mul3A_2, %dma_wait3A] : memref<3328x128xi32, #tpu.memory_space<hbm>> -> memref<104x128xi32, #tpu.memory_space<hbm>>
      %dma_wait3A_12 = arith.constant 0 : i32
      %dma_wait3A_13 = tpu.memref_slice %arg2[%mul3A_2, %dma_wait3A_12] : memref<3328x128xi32, #tpu.memory_space<hbm>> -> memref<104x128xi32, #tpu.memory_space<hbm>>
      tpu.wait_dma2 semaphore(%run_scoped3A : memref<!tpu.dma_semaphore, #tpu.memory_space<semaphore_mem>>) src(%dma_wait3A_13 : memref<104x128xi32, #tpu.memory_space<hbm>>) dst(%arg5 : memref<104x128xi32, #tpu.memory_space<vmem>>)
      tpu.yield
    }) : () -> ()
    %scan3A = arith.constant 0 : i32
    %scan3A_3 = arith.constant 0 : i32
    %scan3A_4 = arith.constant 8 : i32
    %scan3A_5 = arith.addi %scan3A_3, %scan3A_4 : i32
    %scan3A_6 = arith.constant 1 : i32
    scf.for %scan3A_8 = %scan3A_3 to %scan3A_5 step %scan3A_6  : i32 {
      %mul3A_9 = arith.constant 13 : i32
      %mul3A_10 = arith.muli %scan3A_8, %mul3A_9 : i32
      %add3A_11 = arith.constant 0 : i32
      %add3A_12 = arith.addi %mul3A_10, %add3A_11 : i32
      %dma_start3A = arith.constant 0 : i32
      %dma_start3A_13 = arith.constant 0 : i32
      %dma_start3A_14 = tpu.memref_slice %arg6[%dma_start3A, %dma_start3A_13] : memref<1664x16xf32, #tpu.memory_space<vmem>> -> memref<128x16xf32, #tpu.memory_space<vmem>>
      %dma_start3A_15 = arith.constant 0 : i32
      %dma_start3A_16 = tpu.memref_slice %arg5[%add3A_12, %dma_start3A_15] : memref<104x128xi32, #tpu.memory_space<vmem>> -> memref<1x128xi32, #tpu.memory_space<vmem>>
      %dma_start3A_17 = tpu.memref_squeeze %dma_start3A_16 : memref<1x128xi32, #tpu.memory_space<vmem>> -> memref<128xi32, #tpu.memory_space<vmem>>
      %dma_start3A_18 = arith.constant 0 : i32
      %dma_start3A_19 = arith.constant 0 : i32
      %dma_start3A_20 = tpu.memref_slice %arg3[%dma_start3A_18, %dma_start3A_19] : memref<2600064x16xf32, #tpu.memory_space<hbm>> -> memref<2600064x16xf32, #tpu.memory_space<hbm>>
      tpu.enqueue_indirect_dma source(%dma_start3A_20 : memref<2600064x16xf32, #tpu.memory_space<hbm>>) target(%dma_start3A_14 : memref<128x16xf32, #tpu.memory_space<vmem>>) offsets(%dma_start3A_17 : memref<128xi32, #tpu.memory_space<vmem>>) semaphore(%arg7 : memref<!tpu.dma_semaphore, #tpu.memory_space<semaphore_mem>>)
      %add3A_21 = arith.constant 1 : i32
      %add3A_22 = arith.addi %mul3A_10, %add3A_21 : i32
      %dma_start3A_23 = arith.constant 128 : i32
      %dma_start3A_24 = arith.constant 0 : i32
      %dma_start3A_25 = tpu.memref_slice %arg6[%dma_start3A_23, %dma_start3A_24] : memref<1664x16xf32, #tpu.memory_space<vmem>> -> memref<128x16xf32, #tpu.memory_space<vmem>>
      %dma_start3A_26 = arith.constant 0 : i32
      %dma_start3A_27 = tpu.memref_slice %arg5[%add3A_22, %dma_start3A_26] : memref<104x128xi32, #tpu.memory_space<vmem>> -> memref<1x128xi32, #tpu.memory_space<vmem>>
      %dma_start3A_28 = tpu.memref_squeeze %dma_start3A_27 : memref<1x128xi32, #tpu.memory_space<vmem>> -> memref<128xi32, #tpu.memory_space<vmem>>
      %dma_start3A_29 = arith.constant 0 : i32
      %dma_start3A_30 = arith.constant 0 : i32
      %dma_start3A_31 = tpu.memref_slice %arg3[%dma_start3A_29, %dma_start3A_30] : memref<2600064x16xf32, #tpu.memory_space<hbm>> -> memref<2600064x16xf32, #tpu.memory_space<hbm>>
      tpu.enqueue_indirect_dma source(%dma_start3A_31 : memref<2600064x16xf32, #tpu.memory_space<hbm>>) target(%dma_start3A_25 : memref<128x16xf32, #tpu.memory_space<vmem>>) offsets(%dma_start3A_28 : memref<128xi32, #tpu.memory_space<vmem>>) semaphore(%arg7 : memref<!tpu.dma_semaphore, #tpu.memory_space<semaphore_mem>>)
      %add3A_32 = arith.constant 2 : i32
      %add3A_33 = arith.addi %mul3A_10, %add3A_32 : i32
      %dma_start3A_34 = arith.constant 256 : i32
      %dma_start3A_35 = arith.constant 0 : i32
      %dma_start3A_36 = tpu.memref_slice %arg6[%dma_start3A_34, %dma_start3A_35] : memref<1664x16xf32, #tpu.memory_space<vmem>> -> memref<128x16xf32, #tpu.memory_space<vmem>>
      %dma_start3A_37 = arith.constant 0 : i32
      %dma_start3A_38 = tpu.memref_slice %arg5[%add3A_33, %dma_start3A_37] : memref<104x128xi32, #tpu.memory_space<vmem>> -> memref<1x128xi32, #tpu.memory_space<vmem>>
      %dma_start3A_39 = tpu.memref_squeeze %dma_start3A_38 : memref<1x128xi32, #tpu.memory_space<vmem>> -> memref<128xi32, #tpu.memory_space<vmem>>
      %dma_start3A_40 = arith.constant 0 : i32
      %dma_start3A_41 = arith.constant 0 : i32
      %dma_start3A_42 = tpu.memref_slice %arg3[%dma_start3A_40, %dma_start3A_41] : memref<2600064x16xf32, #tpu.memory_space<hbm>> -> memref<2600064x16xf32, #tpu.memory_space<hbm>>
      tpu.enqueue_indirect_dma source(%dma_start3A_42 : memref<2600064x16xf32, #tpu.memory_space<hbm>>) target(%dma_start3A_36 : memref<128x16xf32, #tpu.memory_space<vmem>>) offsets(%dma_start3A_39 : memref<128xi32, #tpu.memory_space<vmem>>) semaphore(%arg7 : memref<!tpu.dma_semaphore, #tpu.memory_space<semaphore_mem>>)
      %add3A_43 = arith.constant 3 : i32
      %add3A_44 = arith.addi %mul3A_10, %add3A_43 : i32
      %dma_start3A_45 = arith.constant 384 : i32
      %dma_start3A_46 = arith.constant 0 : i32
      %dma_start3A_47 = tpu.memref_slice %arg6[%dma_start3A_45, %dma_start3A_46] : memref<1664x16xf32, #tpu.memory_space<vmem>> -> memref<128x16xf32, #tpu.memory_space<vmem>>
      %dma_start3A_48 = arith.constant 0 : i32
      %dma_start3A_49 = tpu.memref_slice %arg5[%add3A_44, %dma_start3A_48] : memref<104x128xi32, #tpu.memory_space<vmem>> -> memref<1x128xi32, #tpu.memory_space<vmem>>
      %dma_start3A_50 = tpu.memref_squeeze %dma_start3A_49 : memref<1x128xi32, #tpu.memory_space<vmem>> -> memref<128xi32, #tpu.memory_space<vmem>>
      %dma_start3A_51 = arith.constant 0 : i32
      %dma_start3A_52 = arith.constant 0 : i32
      %dma_start3A_53 = tpu.memref_slice %arg3[%dma_start3A_51, %dma_start3A_52] : memref<2600064x16xf32, #tpu.memory_space<hbm>> -> memref<2600064x16xf32, #tpu.memory_space<hbm>>
      tpu.enqueue_indirect_dma source(%dma_start3A_53 : memref<2600064x16xf32, #tpu.memory_space<hbm>>) target(%dma_start3A_47 : memref<128x16xf32, #tpu.memory_space<vmem>>) offsets(%dma_start3A_50 : memref<128xi32, #tpu.memory_space<vmem>>) semaphore(%arg7 : memref<!tpu.dma_semaphore, #tpu.memory_space<semaphore_mem>>)
      %add3A_54 = arith.constant 4 : i32
      %add3A_55 = arith.addi %mul3A_10, %add3A_54 : i32
      %dma_start3A_56 = arith.constant 512 : i32
      %dma_start3A_57 = arith.constant 0 : i32
      %dma_start3A_58 = tpu.memref_slice %arg6[%dma_start3A_56, %dma_start3A_57] : memref<1664x16xf32, #tpu.memory_space<vmem>> -> memref<128x16xf32, #tpu.memory_space<vmem>>
      %dma_start3A_59 = arith.constant 0 : i32
      %dma_start3A_60 = tpu.memref_slice %arg5[%add3A_55, %dma_start3A_59] : memref<104x128xi32, #tpu.memory_space<vmem>> -> memref<1x128xi32, #tpu.memory_space<vmem>>
      %dma_start3A_61 = tpu.memref_squeeze %dma_start3A_60 : memref<1x128xi32, #tpu.memory_space<vmem>> -> memref<128xi32, #tpu.memory_space<vmem>>
      %dma_start3A_62 = arith.constant 0 : i32
      %dma_start3A_63 = arith.constant 0 : i32
      %dma_start3A_64 = tpu.memref_slice %arg3[%dma_start3A_62, %dma_start3A_63] : memref<2600064x16xf32, #tpu.memory_space<hbm>> -> memref<2600064x16xf32, #tpu.memory_space<hbm>>
      tpu.enqueue_indirect_dma source(%dma_start3A_64 : memref<2600064x16xf32, #tpu.memory_space<hbm>>) target(%dma_start3A_58 : memref<128x16xf32, #tpu.memory_space<vmem>>) offsets(%dma_start3A_61 : memref<128xi32, #tpu.memory_space<vmem>>) semaphore(%arg7 : memref<!tpu.dma_semaphore, #tpu.memory_space<semaphore_mem>>)
      %add3A_65 = arith.constant 5 : i32
      %add3A_66 = arith.addi %mul3A_10, %add3A_65 : i32
      %dma_start3A_67 = arith.constant 640 : i32
      %dma_start3A_68 = arith.constant 0 : i32
      %dma_start3A_69 = tpu.memref_slice %arg6[%dma_start3A_67, %dma_start3A_68] : memref<1664x16xf32, #tpu.memory_space<vmem>> -> memref<128x16xf32, #tpu.memory_space<vmem>>
      %dma_start3A_70 = arith.constant 0 : i32
      %dma_start3A_71 = tpu.memref_slice %arg5[%add3A_66, %dma_start3A_70] : memref<104x128xi32, #tpu.memory_space<vmem>> -> memref<1x128xi32, #tpu.memory_space<vmem>>
      %dma_start3A_72 = tpu.memref_squeeze %dma_start3A_71 : memref<1x128xi32, #tpu.memory_space<vmem>> -> memref<128xi32, #tpu.memory_space<vmem>>
      %dma_start3A_73 = arith.constant 0 : i32
      %dma_start3A_74 = arith.constant 0 : i32
      %dma_start3A_75 = tpu.memref_slice %arg3[%dma_start3A_73, %dma_start3A_74] : memref<2600064x16xf32, #tpu.memory_space<hbm>> -> memref<2600064x16xf32, #tpu.memory_space<hbm>>
      tpu.enqueue_indirect_dma source(%dma_start3A_75 : memref<2600064x16xf32, #tpu.memory_space<hbm>>) target(%dma_start3A_69 : memref<128x16xf32, #tpu.memory_space<vmem>>) offsets(%dma_start3A_72 : memref<128xi32, #tpu.memory_space<vmem>>) semaphore(%arg7 : memref<!tpu.dma_semaphore, #tpu.memory_space<semaphore_mem>>)
      %add3A_76 = arith.constant 6 : i32
      %add3A_77 = arith.addi %mul3A_10, %add3A_76 : i32
      %dma_start3A_78 = arith.constant 768 : i32
      %dma_start3A_79 = arith.constant 0 : i32
      %dma_start3A_80 = tpu.memref_slice %arg6[%dma_start3A_78, %dma_start3A_79] : memref<1664x16xf32, #tpu.memory_space<vmem>> -> memref<128x16xf32, #tpu.memory_space<vmem>>
      %dma_start3A_81 = arith.constant 0 : i32
      %dma_start3A_82 = tpu.memref_slice %arg5[%add3A_77, %dma_start3A_81] : memref<104x128xi32, #tpu.memory_space<vmem>> -> memref<1x128xi32, #tpu.memory_space<vmem>>
      %dma_start3A_83 = tpu.memref_squeeze %dma_start3A_82 : memref<1x128xi32, #tpu.memory_space<vmem>> -> memref<128xi32, #tpu.memory_space<vmem>>
      %dma_start3A_84 = arith.constant 0 : i32
      %dma_start3A_85 = arith.constant 0 : i32
      %dma_start3A_86 = tpu.memref_slice %arg3[%dma_start3A_84, %dma_start3A_85] : memref<2600064x16xf32, #tpu.memory_space<hbm>> -> memref<2600064x16xf32, #tpu.memory_space<hbm>>
      tpu.enqueue_indirect_dma source(%dma_start3A_86 : memref<2600064x16xf32, #tpu.memory_space<hbm>>) target(%dma_start3A_80 : memref<128x16xf32, #tpu.memory_space<vmem>>) offsets(%dma_start3A_83 : memref<128xi32, #tpu.memory_space<vmem>>) semaphore(%arg7 : memref<!tpu.dma_semaphore, #tpu.memory_space<semaphore_mem>>)
      %add3A_87 = arith.constant 7 : i32
      %add3A_88 = arith.addi %mul3A_10, %add3A_87 : i32
      %dma_start3A_89 = arith.constant 896 : i32
      %dma_start3A_90 = arith.constant 0 : i32
      %dma_start3A_91 = tpu.memref_slice %arg6[%dma_start3A_89, %dma_start3A_90] : memref<1664x16xf32, #tpu.memory_space<vmem>> -> memref<128x16xf32, #tpu.memory_space<vmem>>
      %dma_start3A_92 = arith.constant 0 : i32
      %dma_start3A_93 = tpu.memref_slice %arg5[%add3A_88, %dma_start3A_92] : memref<104x128xi32, #tpu.memory_space<vmem>> -> memref<1x128xi32, #tpu.memory_space<vmem>>
      %dma_start3A_94 = tpu.memref_squeeze %dma_start3A_93 : memref<1x128xi32, #tpu.memory_space<vmem>> -> memref<128xi32, #tpu.memory_space<vmem>>
      %dma_start3A_95 = arith.constant 0 : i32
      %dma_start3A_96 = arith.constant 0 : i32
      %dma_start3A_97 = tpu.memref_slice %arg3[%dma_start3A_95, %dma_start3A_96] : memref<2600064x16xf32, #tpu.memory_space<hbm>> -> memref<2600064x16xf32, #tpu.memory_space<hbm>>
      tpu.enqueue_indirect_dma source(%dma_start3A_97 : memref<2600064x16xf32, #tpu.memory_space<hbm>>) target(%dma_start3A_91 : memref<128x16xf32, #tpu.memory_space<vmem>>) offsets(%dma_start3A_94 : memref<128xi32, #tpu.memory_space<vmem>>) semaphore(%arg7 : memref<!tpu.dma_semaphore, #tpu.memory_space<semaphore_mem>>)
      %add3A_98 = arith.constant 8 : i32
      %add3A_99 = arith.addi %mul3A_10, %add3A_98 : i32
      %dma_start3A_100 = arith.constant 1024 : i32
      %dma_start3A_101 = arith.constant 0 : i32
      %dma_start3A_102 = tpu.memref_slice %arg6[%dma_start3A_100, %dma_start3A_101] : memref<1664x16xf32, #tpu.memory_space<vmem>> -> memref<128x16xf32, #tpu.memory_space<vmem>>
      %dma_start3A_103 = arith.constant 0 : i32
      %dma_start3A_104 = tpu.memref_slice %arg5[%add3A_99, %dma_start3A_103] : memref<104x128xi32, #tpu.memory_space<vmem>> -> memref<1x128xi32, #tpu.memory_space<vmem>>
      %dma_start3A_105 = tpu.memref_squeeze %dma_start3A_104 : memref<1x128xi32, #tpu.memory_space<vmem>> -> memref<128xi32, #tpu.memory_space<vmem>>
      %dma_start3A_106 = arith.constant 0 : i32
      %dma_start3A_107 = arith.constant 0 : i32
      %dma_start3A_108 = tpu.memref_slice %arg3[%dma_start3A_106, %dma_start3A_107] : memref<2600064x16xf32, #tpu.memory_space<hbm>> -> memref<2600064x16xf32, #tpu.memory_space<hbm>>
      tpu.enqueue_indirect_dma source(%dma_start3A_108 : memref<2600064x16xf32, #tpu.memory_space<hbm>>) target(%dma_start3A_102 : memref<128x16xf32, #tpu.memory_space<vmem>>) offsets(%dma_start3A_105 : memref<128xi32, #tpu.memory_space<vmem>>) semaphore(%arg7 : memref<!tpu.dma_semaphore, #tpu.memory_space<semaphore_mem>>)
      %add3A_109 = arith.constant 9 : i32
      %add3A_110 = arith.addi %mul3A_10, %add3A_109 : i32
      %dma_start3A_111 = arith.constant 1152 : i32
      %dma_start3A_112 = arith.constant 0 : i32
      %dma_start3A_113 = tpu.memref_slice %arg6[%dma_start3A_111, %dma_start3A_112] : memref<1664x16xf32, #tpu.memory_space<vmem>> -> memref<128x16xf32, #tpu.memory_space<vmem>>
      %dma_start3A_114 = arith.constant 0 : i32
      %dma_start3A_115 = tpu.memref_slice %arg5[%add3A_110, %dma_start3A_114] : memref<104x128xi32, #tpu.memory_space<vmem>> -> memref<1x128xi32, #tpu.memory_space<vmem>>
      %dma_start3A_116 = tpu.memref_squeeze %dma_start3A_115 : memref<1x128xi32, #tpu.memory_space<vmem>> -> memref<128xi32, #tpu.memory_space<vmem>>
      %dma_start3A_117 = arith.constant 0 : i32
      %dma_start3A_118 = arith.constant 0 : i32
      %dma_start3A_119 = tpu.memref_slice %arg3[%dma_start3A_117, %dma_start3A_118] : memref<2600064x16xf32, #tpu.memory_space<hbm>> -> memref<2600064x16xf32, #tpu.memory_space<hbm>>
      tpu.enqueue_indirect_dma source(%dma_start3A_119 : memref<2600064x16xf32, #tpu.memory_space<hbm>>) target(%dma_start3A_113 : memref<128x16xf32, #tpu.memory_space<vmem>>) offsets(%dma_start3A_116 : memref<128xi32, #tpu.memory_space<vmem>>) semaphore(%arg7 : memref<!tpu.dma_semaphore, #tpu.memory_space<semaphore_mem>>)
      %add3A_120 = arith.constant 10 : i32
      %add3A_121 = arith.addi %mul3A_10, %add3A_120 : i32
      %dma_start3A_122 = arith.constant 1280 : i32
      %dma_start3A_123 = arith.constant 0 : i32
      %dma_start3A_124 = tpu.memref_slice %arg6[%dma_start3A_122, %dma_start3A_123] : memref<1664x16xf32, #tpu.memory_space<vmem>> -> memref<128x16xf32, #tpu.memory_space<vmem>>
      %dma_start3A_125 = arith.constant 0 : i32
      %dma_start3A_126 = tpu.memref_slice %arg5[%add3A_121, %dma_start3A_125] : memref<104x128xi32, #tpu.memory_space<vmem>> -> memref<1x128xi32, #tpu.memory_space<vmem>>
      %dma_start3A_127 = tpu.memref_squeeze %dma_start3A_126 : memref<1x128xi32, #tpu.memory_space<vmem>> -> memref<128xi32, #tpu.memory_space<vmem>>
      %dma_start3A_128 = arith.constant 0 : i32
      %dma_start3A_129 = arith.constant 0 : i32
      %dma_start3A_130 = tpu.memref_slice %arg3[%dma_start3A_128, %dma_start3A_129] : memref<2600064x16xf32, #tpu.memory_space<hbm>> -> memref<2600064x16xf32, #tpu.memory_space<hbm>>
      tpu.enqueue_indirect_dma source(%dma_start3A_130 : memref<2600064x16xf32, #tpu.memory_space<hbm>>) target(%dma_start3A_124 : memref<128x16xf32, #tpu.memory_space<vmem>>) offsets(%dma_start3A_127 : memref<128xi32, #tpu.memory_space<vmem>>) semaphore(%arg7 : memref<!tpu.dma_semaphore, #tpu.memory_space<semaphore_mem>>)
      %add3A_131 = arith.constant 11 : i32
      %add3A_132 = arith.addi %mul3A_10, %add3A_131 : i32
      %dma_start3A_133 = arith.constant 1408 : i32
      %dma_start3A_134 = arith.constant 0 : i32
      %dma_start3A_135 = tpu.memref_slice %arg6[%dma_start3A_133, %dma_start3A_134] : memref<1664x16xf32, #tpu.memory_space<vmem>> -> memref<128x16xf32, #tpu.memory_space<vmem>>
      %dma_start3A_136 = arith.constant 0 : i32
      %dma_start3A_137 = tpu.memref_slice %arg5[%add3A_132, %dma_start3A_136] : memref<104x128xi32, #tpu.memory_space<vmem>> -> memref<1x128xi32, #tpu.memory_space<vmem>>
      %dma_start3A_138 = tpu.memref_squeeze %dma_start3A_137 : memref<1x128xi32, #tpu.memory_space<vmem>> -> memref<128xi32, #tpu.memory_space<vmem>>
      %dma_start3A_139 = arith.constant 0 : i32
      %dma_start3A_140 = arith.constant 0 : i32
      %dma_start3A_141 = tpu.memref_slice %arg3[%dma_start3A_139, %dma_start3A_140] : memref<2600064x16xf32, #tpu.memory_space<hbm>> -> memref<2600064x16xf32, #tpu.memory_space<hbm>>
      tpu.enqueue_indirect_dma source(%dma_start3A_141 : memref<2600064x16xf32, #tpu.memory_space<hbm>>) target(%dma_start3A_135 : memref<128x16xf32, #tpu.memory_space<vmem>>) offsets(%dma_start3A_138 : memref<128xi32, #tpu.memory_space<vmem>>) semaphore(%arg7 : memref<!tpu.dma_semaphore, #tpu.memory_space<semaphore_mem>>)
      %add3A_142 = arith.constant 12 : i32
      %add3A_143 = arith.addi %mul3A_10, %add3A_142 : i32
      %dma_start3A_144 = arith.constant 1536 : i32
      %dma_start3A_145 = arith.constant 0 : i32
      %dma_start3A_146 = tpu.memref_slice %arg6[%dma_start3A_144, %dma_start3A_145] : memref<1664x16xf32, #tpu.memory_space<vmem>> -> memref<128x16xf32, #tpu.memory_space<vmem>>
      %dma_start3A_147 = arith.constant 0 : i32
      %dma_start3A_148 = tpu.memref_slice %arg5[%add3A_143, %dma_start3A_147] : memref<104x128xi32, #tpu.memory_space<vmem>> -> memref<1x128xi32, #tpu.memory_space<vmem>>
      %dma_start3A_149 = tpu.memref_squeeze %dma_start3A_148 : memref<1x128xi32, #tpu.memory_space<vmem>> -> memref<128xi32, #tpu.memory_space<vmem>>
      %dma_start3A_150 = arith.constant 0 : i32
      %dma_start3A_151 = arith.constant 0 : i32
      %dma_start3A_152 = tpu.memref_slice %arg3[%dma_start3A_150, %dma_start3A_151] : memref<2600064x16xf32, #tpu.memory_space<hbm>> -> memref<2600064x16xf32, #tpu.memory_space<hbm>>
      tpu.enqueue_indirect_dma source(%dma_start3A_152 : memref<2600064x16xf32, #tpu.memory_space<hbm>>) target(%dma_start3A_146 : memref<128x16xf32, #tpu.memory_space<vmem>>) offsets(%dma_start3A_149 : memref<128xi32, #tpu.memory_space<vmem>>) semaphore(%arg7 : memref<!tpu.dma_semaphore, #tpu.memory_space<semaphore_mem>>)
      %dma_wait3A = arith.constant 0 : i32
      %dma_wait3A_153 = arith.constant 0 : i32
      %dma_wait3A_154 = tpu.memref_slice %arg6[%dma_wait3A, %dma_wait3A_153] : memref<1664x16xf32, #tpu.memory_space<vmem>> -> memref<128x16xf32, #tpu.memory_space<vmem>>
      %dma_wait3A_155 = arith.constant 0 : i32
      %dma_wait3A_156 = tpu.memref_slice %arg5[%add3A_12, %dma_wait3A_155] : memref<104x128xi32, #tpu.memory_space<vmem>> -> memref<1x128xi32, #tpu.memory_space<vmem>>
      %dma_wait3A_157 = tpu.memref_squeeze %dma_wait3A_156 : memref<1x128xi32, #tpu.memory_space<vmem>> -> memref<128xi32, #tpu.memory_space<vmem>>
      %dma_wait3A_158 = arith.constant 0 : i32
      %dma_wait3A_159 = arith.constant 0 : i32
      %dma_wait3A_160 = tpu.memref_slice %arg3[%dma_wait3A_158, %dma_wait3A_159] : memref<2600064x16xf32, #tpu.memory_space<hbm>> -> memref<2600064x16xf32, #tpu.memory_space<hbm>>
      tpu.wait_indirect_dma semaphore(%arg7 : memref<!tpu.dma_semaphore, #tpu.memory_space<semaphore_mem>>) src(%dma_wait3A_160 : memref<2600064x16xf32, #tpu.memory_space<hbm>>) dst(%dma_wait3A_154 : memref<128x16xf32, #tpu.memory_space<vmem>>)
      %dma_wait3A_161 = arith.constant 128 : i32
      %dma_wait3A_162 = arith.constant 0 : i32
      %dma_wait3A_163 = tpu.memref_slice %arg6[%dma_wait3A_161, %dma_wait3A_162] : memref<1664x16xf32, #tpu.memory_space<vmem>> -> memref<128x16xf32, #tpu.memory_space<vmem>>
      %dma_wait3A_164 = arith.constant 0 : i32
      %dma_wait3A_165 = tpu.memref_slice %arg5[%add3A_22, %dma_wait3A_164] : memref<104x128xi32, #tpu.memory_space<vmem>> -> memref<1x128xi32, #tpu.memory_space<vmem>>
      %dma_wait3A_166 = tpu.memref_squeeze %dma_wait3A_165 : memref<1x128xi32, #tpu.memory_space<vmem>> -> memref<128xi32, #tpu.memory_space<vmem>>
      %dma_wait3A_167 = arith.constant 0 : i32
      %dma_wait3A_168 = arith.constant 0 : i32
      %dma_wait3A_169 = tpu.memref_slice %arg3[%dma_wait3A_167, %dma_wait3A_168] : memref<2600064x16xf32, #tpu.memory_space<hbm>> -> memref<2600064x16xf32, #tpu.memory_space<hbm>>
      tpu.wait_indirect_dma semaphore(%arg7 : memref<!tpu.dma_semaphore, #tpu.memory_space<semaphore_mem>>) src(%dma_wait3A_169 : memref<2600064x16xf32, #tpu.memory_space<hbm>>) dst(%dma_wait3A_163 : memref<128x16xf32, #tpu.memory_space<vmem>>)
      %dma_wait3A_170 = arith.constant 256 : i32
      %dma_wait3A_171 = arith.constant 0 : i32
      %dma_wait3A_172 = tpu.memref_slice %arg6[%dma_wait3A_170, %dma_wait3A_171] : memref<1664x16xf32, #tpu.memory_space<vmem>> -> memref<128x16xf32, #tpu.memory_space<vmem>>
      %dma_wait3A_173 = arith.constant 0 : i32
      %dma_wait3A_174 = tpu.memref_slice %arg5[%add3A_33, %dma_wait3A_173] : memref<104x128xi32, #tpu.memory_space<vmem>> -> memref<1x128xi32, #tpu.memory_space<vmem>>
      %dma_wait3A_175 = tpu.memref_squeeze %dma_wait3A_174 : memref<1x128xi32, #tpu.memory_space<vmem>> -> memref<128xi32, #tpu.memory_space<vmem>>
      %dma_wait3A_176 = arith.constant 0 : i32
      %dma_wait3A_177 = arith.constant 0 : i32
      %dma_wait3A_178 = tpu.memref_slice %arg3[%dma_wait3A_176, %dma_wait3A_177] : memref<2600064x16xf32, #tpu.memory_space<hbm>> -> memref<2600064x16xf32, #tpu.memory_space<hbm>>
      tpu.wait_indirect_dma semaphore(%arg7 : memref<!tpu.dma_semaphore, #tpu.memory_space<semaphore_mem>>) src(%dma_wait3A_178 : memref<2600064x16xf32, #tpu.memory_space<hbm>>) dst(%dma_wait3A_172 : memref<128x16xf32, #tpu.memory_space<vmem>>)
      %dma_wait3A_179 = arith.constant 384 : i32
      %dma_wait3A_180 = arith.constant 0 : i32
      %dma_wait3A_181 = tpu.memref_slice %arg6[%dma_wait3A_179, %dma_wait3A_180] : memref<1664x16xf32, #tpu.memory_space<vmem>> -> memref<128x16xf32, #tpu.memory_space<vmem>>
      %dma_wait3A_182 = arith.constant 0 : i32
      %dma_wait3A_183 = tpu.memref_slice %arg5[%add3A_44, %dma_wait3A_182] : memref<104x128xi32, #tpu.memory_space<vmem>> -> memref<1x128xi32, #tpu.memory_space<vmem>>
      %dma_wait3A_184 = tpu.memref_squeeze %dma_wait3A_183 : memref<1x128xi32, #tpu.memory_space<vmem>> -> memref<128xi32, #tpu.memory_space<vmem>>
      %dma_wait3A_185 = arith.constant 0 : i32
      %dma_wait3A_186 = arith.constant 0 : i32
      %dma_wait3A_187 = tpu.memref_slice %arg3[%dma_wait3A_185, %dma_wait3A_186] : memref<2600064x16xf32, #tpu.memory_space<hbm>> -> memref<2600064x16xf32, #tpu.memory_space<hbm>>
      tpu.wait_indirect_dma semaphore(%arg7 : memref<!tpu.dma_semaphore, #tpu.memory_space<semaphore_mem>>) src(%dma_wait3A_187 : memref<2600064x16xf32, #tpu.memory_space<hbm>>) dst(%dma_wait3A_181 : memref<128x16xf32, #tpu.memory_space<vmem>>)
      %dma_wait3A_188 = arith.constant 512 : i32
      %dma_wait3A_189 = arith.constant 0 : i32
      %dma_wait3A_190 = tpu.memref_slice %arg6[%dma_wait3A_188, %dma_wait3A_189] : memref<1664x16xf32, #tpu.memory_space<vmem>> -> memref<128x16xf32, #tpu.memory_space<vmem>>
      %dma_wait3A_191 = arith.constant 0 : i32
      %dma_wait3A_192 = tpu.memref_slice %arg5[%add3A_55, %dma_wait3A_191] : memref<104x128xi32, #tpu.memory_space<vmem>> -> memref<1x128xi32, #tpu.memory_space<vmem>>
      %dma_wait3A_193 = tpu.memref_squeeze %dma_wait3A_192 : memref<1x128xi32, #tpu.memory_space<vmem>> -> memref<128xi32, #tpu.memory_space<vmem>>
      %dma_wait3A_194 = arith.constant 0 : i32
      %dma_wait3A_195 = arith.constant 0 : i32
      %dma_wait3A_196 = tpu.memref_slice %arg3[%dma_wait3A_194, %dma_wait3A_195] : memref<2600064x16xf32, #tpu.memory_space<hbm>> -> memref<2600064x16xf32, #tpu.memory_space<hbm>>
      tpu.wait_indirect_dma semaphore(%arg7 : memref<!tpu.dma_semaphore, #tpu.memory_space<semaphore_mem>>) src(%dma_wait3A_196 : memref<2600064x16xf32, #tpu.memory_space<hbm>>) dst(%dma_wait3A_190 : memref<128x16xf32, #tpu.memory_space<vmem>>)
      %dma_wait3A_197 = arith.constant 640 : i32
      %dma_wait3A_198 = arith.constant 0 : i32
      %dma_wait3A_199 = tpu.memref_slice %arg6[%dma_wait3A_197, %dma_wait3A_198] : memref<1664x16xf32, #tpu.memory_space<vmem>> -> memref<128x16xf32, #tpu.memory_space<vmem>>
      %dma_wait3A_200 = arith.constant 0 : i32
      %dma_wait3A_201 = tpu.memref_slice %arg5[%add3A_66, %dma_wait3A_200] : memref<104x128xi32, #tpu.memory_space<vmem>> -> memref<1x128xi32, #tpu.memory_space<vmem>>
      %dma_wait3A_202 = tpu.memref_squeeze %dma_wait3A_201 : memref<1x128xi32, #tpu.memory_space<vmem>> -> memref<128xi32, #tpu.memory_space<vmem>>
      %dma_wait3A_203 = arith.constant 0 : i32
      %dma_wait3A_204 = arith.constant 0 : i32
      %dma_wait3A_205 = tpu.memref_slice %arg3[%dma_wait3A_203, %dma_wait3A_204] : memref<2600064x16xf32, #tpu.memory_space<hbm>> -> memref<2600064x16xf32, #tpu.memory_space<hbm>>
      tpu.wait_indirect_dma semaphore(%arg7 : memref<!tpu.dma_semaphore, #tpu.memory_space<semaphore_mem>>) src(%dma_wait3A_205 : memref<2600064x16xf32, #tpu.memory_space<hbm>>) dst(%dma_wait3A_199 : memref<128x16xf32, #tpu.memory_space<vmem>>)
      %dma_wait3A_206 = arith.constant 768 : i32
      %dma_wait3A_207 = arith.constant 0 : i32
      %dma_wait3A_208 = tpu.memref_slice %arg6[%dma_wait3A_206, %dma_wait3A_207] : memref<1664x16xf32, #tpu.memory_space<vmem>> -> memref<128x16xf32, #tpu.memory_space<vmem>>
      %dma_wait3A_209 = arith.constant 0 : i32
      %dma_wait3A_210 = tpu.memref_slice %arg5[%add3A_77, %dma_wait3A_209] : memref<104x128xi32, #tpu.memory_space<vmem>> -> memref<1x128xi32, #tpu.memory_space<vmem>>
      %dma_wait3A_211 = tpu.memref_squeeze %dma_wait3A_210 : memref<1x128xi32, #tpu.memory_space<vmem>> -> memref<128xi32, #tpu.memory_space<vmem>>
      %dma_wait3A_212 = arith.constant 0 : i32
      %dma_wait3A_213 = arith.constant 0 : i32
      %dma_wait3A_214 = tpu.memref_slice %arg3[%dma_wait3A_212, %dma_wait3A_213] : memref<2600064x16xf32, #tpu.memory_space<hbm>> -> memref<2600064x16xf32, #tpu.memory_space<hbm>>
      tpu.wait_indirect_dma semaphore(%arg7 : memref<!tpu.dma_semaphore, #tpu.memory_space<semaphore_mem>>) src(%dma_wait3A_214 : memref<2600064x16xf32, #tpu.memory_space<hbm>>) dst(%dma_wait3A_208 : memref<128x16xf32, #tpu.memory_space<vmem>>)
      %dma_wait3A_215 = arith.constant 896 : i32
      %dma_wait3A_216 = arith.constant 0 : i32
      %dma_wait3A_217 = tpu.memref_slice %arg6[%dma_wait3A_215, %dma_wait3A_216] : memref<1664x16xf32, #tpu.memory_space<vmem>> -> memref<128x16xf32, #tpu.memory_space<vmem>>
      %dma_wait3A_218 = arith.constant 0 : i32
      %dma_wait3A_219 = tpu.memref_slice %arg5[%add3A_88, %dma_wait3A_218] : memref<104x128xi32, #tpu.memory_space<vmem>> -> memref<1x128xi32, #tpu.memory_space<vmem>>
      %dma_wait3A_220 = tpu.memref_squeeze %dma_wait3A_219 : memref<1x128xi32, #tpu.memory_space<vmem>> -> memref<128xi32, #tpu.memory_space<vmem>>
      %dma_wait3A_221 = arith.constant 0 : i32
      %dma_wait3A_222 = arith.constant 0 : i32
      %dma_wait3A_223 = tpu.memref_slice %arg3[%dma_wait3A_221, %dma_wait3A_222] : memref<2600064x16xf32, #tpu.memory_space<hbm>> -> memref<2600064x16xf32, #tpu.memory_space<hbm>>
      tpu.wait_indirect_dma semaphore(%arg7 : memref<!tpu.dma_semaphore, #tpu.memory_space<semaphore_mem>>) src(%dma_wait3A_223 : memref<2600064x16xf32, #tpu.memory_space<hbm>>) dst(%dma_wait3A_217 : memref<128x16xf32, #tpu.memory_space<vmem>>)
      %dma_wait3A_224 = arith.constant 1024 : i32
      %dma_wait3A_225 = arith.constant 0 : i32
      %dma_wait3A_226 = tpu.memref_slice %arg6[%dma_wait3A_224, %dma_wait3A_225] : memref<1664x16xf32, #tpu.memory_space<vmem>> -> memref<128x16xf32, #tpu.memory_space<vmem>>
      %dma_wait3A_227 = arith.constant 0 : i32
      %dma_wait3A_228 = tpu.memref_slice %arg5[%add3A_99, %dma_wait3A_227] : memref<104x128xi32, #tpu.memory_space<vmem>> -> memref<1x128xi32, #tpu.memory_space<vmem>>
      %dma_wait3A_229 = tpu.memref_squeeze %dma_wait3A_228 : memref<1x128xi32, #tpu.memory_space<vmem>> -> memref<128xi32, #tpu.memory_space<vmem>>
      %dma_wait3A_230 = arith.constant 0 : i32
      %dma_wait3A_231 = arith.constant 0 : i32
      %dma_wait3A_232 = tpu.memref_slice %arg3[%dma_wait3A_230, %dma_wait3A_231] : memref<2600064x16xf32, #tpu.memory_space<hbm>> -> memref<2600064x16xf32, #tpu.memory_space<hbm>>
      tpu.wait_indirect_dma semaphore(%arg7 : memref<!tpu.dma_semaphore, #tpu.memory_space<semaphore_mem>>) src(%dma_wait3A_232 : memref<2600064x16xf32, #tpu.memory_space<hbm>>) dst(%dma_wait3A_226 : memref<128x16xf32, #tpu.memory_space<vmem>>)
      %dma_wait3A_233 = arith.constant 1152 : i32
      %dma_wait3A_234 = arith.constant 0 : i32
      %dma_wait3A_235 = tpu.memref_slice %arg6[%dma_wait3A_233, %dma_wait3A_234] : memref<1664x16xf32, #tpu.memory_space<vmem>> -> memref<128x16xf32, #tpu.memory_space<vmem>>
      %dma_wait3A_236 = arith.constant 0 : i32
      %dma_wait3A_237 = tpu.memref_slice %arg5[%add3A_110, %dma_wait3A_236] : memref<104x128xi32, #tpu.memory_space<vmem>> -> memref<1x128xi32, #tpu.memory_space<vmem>>
      %dma_wait3A_238 = tpu.memref_squeeze %dma_wait3A_237 : memref<1x128xi32, #tpu.memory_space<vmem>> -> memref<128xi32, #tpu.memory_space<vmem>>
      %dma_wait3A_239 = arith.constant 0 : i32
      %dma_wait3A_240 = arith.constant 0 : i32
      %dma_wait3A_241 = tpu.memref_slice %arg3[%dma_wait3A_239, %dma_wait3A_240] : memref<2600064x16xf32, #tpu.memory_space<hbm>> -> memref<2600064x16xf32, #tpu.memory_space<hbm>>
      tpu.wait_indirect_dma semaphore(%arg7 : memref<!tpu.dma_semaphore, #tpu.memory_space<semaphore_mem>>) src(%dma_wait3A_241 : memref<2600064x16xf32, #tpu.memory_space<hbm>>) dst(%dma_wait3A_235 : memref<128x16xf32, #tpu.memory_space<vmem>>)
      %dma_wait3A_242 = arith.constant 1280 : i32
      %dma_wait3A_243 = arith.constant 0 : i32
      %dma_wait3A_244 = tpu.memref_slice %arg6[%dma_wait3A_242, %dma_wait3A_243] : memref<1664x16xf32, #tpu.memory_space<vmem>> -> memref<128x16xf32, #tpu.memory_space<vmem>>
      %dma_wait3A_245 = arith.constant 0 : i32
      %dma_wait3A_246 = tpu.memref_slice %arg5[%add3A_121, %dma_wait3A_245] : memref<104x128xi32, #tpu.memory_space<vmem>> -> memref<1x128xi32, #tpu.memory_space<vmem>>
      %dma_wait3A_247 = tpu.memref_squeeze %dma_wait3A_246 : memref<1x128xi32, #tpu.memory_space<vmem>> -> memref<128xi32, #tpu.memory_space<vmem>>
      %dma_wait3A_248 = arith.constant 0 : i32
      %dma_wait3A_249 = arith.constant 0 : i32
      %dma_wait3A_250 = tpu.memref_slice %arg3[%dma_wait3A_248, %dma_wait3A_249] : memref<2600064x16xf32, #tpu.memory_space<hbm>> -> memref<2600064x16xf32, #tpu.memory_space<hbm>>
      tpu.wait_indirect_dma semaphore(%arg7 : memref<!tpu.dma_semaphore, #tpu.memory_space<semaphore_mem>>) src(%dma_wait3A_250 : memref<2600064x16xf32, #tpu.memory_space<hbm>>) dst(%dma_wait3A_244 : memref<128x16xf32, #tpu.memory_space<vmem>>)
      %dma_wait3A_251 = arith.constant 1408 : i32
      %dma_wait3A_252 = arith.constant 0 : i32
      %dma_wait3A_253 = tpu.memref_slice %arg6[%dma_wait3A_251, %dma_wait3A_252] : memref<1664x16xf32, #tpu.memory_space<vmem>> -> memref<128x16xf32, #tpu.memory_space<vmem>>
      %dma_wait3A_254 = arith.constant 0 : i32
      %dma_wait3A_255 = tpu.memref_slice %arg5[%add3A_132, %dma_wait3A_254] : memref<104x128xi32, #tpu.memory_space<vmem>> -> memref<1x128xi32, #tpu.memory_space<vmem>>
      %dma_wait3A_256 = tpu.memref_squeeze %dma_wait3A_255 : memref<1x128xi32, #tpu.memory_space<vmem>> -> memref<128xi32, #tpu.memory_space<vmem>>
      %dma_wait3A_257 = arith.constant 0 : i32
      %dma_wait3A_258 = arith.constant 0 : i32
      %dma_wait3A_259 = tpu.memref_slice %arg3[%dma_wait3A_257, %dma_wait3A_258] : memref<2600064x16xf32, #tpu.memory_space<hbm>> -> memref<2600064x16xf32, #tpu.memory_space<hbm>>
      tpu.wait_indirect_dma semaphore(%arg7 : memref<!tpu.dma_semaphore, #tpu.memory_space<semaphore_mem>>) src(%dma_wait3A_259 : memref<2600064x16xf32, #tpu.memory_space<hbm>>) dst(%dma_wait3A_253 : memref<128x16xf32, #tpu.memory_space<vmem>>)
      %dma_wait3A_260 = arith.constant 1536 : i32
      %dma_wait3A_261 = arith.constant 0 : i32
      %dma_wait3A_262 = tpu.memref_slice %arg6[%dma_wait3A_260, %dma_wait3A_261] : memref<1664x16xf32, #tpu.memory_space<vmem>> -> memref<128x16xf32, #tpu.memory_space<vmem>>
      %dma_wait3A_263 = arith.constant 0 : i32
      %dma_wait3A_264 = tpu.memref_slice %arg5[%add3A_143, %dma_wait3A_263] : memref<104x128xi32, #tpu.memory_space<vmem>> -> memref<1x128xi32, #tpu.memory_space<vmem>>
      %dma_wait3A_265 = tpu.memref_squeeze %dma_wait3A_264 : memref<1x128xi32, #tpu.memory_space<vmem>> -> memref<128xi32, #tpu.memory_space<vmem>>
      %dma_wait3A_266 = arith.constant 0 : i32
      %dma_wait3A_267 = arith.constant 0 : i32
      %dma_wait3A_268 = tpu.memref_slice %arg3[%dma_wait3A_266, %dma_wait3A_267] : memref<2600064x16xf32, #tpu.memory_space<hbm>> -> memref<2600064x16xf32, #tpu.memory_space<hbm>>
      tpu.wait_indirect_dma semaphore(%arg7 : memref<!tpu.dma_semaphore, #tpu.memory_space<semaphore_mem>>) src(%dma_wait3A_268 : memref<2600064x16xf32, #tpu.memory_space<hbm>>) dst(%dma_wait3A_262 : memref<128x16xf32, #tpu.memory_space<vmem>>)
      %mul3A_269 = arith.constant 128 : i32
      %mul3A_270 = arith.muli %mul3A_2, %mul3A_269 : i32
      %mul3A_271 = arith.constant 1664 : i32
      %mul3A_272 = arith.muli %scan3A_8, %mul3A_271 : i32
      %add3A_273 = arith.addi %mul3A_270, %mul3A_272 : i32
      "tpu.region"() ({
        %run_scoped3A = tpu.sem_alloc : memref<!tpu.dma_semaphore, #tpu.memory_space<semaphore_mem>>
        %dma_start3A_274 = arith.constant 0 : i32
        %dma_start3A_275 = tpu.memref_slice %arg4[%add3A_273, %dma_start3A_274] : memref<425984x16xf32, #tpu.memory_space<hbm>> -> memref<1664x16xf32, #tpu.memory_space<hbm>>
        %dma_start3A_276 = arith.constant 0 : i32
        %dma_start3A_277 = tpu.memref_slice %arg4[%add3A_273, %dma_start3A_276] : memref<425984x16xf32, #tpu.memory_space<hbm>> -> memref<1664x16xf32, #tpu.memory_space<hbm>>
        tpu.enqueue_dma source(%arg6 : memref<1664x16xf32, #tpu.memory_space<vmem>>) target(%dma_start3A_277 : memref<1664x16xf32, #tpu.memory_space<hbm>>) target_semaphore(%run_scoped3A : memref<!tpu.dma_semaphore, #tpu.memory_space<semaphore_mem>>)
        %dma_wait3A_278 = arith.constant 0 : i32
        %dma_wait3A_279 = tpu.memref_slice %arg4[%add3A_273, %dma_wait3A_278] : memref<425984x16xf32, #tpu.memory_space<hbm>> -> memref<1664x16xf32, #tpu.memory_space<hbm>>
        %dma_wait3A_280 = arith.constant 0 : i32
        %dma_wait3A_281 = tpu.memref_slice %arg4[%add3A_273, %dma_wait3A_280] : memref<425984x16xf32, #tpu.memory_space<hbm>> -> memref<1664x16xf32, #tpu.memory_space<hbm>>
        tpu.wait_dma2 semaphore(%run_scoped3A : memref<!tpu.dma_semaphore, #tpu.memory_space<semaphore_mem>>) src(%arg6 : memref<1664x16xf32, #tpu.memory_space<vmem>>) dst(%dma_wait3A_281 : memref<1664x16xf32, #tpu.memory_space<hbm>>)
        tpu.yield
      }) : () -> ()
    }
    %scan3A_7 = arith.constant 8 : i32
    return
  }
}

module attributes {stable_mosaic.version = 14 : i64} {
  func.func @_mlp_body(%arg0: i32, %arg1: memref<1024x416xf32, #tpu.memory_space<vmem>>, %arg2: memref<416x128xf32, #tpu.memory_space<vmem>>, %arg3: memref<128xf32, #tpu.memory_space<vmem>>, %arg4: memref<128xf32, #tpu.memory_space<vmem>>, %arg5: memref<1xf32, #tpu.memory_space<vmem>>, %arg6: memref<1024xf32, #tpu.memory_space<vmem>>) attributes {dimension_semantics = [#tpu.dimension_semantics<arbitrary>], iteration_bounds = array<i64: 16>, scalar_prefetch = 0 : i64, scratch_operands = 0 : i64, tpu.core_type = #tpu.core_type<tc>, window_params = [{transform_indices = @transform_0, window_bounds = array<i64: 1024, 416>}, {pipeline_mode = #tpu.pipeline_mode<synchronous>, transform_indices = @transform_1, window_bounds = array<i64: 416, 128>}, {pipeline_mode = #tpu.pipeline_mode<synchronous>, transform_indices = @transform_2, window_bounds = array<i64: 128>}, {pipeline_mode = #tpu.pipeline_mode<synchronous>, transform_indices = @transform_3, window_bounds = array<i64: 128>}, {pipeline_mode = #tpu.pipeline_mode<synchronous>, transform_indices = @transform_4, window_bounds = array<i64: 1>}, {transform_indices = @transform_5, window_bounds = array<i64: 1024>}]} {
    %get3A = arith.constant 0 : index
    %get3A_0 = arith.constant 0 : index
    %get3A_1 = vector.load %arg1[%get3A, %get3A_0] : memref<1024x416xf32, #tpu.memory_space<vmem>>, vector<1024x416xf32>
    %get3A_2 = arith.constant 0 : index
    %get3A_3 = arith.constant 0 : index
    %get3A_4 = vector.load %arg2[%get3A_2, %get3A_3] : memref<416x128xf32, #tpu.memory_space<vmem>>, vector<416x128xf32>
    %dot_general3A = arith.constant dense<0.000000e+00> : vector<1024x128xf32>
    %dot_general3A_5 = tpu.matmul %get3A_1, %get3A_4, %dot_general3A {dimension_numbers = #tpu.dot_dimension_numbers<[1], [0], [0], [1], [0, 0, 1, 1], [], []>, transpose_lhs_hint = false} : vector<1024x416xf32>, vector<416x128xf32>, vector<1024x128xf32> -> vector<1024x128xf32>
    %get3A_6 = arith.constant 0 : index
    %get3A_7 = vector.load %arg3[%get3A_6] : memref<128xf32, #tpu.memory_space<vmem>>, vector<128xf32>
    %broadcast_in_dim3A = vector.shape_cast %get3A_7 : vector<128xf32> to vector<1x128xf32>
    %add3A = vector.broadcast %broadcast_in_dim3A : vector<1x128xf32> to vector<1024x128xf32>
    %add3A_8 = arith.addf %dot_general3A_5, %add3A : vector<1024x128xf32>
    %max3A = arith.constant 0.000000e+00 : f32
    %max3A_9 = vector.broadcast %max3A : f32 to vector<1024x128xf32>
    %max3A_10 = arith.maximumf %add3A_8, %max3A_9 : vector<1024x128xf32>
    %get3A_11 = arith.constant 0 : index
    %get3A_12 = vector.load %arg4[%get3A_11] : memref<128xf32, #tpu.memory_space<vmem>>, vector<128xf32>
    %broadcast_in_dim3A_13 = vector.shape_cast %get3A_12 : vector<128xf32> to vector<1x128xf32>
    %mul3A = vector.broadcast %broadcast_in_dim3A_13 : vector<1x128xf32> to vector<1024x128xf32>
    %mul3A_14 = arith.mulf %max3A_10, %mul3A : vector<1024x128xf32>
    %reduce_sum3A = arith.constant dense<0.000000e+00> : vector<1024xf32>
    %reduce_sum3A_15 = vector.multi_reduction <add>, %mul3A_14, %reduce_sum3A [1] : vector<1024x128xf32> to vector<1024xf32>
    %get3A_16 = arith.constant 0 : index
    %get3A_17 = vector.load %arg5[%get3A_16] : memref<1xf32, #tpu.memory_space<vmem>>, vector<1xf32>
    %get3A_18 = vector.extract %get3A_17[0] : f32 from vector<1xf32>
    %add3A_19 = vector.broadcast %get3A_18 : f32 to vector<1024xf32>
    %add3A_20 = arith.addf %reduce_sum3A_15, %add3A_19 : vector<1024xf32>
    %logistic3A = arith.negf %add3A_20 : vector<1024xf32>
    %logistic3A_21 = math.exp %logistic3A : vector<1024xf32>
    %logistic3A_22 = arith.constant 1.000000e+00 : f32
    %logistic3A_23 = vector.broadcast %logistic3A_22 : f32 to vector<1024xf32>
    %logistic3A_24 = arith.addf %logistic3A_23, %logistic3A_21 : vector<1024xf32>
    %logistic3A_25 = arith.divf %logistic3A_23, %logistic3A_24 : vector<1024xf32>
    %swap3A = arith.constant 0 : index
    %swap3A_26 = vector.load %arg6[%swap3A] : memref<1024xf32, #tpu.memory_space<vmem>>, vector<1024xf32>
    tpu.vector_store %arg6[%swap3A], %logistic3A_25 {strides = array<i32>} : memref<1024xf32, #tpu.memory_space<vmem>>, vector<1024xf32>,
    return
  }
  func.func @transform_0(%arg0: i32) -> (i32, i32) {
    %c0_i32 = arith.constant 0 : i32
    %c0_i32_0 = arith.constant 0 : i32
    return %arg0, %c0_i32 : i32, i32
  }
  func.func @transform_1(%arg0: i32) -> (i32, i32) {
    %c0_i32 = arith.constant 0 : i32
    %c0_i32_0 = arith.constant 0 : i32
    %c0_i32_1 = arith.constant 0 : i32
    return %c0_i32, %c0_i32_0 : i32, i32
  }
  func.func @transform_2(%arg0: i32) -> i32 {
    %c0_i32 = arith.constant 0 : i32
    %c0_i32_0 = arith.constant 0 : i32
    return %c0_i32 : i32
  }
  func.func @transform_3(%arg0: i32) -> i32 {
    %c0_i32 = arith.constant 0 : i32
    %c0_i32_0 = arith.constant 0 : i32
    return %c0_i32 : i32
  }
  func.func @transform_4(%arg0: i32) -> i32 {
    %c0_i32 = arith.constant 0 : i32
    %c0_i32_0 = arith.constant 0 : i32
    return %c0_i32 : i32
  }
  func.func @transform_5(%arg0: i32) -> i32 {
    %c0_i32 = arith.constant 0 : i32
    return %arg0 : i32
  }
}

</mosaic_0001>

<sc_bundles>
// kernel: kernel.5.cloned.1.call-start
scs
__scs_entry_jumppad:
0x0: {  	(pc) =	sbr.rel $0x88, $3  }
0x1: {  	(tag) =	ssettag $0x0;
	lr =	simm.s32 $0x1  }
0x2: {  	[smem:$0x3F9B] =	sst lr;
	_ =	strace $0xD0000000  }
0x3: {  	_ = 	snop  }
0x4: {  	_ = 	snop  }
0x5: {  	_ = 	snop  }
0x6: {  	_ = 	snop  }
0x7: {  	_ = 	snop  }
__scs_overlays_trampoline_lowered:
0x8: {  	[smem:$0x3FAA] =	sst s0  }
0x9: {  	[smem:$0x3FAB] =	sst s1  }
0xa: {  	[smem:$0x3FAC] =	sst s2  }
0xb: {  	[smem:$0x3FAD] =	sst s3  }
0xc: {  	[smem:$0x3FAE] =	sst s4  }
0xd: {  	[smem:$0x3FAF] =	sst s5  }
0xe: {  	[smem:$0x3FB0] =	sst s6  }
0xf: {  	[smem:$0x3FB1] =	sst s7  }
0x10: {  	[smem:$0x3FB2] =	sst s8  }
0x11: {  	[smem:$0x3FB3] =	sst s9;
	s0 =	simm.s32 @!p0 $0x0  }
0x12: {  	s1 =	sld [smem:$0x3F99];
	s0 =	simm.s32 @p0 $0x1  }
0x13: {  	[smem:$0x3FB4] =	sst s0;
	s0 =	simm.s32 @!p1 $0x0  }
0x14: {  	s2 =	sld [smem:$0x3F98];
	s0 =	simm.s32 @p1 $0x1  }
0x15: {  	[smem:$0x3FB5] =	sst s0;
	s0 =	simm.s32 @!p2 $0x0  }
0x16: {  	s3 =	sld [smem:$0x3FDB];
	s0 =	simm.s32 @p2 $0x1  }
0x17: {  	s4 =	simm.s32 $0x1BF5;
	[smem:$0x3FB7] =	sst s0  }
0x18: {  	s0 =	sld [smem:$0x3F9A];
	_ =	swait.ge [sflag:s4], $0x0  }
0x19: {  	s7 =	sld [smem:$0x3F9B]  }
0x1a: {  	s8 =	sadd.s32 $0xFFFFE003, lr  }
0x1b: {  	s9 =	sadd.s32 $0xFFFFFEF7, lr;
	s5 =	simm.s32 $0xFFFFFFFF;
	p2 =	slt.u32 s8, $0xFFFFF086  }
0x1c: {  	p1 =	slt.u32 s9, $0xF7A;
	s5 =	simm.s32 @!p2 $0x0  }
0x1d: {  	s5 =	simm.s32 @p1 $0x1;
	p0 =	seq.s32 s7, s2  }
0x1e: {  	s7 =	smul.u32 @!p0 $0xF7A, s2;
	p2 =	seq.s32 @!p0 s5, $0x0  }
0x1f: {  	s9 =	smul.u32 $0xF7A, s1;
	s8 =	simm.s32 @!p0 $0x1BF5;
	p2 =	por !p2, p0  }
0x20: {  	[sflag:s8] =	ssyncset.s32 @!p0 $0xFFFFF086;
	s6 =	sadd.s32 @!p0 s3, s7;
	s7 =	simm.s32 @!p0 $0x108  }
0x21: {  	s3 =	sadd.s32 s3, s9;
	s6 =	sadd.s32 @!p0 $0x88, s6;
	s7 =	simm.s32 @p2 $0x1082  }
0x22: {  	[simem:s7], [sflag:s8] =	dma.local @!p0 [hbm:s6], $0xF7A  }
0x23: {  	s9 =	sor.u32 $0xD0000000, s2;
	s6 =	simm.s32 $0x108;
	_ =	swait.ge @!p0 [sflag:s8], $0x0  }
0x24: {  	s3 =	sadd.s32 $0x88, s3;
	s6 =	simm.s32 @!p1 $0x1082;
	[sflag:s4] =	ssyncset.s32 $0xFFFFF086  }
0x25: {  	[simem:s6], [sflag:s4] =	dma.local [hbm:s3], $0xF7A  }
0x26: {  	[smem:$0x3F9B] =	sst s1;
	(tag) =	ssettag s2;
	_ =	strace s9  }
0x27: {  	s1 =	sld [smem:$0x3FAB]  }
0x28: {  	s2 =	sld [smem:$0x3FAC]  }
0x29: {  	s4 =	sld [smem:$0x3FAE]  }
0x2a: {  	p0 =	seq.s32 s5, $0x0;
	s5 =	sld [smem:$0x3FAF]  }
0x2b: {  	s6 =	sld [smem:$0x3FB0]  }
0x2c: {  	s7 =	sld [smem:$0x3FB1]  }
0x2d: {  	s3 =	simm.s32 $0x108;
	s8 =	sld [smem:$0x3FB2]  }
0x2e: {  	s3 =	simm.s32 @!p0 $0x1082;
	s9 =	sld [smem:$0x3FB3]  }
0x2f: {  	lr =	sadd.s32 s0, s3;
	s0 =	sld [smem:$0x3FAA]  }
0x30: {  	s3 =	sld [smem:$0x3FAD]  }
0x31: {  	[smem:$0x3FB6] =	sst s10  }
0x32: {  	s10 =	sld [smem:$0x3FB4];
	_ =	sdelay $0x3  }
0x33: {  	p0 =	seq.s32 s10, $0x1;
	s10 =	sld [smem:$0x3FB6];
	_ =	sdelay $0x3  }
0x34: {  	[smem:$0x3FB6] =	sst s10  }
0x35: {  	s10 =	sld [smem:$0x3FB5];
	_ =	sdelay $0x3  }
0x36: {  	p1 =	seq.s32 s10, $0x1;
	s10 =	sld [smem:$0x3FB6];
	_ =	sdelay $0x3  }
0x37: {  	[smem:$0x3FB6] =	sst s10  }
0x38: {  	s10 =	sld [smem:$0x3FB7]  }
0x39: {  	_ = 	snop;
	(pc) =	sbr.ind lr, $3  }
0x3a: {  	_ = 	snop  }
0x3b: {  	_ = 	snop  }
0x3c: {  	p2 =	seq.s32 s10, $0x1;
	s10 =	sld [smem:$0x3FB6]  }
0x3d: {  	_ =	shalt  }
0x3e: {  	_ =	shalt  }
0x3f: {  	_ =	shalt  }
0x40: {  	_ =	shalt  }
0x41: {  	_ =	shalt  }
0x42: {  	_ =	shalt  }
0x43: {  	_ =	shalt  }
0x44: {  	_ =	shalt  }
0x45: {  	_ =	shalt  }
0x46: {  	_ =	shalt  }
0x47: {  	_ =	shalt  }
0x48: {  	_ =	shalt  }
0x49: {  	_ =	shalt  }
0x4a: {  	_ =	shalt  }
0x4b: {  	_ =	shalt  }
0x4c: {  	_ =	shalt  }
0x4d: {  	_ =	shalt  }
0x4e: {  	_ =	shalt  }
0x4f: {  	_ =	shalt  }
0x50: {  	_ =	shalt  }
0x51: {  	_ =	shalt  }
0x52: {  	_ =	shalt  }
0x53: {  	_ =	shalt  }
0x54: {  	_ =	shalt  }
0x55: {  	_ =	shalt  }
0x56: {  	_ =	shalt  }
0x57: {  	_ =	shalt  }
0x58: {  	_ =	shalt  }
0x59: {  	_ =	shalt  }
0x5a: {  	_ =	shalt  }
0x5b: {  	_ =	shalt  }
0x5c: {  	_ =	shalt  }
0x5d: {  	_ =	shalt  }
0x5e: {  	_ =	shalt  }
0x5f: {  	_ =	shalt  }
0x60: {  	_ =	shalt  }
0x61: {  	_ =	shalt  }
0x62: {  	_ =	shalt  }
0x63: {  	_ =	shalt  }
0x64: {  	_ =	shalt  }
0x65: {  	_ =	shalt  }
0x66: {  	_ =	shalt  }
0x67: {  	_ =	shalt  }
0x68: {  	_ =	shalt  }
0x69: {  	_ =	shalt  }
0x6a: {  	_ =	shalt  }
0x6b: {  	_ =	shalt  }
0x6c: {  	_ =	shalt  }
0x6d: {  	_ =	shalt  }
0x6e: {  	_ =	shalt  }
0x6f: {  	_ =	shalt  }
0x70: {  	_ =	shalt  }
0x71: {  	_ =	shalt  }
0x72: {  	_ =	shalt  }
0x73: {  	_ =	shalt  }
0x74: {  	_ =	shalt  }
0x75: {  	_ =	shalt  }
0x76: {  	_ =	shalt  }
0x77: {  	_ =	shalt  }
0x78: {  	_ =	shalt  }
0x79: {  	_ =	shalt  }
0x7a: {  	_ =	shalt  }
0x7b: {  	_ =	shalt  }
0x7c: {  	_ =	shalt  }
0x7d: {  	_ =	shalt  }
0x7e: {  	_ =	shalt  }
0x7f: {  	_ =	shalt  }
0x80: {  	_ =	shalt  }
0x81: {  	_ =	shalt  }
0x82: {  	_ =	shalt  }
0x83: {  	_ =	shalt  }
0x84: {  	_ =	shalt  }
0x85: {  	_ =	shalt  }
0x86: {  	_ =	shalt  }
0x87: {  	_ =	shalt  }
.Lfunc_end0:
.L_simem_size_0:
called_computation_lowered:
.L_overlay_start_0:
0x88: {  	s2 =	sld [smem:$0x3FD9]  }
0x89: {  	s3 =	sld [smem:$0x3FFE];
	_ =	sdelay $0x1  }
0x8a: {  	s1 =	srdreg.scid  }
0x8b: {  	s0 =	sand.u32 $0x1, s1  }
0x8c: {  	s17 =	sshll.u32 s0, $0xA;
	s2 =	sadd.s32 s3, s2  }
0x8d: {  	s2 =	sadd.s32 s2, s17  }
0x8e: {  	[smem:$0x3FC2] =	sst s2  }
0x8f: {  	_ = 	snop  }
0x90: {  	s2 =	sld [smem:$0x3FC8]  }
0x91: {  	s18 =	sld [smem:$0x3FD0];
	(tm) =	ssettm $0x1  }
0x92: {  	s4 =	sld [smem:$0x3FFB];
	_ =	sdelay $0x3  }
0x93: {  	_ =	strace s4  }
0x94: {  	s4 =	sld [smem:$0x3FFC];
	_ =	sdelay $0x3  }
0x95: {  	_ =	strace s4  }
0x96: {  	s4 =	sld [smem:$0x3FFD];
	_ =	sdelay $0x3  }
0x97: {  	_ =	strace s4  }
0x98: {  	_ =	strace $0x8FFFFFFF  }
0x99: {  	s19 =	sld [smem:$0x3FDB];
	_ =	sdelay $0x1  }
0x9a: {  	s5 =	simm.s32 $_scs_section_size  }
0x9b: {  	s6 =	simm.s32 $_size__tile_overlayer_lowered;
	s7 =	simm.s32 $_tile_overlayer_lowered  }
0x9c: {  	s22 =	simm.s32 $0x1BFF;
	s21 =	sshll.u32 s7, $0x1;
	s4 =	sadd.s32 s5, s19  }
0x9d: {  	s8 =	simm.s32 $0x0;
	s20 =	sshll.u32 s6, $0x1;
	s6 =	sadd.s32 s21, s4  }
0x9e: {  	[timem:s8], [sflag:s22] =	dma.local [hbm:s6], s20  }
0x9f: {  	_ =	swait.ge [sflag:s22], s20  }
0xa0: {  	s5 =	ssub.s32 $0x0, s20;
	[sflag:s22] =	ssyncset.done $0x0  }
0xa1: {  	[sflag:s22] =	ssyncadd.s32 s5;
	_ =	sdelay $0x1  }
0xa2: {  	s23 =	simm.s32 $0x1B8B  }
0xa3: {  	_ =	swait.ge [sflag:s23], $0x1  }
0xa4: {  	[sflag:s23] =	ssyncset.done $0x0  }
0xa5: {  	s25 =	simm.s32 $0x1B8E;
	s24 =	sld [smem:$0x3FFE];
	[sflag:s23] =	ssyncadd.s32 $0xFFFFFFFF  }
0xa6: {  	s26 =	simm.s32 $execute0_lowered;
	[smem:$0x3FD2] =	sst s25  }
0xa7: {  	s6 =	sshll.u32 s26, $0x1;
	_ =	strace $0x80000046;
	[dreg:$0x1] =	wrdreg $0xFFFFFFFF  }
0xa8: {  	s28 =	simm.s32 $_size_execute0_lowered;
	s4 =	sadd.s32 s4, s6;
	[dreg:$0x0] =	wrdreg $0x0  }
0xa9: {  	s6 =	sshll.u32 s28, $0x1;
	[dreg:$0x2] =	wrdreg s4  }
0xaa: {  	[dreg:$0x3] =	wrdreg s6  }
0xab: {  	[dreg:$0x4] =	wrdreg $0xC0  }
0xac: {  	_ =	task [dreg:s8], $0x5FFFF  }
0xad: {  	[dreg:$0x1] =	wrdreg $0xFFFFFFFF  }
0xae: {  	[dreg:$0x0] =	wrdreg $0x60  }
0xaf: {  	[dreg:$0x2] =	wrdreg s2  }
0xb0: {  	[dreg:$0x3] =	wrdreg s18  }
0xb1: {  	[dreg:$0x4] =	wrdreg s24  }
0xb2: {  	[dreg:$0x5] =	wrdreg $0x9  }
0xb3: {  	_ =	task.clear_ibuf [dreg:s8], $0x6FFFF;
	_ =	strace $0x90000046  }
0xb4: {  	s29 =	simm.s32 $0x9;
	_ =	strace $0x80000048  }
0xb5: {  	_ =	swait.ge [sflag:s29], $0x1  }
0xb6: {  	[sflag:s29] =	ssyncadd.s32 $0xFFFFFFFF  }
0xb7: {  	_ =	strace $0x90000048  }
0xb8: {  	_ =	sfence  }
0xb9: {  	s30 =	sld [smem:$0x0];
	_ =	sdelay $0x2  }
0xba: {  	s31 =	sshll.u32 s1, $0xD;
	s1 =	sshrl.u32 s1, $0x2  }
0xbb: {  	s3 =	sand.u32 $0x4000, s31;
	s1 =	sadd.s32 s1, s30  }
0xbc: {  	s0 =	sor.u32 s3, s0;
	s1 =	sshll.u32 s1, $0x11  }
0xbd: {  	s0 =	sor.u32 s1, s0  }
0xbe: {  	s0 =	sadd.s32 $0x8F2B, s0  }
0xbf: {  	[sflag:s0] =	ssyncadd.remote.s32 $0x1  }
0xc0: {  	_ =	sfence.sel $0xFFFF  }
0xc1: {  	[dreg:$0x0] =	wrdreg $0xFFFFFFFF;
	(pc) =	sbr.abs _section_cstart, $3  }
0xc2: {  	[dreg:$0x1] =	wrdreg $0xFFFFFFFF  }
0xc3: {  	_ =	task.clear_ibuf [dreg:s8], $0x2FFFF;
	_ =	strace $0x9FFFFFFF  }
0xc4: {  	(tm) =	ssettm $0x7FFFFFFF  }
0xc5: {  	_ =	shalt  }
tec
execute0_lowered:
.L_overlay_start_1:
0x0: {  	(tag) =	ssettag $0x1  }
0x1: {  	s0 =	rddreg [dreg:$0x0];
	s1 =	srdreg.scid  }
0x2: {  	s3 =	stileid.u32;
	s2 =	rddreg [dreg:$0x2];
	s11 =	simm.s32 $0x1  }
0x3: {  	s12 =	simm.s32 $0x8000;
	s13 =	simm.s32 $0x2;
	s14 =	simm.s32 $0xC000  }
0x4: {  	s1 =	sand.u32 $0x1, s1;
	s4 =	sshll.u32 s3, $0x1;
	s3 =	simm.s32 $0x0  }
0x5: {  	v0 =	vlaneseq.u32;
	s7 =	sor.u32 s1, s4;
	[smem:$0x7FF] =	sst s3;
	s1 =	ssub.s32 $0x2, s1  }
0x6: {  	v0 =	vmul.u32 $0x10, v0;
	s4 =	sshll.u32 s7, $0xB;
	_ =	strace $0x80000047;
	s29 =	sshrl.u32 s1, $0x1  }
0x7: {  	s8 =	ssub.s32 $0xA0A, s7;
	s5 =	sshll.u32 s7, $0xA;
	p2 =	sne.s32 s7, $0x1F  }
.Ltmp0:
0x8: {  	v1 =	vor.u32 $0x1, v0;
	v2 =	vor.u32 $0x2, v0;
	v3 =	vor.u32 $0x3, v0;
	s6 =	sadd.s32 s4, s2;
	s1 =	ssub.s32 s1, s29;
	(pc) =	sbr.rel .LBB2_1-.Ltmp0, $4  }
0x9: {  	v4 =	vor.u32 $0x4, v0;
	v5 =	vor.u32 $0x5, v0;
	v6 =	vor.u32 $0x6, v0;
	s4 =	sshrl.u32 s8, $0x5;
	s5 =	sadd.s32 s0, s5;
	s30 =	sand.u32 $0x20, s8  }
0xa: {  	v7 =	vor.u32 $0x7, v0;
	v8 =	vor.u32 $0x8, v0;
	v9 =	vor.u32 $0x9, v0;
	s2 =	sadd.s32 $0x4F6800, s2;
	s6 =	sadd.s32 $0x1000, s6;
	s31 =	sand.u32 $0x1, s4  }
0xb: {  	v10 =	vor.u32 $0xA, v0;
	v11 =	vor.u32 $0xB, v0;
	v12 =	vor.u32 $0xC, v0;
	[dreg:$0x4] =	wrdreg s2;
	s1 =	smax.u32 s1, $0x1;
	p1 =	sne.s32 s30, $0x0  }
0xc: {  	v13 =	vor.u32 $0xD, v0;
	v14 =	vor.u32 $0xE, v0;
	v15 =	vor.u32 $0xF, v0;
	p0 =	seq.s32 s31, $0x1;
	[dreg:$0x5] =	wrdreg s1;
	s1 =	simm.s32 $0x0  }
.LBB2_71:
0xd: {  	s0 =	simm.s32 @!p1 $0x3  }
0xe: {  	_ =	swait.ge @!p1 [sflag:s0], $0x4000  }
0xf: {  	[sflag:s0] =	ssyncset.done @!p1 $0x0  }
0x10: {  	[sflag:s0] =	ssyncadd.s32 @!p1 $0xFFFFC000;
	s0 =	simm.s32 @p0 $0x3  }
0x11: {  	_ =	swait.ge @p0 [sflag:s0], $0x4000  }
0x12: {  	[sflag:s0] =	ssyncset.done @p0 $0x0  }
0x13: {  	[sflag:s0] =	ssyncadd.s32 @p0 $0xFFFFC000;
	s0 =	simm.s32 @p0 $0x4  }
0x14: {  	_ =	swait.ge @p0 [sflag:s0], $0x4000  }
0x15: {  	[sflag:s0] =	ssyncset.done @p0 $0x0  }
0x16: {  	[sflag:s0] =	ssyncadd.s32 @p0 $0xFFFFC000;
	s0 =	simm.s32 @!p1 $0x4  }
0x17: {  	_ =	swait.ge @!p1 [sflag:s0], $0x4000  }
0x18: {  	[sflag:s0] =	ssyncset.done @!p1 $0x0  }
0x19: {  	[sflag:s0] =	ssyncadd.s32 @!p1 $0xFFFFC000  }
0x1a: {  	s1 =	simm.s32 @!p2 $0x10000;
	s0 =	simm.s32 @!p2 $0x0;
	s2 =	rddreg [dreg:$0x1]  }
0x1b: {  	[tilespmem:s1], [sflag:$0x1] =	stream.linear.gather @!p2 [hbm4b:s2+s0], $0x400, $0x38;
	[tilespmem:$0x10400] =	vst v63  }
0x1c: {  	s2 =	simm.s32 @!p2 $0x1  }
0x1d: {  	_ =	swait.ge @!p2 [sflag:s2], $0x400  }
0x1e: {  	[sflag:s2] =	ssyncset.done @!p2 $0x0  }
0x1f: {  	s7 =	rddreg [dreg:$0x4];
	[sflag:s2] =	ssyncadd.s32 @!p2 $0xFFFFFC00  }
0x20: {  	[hbm4b:s7+s0] =	stream.linear.scatter @!p2 [tilespmem:s1], [sflag:$0x1], $0x400, $0x38;
	[tilespmem:$0x10400] =	vst v63  }
0x21: {  	_ =	swait.ge @!p2 [sflag:s2], $0x400  }
0x22: {  	s30 =	rddreg [dreg:$0x6]  }
0x23: {  	s31 =	rddreg [dreg:$0x5];
	s1 =	sadd.s32 $0x1, s30  }
0x24: {  	p3 =	sne.s32 s1, s31  }
.Ltmp1:
0x25: {  	_ = 	snop;
	(pc) =	sbr.rel @!p3 .LBB2_72-.Ltmp1, $3  }
0x26: {  	_ =	sdelay $0x1  }
0x27: {  	[sflag:s2] =	ssyncset.done @!p2 $0x0  }
0x28: {  	[sflag:s2] =	ssyncadd.s32 @!p2 $0xFFFFFC00  }
.LBB2_1:
.Ltmp2:
0x29: {  	(pc) =	sbr.rel .LBB2_2-.Ltmp2, $4  }
0x2a: {  	_ = 	snop  }
0x2b: {  	[dreg:$0x6] =	wrdreg s1  }
0x2c: {  	s0 =	simm.s32 $0x2000;
	s31 =	simm.s32 $0x13D6400;
	s16 =	simm.s32 $0x0  }
0x2d: {  	[tilespmem:s3], [sflag:$0x1] =	stream.strided.gather [hbm4b:s5+s0], $0x4000, s31, s0, $0x38;
	[tilespmem:$0x10400] =	vst v63  }
.LBB2_70:
0x2e: {  	s16 =	sadd.s32 $0x1, s16  }
0x2f: {  	p3 =	sne.s32 s16, $0x29  }
.Ltmp3:
0x30: {  	_ = 	snop;
	(pc) =	sbr.rel @!p3 .LBB2_71-.Ltmp3, $1  }
0x31: {  	_ =	sdelay $0x3  }
.LBB2_2:
0x32: {  	s18 =	sshll.u32 s16, $0x1  }
0x33: {  	p3 =	slt.u32 s18, s4  }
.Ltmp4:
0x34: {  	_ = 	snop;
	(pc) =	sbr.rel @!p3 .LBB2_36-.Ltmp4, $2  }
0x35: {  	_ =	sdelay $0x2  }
0x36: {  	s17 =	sor.u32 $0x1, s18  }
0x37: {  	s17 =	sor.u32 $0x1, s18;
	_ =	swait.ge [sflag:s11], $0x4000  }
0x38: {  	p3 =	sge.u32 s17, s4;
	[sflag:s11] =	ssyncset.done $0x0  }
0x39: {  	s0 =	sshll.u32 @!p3 s17, $0xF;
	[sflag:s11] =	ssyncadd.s32 $0xFFFFC000;
	s1 =	simm.s32 @!p3 $0x2000  }
0x3a: {  	s2 =	simm.s32 @!p3 $0x13D6400;
	s7 =	simm.s32 @!p3 $0x4000;
	s0 =	sadd.s32 @!p3 s0, s5  }
0x3b: {  	[tilespmem:s7], [sflag:$0x2] =	stream.strided.gather @!p3 [hbm4b:s0+s1], $0x4000, s2, s1, $0x38;
	[tilespmem:$0x10400] =	vst v63  }
0x3c: {  	p3 =	seq.s32 s16, $0x0  }
0x3d: {  	s0 =	simm.s32 @!p3 $0x3  }
0x3e: {  	s25 =	simm.s32 $0x0;
	s26 =	simm.s32 $0x0;
	_ =	swait.ge @!p3 [sflag:s0], $0x4000  }
0x3f: {  	s2 =	sand.u32 $0x40, s26;
	s1 =	sand.u32 $0x1C00, s25;
	[sflag:s0] =	ssyncset.done @!p3 $0x0  }
0x40: {  	s21 =	simm.s32 $0x0;
	s20 =	sor.u32 s2, s1;
	[sflag:s0] =	ssyncadd.s32 @!p3 $0xFFFFC000  }
0x41: {  	v17 =	vor.u32 s21, v0;
	v16 =	vld [tilespmem:s20+$0x0];
	_ =	sdelay $0x2  }
0x42: {  	s29 =	simm.s32 $0x10  }
0x43: {  	s0 =	sand.u32 $0x50, s29  }
0x44: {  	s23 =	simm.s32 $0x100;
	s22 =	sor.u32 s0, s1;
	[tilespmem:v17+s12+$0x0] =	vst.idx.msk $0xffff, v16  }
0x45: {  	v17 =	vor.u32 s23, v0;
	v16 =	vld [tilespmem:s22+$0x0];
	_ =	sdelay $0x2  }
0x46: {  	s30 =	simm.s32 $0x20  }
0x47: {  	s0 =	sand.u32 $0x60, s30  }
0x48: {  	s26 =	simm.s32 $0x200;
	s25 =	sor.u32 s0, s1;
	[tilespmem:v17+s12+$0x0] =	vst.idx.msk $0xffff, v16  }
0x49: {  	v17 =	vor.u32 s26, v0;
	v16 =	vld [tilespmem:s25+$0x0];
	_ =	sdelay $0x2  }
0x4a: {  	s31 =	simm.s32 $0x30  }
0x4b: {  	s0 =	sand.u32 $0x70, s31  }
0x4c: {  	s24 =	simm.s32 $0x300;
	s28 =	sor.u32 s0, s1;
	[tilespmem:v17+s12+$0x0] =	vst.idx.msk $0xffff, v16  }
0x4d: {  	v17 =	vor.u32 s24, v0;
	v16 =	vld [tilespmem:s28+$0x0];
	_ =	sdelay $0x1  }
0x4e: {  	s19 =	simm.s32 $0x700;
	s9 =	simm.s32 $0xB00;
	s7 =	simm.s32 $0x40  }
0x4f: {  	s2 =	simm.s32 $0x200;
	s1 =	simm.s32 $0x70;
	s0 =	simm.s32 $0x700  }
.LBB2_4:
0x50: {  	p3 =	sne.s32 s9, $0x3F00;
	s7 =	sand.u32 $0x40, s7;
	s10 =	sand.u32 $0x1C00, s2  }
0x51: {  	s29 =	sadd.s32 $0xFFFFFD00, s0;
	s7 =	sor.u32 s7, s10;
	[tilespmem:v17+s12+$0x0] =	vst.idx.msk $0xffff, v16  }
0x52: {  	v17 =	vor.u32 s29, v0;
	v16 =	vld [tilespmem:s7+$0x0];
	_ =	sdelay $0x2  }
0x53: {  	s7 =	sadd.s32 $0xFFFFFFE0, s1  }
0x54: {  	s7 =	sand.u32 $0x50, s7  }
0x55: {  	s29 =	sadd.s32 $0xFFFFFE00, s0;
	s7 =	sor.u32 s7, s10;
	[tilespmem:v17+s12+$0x0] =	vst.idx.msk $0xffff, v16  }
0x56: {  	v17 =	vor.u32 s29, v0;
	v16 =	vld [tilespmem:s7+$0x0];
	_ =	sdelay $0x2  }
0x57: {  	s7 =	sadd.s32 $0xFFFFFFF0, s1  }
0x58: {  	s7 =	sand.u32 $0x60, s7  }
0x59: {  	s29 =	sadd.s32 $0xFFFFFF00, s0;
	s7 =	sor.u32 s7, s10;
	[tilespmem:v17+s12+$0x0] =	vst.idx.msk $0xffff, v16  }
0x5a: {  	v17 =	vor.u32 s29, v0;
	v16 =	vld [tilespmem:s7+$0x0];
	_ =	sdelay $0x3  }
0x5b: {  	s7 =	sand.u32 $0x70, s1  }
.Ltmp5:
0x5c: {  	s7 =	sor.u32 s7, s10;
	[tilespmem:v17+s12+$0x0] =	vst.idx.msk $0xffff, v16;
	(pc) =	sbr.rel @p3 .LBB2_4-.Ltmp5, $3  }
0x5d: {  	v17 =	vor.u32 s0, v0;
	s0 =	smov.u32 s9;
	v16 =	vld [tilespmem:s7+$0x0];
	_ =	sdelay $0x1  }
0x5e: {  	s1 =	sadd.s32 $0x40, s1  }
0x5f: {  	s2 =	sadd.s32 $0x200, s2;
	s9 =	sadd.s32 $0x400, s9;
	s7 =	sadd.s32 $0xFFFFFFD0, s1  }
0x60: {  	_ =	sdelay $0x2  }
0x61: {  	s7 =	sand.u32 $0x40, s7;
	s2 =	sand.u32 $0x1C00, s2  }
0x62: {  	s9 =	sadd.s32 $0xFFFFFD00, s0;
	s7 =	sor.u32 s7, s2;
	[tilespmem:v17+s12+$0x0] =	vst.idx.msk $0xffff, v16  }
0x63: {  	v17 =	vor.u32 s9, v0;
	v16 =	vld [tilespmem:s7+$0x0];
	_ =	sdelay $0x2  }
0x64: {  	s10 =	sadd.s32 $0xFFFFFFE0, s1  }
0x65: {  	s7 =	sand.u32 $0x50, s10  }
0x66: {  	s15 =	sadd.s32 $0xFFFFFE00, s0;
	s7 =	sor.u32 s7, s2;
	[tilespmem:v17+s12+$0x0] =	vst.idx.msk $0xffff, v16  }
0x67: {  	v17 =	vor.u32 s15, v0;
	v16 =	vld [tilespmem:s7+$0x0];
	_ =	sdelay $0x2  }
0x68: {  	s29 =	sadd.s32 $0xFFFFFFF0, s1  }
0x69: {  	s7 =	sand.u32 $0x60, s29  }
0x6a: {  	s30 =	sadd.s32 $0xFFFFFF00, s0;
	s7 =	sor.u32 s7, s2;
	[tilespmem:v17+s12+$0x0] =	vst.idx.msk $0xffff, v16  }
0x6b: {  	v17 =	vor.u32 s30, v0;
	v16 =	vld [tilespmem:s7+$0x0];
	_ =	sdelay $0x3  }
0x6c: {  	s31 =	sand.u32 $0x70, s1  }
0x6d: {  	s1 =	sor.u32 s31, s2;
	[tilespmem:v17+s12+$0x0] =	vst.idx.msk $0xffff, v16  }
0x6e: {  	v17 =	vor.u32 s0, v0;
	v16 =	vld [tilespmem:s1+$0x0];
	_ =	sdelay $0x4  }
0x6f: {  	[tilespmem:v17+s12+$0x0] =	vst.idx.msk $0xffff, v16  }
0x70: {  	v17 =	vor.u32 s21, v1;
	v16 =	vld [tilespmem:s20+$0x80];
	_ =	sdelay $0x4  }
0x71: {  	[tilespmem:v17+s12+$0x0] =	vst.idx.msk $0xffff, v16  }
0x72: {  	v17 =	vor.u32 s23, v1;
	v16 =	vld [tilespmem:s22+$0x80];
	_ =	sdelay $0x4  }
0x73: {  	[tilespmem:v17+s12+$0x0] =	vst.idx.msk $0xffff, v16  }
0x74: {  	v17 =	vor.u32 s26, v1;
	v16 =	vld [tilespmem:s25+$0x80];
	_ =	sdelay $0x4  }
0x75: {  	[tilespmem:v17+s12+$0x0] =	vst.idx.msk $0xffff, v16  }
0x76: {  	v17 =	vor.u32 s24, v1;
	v16 =	vld [tilespmem:s28+$0x80];
	_ =	sdelay $0x1  }
0x77: {  	s2 =	simm.s32 $0xB00  }
0x78: {  	s7 =	simm.s32 $0x40;
	s0 =	simm.s32 $0x200;
	s1 =	simm.s32 $0x70  }
.LBB2_6:
0x79: {  	p3 =	sne.s32 s2, $0x3F00;
	s7 =	sand.u32 $0x40, s7;
	s9 =	sand.u32 $0x1C00, s0  }
0x7a: {  	s10 =	sadd.s32 $0xFFFFFD00, s19;
	s7 =	sor.u32 s7, s9;
	[tilespmem:v17+s12+$0x0] =	vst.idx.msk $0xffff, v16  }
0x7b: {  	v17 =	vor.u32 s10, v1;
	v16 =	vld [tilespmem:s7+$0x80];
	_ =	sdelay $0x2  }
0x7c: {  	s7 =	sadd.s32 $0xFFFFFFE0, s1  }
0x7d: {  	s7 =	sand.u32 $0x50, s7  }
0x7e: {  	s10 =	sadd.s32 $0xFFFFFE00, s19;
	s7 =	sor.u32 s7, s9;
	[tilespmem:v17+s12+$0x0] =	vst.idx.msk $0xffff, v16  }
0x7f: {  	v17 =	vor.u32 s10, v1;
	v16 =	vld [tilespmem:s7+$0x80];
	_ =	sdelay $0x2  }
0x80: {  	s7 =	sadd.s32 $0xFFFFFFF0, s1  }
0x81: {  	s7 =	sand.u32 $0x60, s7  }
0x82: {  	s10 =	sadd.s32 $0xFFFFFF00, s19;
	s7 =	sor.u32 s7, s9;
	[tilespmem:v17+s12+$0x0] =	vst.idx.msk $0xffff, v16  }
0x83: {  	v17 =	vor.u32 s10, v1;
	v16 =	vld [tilespmem:s7+$0x80];
	_ =	sdelay $0x3  }
0x84: {  	s7 =	sand.u32 $0x70, s1  }
.Ltmp6:
0x85: {  	s7 =	sor.u32 s7, s9;
	[tilespmem:v17+s12+$0x0] =	vst.idx.msk $0xffff, v16;
	(pc) =	sbr.rel @p3 .LBB2_6-.Ltmp6, $3  }
0x86: {  	v17 =	vor.u32 s19, v1;
	s19 =	smov.u32 s2;
	v16 =	vld [tilespmem:s7+$0x80];
	_ =	sdelay $0x1  }
0x87: {  	s1 =	sadd.s32 $0x40, s1  }
0x88: {  	s0 =	sadd.s32 $0x200, s0;
	s2 =	sadd.s32 $0x400, s2;
	s7 =	sadd.s32 $0xFFFFFFD0, s1  }
0x89: {  	_ =	sdelay $0x2  }
0x8a: {  	s2 =	sand.u32 $0x40, s7;
	s0 =	sand.u32 $0x1C00, s0  }
0x8b: {  	s15 =	sadd.s32 $0xFFFFFD00, s19;
	s2 =	sor.u32 s2, s0;
	[tilespmem:v17+s12+$0x0] =	vst.idx.msk $0xffff, v16  }
0x8c: {  	v17 =	vor.u32 s15, v1;
	v16 =	vld [tilespmem:s2+$0x80];
	_ =	sdelay $0x2  }
0x8d: {  	s20 =	sadd.s32 $0xFFFFFFE0, s1  }
0x8e: {  	s2 =	sand.u32 $0x50, s20  }
0x8f: {  	s21 =	sadd.s32 $0xFFFFFE00, s19;
	s2 =	sor.u32 s2, s0;
	[tilespmem:v17+s12+$0x0] =	vst.idx.msk $0xffff, v16  }
0x90: {  	v17 =	vor.u32 s21, v1;
	v16 =	vld [tilespmem:s2+$0x80];
	_ =	sdelay $0x2  }
0x91: {  	s22 =	sadd.s32 $0xFFFFFFF0, s1  }
0x92: {  	s2 =	sand.u32 $0x60, s22  }
0x93: {  	s23 =	sadd.s32 $0xFFFFFF00, s19;
	s2 =	sor.u32 s2, s0;
	[tilespmem:v17+s12+$0x0] =	vst.idx.msk $0xffff, v16  }
0x94: {  	v17 =	vor.u32 s23, v1;
	v16 =	vld [tilespmem:s2+$0x80];
	_ =	sdelay $0x3  }
0x95: {  	s24 =	sand.u32 $0x70, s1  }
0x96: {  	s0 =	sor.u32 s24, s0;
	[tilespmem:v17+s12+$0x0] =	vst.idx.msk $0xffff, v16  }
0x97: {  	v17 =	vor.u32 s19, v1;
	v16 =	vld [tilespmem:s0+$0x80];
	_ =	sdelay $0x2  }
0x98: {  	s25 =	simm.s32 $0x0;
	s26 =	simm.s32 $0x0  }
0x99: {  	s1 =	sand.u32 $0x40, s26;
	s0 =	sand.u32 $0x1C00, s25  }
0x9a: {  	s21 =	simm.s32 $0x0;
	s20 =	sor.u32 s1, s0;
	[tilespmem:v17+s12+$0x0] =	vst.idx.msk $0xffff, v16  }
0x9b: {  	v17 =	vor.u32 s21, v2;
	v16 =	vld [tilespmem:s20+$0x100];
	_ =	sdelay $0x2  }
0x9c: {  	s29 =	simm.s32 $0x10  }
0x9d: {  	s1 =	sand.u32 $0x50, s29  }
0x9e: {  	s23 =	simm.s32 $0x100;
	s22 =	sor.u32 s1, s0;
	[tilespmem:v17+s12+$0x0] =	vst.idx.msk $0xffff, v16  }
0x9f: {  	v17 =	vor.u32 s23, v2;
	v16 =	vld [tilespmem:s22+$0x100];
	_ =	sdelay $0x2  }
0xa0: {  	s30 =	simm.s32 $0x20  }
0xa1: {  	s1 =	sand.u32 $0x60, s30  }
0xa2: {  	s26 =	simm.s32 $0x200;
	s25 =	sor.u32 s1, s0;
	[tilespmem:v17+s12+$0x0] =	vst.idx.msk $0xffff, v16  }
0xa3: {  	v17 =	vor.u32 s26, v2;
	v16 =	vld [tilespmem:s25+$0x100];
	_ =	sdelay $0x2  }
0xa4: {  	s31 =	simm.s32 $0x30  }
0xa5: {  	s1 =	sand.u32 $0x70, s31  }
0xa6: {  	s24 =	simm.s32 $0x300;
	s28 =	sor.u32 s1, s0;
	[tilespmem:v17+s12+$0x0] =	vst.idx.msk $0xffff, v16  }
0xa7: {  	v17 =	vor.u32 s24, v2;
	v16 =	vld [tilespmem:s28+$0x100];
	_ =	sdelay $0x1  }
0xa8: {  	s7 =	simm.s32 $0x40;
	s9 =	simm.s32 $0xB00;
	s2 =	simm.s32 $0x200  }
0xa9: {  	s19 =	simm.s32 $0x700;
	s1 =	simm.s32 $0x70;
	s0 =	simm.s32 $0x700  }
.LBB2_8:
0xaa: {  	p3 =	sne.s32 s9, $0x3F00;
	s7 =	sand.u32 $0x40, s7;
	s10 =	sand.u32 $0x1C00, s2  }
0xab: {  	s29 =	sadd.s32 $0xFFFFFD00, s0;
	s7 =	sor.u32 s7, s10;
	[tilespmem:v17+s12+$0x0] =	vst.idx.msk $0xffff, v16  }
0xac: {  	v17 =	vor.u32 s29, v2;
	v16 =	vld [tilespmem:s7+$0x100];
	_ =	sdelay $0x2  }
0xad: {  	s7 =	sadd.s32 $0xFFFFFFE0, s1  }
0xae: {  	s7 =	sand.u32 $0x50, s7  }
0xaf: {  	s29 =	sadd.s32 $0xFFFFFE00, s0;
	s7 =	sor.u32 s7, s10;
	[tilespmem:v17+s12+$0x0] =	vst.idx.msk $0xffff, v16  }
0xb0: {  	v17 =	vor.u32 s29, v2;
	v16 =	vld [tilespmem:s7+$0x100];
	_ =	sdelay $0x2  }
0xb1: {  	s7 =	sadd.s32 $0xFFFFFFF0, s1  }
0xb2: {  	s7 =	sand.u32 $0x60, s7  }
0xb3: {  	s29 =	sadd.s32 $0xFFFFFF00, s0;
	s7 =	sor.u32 s7, s10;
	[tilespmem:v17+s12+$0x0] =	vst.idx.msk $0xffff, v16  }
0xb4: {  	v17 =	vor.u32 s29, v2;
	v16 =	vld [tilespmem:s7+$0x100];
	_ =	sdelay $0x3  }
0xb5: {  	s7 =	sand.u32 $0x70, s1  }
.Ltmp7:
0xb6: {  	s7 =	sor.u32 s7, s10;
	[tilespmem:v17+s12+$0x0] =	vst.idx.msk $0xffff, v16;
	(pc) =	sbr.rel @p3 .LBB2_8-.Ltmp7, $3  }
0xb7: {  	v17 =	vor.u32 s0, v2;
	s0 =	smov.u32 s9;
	v16 =	vld [tilespmem:s7+$0x100];
	_ =	sdelay $0x1  }
0xb8: {  	s1 =	sadd.s32 $0x40, s1  }
0xb9: {  	s2 =	sadd.s32 $0x200, s2;
	s9 =	sadd.s32 $0x400, s9;
	s7 =	sadd.s32 $0xFFFFFFD0, s1  }
0xba: {  	_ =	sdelay $0x2  }
0xbb: {  	s7 =	sand.u32 $0x40, s7;
	s2 =	sand.u32 $0x1C00, s2  }
0xbc: {  	s9 =	sadd.s32 $0xFFFFFD00, s0;
	s7 =	sor.u32 s7, s2;
	[tilespmem:v17+s12+$0x0] =	vst.idx.msk $0xffff, v16  }
0xbd: {  	v17 =	vor.u32 s9, v2;
	v16 =	vld [tilespmem:s7+$0x100];
	_ =	sdelay $0x2  }
0xbe: {  	s10 =	sadd.s32 $0xFFFFFFE0, s1  }
0xbf: {  	s7 =	sand.u32 $0x50, s10  }
0xc0: {  	s15 =	sadd.s32 $0xFFFFFE00, s0;
	s7 =	sor.u32 s7, s2;
	[tilespmem:v17+s12+$0x0] =	vst.idx.msk $0xffff, v16  }
0xc1: {  	v17 =	vor.u32 s15, v2;
	v16 =	vld [tilespmem:s7+$0x100];
	_ =	sdelay $0x2  }
0xc2: {  	s29 =	sadd.s32 $0xFFFFFFF0, s1  }
0xc3: {  	s7 =	sand.u32 $0x60, s29  }
0xc4: {  	s30 =	sadd.s32 $0xFFFFFF00, s0;
	s7 =	sor.u32 s7, s2;
	[tilespmem:v17+s12+$0x0] =	vst.idx.msk $0xffff, v16  }
0xc5: {  	v17 =	vor.u32 s30, v2;
	v16 =	vld [tilespmem:s7+$0x100];
	_ =	sdelay $0x3  }
0xc6: {  	s31 =	sand.u32 $0x70, s1  }
0xc7: {  	s1 =	sor.u32 s31, s2;
	[tilespmem:v17+s12+$0x0] =	vst.idx.msk $0xffff, v16  }
0xc8: {  	v17 =	vor.u32 s0, v2;
	v16 =	vld [tilespmem:s1+$0x100];
	_ =	sdelay $0x4  }
0xc9: {  	[tilespmem:v17+s12+$0x0] =	vst.idx.msk $0xffff, v16  }
0xca: {  	v17 =	vor.u32 s21, v3;
	v16 =	vld [tilespmem:s20+$0x180];
	_ =	sdelay $0x4  }
0xcb: {  	[tilespmem:v17+s12+$0x0] =	vst.idx.msk $0xffff, v16  }
0xcc: {  	v17 =	vor.u32 s23, v3;
	v16 =	vld [tilespmem:s22+$0x180];
	_ =	sdelay $0x4  }
0xcd: {  	[tilespmem:v17+s12+$0x0] =	vst.idx.msk $0xffff, v16  }
0xce: {  	v17 =	vor.u32 s26, v3;
	v16 =	vld [tilespmem:s25+$0x180];
	_ =	sdelay $0x4  }
0xcf: {  	[tilespmem:v17+s12+$0x0] =	vst.idx.msk $0xffff, v16  }
0xd0: {  	v17 =	vor.u32 s24, v3;
	v16 =	vld [tilespmem:s28+$0x180];
	_ =	sdelay $0x1  }
0xd1: {  	s2 =	simm.s32 $0xB00  }
0xd2: {  	s7 =	simm.s32 $0x40;
	s0 =	simm.s32 $0x200;
	s1 =	simm.s32 $0x70  }
.LBB2_10:
0xd3: {  	p3 =	sne.s32 s2, $0x3F00;
	s7 =	sand.u32 $0x40, s7;
	s9 =	sand.u32 $0x1C00, s0  }
0xd4: {  	s10 =	sadd.s32 $0xFFFFFD00, s19;
	s7 =	sor.u32 s7, s9;
	[tilespmem:v17+s12+$0x0] =	vst.idx.msk $0xffff, v16  }
0xd5: {  	v17 =	vor.u32 s10, v3;
	v16 =	vld [tilespmem:s7+$0x180];
	_ =	sdelay $0x2  }
0xd6: {  	s7 =	sadd.s32 $0xFFFFFFE0, s1  }
0xd7: {  	s7 =	sand.u32 $0x50, s7  }
0xd8: {  	s10 =	sadd.s32 $0xFFFFFE00, s19;
	s7 =	sor.u32 s7, s9;
	[tilespmem:v17+s12+$0x0] =	vst.idx.msk $0xffff, v16  }
0xd9: {  	v17 =	vor.u32 s10, v3;
	v16 =	vld [tilespmem:s7+$0x180];
	_ =	sdelay $0x2  }
0xda: {  	s7 =	sadd.s32 $0xFFFFFFF0, s1  }
0xdb: {  	s7 =	sand.u32 $0x60, s7  }
0xdc: {  	s10 =	sadd.s32 $0xFFFFFF00, s19;
	s7 =	sor.u32 s7, s9;
	[tilespmem:v17+s12+$0x0] =	vst.idx.msk $0xffff, v16  }
0xdd: {  	v17 =	vor.u32 s10, v3;
	v16 =	vld [tilespmem:s7+$0x180];
	_ =	sdelay $0x3  }
0xde: {  	s7 =	sand.u32 $0x70, s1  }
.Ltmp8:
0xdf: {  	s7 =	sor.u32 s7, s9;
	[tilespmem:v17+s12+$0x0] =	vst.idx.msk $0xffff, v16;
	(pc) =	sbr.rel @p3 .LBB2_10-.Ltmp8, $3  }
0xe0: {  	v17 =	vor.u32 s19, v3;
	s19 =	smov.u32 s2;
	v16 =	vld [tilespmem:s7+$0x180];
	_ =	sdelay $0x1  }
0xe1: {  	s1 =	sadd.s32 $0x40, s1  }
0xe2: {  	s0 =	sadd.s32 $0x200, s0;
	s2 =	sadd.s32 $0x400, s2;
	s7 =	sadd.s32 $0xFFFFFFD0, s1  }
0xe3: {  	_ =	sdelay $0x2  }
0xe4: {  	s2 =	sand.u32 $0x40, s7;
	s0 =	sand.u32 $0x1C00, s0  }
0xe5: {  	s26 =	sadd.s32 $0xFFFFFD00, s19;
	s2 =	sor.u32 s2, s0;
	[tilespmem:v17+s12+$0x0] =	vst.idx.msk $0xffff, v16  }
0xe6: {  	v17 =	vor.u32 s26, v3;
	v16 =	vld [tilespmem:s2+$0x180];
	_ =	sdelay $0x2  }
0xe7: {  	s7 =	sadd.s32 $0xFFFFFFE0, s1  }
0xe8: {  	s2 =	sand.u32 $0x50, s7  }
0xe9: {  	s8 =	sadd.s32 $0xFFFFFE00, s19;
	s2 =	sor.u32 s2, s0;
	[tilespmem:v17+s12+$0x0] =	vst.idx.msk $0xffff, v16  }
0xea: {  	v17 =	vor.u32 s8, v3;
	v16 =	vld [tilespmem:s2+$0x180];
	_ =	sdelay $0x2  }
0xeb: {  	s9 =	sadd.s32 $0xFFFFFFF0, s1  }
0xec: {  	s2 =	sand.u32 $0x60, s9  }
0xed: {  	s10 =	sadd.s32 $0xFFFFFF00, s19;
	s2 =	sor.u32 s2, s0;
	[tilespmem:v17+s12+$0x0] =	vst.idx.msk $0xffff, v16  }
0xee: {  	v17 =	vor.u32 s10, v3;
	v16 =	vld [tilespmem:s2+$0x180];
	_ =	sdelay $0x3  }
0xef: {  	s15 =	sand.u32 $0x70, s1  }
0xf0: {  	s0 =	sor.u32 s15, s0;
	[tilespmem:v17+s12+$0x0] =	vst.idx.msk $0xffff, v16  }
0xf1: {  	v17 =	vor.u32 s19, v3;
	v16 =	vld [tilespmem:s0+$0x180]  }
0xf2: {  	p3 =	por $0x0, $0x0;
	s0 =	simm.s32 $0x1  }
0xf3: {  	s0 =	simm.s32 @!p3 $0x0  }
0xf4: {  	s0 =	sshll.u32 s0, $0x6  }
0xf5: {  	s22 =	sadd.s32 $0x0, s0  }
0xf6: {  	s23 =	simm.s32 $0x0;
	s0 =	sor.u32 $0x200, s22;
	[tilespmem:v17+s12+$0x0] =	vst.idx.msk $0xffff, v16  }
0xf7: {  	s20 =	simm.s32 $0x0;
	v17 =	vor.u32 s23, v4;
	v16 =	vld [tilespmem:s0+$0x0]  }
0xf8: {  	s19 =	sand.u32 $0x7, s20  }
0xf9: {  	s0 =	sshll.u32 s19, $0x4  }
0xfa: {  	s0 =	sadd.s32 $0x0, s0  }
0xfb: {  	s24 =	sadd.s32 $0x10, s0  }
0xfc: {  	s25 =	simm.s32 $0x100;
	s21 =	sor.u32 $0x200, s24;
	[tilespmem:v17+s12+$0x0] =	vst.idx.msk $0xffff, v16  }
0xfd: {  	v17 =	vor.u32 s25, v4;
	v16 =	vld [tilespmem:s21+$0x0];
	_ =	sdelay $0x1  }
0xfe: {  	s26 =	sand.u32 $0x3, s20  }
0xff: {  	s1 =	sshll.u32 s26, $0x5  }
0x100: {  	s28 =	sadd.s32 $0x20, s1  }
0x101: {  	s29 =	simm.s32 $0x200;
	s1 =	sor.u32 $0x200, s28;
	[tilespmem:v17+s12+$0x0] =	vst.idx.msk $0xffff, v16  }
0x102: {  	v17 =	vor.u32 s29, v4;
	v16 =	vld [tilespmem:s1+$0x0];
	_ =	sdelay $0x3  }
0x103: {  	p4 =	por !p3, !p3;
	s30 =	sadd.s32 $0x30, s0  }
0x104: {  	s26 =	simm.s32 $0x300;
	s7 =	simm.s32 $0x1;
	s0 =	sor.u32 $0x200, s30;
	[tilespmem:v17+s12+$0x0] =	vst.idx.msk $0xffff, v16  }
0x105: {  	s31 =	simm.s32 $0x700;
	s7 =	simm.s32 @!p4 $0x0;
	s9 =	simm.s32 $0x0;
	v17 =	vor.u32 s26, v4;
	v16 =	vld [tilespmem:s0+$0x0]  }
0x106: {  	s10 =	simm.s32 $0xB00;
	s2 =	simm.s32 $0x0;
	s19 =	simm.s32 $0x700  }
0x107: {  	s21 =	simm.s32 $0x20;
	s1 =	simm.s32 $0x20;
	s0 =	simm.s32 $0x0  }
.LBB2_12:
0x108: {  	p5 =	sne.s32 s10, $0x3F00;
	s7 =	sshll.u32 s7, $0x6;
	s9 =	sadd.s32 $0x200, s9  }
0x109: {  	s7 =	sadd.s32 s7, s9  }
0x10a: {  	s8 =	sadd.s32 $0xFFFFFD00, s31;
	s7 =	sor.u32 $0x200, s7;
	[tilespmem:v17+s12+$0x0] =	vst.idx.msk $0xffff, v16  }
0x10b: {  	s2 =	sadd.s32 $0x4, s2;
	v17 =	vor.u32 s8, v4;
	v16 =	vld [tilespmem:s7+$0x0]  }
0x10c: {  	s7 =	sand.u32 $0x7, s2  }
0x10d: {  	s7 =	sshll.u32 s7, $0x4  }
0x10e: {  	s7 =	sadd.s32 s7, s9  }
0x10f: {  	s8 =	sadd.s32 $0x10, s7  }
0x110: {  	s15 =	sadd.s32 $0xFFFFFE00, s31;
	s8 =	sor.u32 $0x200, s8;
	[tilespmem:v17+s12+$0x0] =	vst.idx.msk $0xffff, v16  }
0x111: {  	v17 =	vor.u32 s15, v4;
	v16 =	vld [tilespmem:s8+$0x0]  }
0x112: {  	s0 =	sadd.s32 $0x2, s0  }
0x113: {  	s8 =	sand.u32 $0x3, s0  }
0x114: {  	s1 =	sadd.s32 $0x200, s1;
	s8 =	sshll.u32 s8, $0x5  }
0x115: {  	s8 =	sadd.s32 s8, s1  }
0x116: {  	s15 =	sadd.s32 $0xFFFFFF00, s31;
	s8 =	sor.u32 $0x200, s8;
	[tilespmem:v17+s12+$0x0] =	vst.idx.msk $0xffff, v16  }
0x117: {  	v17 =	vor.u32 s15, v4;
	v16 =	vld [tilespmem:s8+$0x0];
	_ =	sdelay $0x3  }
.Ltmp9:
0x118: {  	s7 =	sadd.s32 $0x30, s7;
	(pc) =	sbr.rel @p5 .LBB2_12-.Ltmp9, $4  }
0x119: {  	s7 =	sor.u32 $0x200, s7;
	[tilespmem:v17+s12+$0x0] =	vst.idx.msk $0xffff, v16  }
0x11a: {  	v17 =	vor.u32 s31, v4;
	s31 =	smov.u32 s10;
	v16 =	vld [tilespmem:s7+$0x0]  }
0x11b: {  	p4 =	por !p4, !p4;
	s7 =	simm.s32 $0x1  }
0x11c: {  	s10 =	sadd.s32 $0x400, s10;
	s7 =	simm.s32 @!p4 $0x0  }
0x11d: {  	_ =	sdelay $0x1  }
0x11e: {  	s7 =	sshll.u32 s7, $0x6;
	s8 =	sadd.s32 $0x200, s9  }
0x11f: {  	s7 =	sadd.s32 s7, s8  }
0x120: {  	s15 =	sadd.s32 $0xFFFFFD00, s31;
	s7 =	sor.u32 $0x200, s7;
	[tilespmem:v17+s12+$0x0] =	vst.idx.msk $0xffff, v16  }
0x121: {  	s2 =	sadd.s32 $0x4, s2;
	v17 =	vor.u32 s15, v4;
	v16 =	vld [tilespmem:s7+$0x0]  }
0x122: {  	s2 =	sand.u32 $0x7, s2  }
0x123: {  	s2 =	sshll.u32 s2, $0x4  }
0x124: {  	s2 =	sadd.s32 s2, s8  }
0x125: {  	s8 =	sadd.s32 $0x10, s2  }
0x126: {  	s9 =	sadd.s32 $0xFFFFFE00, s31;
	s7 =	sor.u32 $0x200, s8;
	[tilespmem:v17+s12+$0x0] =	vst.idx.msk $0xffff, v16  }
0x127: {  	v17 =	vor.u32 s9, v4;
	v16 =	vld [tilespmem:s7+$0x0]  }
0x128: {  	s0 =	sadd.s32 $0x2, s0  }
0x129: {  	s0 =	sand.u32 $0x3, s0  }
0x12a: {  	s1 =	sadd.s32 $0x200, s1;
	s0 =	sshll.u32 s0, $0x5  }
0x12b: {  	s0 =	sadd.s32 s0, s1  }
0x12c: {  	s10 =	sadd.s32 $0xFFFFFF00, s31;
	s0 =	sor.u32 $0x200, s0;
	[tilespmem:v17+s12+$0x0] =	vst.idx.msk $0xffff, v16  }
0x12d: {  	v17 =	vor.u32 s10, v4;
	v16 =	vld [tilespmem:s0+$0x0];
	_ =	sdelay $0x3  }
0x12e: {  	s15 =	sadd.s32 $0x30, s2  }
0x12f: {  	s0 =	sor.u32 $0x200, s15;
	[tilespmem:v17+s12+$0x0] =	vst.idx.msk $0xffff, v16  }
0x130: {  	v17 =	vor.u32 s31, v4;
	v16 =	vld [tilespmem:s0+$0x0];
	_ =	sdelay $0x4  }
0x131: {  	s22 =	sor.u32 $0x280, s22;
	[tilespmem:v17+s12+$0x0] =	vst.idx.msk $0xffff, v16  }
0x132: {  	v17 =	vor.u32 s23, v5;
	v16 =	vld [tilespmem:s22+$0x0];
	_ =	sdelay $0x4  }
0x133: {  	s24 =	sor.u32 $0x280, s24;
	[tilespmem:v17+s12+$0x0] =	vst.idx.msk $0xffff, v16  }
0x134: {  	v17 =	vor.u32 s25, v5;
	v16 =	vld [tilespmem:s24+$0x0];
	_ =	sdelay $0x4  }
0x135: {  	s28 =	sor.u32 $0x280, s28;
	[tilespmem:v17+s12+$0x0] =	vst.idx.msk $0xffff, v16  }
0x136: {  	v17 =	vor.u32 s29, v5;
	v16 =	vld [tilespmem:s28+$0x0];
	_ =	sdelay $0x4  }
0x137: {  	s31 =	sor.u32 $0x280, s30;
	[tilespmem:v17+s12+$0x0] =	vst.idx.msk $0xffff, v16  }
0x138: {  	v17 =	vor.u32 s26, v5;
	v16 =	vld [tilespmem:s31+$0x0]  }
0x139: {  	p3 =	por !p3, !p3;
	s1 =	simm.s32 $0x0;
	s7 =	simm.s32 $0x1  }
0x13a: {  	s2 =	simm.s32 $0xB00;
	s7 =	simm.s32 @!p3 $0x0;
	s0 =	simm.s32 $0x0  }
.LBB2_14:
0x13b: {  	p4 =	sne.s32 s2, $0x3F00;
	s7 =	sshll.u32 s7, $0x6;
	s20 =	sadd.s32 $0x200, s20  }
0x13c: {  	s7 =	sadd.s32 s7, s20  }
0x13d: {  	s8 =	sadd.s32 $0xFFFFFD00, s19;
	s7 =	sor.u32 $0x280, s7;
	[tilespmem:v17+s12+$0x0] =	vst.idx.msk $0xffff, v16  }
0x13e: {  	s1 =	sadd.s32 $0x4, s1;
	v17 =	vor.u32 s8, v5;
	v16 =	vld [tilespmem:s7+$0x0]  }
0x13f: {  	s7 =	sand.u32 $0x7, s1  }
0x140: {  	s7 =	sshll.u32 s7, $0x4  }
0x141: {  	s7 =	sadd.s32 s7, s20  }
0x142: {  	s8 =	sadd.s32 $0x10, s7  }
0x143: {  	s9 =	sadd.s32 $0xFFFFFE00, s19;
	s8 =	sor.u32 $0x280, s8;
	[tilespmem:v17+s12+$0x0] =	vst.idx.msk $0xffff, v16  }
0x144: {  	v17 =	vor.u32 s9, v5;
	v16 =	vld [tilespmem:s8+$0x0]  }
0x145: {  	s0 =	sadd.s32 $0x2, s0  }
0x146: {  	s8 =	sand.u32 $0x3, s0  }
0x147: {  	s21 =	sadd.s32 $0x200, s21;
	s8 =	sshll.u32 s8, $0x5  }
0x148: {  	s8 =	sadd.s32 s8, s21  }
0x149: {  	s9 =	sadd.s32 $0xFFFFFF00, s19;
	s8 =	sor.u32 $0x280, s8;
	[tilespmem:v17+s12+$0x0] =	vst.idx.msk $0xffff, v16  }
0x14a: {  	v17 =	vor.u32 s9, v5;
	v16 =	vld [tilespmem:s8+$0x0];
	_ =	sdelay $0x3  }
.Ltmp10:
0x14b: {  	s7 =	sadd.s32 $0x30, s7;
	(pc) =	sbr.rel @p4 .LBB2_14-.Ltmp10, $4  }
0x14c: {  	s7 =	sor.u32 $0x280, s7;
	[tilespmem:v17+s12+$0x0] =	vst.idx.msk $0xffff, v16  }
0x14d: {  	v17 =	vor.u32 s19, v5;
	s19 =	smov.u32 s2;
	v16 =	vld [tilespmem:s7+$0x0]  }
0x14e: {  	p3 =	por !p3, !p3;
	s7 =	simm.s32 $0x1  }
0x14f: {  	s2 =	sadd.s32 $0x400, s2;
	s7 =	simm.s32 @!p3 $0x0  }
0x150: {  	_ =	sdelay $0x1  }
0x151: {  	s2 =	sshll.u32 s7, $0x6;
	s10 =	sadd.s32 $0x200, s20  }
0x152: {  	s2 =	sadd.s32 s2, s10  }
0x153: {  	s8 =	sadd.s32 $0xFFFFFD00, s19;
	s2 =	sor.u32 $0x280, s2;
	[tilespmem:v17+s12+$0x0] =	vst.idx.msk $0xffff, v16  }
0x154: {  	s1 =	sadd.s32 $0x4, s1;
	v17 =	vor.u32 s8, v5;
	v16 =	vld [tilespmem:s2+$0x0]  }
0x155: {  	s1 =	sand.u32 $0x7, s1  }
0x156: {  	s1 =	sshll.u32 s1, $0x4  }
0x157: {  	s1 =	sadd.s32 s1, s10  }
0x158: {  	s15 =	sadd.s32 $0x10, s1  }
0x159: {  	s20 =	sadd.s32 $0xFFFFFE00, s19;
	s2 =	sor.u32 $0x280, s15;
	[tilespmem:v17+s12+$0x0] =	vst.idx.msk $0xffff, v16  }
0x15a: {  	v17 =	vor.u32 s20, v5;
	v16 =	vld [tilespmem:s2+$0x0]  }
0x15b: {  	s0 =	sadd.s32 $0x2, s0  }
0x15c: {  	s0 =	sand.u32 $0x3, s0  }
0x15d: {  	s22 =	sadd.s32 $0x200, s21;
	s0 =	sshll.u32 s0, $0x5  }
0x15e: {  	s0 =	sadd.s32 s0, s22  }
0x15f: {  	s23 =	sadd.s32 $0xFFFFFF00, s19;
	s0 =	sor.u32 $0x280, s0;
	[tilespmem:v17+s12+$0x0] =	vst.idx.msk $0xffff, v16  }
0x160: {  	v17 =	vor.u32 s23, v5;
	v16 =	vld [tilespmem:s0+$0x0];
	_ =	sdelay $0x3  }
0x161: {  	s24 =	sadd.s32 $0x30, s1  }
0x162: {  	s0 =	sor.u32 $0x280, s24;
	[tilespmem:v17+s12+$0x0] =	vst.idx.msk $0xffff, v16  }
0x163: {  	v17 =	vor.u32 s19, v5;
	v16 =	vld [tilespmem:s0+$0x0]  }
0x164: {  	p3 =	por $0x0, $0x0;
	s0 =	simm.s32 $0x1  }
0x165: {  	s0 =	simm.s32 @!p3 $0x0  }
0x166: {  	s0 =	sshll.u32 s0, $0x6  }
0x167: {  	s0 =	sadd.s32 $0x0, s0  }
0x168: {  	s22 =	simm.s32 $0x0;
	s0 =	sor.u32 $0x300, s0;
	[tilespmem:v17+s12+$0x0] =	vst.idx.msk $0xffff, v16  }
0x169: {  	s19 =	simm.s32 $0x0;
	v17 =	vor.u32 s22, v6;
	v16 =	vld [tilespmem:s0+$0x0]  }
0x16a: {  	s25 =	sand.u32 $0x7, s19  }
0x16b: {  	s0 =	sshll.u32 s25, $0x4  }
0x16c: {  	s0 =	sadd.s32 $0x0, s0  }
0x16d: {  	s23 =	sadd.s32 $0x10, s0  }
0x16e: {  	s25 =	simm.s32 $0x100;
	s26 =	sor.u32 $0x300, s23;
	[tilespmem:v17+s12+$0x0] =	vst.idx.msk $0xffff, v16  }
0x16f: {  	v17 =	vor.u32 s25, v6;
	v16 =	vld [tilespmem:s26+$0x0];
	_ =	sdelay $0x1  }
0x170: {  	s31 =	sand.u32 $0x3, s19  }
0x171: {  	s1 =	sshll.u32 s31, $0x5  }
0x172: {  	s26 =	sadd.s32 $0x20, s1  }
0x173: {  	s28 =	simm.s32 $0x200;
	s1 =	sor.u32 $0x300, s26;
	[tilespmem:v17+s12+$0x0] =	vst.idx.msk $0xffff, v16  }
0x174: {  	v17 =	vor.u32 s28, v6;
	v16 =	vld [tilespmem:s1+$0x0];
	_ =	sdelay $0x3  }
0x175: {  	s21 =	simm.s32 $0x20;
	s29 =	sadd.s32 $0x30, s0  }
0x176: {  	s7 =	simm.s32 $0x1;
	s24 =	simm.s32 $0x300;
	s0 =	sor.u32 $0x300, s29;
	[tilespmem:v17+s12+$0x0] =	vst.idx.msk $0xffff, v16  }
0x177: {  	s9 =	simm.s32 $0x0;
	s30 =	simm.s32 $0x700;
	s10 =	simm.s32 $0xB00;
	v17 =	vor.u32 s24, v6;
	v16 =	vld [tilespmem:s0+$0x0]  }
0x178: {  	s20 =	simm.s32 $0x700;
	s2 =	simm.s32 $0x0;
	p3 =	por !p3, !p3  }
0x179: {  	s7 =	simm.s32 @!p3 $0x0;
	s1 =	simm.s32 $0x20;
	s0 =	simm.s32 $0x0  }
.LBB2_16:
0x17a: {  	p4 =	sne.s32 s10, $0x3F00;
	s7 =	sshll.u32 s7, $0x6;
	s9 =	sadd.s32 $0x200, s9  }
0x17b: {  	s7 =	sadd.s32 s7, s9  }
0x17c: {  	s8 =	sadd.s32 $0xFFFFFD00, s30;
	s7 =	sor.u32 $0x300, s7;
	[tilespmem:v17+s12+$0x0] =	vst.idx.msk $0xffff, v16  }
0x17d: {  	s2 =	sadd.s32 $0x4, s2;
	v17 =	vor.u32 s8, v6;
	v16 =	vld [tilespmem:s7+$0x0]  }
0x17e: {  	s7 =	sand.u32 $0x7, s2  }
0x17f: {  	s7 =	sshll.u32 s7, $0x4  }
0x180: {  	s7 =	sadd.s32 s7, s9  }
0x181: {  	s8 =	sadd.s32 $0x10, s7  }
0x182: {  	s15 =	sadd.s32 $0xFFFFFE00, s30;
	s8 =	sor.u32 $0x300, s8;
	[tilespmem:v17+s12+$0x0] =	vst.idx.msk $0xffff, v16  }
0x183: {  	v17 =	vor.u32 s15, v6;
	v16 =	vld [tilespmem:s8+$0x0]  }
0x184: {  	s0 =	sadd.s32 $0x2, s0  }
0x185: {  	s8 =	sand.u32 $0x3, s0  }
0x186: {  	s1 =	sadd.s32 $0x200, s1;
	s8 =	sshll.u32 s8, $0x5  }
0x187: {  	s8 =	sadd.s32 s8, s1  }
0x188: {  	s15 =	sadd.s32 $0xFFFFFF00, s30;
	s8 =	sor.u32 $0x300, s8;
	[tilespmem:v17+s12+$0x0] =	vst.idx.msk $0xffff, v16  }
0x189: {  	v17 =	vor.u32 s15, v6;
	v16 =	vld [tilespmem:s8+$0x0];
	_ =	sdelay $0x3  }
.Ltmp11:
0x18a: {  	s7 =	sadd.s32 $0x30, s7;
	(pc) =	sbr.rel @p4 .LBB2_16-.Ltmp11, $4  }
0x18b: {  	s7 =	sor.u32 $0x300, s7;
	[tilespmem:v17+s12+$0x0] =	vst.idx.msk $0xffff, v16  }
0x18c: {  	v17 =	vor.u32 s30, v6;
	s30 =	smov.u32 s10;
	v16 =	vld [tilespmem:s7+$0x0]  }
0x18d: {  	p3 =	por !p3, !p3;
	s7 =	simm.s32 $0x1  }
0x18e: {  	s10 =	sadd.s32 $0x400, s10;
	s7 =	simm.s32 @!p3 $0x0  }
0x18f: {  	_ =	sdelay $0x1  }
0x190: {  	s7 =	sshll.u32 s7, $0x6;
	s8 =	sadd.s32 $0x200, s9  }
0x191: {  	s7 =	sadd.s32 s7, s8  }
0x192: {  	s10 =	sadd.s32 $0xFFFFFD00, s30;
	s7 =	sor.u32 $0x300, s7;
	[tilespmem:v17+s12+$0x0] =	vst.idx.msk $0xffff, v16  }
0x193: {  	s2 =	sadd.s32 $0x4, s2;
	v17 =	vor.u32 s10, v6;
	v16 =	vld [tilespmem:s7+$0x0]  }
0x194: {  	s2 =	sand.u32 $0x7, s2  }
0x195: {  	s2 =	sshll.u32 s2, $0x4  }
0x196: {  	s2 =	sadd.s32 s2, s8  }
0x197: {  	s15 =	sadd.s32 $0x10, s2  }
0x198: {  	s31 =	sadd.s32 $0xFFFFFE00, s30;
	s7 =	sor.u32 $0x300, s15;
	[tilespmem:v17+s12+$0x0] =	vst.idx.msk $0xffff, v16  }
0x199: {  	v17 =	vor.u32 s31, v6;
	v16 =	vld [tilespmem:s7+$0x0]  }
0x19a: {  	s0 =	sadd.s32 $0x2, s0  }
0x19b: {  	s0 =	sand.u32 $0x3, s0  }
0x19c: {  	s1 =	sadd.s32 $0x200, s1;
	s0 =	sshll.u32 s0, $0x5  }
0x19d: {  	s0 =	sadd.s32 s0, s1  }
0x19e: {  	s9 =	sadd.s32 $0xFFFFFF00, s30;
	s0 =	sor.u32 $0x300, s0;
	[tilespmem:v17+s12+$0x0] =	vst.idx.msk $0xffff, v16  }
0x19f: {  	v17 =	vor.u32 s9, v6;
	v16 =	vld [tilespmem:s0+$0x0];
	_ =	sdelay $0x3  }
0x1a0: {  	s10 =	sadd.s32 $0x30, s2  }
0x1a1: {  	s0 =	sor.u32 $0x300, s10;
	[tilespmem:v17+s12+$0x0] =	vst.idx.msk $0xffff, v16  }
0x1a2: {  	v17 =	vor.u32 s30, v6;
	v16 =	vld [tilespmem:s0+$0x0];
	_ =	sdelay $0x2  }
0x1a3: {  	s30 =	simm.s32 $0x0  }
0x1a4: {  	s15 =	sor.u32 s30, s19  }
0x1a5: {  	s0 =	sor.u32 $0x380, s15;
	[tilespmem:v17+s12+$0x0] =	vst.idx.msk $0xffff, v16  }
0x1a6: {  	v17 =	vor.u32 s22, v7;
	v16 =	vld [tilespmem:s0+$0x0];
	_ =	sdelay $0x4  }
0x1a7: {  	s23 =	sor.u32 $0x380, s23;
	[tilespmem:v17+s12+$0x0] =	vst.idx.msk $0xffff, v16  }
0x1a8: {  	v17 =	vor.u32 s25, v7;
	v16 =	vld [tilespmem:s23+$0x0];
	_ =	sdelay $0x4  }
0x1a9: {  	s26 =	sor.u32 $0x380, s26;
	[tilespmem:v17+s12+$0x0] =	vst.idx.msk $0xffff, v16  }
0x1aa: {  	v17 =	vor.u32 s28, v7;
	v16 =	vld [tilespmem:s26+$0x0];
	_ =	sdelay $0x4  }
0x1ab: {  	s31 =	sor.u32 $0x380, s29;
	[tilespmem:v17+s12+$0x0] =	vst.idx.msk $0xffff, v16  }
0x1ac: {  	v17 =	vor.u32 s24, v7;
	v16 =	vld [tilespmem:s31+$0x0];
	_ =	sdelay $0x1  }
0x1ad: {  	s1 =	simm.s32 $0x200;
	s2 =	simm.s32 $0x70;
	s7 =	simm.s32 $0x40  }
0x1ae: {  	s9 =	simm.s32 $0xB00;
	s22 =	simm.s32 $0x30;
	s0 =	simm.s32 $0x0  }
.LBB2_18:
0x1af: {  	p3 =	sne.s32 s9, $0x3F00;
	s7 =	sor.u32 s7, s1  }
0x1b0: {  	s8 =	sadd.s32 $0xFFFFFD00, s20;
	s7 =	sor.u32 $0x380, s7;
	[tilespmem:v17+s12+$0x0] =	vst.idx.msk $0xffff, v16  }
0x1b1: {  	s19 =	sadd.s32 $0x4, s19;
	v17 =	vor.u32 s8, v7;
	v16 =	vld [tilespmem:s7+$0x0]  }
0x1b2: {  	s7 =	sand.u32 $0x7, s19  }
0x1b3: {  	s7 =	sshll.u32 s7, $0x4  }
0x1b4: {  	s7 =	sadd.s32 s7, s1  }
0x1b5: {  	s8 =	sadd.s32 $0x10, s7  }
0x1b6: {  	s10 =	sadd.s32 $0xFFFFFE00, s20;
	s8 =	sor.u32 $0x380, s8;
	[tilespmem:v17+s12+$0x0] =	vst.idx.msk $0xffff, v16  }
0x1b7: {  	v17 =	vor.u32 s10, v7;
	v16 =	vld [tilespmem:s8+$0x0]  }
0x1b8: {  	s0 =	sadd.s32 $0x2, s0  }
0x1b9: {  	s8 =	sand.u32 $0x3, s0  }
0x1ba: {  	s21 =	sadd.s32 $0x200, s21;
	s8 =	sshll.u32 s8, $0x5  }
0x1bb: {  	s8 =	sadd.s32 s8, s21  }
0x1bc: {  	s10 =	sadd.s32 $0xFFFFFF00, s20;
	s8 =	sor.u32 $0x380, s8;
	[tilespmem:v17+s12+$0x0] =	vst.idx.msk $0xffff, v16  }
0x1bd: {  	v17 =	vor.u32 s10, v7;
	v16 =	vld [tilespmem:s8+$0x0];
	_ =	sdelay $0x3  }
0x1be: {  	s7 =	sadd.s32 $0x30, s7  }
.Ltmp12:
0x1bf: {  	s7 =	sor.u32 $0x380, s7;
	[tilespmem:v17+s12+$0x0] =	vst.idx.msk $0xffff, v16;
	(pc) =	sbr.rel @p3 .LBB2_18-.Ltmp12, $3  }
0x1c0: {  	v17 =	vor.u32 s20, v7;
	s20 =	smov.u32 s9;
	v16 =	vld [tilespmem:s7+$0x0];
	_ =	sdelay $0x1  }
0x1c1: {  	s2 =	sadd.s32 $0x40, s2  }
0x1c2: {  	s1 =	sadd.s32 $0x200, s1;
	s9 =	sadd.s32 $0x400, s9;
	s7 =	sadd.s32 $0xFFFFFFD0, s2  }
0x1c3: {  	_ =	sdelay $0x2  }
0x1c4: {  	s2 =	sor.u32 s7, s1  }
0x1c5: {  	s9 =	sadd.s32 $0xFFFFFD00, s20;
	s2 =	sor.u32 $0x380, s2;
	[tilespmem:v17+s12+$0x0] =	vst.idx.msk $0xffff, v16  }
0x1c6: {  	s10 =	sadd.s32 $0x4, s19;
	v17 =	vor.u32 s9, v7;
	v16 =	vld [tilespmem:s2+$0x0]  }
0x1c7: {  	s2 =	sand.u32 $0x7, s10  }
0x1c8: {  	s2 =	sshll.u32 s2, $0x4  }
0x1c9: {  	s15 =	sadd.s32 s2, s1  }
0x1ca: {  	s2 =	sadd.s32 $0x10, s15  }
0x1cb: {  	s19 =	sadd.s32 $0xFFFFFE00, s20;
	s2 =	sor.u32 $0x380, s2;
	[tilespmem:v17+s12+$0x0] =	vst.idx.msk $0xffff, v16  }
0x1cc: {  	v17 =	vor.u32 s19, v7;
	v16 =	vld [tilespmem:s2+$0x0]  }
0x1cd: {  	s0 =	sadd.s32 $0x2, s0  }
0x1ce: {  	s0 =	sand.u32 $0x3, s0  }
0x1cf: {  	s21 =	sadd.s32 $0x200, s21;
	s0 =	sshll.u32 s0, $0x5  }
0x1d0: {  	s0 =	sadd.s32 s0, s21  }
0x1d1: {  	s23 =	sadd.s32 $0xFFFFFF00, s20;
	s0 =	sor.u32 $0x380, s0;
	[tilespmem:v17+s12+$0x0] =	vst.idx.msk $0xffff, v16  }
0x1d2: {  	v17 =	vor.u32 s23, v7;
	v16 =	vld [tilespmem:s0+$0x0];
	_ =	sdelay $0x3  }
0x1d3: {  	s24 =	sadd.s32 $0x30, s15  }
0x1d4: {  	s0 =	sor.u32 $0x380, s24;
	[tilespmem:v17+s12+$0x0] =	vst.idx.msk $0xffff, v16  }
0x1d5: {  	v17 =	vor.u32 s20, v7;
	v16 =	vld [tilespmem:s0+$0x0];
	_ =	sdelay $0x1  }
0x1d6: {  	s25 =	simm.s32 $0x0  }
0x1d7: {  	s21 =	sand.u32 $0x1C00, s25  }
0x1d8: {  	s26 =	sand.u32 $0x40, s30;
	s28 =	sor.u32 $0x2000, s21  }
0x1d9: {  	s23 =	simm.s32 $0x0;
	s0 =	sor.u32 s26, s28;
	[tilespmem:v17+s12+$0x0] =	vst.idx.msk $0xffff, v16  }
0x1da: {  	v17 =	vor.u32 s23, v8;
	v16 =	vld [tilespmem:s0+$0x0];
	_ =	sdelay $0x2  }
0x1db: {  	s29 =	simm.s32 $0x10  }
0x1dc: {  	s0 =	sand.u32 $0x50, s29  }
0x1dd: {  	s24 =	simm.s32 $0x100;
	s0 =	sor.u32 s0, s28;
	[tilespmem:v17+s12+$0x0] =	vst.idx.msk $0xffff, v16  }
0x1de: {  	v17 =	vor.u32 s24, v8;
	v16 =	vld [tilespmem:s0+$0x0];
	_ =	sdelay $0x2  }
0x1df: {  	s30 =	simm.s32 $0x20  }
0x1e0: {  	s0 =	sand.u32 $0x60, s30  }
0x1e1: {  	s25 =	simm.s32 $0x200;
	s0 =	sor.u32 s0, s28;
	[tilespmem:v17+s12+$0x0] =	vst.idx.msk $0xffff, v16  }
0x1e2: {  	v17 =	vor.u32 s25, v8;
	v16 =	vld [tilespmem:s0+$0x0];
	_ =	sdelay $0x3  }
0x1e3: {  	s31 =	sand.u32 $0x70, s22  }
0x1e4: {  	s20 =	simm.s32 $0x300;
	s0 =	sor.u32 s31, s28;
	[tilespmem:v17+s12+$0x0] =	vst.idx.msk $0xffff, v16  }
0x1e5: {  	v17 =	vor.u32 s20, v8;
	v16 =	vld [tilespmem:s0+$0x0]  }
0x1e6: {  	s1 =	simm.s32 $0x200  }
0x1e7: {  	s22 =	simm.s32 $0x70;
	s7 =	simm.s32 $0x40;
	s9 =	sand.u32 $0x1C00, s1  }
0x1e8: {  	s19 =	simm.s32 $0x700;
	s2 =	simm.s32 $0xB00;
	s0 =	simm.s32 $0x700  }
.LBB2_20:
0x1e9: {  	p3 =	sne.s32 s2, $0x3F00;
	s7 =	sand.u32 $0x40, s7;
	s8 =	sor.u32 $0x2000, s9  }
0x1ea: {  	s9 =	sadd.s32 $0xFFFFFD00, s0;
	s7 =	sor.u32 s7, s8;
	[tilespmem:v17+s12+$0x0] =	vst.idx.msk $0xffff, v16  }
0x1eb: {  	v17 =	vor.u32 s9, v8;
	v16 =	vld [tilespmem:s7+$0x0];
	_ =	sdelay $0x2  }
0x1ec: {  	s7 =	sadd.s32 $0xFFFFFFE0, s22  }
0x1ed: {  	s7 =	sand.u32 $0x50, s7  }
0x1ee: {  	s9 =	sadd.s32 $0xFFFFFE00, s0;
	s7 =	sor.u32 s7, s8;
	[tilespmem:v17+s12+$0x0] =	vst.idx.msk $0xffff, v16  }
0x1ef: {  	v17 =	vor.u32 s9, v8;
	v16 =	vld [tilespmem:s7+$0x0];
	_ =	sdelay $0x2  }
0x1f0: {  	s7 =	sadd.s32 $0xFFFFFFF0, s22  }
0x1f1: {  	s7 =	sand.u32 $0x60, s7  }
0x1f2: {  	s9 =	sadd.s32 $0xFFFFFF00, s0;
	s7 =	sor.u32 s7, s8;
	[tilespmem:v17+s12+$0x0] =	vst.idx.msk $0xffff, v16  }
0x1f3: {  	v17 =	vor.u32 s9, v8;
	v16 =	vld [tilespmem:s7+$0x0];
	_ =	sdelay $0x3  }
0x1f4: {  	s7 =	sand.u32 $0x70, s22  }
.Ltmp13:
0x1f5: {  	s7 =	sor.u32 s7, s8;
	[tilespmem:v17+s12+$0x0] =	vst.idx.msk $0xffff, v16;
	(pc) =	sbr.rel @p3 .LBB2_20-.Ltmp13, $3  }
0x1f6: {  	v17 =	vor.u32 s0, v8;
	s0 =	smov.u32 s2;
	v16 =	vld [tilespmem:s7+$0x0];
	_ =	sdelay $0x1  }
0x1f7: {  	s1 =	sadd.s32 $0x200, s1;
	s22 =	sadd.s32 $0x40, s22  }
0x1f8: {  	s9 =	sand.u32 $0x1C00, s1;
	s2 =	sadd.s32 $0x400, s2;
	s7 =	sadd.s32 $0xFFFFFFD0, s22  }
0x1f9: {  	_ =	sdelay $0x2  }
0x1fa: {  	s1 =	sand.u32 $0x40, s7;
	s2 =	sor.u32 $0x2000, s9  }
0x1fb: {  	s29 =	sadd.s32 $0xFFFFFD00, s0;
	s1 =	sor.u32 s1, s2;
	[tilespmem:v17+s12+$0x0] =	vst.idx.msk $0xffff, v16  }
0x1fc: {  	v17 =	vor.u32 s29, v8;
	v16 =	vld [tilespmem:s1+$0x0];
	_ =	sdelay $0x2  }
0x1fd: {  	s30 =	sadd.s32 $0xFFFFFFE0, s22  }
0x1fe: {  	s1 =	sand.u32 $0x50, s30  }
0x1ff: {  	s31 =	sadd.s32 $0xFFFFFE00, s0;
	s1 =	sor.u32 s1, s2;
	[tilespmem:v17+s12+$0x0] =	vst.idx.msk $0xffff, v16  }
0x200: {  	v17 =	vor.u32 s31, v8;
	v16 =	vld [tilespmem:s1+$0x0];
	_ =	sdelay $0x2  }
0x201: {  	s7 =	sadd.s32 $0xFFFFFFF0, s22  }
0x202: {  	s1 =	sand.u32 $0x60, s7  }
0x203: {  	s8 =	sadd.s32 $0xFFFFFF00, s0;
	s1 =	sor.u32 s1, s2;
	[tilespmem:v17+s12+$0x0] =	vst.idx.msk $0xffff, v16  }
0x204: {  	v17 =	vor.u32 s8, v8;
	v16 =	vld [tilespmem:s1+$0x0];
	_ =	sdelay $0x3  }
0x205: {  	s9 =	sand.u32 $0x70, s22  }
0x206: {  	s1 =	sor.u32 s9, s2;
	[tilespmem:v17+s12+$0x0] =	vst.idx.msk $0xffff, v16  }
0x207: {  	v17 =	vor.u32 s0, v8;
	v16 =	vld [tilespmem:s1+$0x0];
	_ =	sdelay $0x2  }
0x208: {  	s10 =	simm.s32 $0x0  }
0x209: {  	s15 =	sor.u32 $0x2080, s21;
	s22 =	sand.u32 $0x40, s10  }
0x20a: {  	s21 =	sor.u32 s22, s15;
	[tilespmem:v17+s12+$0x0] =	vst.idx.msk $0xffff, v16  }
0x20b: {  	v17 =	vor.u32 s23, v9;
	v16 =	vld [tilespmem:s21+$0x0];
	_ =	sdelay $0x2  }
0x20c: {  	s26 =	simm.s32 $0x10  }
0x20d: {  	s21 =	sand.u32 $0x50, s26  }
0x20e: {  	s1 =	sor.u32 s21, s15;
	[tilespmem:v17+s12+$0x0] =	vst.idx.msk $0xffff, v16  }
0x20f: {  	v17 =	vor.u32 s24, v9;
	v16 =	vld [tilespmem:s1+$0x0];
	_ =	sdelay $0x2  }
0x210: {  	s29 =	simm.s32 $0x20  }
0x211: {  	s26 =	sand.u32 $0x60, s29  }
0x212: {  	s1 =	sor.u32 s26, s15;
	[tilespmem:v17+s12+$0x0] =	vst.idx.msk $0xffff, v16  }
0x213: {  	v17 =	vor.u32 s25, v9;
	v16 =	vld [tilespmem:s1+$0x0];
	_ =	sdelay $0x2  }
0x214: {  	s30 =	simm.s32 $0x30  }
0x215: {  	s28 =	sand.u32 $0x70, s30  }
0x216: {  	s31 =	sor.u32 s28, s15;
	[tilespmem:v17+s12+$0x0] =	vst.idx.msk $0xffff, v16  }
0x217: {  	v17 =	vor.u32 s20, v9;
	v16 =	vld [tilespmem:s31+$0x0];
	_ =	sdelay $0x1  }
0x218: {  	s7 =	simm.s32 $0x40;
	s0 =	simm.s32 $0x200  }
0x219: {  	s2 =	simm.s32 $0xB00;
	s9 =	sand.u32 $0x1C00, s0;
	s1 =	simm.s32 $0x70  }
.LBB2_22:
0x21a: {  	p3 =	sne.s32 s2, $0x3F00;
	s7 =	sand.u32 $0x40, s7;
	s8 =	sor.u32 $0x2080, s9  }
0x21b: {  	s9 =	sadd.s32 $0xFFFFFD00, s19;
	s7 =	sor.u32 s7, s8;
	[tilespmem:v17+s12+$0x0] =	vst.idx.msk $0xffff, v16  }
0x21c: {  	v17 =	vor.u32 s9, v9;
	v16 =	vld [tilespmem:s7+$0x0];
	_ =	sdelay $0x2  }
0x21d: {  	s7 =	sadd.s32 $0xFFFFFFE0, s1  }
0x21e: {  	s7 =	sand.u32 $0x50, s7  }
0x21f: {  	s9 =	sadd.s32 $0xFFFFFE00, s19;
	s7 =	sor.u32 s7, s8;
	[tilespmem:v17+s12+$0x0] =	vst.idx.msk $0xffff, v16  }
0x220: {  	v17 =	vor.u32 s9, v9;
	v16 =	vld [tilespmem:s7+$0x0];
	_ =	sdelay $0x2  }
0x221: {  	s7 =	sadd.s32 $0xFFFFFFF0, s1  }
0x222: {  	s7 =	sand.u32 $0x60, s7  }
0x223: {  	s9 =	sadd.s32 $0xFFFFFF00, s19;
	s7 =	sor.u32 s7, s8;
	[tilespmem:v17+s12+$0x0] =	vst.idx.msk $0xffff, v16  }
0x224: {  	v17 =	vor.u32 s9, v9;
	v16 =	vld [tilespmem:s7+$0x0];
	_ =	sdelay $0x3  }
0x225: {  	s7 =	sand.u32 $0x70, s1  }
.Ltmp14:
0x226: {  	s7 =	sor.u32 s7, s8;
	[tilespmem:v17+s12+$0x0] =	vst.idx.msk $0xffff, v16;
	(pc) =	sbr.rel @p3 .LBB2_22-.Ltmp14, $3  }
0x227: {  	v17 =	vor.u32 s19, v9;
	s19 =	smov.u32 s2;
	v16 =	vld [tilespmem:s7+$0x0];
	_ =	sdelay $0x1  }
0x228: {  	s0 =	sadd.s32 $0x200, s0;
	s1 =	sadd.s32 $0x40, s1  }
0x229: {  	s9 =	sand.u32 $0x1C00, s0;
	s2 =	sadd.s32 $0x400, s2;
	s7 =	sadd.s32 $0xFFFFFFD0, s1  }
0x22a: {  	_ =	sdelay $0x2  }
0x22b: {  	s0 =	sand.u32 $0x40, s7;
	s2 =	sor.u32 $0x2080, s9  }
0x22c: {  	s9 =	sadd.s32 $0xFFFFFD00, s19;
	s0 =	sor.u32 s0, s2;
	[tilespmem:v17+s12+$0x0] =	vst.idx.msk $0xffff, v16  }
0x22d: {  	v17 =	vor.u32 s9, v9;
	v16 =	vld [tilespmem:s0+$0x0];
	_ =	sdelay $0x2  }
0x22e: {  	s10 =	sadd.s32 $0xFFFFFFE0, s1  }
0x22f: {  	s0 =	sand.u32 $0x50, s10  }
0x230: {  	s15 =	sadd.s32 $0xFFFFFE00, s19;
	s0 =	sor.u32 s0, s2;
	[tilespmem:v17+s12+$0x0] =	vst.idx.msk $0xffff, v16  }
0x231: {  	v17 =	vor.u32 s15, v9;
	v16 =	vld [tilespmem:s0+$0x0];
	_ =	sdelay $0x2  }
0x232: {  	s20 =	sadd.s32 $0xFFFFFFF0, s1  }
0x233: {  	s0 =	sand.u32 $0x60, s20  }
0x234: {  	s23 =	sadd.s32 $0xFFFFFF00, s19;
	s0 =	sor.u32 s0, s2;
	[tilespmem:v17+s12+$0x0] =	vst.idx.msk $0xffff, v16  }
0x235: {  	v17 =	vor.u32 s23, v9;
	v16 =	vld [tilespmem:s0+$0x0];
	_ =	sdelay $0x3  }
0x236: {  	s24 =	sand.u32 $0x70, s1  }
0x237: {  	s0 =	sor.u32 s24, s2;
	[tilespmem:v17+s12+$0x0] =	vst.idx.msk $0xffff, v16  }
0x238: {  	v17 =	vor.u32 s19, v9;
	v16 =	vld [tilespmem:s0+$0x0];
	_ =	sdelay $0x1  }
0x239: {  	s25 =	simm.s32 $0x0  }
0x23a: {  	s24 =	sand.u32 $0x1C00, s25  }
0x23b: {  	s0 =	sor.u32 $0x2100, s24  }
0x23c: {  	s25 =	simm.s32 $0x0;
	s29 =	sor.u32 s22, s0;
	[tilespmem:v17+s12+$0x0] =	vst.idx.msk $0xffff, v16  }
0x23d: {  	v17 =	vor.u32 s25, v10;
	v16 =	vld [tilespmem:s29+$0x0];
	_ =	sdelay $0x4  }
0x23e: {  	s23 =	simm.s32 $0x100;
	s30 =	sor.u32 s21, s0;
	[tilespmem:v17+s12+$0x0] =	vst.idx.msk $0xffff, v16  }
0x23f: {  	v17 =	vor.u32 s23, v10;
	v16 =	vld [tilespmem:s30+$0x0];
	_ =	sdelay $0x4  }
0x240: {  	s31 =	sor.u32 s26, s0;
	s21 =	simm.s32 $0x200;
	[tilespmem:v17+s12+$0x0] =	vst.idx.msk $0xffff, v16  }
0x241: {  	v17 =	vor.u32 s21, v10;
	v16 =	vld [tilespmem:s31+$0x0];
	_ =	sdelay $0x4  }
0x242: {  	s20 =	simm.s32 $0x300;
	s0 =	sor.u32 s28, s0;
	[tilespmem:v17+s12+$0x0] =	vst.idx.msk $0xffff, v16  }
0x243: {  	v17 =	vor.u32 s20, v10;
	v16 =	vld [tilespmem:s0+$0x0]  }
0x244: {  	s1 =	simm.s32 $0x200  }
0x245: {  	s7 =	simm.s32 $0x40;
	s9 =	sand.u32 $0x1C00, s1;
	s2 =	simm.s32 $0xB00  }
0x246: {  	s19 =	simm.s32 $0x700;
	s22 =	simm.s32 $0x70;
	s0 =	simm.s32 $0x700  }
.LBB2_24:
0x247: {  	p3 =	sne.s32 s2, $0x3F00;
	s7 =	sand.u32 $0x40, s7;
	s8 =	sor.u32 $0x2100, s9  }
0x248: {  	s9 =	sadd.s32 $0xFFFFFD00, s0;
	s7 =	sor.u32 s7, s8;
	[tilespmem:v17+s12+$0x0] =	vst.idx.msk $0xffff, v16  }
0x249: {  	v17 =	vor.u32 s9, v10;
	v16 =	vld [tilespmem:s7+$0x0];
	_ =	sdelay $0x2  }
0x24a: {  	s7 =	sadd.s32 $0xFFFFFFE0, s22  }
0x24b: {  	s7 =	sand.u32 $0x50, s7  }
0x24c: {  	s9 =	sadd.s32 $0xFFFFFE00, s0;
	s7 =	sor.u32 s7, s8;
	[tilespmem:v17+s12+$0x0] =	vst.idx.msk $0xffff, v16  }
0x24d: {  	v17 =	vor.u32 s9, v10;
	v16 =	vld [tilespmem:s7+$0x0];
	_ =	sdelay $0x2  }
0x24e: {  	s7 =	sadd.s32 $0xFFFFFFF0, s22  }
0x24f: {  	s7 =	sand.u32 $0x60, s7  }
0x250: {  	s9 =	sadd.s32 $0xFFFFFF00, s0;
	s7 =	sor.u32 s7, s8;
	[tilespmem:v17+s12+$0x0] =	vst.idx.msk $0xffff, v16  }
0x251: {  	v17 =	vor.u32 s9, v10;
	v16 =	vld [tilespmem:s7+$0x0];
	_ =	sdelay $0x3  }
0x252: {  	s7 =	sand.u32 $0x70, s22  }
.Ltmp15:
0x253: {  	s7 =	sor.u32 s7, s8;
	[tilespmem:v17+s12+$0x0] =	vst.idx.msk $0xffff, v16;
	(pc) =	sbr.rel @p3 .LBB2_24-.Ltmp15, $3  }
0x254: {  	v17 =	vor.u32 s0, v10;
	s0 =	smov.u32 s2;
	v16 =	vld [tilespmem:s7+$0x0];
	_ =	sdelay $0x1  }
0x255: {  	s1 =	sadd.s32 $0x200, s1;
	s22 =	sadd.s32 $0x40, s22  }
0x256: {  	s9 =	sand.u32 $0x1C00, s1;
	s2 =	sadd.s32 $0x400, s2;
	s7 =	sadd.s32 $0xFFFFFFD0, s22  }
0x257: {  	_ =	sdelay $0x2  }
0x258: {  	s1 =	sand.u32 $0x40, s7;
	s2 =	sor.u32 $0x2100, s9  }
0x259: {  	s26 =	sadd.s32 $0xFFFFFD00, s0;
	s1 =	sor.u32 s1, s2;
	[tilespmem:v17+s12+$0x0] =	vst.idx.msk $0xffff, v16  }
0x25a: {  	v17 =	vor.u32 s26, v10;
	v16 =	vld [tilespmem:s1+$0x0];
	_ =	sdelay $0x2  }
0x25b: {  	s30 =	sadd.s32 $0xFFFFFFE0, s22  }
0x25c: {  	s1 =	sand.u32 $0x50, s30  }
0x25d: {  	s31 =	sadd.s32 $0xFFFFFE00, s0;
	s1 =	sor.u32 s1, s2;
	[tilespmem:v17+s12+$0x0] =	vst.idx.msk $0xffff, v16  }
0x25e: {  	v17 =	vor.u32 s31, v10;
	v16 =	vld [tilespmem:s1+$0x0];
	_ =	sdelay $0x2  }
0x25f: {  	s7 =	sadd.s32 $0xFFFFFFF0, s22  }
0x260: {  	s1 =	sand.u32 $0x60, s7  }
0x261: {  	s8 =	sadd.s32 $0xFFFFFF00, s0;
	s1 =	sor.u32 s1, s2;
	[tilespmem:v17+s12+$0x0] =	vst.idx.msk $0xffff, v16  }
0x262: {  	v17 =	vor.u32 s8, v10;
	v16 =	vld [tilespmem:s1+$0x0];
	_ =	sdelay $0x3  }
0x263: {  	s9 =	sand.u32 $0x70, s22  }
0x264: {  	s1 =	sor.u32 s9, s2;
	[tilespmem:v17+s12+$0x0] =	vst.idx.msk $0xffff, v16  }
0x265: {  	v17 =	vor.u32 s0, v10;
	v16 =	vld [tilespmem:s1+$0x0];
	_ =	sdelay $0x2  }
0x266: {  	s10 =	simm.s32 $0x0  }
0x267: {  	s15 =	sor.u32 $0x2180, s24;
	s22 =	sand.u32 $0x40, s10  }
0x268: {  	s24 =	sor.u32 s22, s15;
	[tilespmem:v17+s12+$0x0] =	vst.idx.msk $0xffff, v16  }
0x269: {  	v17 =	vor.u32 s25, v11;
	v16 =	vld [tilespmem:s24+$0x0];
	_ =	sdelay $0x2  }
0x26a: {  	s25 =	simm.s32 $0x10  }
0x26b: {  	s24 =	sand.u32 $0x50, s25  }
0x26c: {  	s1 =	sor.u32 s24, s15;
	[tilespmem:v17+s12+$0x0] =	vst.idx.msk $0xffff, v16  }
0x26d: {  	v17 =	vor.u32 s23, v11;
	v16 =	vld [tilespmem:s1+$0x0];
	_ =	sdelay $0x2  }
0x26e: {  	s26 =	simm.s32 $0x20  }
0x26f: {  	s28 =	sand.u32 $0x60, s26  }
0x270: {  	s1 =	sor.u32 s28, s15;
	[tilespmem:v17+s12+$0x0] =	vst.idx.msk $0xffff, v16  }
0x271: {  	v17 =	vor.u32 s21, v11;
	v16 =	vld [tilespmem:s1+$0x0];
	_ =	sdelay $0x2  }
0x272: {  	s30 =	simm.s32 $0x30  }
0x273: {  	s29 =	sand.u32 $0x70, s30  }
0x274: {  	s31 =	sor.u32 s29, s15;
	[tilespmem:v17+s12+$0x0] =	vst.idx.msk $0xffff, v16  }
0x275: {  	v17 =	vor.u32 s20, v11;
	v16 =	vld [tilespmem:s31+$0x0];
	_ =	sdelay $0x1  }
0x276: {  	s7 =	simm.s32 $0x40;
	s0 =	simm.s32 $0x200  }
0x277: {  	s2 =	simm.s32 $0xB00;
	s9 =	sand.u32 $0x1C00, s0;
	s1 =	simm.s32 $0x70  }
.LBB2_26:
0x278: {  	p3 =	sne.s32 s2, $0x3F00;
	s7 =	sand.u32 $0x40, s7;
	s8 =	sor.u32 $0x2180, s9  }
0x279: {  	s9 =	sadd.s32 $0xFFFFFD00, s19;
	s7 =	sor.u32 s7, s8;
	[tilespmem:v17+s12+$0x0] =	vst.idx.msk $0xffff, v16  }
0x27a: {  	v17 =	vor.u32 s9, v11;
	v16 =	vld [tilespmem:s7+$0x0];
	_ =	sdelay $0x2  }
0x27b: {  	s7 =	sadd.s32 $0xFFFFFFE0, s1  }
0x27c: {  	s7 =	sand.u32 $0x50, s7  }
0x27d: {  	s9 =	sadd.s32 $0xFFFFFE00, s19;
	s7 =	sor.u32 s7, s8;
	[tilespmem:v17+s12+$0x0] =	vst.idx.msk $0xffff, v16  }
0x27e: {  	v17 =	vor.u32 s9, v11;
	v16 =	vld [tilespmem:s7+$0x0];
	_ =	sdelay $0x2  }
0x27f: {  	s7 =	sadd.s32 $0xFFFFFFF0, s1  }
0x280: {  	s7 =	sand.u32 $0x60, s7  }
0x281: {  	s9 =	sadd.s32 $0xFFFFFF00, s19;
	s7 =	sor.u32 s7, s8;
	[tilespmem:v17+s12+$0x0] =	vst.idx.msk $0xffff, v16  }
0x282: {  	v17 =	vor.u32 s9, v11;
	v16 =	vld [tilespmem:s7+$0x0];
	_ =	sdelay $0x3  }
0x283: {  	s7 =	sand.u32 $0x70, s1  }
.Ltmp16:
0x284: {  	s7 =	sor.u32 s7, s8;
	[tilespmem:v17+s12+$0x0] =	vst.idx.msk $0xffff, v16;
	(pc) =	sbr.rel @p3 .LBB2_26-.Ltmp16, $3  }
0x285: {  	v17 =	vor.u32 s19, v11;
	s19 =	smov.u32 s2;
	v16 =	vld [tilespmem:s7+$0x0];
	_ =	sdelay $0x1  }
0x286: {  	s0 =	sadd.s32 $0x200, s0;
	s1 =	sadd.s32 $0x40, s1  }
0x287: {  	s9 =	sand.u32 $0x1C00, s0;
	s2 =	sadd.s32 $0x400, s2;
	s7 =	sadd.s32 $0xFFFFFFD0, s1  }
0x288: {  	_ =	sdelay $0x2  }
0x289: {  	s0 =	sand.u32 $0x40, s7;
	s2 =	sor.u32 $0x2180, s9  }
0x28a: {  	s31 =	sadd.s32 $0xFFFFFD00, s19;
	s0 =	sor.u32 s0, s2;
	[tilespmem:v17+s12+$0x0] =	vst.idx.msk $0xffff, v16  }
0x28b: {  	v17 =	vor.u32 s31, v11;
	v16 =	vld [tilespmem:s0+$0x0];
	_ =	sdelay $0x2  }
0x28c: {  	s8 =	sadd.s32 $0xFFFFFFE0, s1  }
0x28d: {  	s0 =	sand.u32 $0x50, s8  }
0x28e: {  	s9 =	sadd.s32 $0xFFFFFE00, s19;
	s0 =	sor.u32 s0, s2;
	[tilespmem:v17+s12+$0x0] =	vst.idx.msk $0xffff, v16  }
0x28f: {  	v17 =	vor.u32 s9, v11;
	v16 =	vld [tilespmem:s0+$0x0];
	_ =	sdelay $0x2  }
0x290: {  	s10 =	sadd.s32 $0xFFFFFFF0, s1  }
0x291: {  	s0 =	sand.u32 $0x60, s10  }
0x292: {  	s15 =	sadd.s32 $0xFFFFFF00, s19;
	s0 =	sor.u32 s0, s2;
	[tilespmem:v17+s12+$0x0] =	vst.idx.msk $0xffff, v16  }
0x293: {  	v17 =	vor.u32 s15, v11;
	v16 =	vld [tilespmem:s0+$0x0];
	_ =	sdelay $0x3  }
0x294: {  	s20 =	sand.u32 $0x70, s1  }
0x295: {  	s0 =	sor.u32 s20, s2;
	[tilespmem:v17+s12+$0x0] =	vst.idx.msk $0xffff, v16  }
0x296: {  	v17 =	vor.u32 s19, v11;
	v16 =	vld [tilespmem:s0+$0x0];
	_ =	sdelay $0x1  }
0x297: {  	s21 =	simm.s32 $0x0  }
0x298: {  	s25 =	sand.u32 $0x1C00, s21  }
0x299: {  	s0 =	sor.u32 $0x2200, s25  }
0x29a: {  	s26 =	simm.s32 $0x0;
	s23 =	sor.u32 s22, s0;
	[tilespmem:v17+s12+$0x0] =	vst.idx.msk $0xffff, v16  }
0x29b: {  	v17 =	vor.u32 s26, v12;
	v16 =	vld [tilespmem:s23+$0x0];
	_ =	sdelay $0x4  }
0x29c: {  	s30 =	sor.u32 s24, s0;
	s23 =	simm.s32 $0x100;
	[tilespmem:v17+s12+$0x0] =	vst.idx.msk $0xffff, v16  }
0x29d: {  	v17 =	vor.u32 s23, v12;
	v16 =	vld [tilespmem:s30+$0x0];
	_ =	sdelay $0x4  }
0x29e: {  	s21 =	simm.s32 $0x200;
	s31 =	sor.u32 s28, s0;
	[tilespmem:v17+s12+$0x0] =	vst.idx.msk $0xffff, v16  }
0x29f: {  	v17 =	vor.u32 s21, v12;
	v16 =	vld [tilespmem:s31+$0x0];
	_ =	sdelay $0x4  }
0x2a0: {  	s20 =	simm.s32 $0x300;
	s0 =	sor.u32 s29, s0;
	[tilespmem:v17+s12+$0x0] =	vst.idx.msk $0xffff, v16  }
0x2a1: {  	v17 =	vor.u32 s20, v12;
	v16 =	vld [tilespmem:s0+$0x0]  }
0x2a2: {  	s1 =	simm.s32 $0x200  }
0x2a3: {  	s7 =	simm.s32 $0x40;
	s9 =	sand.u32 $0x1C00, s1;
	s2 =	simm.s32 $0xB00  }
0x2a4: {  	s19 =	simm.s32 $0x700;
	s22 =	simm.s32 $0x70;
	s0 =	simm.s32 $0x700  }
.LBB2_28:
0x2a5: {  	p3 =	sne.s32 s2, $0x3F00;
	s7 =	sand.u32 $0x40, s7;
	s8 =	sor.u32 $0x2200, s9  }
0x2a6: {  	s9 =	sadd.s32 $0xFFFFFD00, s0;
	s7 =	sor.u32 s7, s8;
	[tilespmem:v17+s12+$0x0] =	vst.idx.msk $0xffff, v16  }
0x2a7: {  	v17 =	vor.u32 s9, v12;
	v16 =	vld [tilespmem:s7+$0x0];
	_ =	sdelay $0x2  }
0x2a8: {  	s7 =	sadd.s32 $0xFFFFFFE0, s22  }
0x2a9: {  	s7 =	sand.u32 $0x50, s7  }
0x2aa: {  	s9 =	sadd.s32 $0xFFFFFE00, s0;
	s7 =	sor.u32 s7, s8;
	[tilespmem:v17+s12+$0x0] =	vst.idx.msk $0xffff, v16  }
0x2ab: {  	v17 =	vor.u32 s9, v12;
	v16 =	vld [tilespmem:s7+$0x0];
	_ =	sdelay $0x2  }
0x2ac: {  	s7 =	sadd.s32 $0xFFFFFFF0, s22  }
0x2ad: {  	s7 =	sand.u32 $0x60, s7  }
0x2ae: {  	s9 =	sadd.s32 $0xFFFFFF00, s0;
	s7 =	sor.u32 s7, s8;
	[tilespmem:v17+s12+$0x0] =	vst.idx.msk $0xffff, v16  }
0x2af: {  	v17 =	vor.u32 s9, v12;
	v16 =	vld [tilespmem:s7+$0x0];
	_ =	sdelay $0x3  }
0x2b0: {  	s7 =	sand.u32 $0x70, s22  }
.Ltmp17:
0x2b1: {  	s7 =	sor.u32 s7, s8;
	[tilespmem:v17+s12+$0x0] =	vst.idx.msk $0xffff, v16;
	(pc) =	sbr.rel @p3 .LBB2_28-.Ltmp17, $3  }
0x2b2: {  	v17 =	vor.u32 s0, v12;
	s0 =	smov.u32 s2;
	v16 =	vld [tilespmem:s7+$0x0];
	_ =	sdelay $0x1  }
0x2b3: {  	s1 =	sadd.s32 $0x200, s1;
	s22 =	sadd.s32 $0x40, s22  }
0x2b4: {  	s9 =	sand.u32 $0x1C00, s1;
	s2 =	sadd.s32 $0x400, s2;
	s7 =	sadd.s32 $0xFFFFFFD0, s22  }
0x2b5: {  	_ =	sdelay $0x2  }
0x2b6: {  	s1 =	sand.u32 $0x40, s7;
	s2 =	sor.u32 $0x2200, s9  }
0x2b7: {  	s29 =	sadd.s32 $0xFFFFFD00, s0;
	s1 =	sor.u32 s1, s2;
	[tilespmem:v17+s12+$0x0] =	vst.idx.msk $0xffff, v16  }
0x2b8: {  	v17 =	vor.u32 s29, v12;
	v16 =	vld [tilespmem:s1+$0x0];
	_ =	sdelay $0x2  }
0x2b9: {  	s30 =	sadd.s32 $0xFFFFFFE0, s22  }
0x2ba: {  	s1 =	sand.u32 $0x50, s30  }
0x2bb: {  	s31 =	sadd.s32 $0xFFFFFE00, s0;
	s1 =	sor.u32 s1, s2;
	[tilespmem:v17+s12+$0x0] =	vst.idx.msk $0xffff, v16  }
0x2bc: {  	v17 =	vor.u32 s31, v12;
	v16 =	vld [tilespmem:s1+$0x0];
	_ =	sdelay $0x2  }
0x2bd: {  	s7 =	sadd.s32 $0xFFFFFFF0, s22  }
0x2be: {  	s1 =	sand.u32 $0x60, s7  }
0x2bf: {  	s8 =	sadd.s32 $0xFFFFFF00, s0;
	s1 =	sor.u32 s1, s2;
	[tilespmem:v17+s12+$0x0] =	vst.idx.msk $0xffff, v16  }
0x2c0: {  	v17 =	vor.u32 s8, v12;
	v16 =	vld [tilespmem:s1+$0x0];
	_ =	sdelay $0x3  }
0x2c1: {  	s9 =	sand.u32 $0x70, s22  }
0x2c2: {  	s1 =	sor.u32 s9, s2;
	[tilespmem:v17+s12+$0x0] =	vst.idx.msk $0xffff, v16  }
0x2c3: {  	v17 =	vor.u32 s0, v12;
	v16 =	vld [tilespmem:s1+$0x0];
	_ =	sdelay $0x2  }
0x2c4: {  	s10 =	simm.s32 $0x0  }
0x2c5: {  	s15 =	sor.u32 $0x2280, s25;
	s22 =	sand.u32 $0x40, s10  }
0x2c6: {  	s25 =	sor.u32 s22, s15;
	[tilespmem:v17+s12+$0x0] =	vst.idx.msk $0xffff, v16  }
0x2c7: {  	v17 =	vor.u32 s26, v13;
	v16 =	vld [tilespmem:s25+$0x0];
	_ =	sdelay $0x2  }
0x2c8: {  	s28 =	simm.s32 $0x10  }
0x2c9: {  	s24 =	sand.u32 $0x50, s28  }
0x2ca: {  	s1 =	sor.u32 s24, s15;
	[tilespmem:v17+s12+$0x0] =	vst.idx.msk $0xffff, v16  }
0x2cb: {  	v17 =	vor.u32 s23, v13;
	v16 =	vld [tilespmem:s1+$0x0];
	_ =	sdelay $0x2  }
0x2cc: {  	s29 =	simm.s32 $0x20  }
0x2cd: {  	s23 =	sand.u32 $0x60, s29  }
0x2ce: {  	s1 =	sor.u32 s23, s15;
	[tilespmem:v17+s12+$0x0] =	vst.idx.msk $0xffff, v16  }
0x2cf: {  	v17 =	vor.u32 s21, v13;
	v16 =	vld [tilespmem:s1+$0x0];
	_ =	sdelay $0x2  }
0x2d0: {  	s30 =	simm.s32 $0x30  }
0x2d1: {  	s25 =	sand.u32 $0x70, s30  }
0x2d2: {  	s31 =	sor.u32 s25, s15;
	[tilespmem:v17+s12+$0x0] =	vst.idx.msk $0xffff, v16  }
0x2d3: {  	v17 =	vor.u32 s20, v13;
	v16 =	vld [tilespmem:s31+$0x0];
	_ =	sdelay $0x1  }
0x2d4: {  	s7 =	simm.s32 $0x40;
	s0 =	simm.s32 $0x200  }
0x2d5: {  	s2 =	simm.s32 $0xB00;
	s9 =	sand.u32 $0x1C00, s0;
	s1 =	simm.s32 $0x70  }
.LBB2_30:
0x2d6: {  	p3 =	sne.s32 s2, $0x3F00;
	s7 =	sand.u32 $0x40, s7;
	s8 =	sor.u32 $0x2280, s9  }
0x2d7: {  	s9 =	sadd.s32 $0xFFFFFD00, s19;
	s7 =	sor.u32 s7, s8;
	[tilespmem:v17+s12+$0x0] =	vst.idx.msk $0xffff, v16  }
0x2d8: {  	v17 =	vor.u32 s9, v13;
	v16 =	vld [tilespmem:s7+$0x0];
	_ =	sdelay $0x2  }
0x2d9: {  	s7 =	sadd.s32 $0xFFFFFFE0, s1  }
0x2da: {  	s7 =	sand.u32 $0x50, s7  }
0x2db: {  	s9 =	sadd.s32 $0xFFFFFE00, s19;
	s7 =	sor.u32 s7, s8;
	[tilespmem:v17+s12+$0x0] =	vst.idx.msk $0xffff, v16  }
0x2dc: {  	v17 =	vor.u32 s9, v13;
	v16 =	vld [tilespmem:s7+$0x0];
	_ =	sdelay $0x2  }
0x2dd: {  	s7 =	sadd.s32 $0xFFFFFFF0, s1  }
0x2de: {  	s7 =	sand.u32 $0x60, s7  }
0x2df: {  	s9 =	sadd.s32 $0xFFFFFF00, s19;
	s7 =	sor.u32 s7, s8;
	[tilespmem:v17+s12+$0x0] =	vst.idx.msk $0xffff, v16  }
0x2e0: {  	v17 =	vor.u32 s9, v13;
	v16 =	vld [tilespmem:s7+$0x0];
	_ =	sdelay $0x3  }
0x2e1: {  	s7 =	sand.u32 $0x70, s1  }
.Ltmp18:
0x2e2: {  	s7 =	sor.u32 s7, s8;
	[tilespmem:v17+s12+$0x0] =	vst.idx.msk $0xffff, v16;
	(pc) =	sbr.rel @p3 .LBB2_30-.Ltmp18, $3  }
0x2e3: {  	v17 =	vor.u32 s19, v13;
	s19 =	smov.u32 s2;
	v16 =	vld [tilespmem:s7+$0x0];
	_ =	sdelay $0x1  }
0x2e4: {  	s0 =	sadd.s32 $0x200, s0;
	s1 =	sadd.s32 $0x40, s1  }
0x2e5: {  	s9 =	sand.u32 $0x1C00, s0;
	s2 =	sadd.s32 $0x400, s2;
	s7 =	sadd.s32 $0xFFFFFFD0, s1  }
0x2e6: {  	_ =	sdelay $0x2  }
0x2e7: {  	s0 =	sand.u32 $0x40, s7;
	s2 =	sor.u32 $0x2280, s9  }
0x2e8: {  	s8 =	sadd.s32 $0xFFFFFD00, s19;
	s0 =	sor.u32 s0, s2;
	[tilespmem:v17+s12+$0x0] =	vst.idx.msk $0xffff, v16  }
0x2e9: {  	v17 =	vor.u32 s8, v13;
	v16 =	vld [tilespmem:s0+$0x0];
	_ =	sdelay $0x2  }
0x2ea: {  	s9 =	sadd.s32 $0xFFFFFFE0, s1  }
0x2eb: {  	s0 =	sand.u32 $0x50, s9  }
0x2ec: {  	s10 =	sadd.s32 $0xFFFFFE00, s19;
	s0 =	sor.u32 s0, s2;
	[tilespmem:v17+s12+$0x0] =	vst.idx.msk $0xffff, v16  }
0x2ed: {  	v17 =	vor.u32 s10, v13;
	v16 =	vld [tilespmem:s0+$0x0];
	_ =	sdelay $0x2  }
0x2ee: {  	s15 =	sadd.s32 $0xFFFFFFF0, s1  }
0x2ef: {  	s0 =	sand.u32 $0x60, s15  }
0x2f0: {  	s20 =	sadd.s32 $0xFFFFFF00, s19;
	s0 =	sor.u32 s0, s2;
	[tilespmem:v17+s12+$0x0] =	vst.idx.msk $0xffff, v16  }
0x2f1: {  	v17 =	vor.u32 s20, v13;
	v16 =	vld [tilespmem:s0+$0x0];
	_ =	sdelay $0x3  }
0x2f2: {  	s21 =	sand.u32 $0x70, s1  }
0x2f3: {  	s0 =	sor.u32 s21, s2;
	[tilespmem:v17+s12+$0x0] =	vst.idx.msk $0xffff, v16  }
0x2f4: {  	v17 =	vor.u32 s19, v13;
	v16 =	vld [tilespmem:s0+$0x0];
	_ =	sdelay $0x1  }
0x2f5: {  	s26 =	simm.s32 $0x0  }
0x2f6: {  	s26 =	sand.u32 $0x1C00, s26  }
0x2f7: {  	s0 =	sor.u32 $0x2300, s26  }
0x2f8: {  	s28 =	simm.s32 $0x0;
	s29 =	sor.u32 s22, s0;
	[tilespmem:v17+s12+$0x0] =	vst.idx.msk $0xffff, v16  }
0x2f9: {  	v17 =	vor.u32 s28, v14;
	v16 =	vld [tilespmem:s29+$0x0];
	_ =	sdelay $0x4  }
0x2fa: {  	s30 =	sor.u32 s24, s0;
	s22 =	simm.s32 $0x100;
	[tilespmem:v17+s12+$0x0] =	vst.idx.msk $0xffff, v16  }
0x2fb: {  	v17 =	vor.u32 s22, v14;
	v16 =	vld [tilespmem:s30+$0x0];
	_ =	sdelay $0x4  }
0x2fc: {  	s21 =	simm.s32 $0x200;
	s31 =	sor.u32 s23, s0;
	[tilespmem:v17+s12+$0x0] =	vst.idx.msk $0xffff, v16  }
0x2fd: {  	v17 =	vor.u32 s21, v14;
	v16 =	vld [tilespmem:s31+$0x0];
	_ =	sdelay $0x4  }
0x2fe: {  	s20 =	simm.s32 $0x300;
	s0 =	sor.u32 s25, s0;
	[tilespmem:v17+s12+$0x0] =	vst.idx.msk $0xffff, v16  }
0x2ff: {  	v17 =	vor.u32 s20, v14;
	v16 =	vld [tilespmem:s0+$0x0]  }
0x300: {  	s1 =	simm.s32 $0x70  }
0x301: {  	s7 =	simm.s32 $0x40;
	s9 =	simm.s32 $0xB00;
	s2 =	simm.s32 $0x200  }
0x302: {  	s10 =	sand.u32 $0x1C00, s2;
	s19 =	simm.s32 $0x700;
	s0 =	simm.s32 $0x700  }
.LBB2_32:
0x303: {  	p3 =	sne.s32 s9, $0x3F00;
	s7 =	sand.u32 $0x40, s7;
	s8 =	sor.u32 $0x2300, s10  }
0x304: {  	s10 =	sadd.s32 $0xFFFFFD00, s0;
	s7 =	sor.u32 s7, s8;
	[tilespmem:v17+s12+$0x0] =	vst.idx.msk $0xffff, v16  }
0x305: {  	v17 =	vor.u32 s10, v14;
	v16 =	vld [tilespmem:s7+$0x0];
	_ =	sdelay $0x2  }
0x306: {  	s7 =	sadd.s32 $0xFFFFFFE0, s1  }
0x307: {  	s7 =	sand.u32 $0x50, s7  }
0x308: {  	s10 =	sadd.s32 $0xFFFFFE00, s0;
	s7 =	sor.u32 s7, s8;
	[tilespmem:v17+s12+$0x0] =	vst.idx.msk $0xffff, v16  }
0x309: {  	v17 =	vor.u32 s10, v14;
	v16 =	vld [tilespmem:s7+$0x0];
	_ =	sdelay $0x2  }
0x30a: {  	s7 =	sadd.s32 $0xFFFFFFF0, s1  }
0x30b: {  	s7 =	sand.u32 $0x60, s7  }
0x30c: {  	s10 =	sadd.s32 $0xFFFFFF00, s0;
	s7 =	sor.u32 s7, s8;
	[tilespmem:v17+s12+$0x0] =	vst.idx.msk $0xffff, v16  }
0x30d: {  	v17 =	vor.u32 s10, v14;
	v16 =	vld [tilespmem:s7+$0x0];
	_ =	sdelay $0x3  }
0x30e: {  	s7 =	sand.u32 $0x70, s1  }
.Ltmp19:
0x30f: {  	s7 =	sor.u32 s7, s8;
	[tilespmem:v17+s12+$0x0] =	vst.idx.msk $0xffff, v16;
	(pc) =	sbr.rel @p3 .LBB2_32-.Ltmp19, $3  }
0x310: {  	v17 =	vor.u32 s0, v14;
	s0 =	smov.u32 s9;
	v16 =	vld [tilespmem:s7+$0x0];
	_ =	sdelay $0x1  }
0x311: {  	s2 =	sadd.s32 $0x200, s2;
	s1 =	sadd.s32 $0x40, s1  }
0x312: {  	s10 =	sand.u32 $0x1C00, s2;
	s9 =	sadd.s32 $0x400, s9;
	s7 =	sadd.s32 $0xFFFFFFD0, s1  }
0x313: {  	_ =	sdelay $0x2  }
0x314: {  	s2 =	sand.u32 $0x40, s7;
	s31 =	sor.u32 $0x2300, s10  }
0x315: {  	s8 =	sadd.s32 $0xFFFFFD00, s0;
	s2 =	sor.u32 s2, s31;
	[tilespmem:v17+s12+$0x0] =	vst.idx.msk $0xffff, v16  }
0x316: {  	v17 =	vor.u32 s8, v14;
	v16 =	vld [tilespmem:s2+$0x0];
	_ =	sdelay $0x2  }
0x317: {  	s9 =	sadd.s32 $0xFFFFFFE0, s1  }
0x318: {  	s2 =	sand.u32 $0x50, s9  }
0x319: {  	s10 =	sadd.s32 $0xFFFFFE00, s0;
	s2 =	sor.u32 s2, s31;
	[tilespmem:v17+s12+$0x0] =	vst.idx.msk $0xffff, v16  }
0x31a: {  	v17 =	vor.u32 s10, v14;
	v16 =	vld [tilespmem:s2+$0x0];
	_ =	sdelay $0x2  }
0x31b: {  	s15 =	sadd.s32 $0xFFFFFFF0, s1  }
0x31c: {  	s2 =	sand.u32 $0x60, s15  }
0x31d: {  	s23 =	sadd.s32 $0xFFFFFF00, s0;
	s2 =	sor.u32 s2, s31;
	[tilespmem:v17+s12+$0x0] =	vst.idx.msk $0xffff, v16  }
0x31e: {  	v17 =	vor.u32 s23, v14;
	v16 =	vld [tilespmem:s2+$0x0];
	_ =	sdelay $0x3  }
0x31f: {  	s24 =	sand.u32 $0x70, s1  }
0x320: {  	s1 =	sor.u32 s24, s31;
	[tilespmem:v17+s12+$0x0] =	vst.idx.msk $0xffff, v16  }
0x321: {  	v17 =	vor.u32 s0, v14;
	v16 =	vld [tilespmem:s1+$0x0];
	_ =	sdelay $0x2  }
0x322: {  	s25 =	simm.s32 $0x0  }
0x323: {  	s26 =	sor.u32 $0x2380, s26;
	s0 =	sand.u32 $0x40, s25  }
0x324: {  	s0 =	sor.u32 s0, s26;
	[tilespmem:v17+s12+$0x0] =	vst.idx.msk $0xffff, v16  }
0x325: {  	v17 =	vor.u32 s28, v15;
	v16 =	vld [tilespmem:s0+$0x0];
	_ =	sdelay $0x2  }
0x326: {  	s28 =	simm.s32 $0x10  }
0x327: {  	s0 =	sand.u32 $0x50, s28  }
0x328: {  	s0 =	sor.u32 s0, s26;
	[tilespmem:v17+s12+$0x0] =	vst.idx.msk $0xffff, v16  }
0x329: {  	v17 =	vor.u32 s22, v15;
	v16 =	vld [tilespmem:s0+$0x0];
	_ =	sdelay $0x2  }
0x32a: {  	s29 =	simm.s32 $0x20  }
0x32b: {  	s0 =	sand.u32 $0x60, s29  }
0x32c: {  	s0 =	sor.u32 s0, s26;
	[tilespmem:v17+s12+$0x0] =	vst.idx.msk $0xffff, v16  }
0x32d: {  	v17 =	vor.u32 s21, v15;
	v16 =	vld [tilespmem:s0+$0x0];
	_ =	sdelay $0x2  }
0x32e: {  	s30 =	simm.s32 $0x30  }
0x32f: {  	s0 =	sand.u32 $0x70, s30  }
0x330: {  	s31 =	sor.u32 s0, s26;
	[tilespmem:v17+s12+$0x0] =	vst.idx.msk $0xffff, v16  }
0x331: {  	v17 =	vor.u32 s20, v15;
	v16 =	vld [tilespmem:s31+$0x0];
	_ =	sdelay $0x1  }
0x332: {  	s7 =	simm.s32 $0x40;
	s0 =	simm.s32 $0x200  }
0x333: {  	s2 =	simm.s32 $0xB00;
	s1 =	simm.s32 $0x70;
	s9 =	sand.u32 $0x1C00, s0  }
.LBB2_34:
0x334: {  	p3 =	sne.s32 s2, $0x3F00;
	s7 =	sand.u32 $0x40, s7;
	s8 =	sor.u32 $0x2380, s9  }
0x335: {  	s9 =	sadd.s32 $0xFFFFFD00, s19;
	s7 =	sor.u32 s7, s8;
	[tilespmem:v17+s12+$0x0] =	vst.idx.msk $0xffff, v16  }
0x336: {  	v17 =	vor.u32 s9, v15;
	v16 =	vld [tilespmem:s7+$0x0];
	_ =	sdelay $0x2  }
0x337: {  	s7 =	sadd.s32 $0xFFFFFFE0, s1  }
0x338: {  	s7 =	sand.u32 $0x50, s7  }
0x339: {  	s9 =	sadd.s32 $0xFFFFFE00, s19;
	s7 =	sor.u32 s7, s8;
	[tilespmem:v17+s12+$0x0] =	vst.idx.msk $0xffff, v16  }
0x33a: {  	v17 =	vor.u32 s9, v15;
	v16 =	vld [tilespmem:s7+$0x0];
	_ =	sdelay $0x2  }
0x33b: {  	s7 =	sadd.s32 $0xFFFFFFF0, s1  }
0x33c: {  	s7 =	sand.u32 $0x60, s7  }
0x33d: {  	s9 =	sadd.s32 $0xFFFFFF00, s19;
	s7 =	sor.u32 s7, s8;
	[tilespmem:v17+s12+$0x0] =	vst.idx.msk $0xffff, v16  }
0x33e: {  	v17 =	vor.u32 s9, v15;
	v16 =	vld [tilespmem:s7+$0x0];
	_ =	sdelay $0x3  }
0x33f: {  	s7 =	sand.u32 $0x70, s1  }
.Ltmp20:
0x340: {  	s7 =	sor.u32 s7, s8;
	[tilespmem:v17+s12+$0x0] =	vst.idx.msk $0xffff, v16;
	(pc) =	sbr.rel @p3 .LBB2_34-.Ltmp20, $3  }
0x341: {  	v17 =	vor.u32 s19, v15;
	s19 =	smov.u32 s2;
	v16 =	vld [tilespmem:s7+$0x0];
	_ =	sdelay $0x1  }
0x342: {  	s0 =	sadd.s32 $0x200, s0;
	s1 =	sadd.s32 $0x40, s1  }
0x343: {  	s9 =	sand.u32 $0x1C00, s0;
	s2 =	sadd.s32 $0x400, s2;
	s7 =	sadd.s32 $0xFFFFFFD0, s1  }
0x344: {  	_ =	sdelay $0x2  }
0x345: {  	s0 =	sand.u32 $0x40, s7;
	s2 =	sor.u32 $0x2380, s9  }
0x346: {  	s24 =	sadd.s32 $0xFFFFFD00, s19;
	s0 =	sor.u32 s0, s2;
	[tilespmem:v17+s12+$0x0] =	vst.idx.msk $0xffff, v16  }
0x347: {  	v17 =	vor.u32 s24, v15;
	v16 =	vld [tilespmem:s0+$0x0];
	_ =	sdelay $0x2  }
0x348: {  	s25 =	sadd.s32 $0xFFFFFFE0, s1  }
0x349: {  	s0 =	sand.u32 $0x50, s25  }
0x34a: {  	s26 =	sadd.s32 $0xFFFFFE00, s19;
	s0 =	sor.u32 s0, s2;
	[tilespmem:v17+s12+$0x0] =	vst.idx.msk $0xffff, v16  }
0x34b: {  	v17 =	vor.u32 s26, v15;
	v16 =	vld [tilespmem:s0+$0x0];
	_ =	sdelay $0x2  }
0x34c: {  	s28 =	sadd.s32 $0xFFFFFFF0, s1  }
0x34d: {  	s0 =	sand.u32 $0x60, s28  }
0x34e: {  	s29 =	sadd.s32 $0xFFFFFF00, s19;
	s0 =	sor.u32 s0, s2;
	[tilespmem:v17+s12+$0x0] =	vst.idx.msk $0xffff, v16  }
0x34f: {  	v17 =	vor.u32 s29, v15;
	v16 =	vld [tilespmem:s0+$0x0];
	_ =	sdelay $0x3  }
0x350: {  	s30 =	sand.u32 $0x70, s1  }
0x351: {  	s0 =	sor.u32 s30, s2;
	[tilespmem:v17+s12+$0x0] =	vst.idx.msk $0xffff, v16  }
0x352: {  	v17 =	vor.u32 s19, v15;
	v16 =	vld [tilespmem:s0+$0x0];
	_ =	sdelay $0x3  }
0x353: {  	s31 =	sshll.u32 s16, $0x11  }
0x354: {  	s0 =	sadd.s32 s31, s6;
	[tilespmem:v17+s12+$0x0] =	vst.idx.msk $0xffff, v16  }
0x355: {  	[hbm4b:s0+s3] =	stream.linear.scatter [tilespmem:s12], [sflag:$0x3], $0x4000, $0x38;
	[tilespmem:$0x10400] =	vst v63  }
.LBB2_36:
0x356: {  	p3 =	sge.u32 s17, s4  }
.Ltmp21:
0x357: {  	_ = 	snop;
	(pc) =	sbr.rel @p3 .LBB2_70-.Ltmp21, $1  }
0x358: {  	_ =	sdelay $0x3  }
0x359: {  	s0 =	sadd.s32 $0x2, s18;
	_ =	swait.ge [sflag:s13], $0x4000  }
0x35a: {  	p3 =	sge.u32 s0, s4;
	[sflag:s13] =	ssyncset.done $0x0  }
0x35b: {  	s0 =	sshll.u32 @!p3 s0, $0xF;
	[sflag:s13] =	ssyncadd.s32 $0xFFFFC000;
	s1 =	simm.s32 @!p3 $0x2000  }
0x35c: {  	s2 =	simm.s32 @!p3 $0x13D6400;
	s7 =	simm.s32 @!p3 $0x0;
	s0 =	sadd.s32 @!p3 s0, s5  }
0x35d: {  	[tilespmem:s7], [sflag:$0x1] =	stream.strided.gather @!p3 [hbm4b:s0+s1], $0x4000, s2, s1, $0x38;
	[tilespmem:$0x10400] =	vst v63  }
0x35e: {  	p3 =	seq.s32 s16, $0x0  }
0x35f: {  	s25 =	simm.s32 $0x0;
	s0 =	simm.s32 @!p3 $0x4  }
0x360: {  	s26 =	simm.s32 $0x0;
	s1 =	sand.u32 $0x1C00, s25;
	_ =	swait.ge @!p3 [sflag:s0], $0x4000  }
0x361: {  	s2 =	sand.u32 $0x40, s26;
	s1 =	sor.u32 $0x4000, s1;
	[sflag:s0] =	ssyncset.done @!p3 $0x0  }
0x362: {  	s20 =	simm.s32 $0x0;
	s19 =	sor.u32 s2, s1;
	[sflag:s0] =	ssyncadd.s32 @!p3 $0xFFFFC000  }
0x363: {  	v17 =	vor.u32 s20, v0;
	v16 =	vld [tilespmem:s19+$0x0];
	_ =	sdelay $0x2  }
0x364: {  	s29 =	simm.s32 $0x10  }
0x365: {  	s0 =	sand.u32 $0x50, s29  }
0x366: {  	s22 =	simm.s32 $0x100;
	s21 =	sor.u32 s0, s1;
	[tilespmem:v17+s14+$0x0] =	vst.idx.msk $0xffff, v16  }
0x367: {  	v17 =	vor.u32 s22, v0;
	v16 =	vld [tilespmem:s21+$0x0];
	_ =	sdelay $0x2  }
0x368: {  	s30 =	simm.s32 $0x20  }
0x369: {  	s0 =	sand.u32 $0x60, s30  }
0x36a: {  	s25 =	simm.s32 $0x200;
	s24 =	sor.u32 s0, s1;
	[tilespmem:v17+s14+$0x0] =	vst.idx.msk $0xffff, v16  }
0x36b: {  	v17 =	vor.u32 s25, v0;
	v16 =	vld [tilespmem:s24+$0x0];
	_ =	sdelay $0x2  }
0x36c: {  	s31 =	simm.s32 $0x30  }
0x36d: {  	s0 =	sand.u32 $0x70, s31  }
0x36e: {  	s23 =	simm.s32 $0x300;
	s26 =	sor.u32 s0, s1;
	[tilespmem:v17+s14+$0x0] =	vst.idx.msk $0xffff, v16  }
0x36f: {  	v17 =	vor.u32 s23, v0;
	v16 =	vld [tilespmem:s26+$0x0]  }
0x370: {  	s18 =	simm.s32 $0x700  }
0x371: {  	s28 =	simm.s32 $0x70;
	s7 =	simm.s32 $0x40;
	s1 =	simm.s32 $0x200  }
0x372: {  	s2 =	simm.s32 $0xB00;
	s0 =	simm.s32 $0x700;
	s9 =	sand.u32 $0x1C00, s1  }
.LBB2_38:
0x373: {  	p3 =	sne.s32 s2, $0x3F00;
	s7 =	sand.u32 $0x40, s7;
	s8 =	sor.u32 $0x4000, s9  }
0x374: {  	s9 =	sadd.s32 $0xFFFFFD00, s0;
	s7 =	sor.u32 s7, s8;
	[tilespmem:v17+s14+$0x0] =	vst.idx.msk $0xffff, v16  }
0x375: {  	v17 =	vor.u32 s9, v0;
	v16 =	vld [tilespmem:s7+$0x0];
	_ =	sdelay $0x2  }
0x376: {  	s7 =	sadd.s32 $0xFFFFFFE0, s28  }
0x377: {  	s7 =	sand.u32 $0x50, s7  }
0x378: {  	s9 =	sadd.s32 $0xFFFFFE00, s0;
	s7 =	sor.u32 s7, s8;
	[tilespmem:v17+s14+$0x0] =	vst.idx.msk $0xffff, v16  }
0x379: {  	v17 =	vor.u32 s9, v0;
	v16 =	vld [tilespmem:s7+$0x0];
	_ =	sdelay $0x2  }
0x37a: {  	s7 =	sadd.s32 $0xFFFFFFF0, s28  }
0x37b: {  	s7 =	sand.u32 $0x60, s7  }
0x37c: {  	s9 =	sadd.s32 $0xFFFFFF00, s0;
	s7 =	sor.u32 s7, s8;
	[tilespmem:v17+s14+$0x0] =	vst.idx.msk $0xffff, v16  }
0x37d: {  	v17 =	vor.u32 s9, v0;
	v16 =	vld [tilespmem:s7+$0x0];
	_ =	sdelay $0x3  }
0x37e: {  	s7 =	sand.u32 $0x70, s28  }
.Ltmp22:
0x37f: {  	s7 =	sor.u32 s7, s8;
	[tilespmem:v17+s14+$0x0] =	vst.idx.msk $0xffff, v16;
	(pc) =	sbr.rel @p3 .LBB2_38-.Ltmp22, $3  }
0x380: {  	v17 =	vor.u32 s0, v0;
	s0 =	smov.u32 s2;
	v16 =	vld [tilespmem:s7+$0x0];
	_ =	sdelay $0x1  }
0x381: {  	s1 =	sadd.s32 $0x200, s1;
	s28 =	sadd.s32 $0x40, s28  }
0x382: {  	s9 =	sand.u32 $0x1C00, s1;
	s2 =	sadd.s32 $0x400, s2;
	s7 =	sadd.s32 $0xFFFFFFD0, s28  }
0x383: {  	_ =	sdelay $0x2  }
0x384: {  	s1 =	sand.u32 $0x40, s7;
	s2 =	sor.u32 $0x4000, s9  }
0x385: {  	s9 =	sadd.s32 $0xFFFFFD00, s0;
	s1 =	sor.u32 s1, s2;
	[tilespmem:v17+s14+$0x0] =	vst.idx.msk $0xffff, v16  }
0x386: {  	v17 =	vor.u32 s9, v0;
	v16 =	vld [tilespmem:s1+$0x0];
	_ =	sdelay $0x2  }
0x387: {  	s10 =	sadd.s32 $0xFFFFFFE0, s28  }
0x388: {  	s1 =	sand.u32 $0x50, s10  }
0x389: {  	s15 =	sadd.s32 $0xFFFFFE00, s0;
	s1 =	sor.u32 s1, s2;
	[tilespmem:v17+s14+$0x0] =	vst.idx.msk $0xffff, v16  }
0x38a: {  	v17 =	vor.u32 s15, v0;
	v16 =	vld [tilespmem:s1+$0x0];
	_ =	sdelay $0x2  }
0x38b: {  	s29 =	sadd.s32 $0xFFFFFFF0, s28  }
0x38c: {  	s1 =	sand.u32 $0x60, s29  }
0x38d: {  	s30 =	sadd.s32 $0xFFFFFF00, s0;
	s1 =	sor.u32 s1, s2;
	[tilespmem:v17+s14+$0x0] =	vst.idx.msk $0xffff, v16  }
0x38e: {  	v17 =	vor.u32 s30, v0;
	v16 =	vld [tilespmem:s1+$0x0];
	_ =	sdelay $0x3  }
0x38f: {  	s31 =	sand.u32 $0x70, s28  }
0x390: {  	s1 =	sor.u32 s31, s2;
	[tilespmem:v17+s14+$0x0] =	vst.idx.msk $0xffff, v16  }
0x391: {  	v17 =	vor.u32 s0, v0;
	v16 =	vld [tilespmem:s1+$0x0];
	_ =	sdelay $0x4  }
0x392: {  	[tilespmem:v17+s14+$0x0] =	vst.idx.msk $0xffff, v16  }
0x393: {  	v17 =	vor.u32 s20, v1;
	v16 =	vld [tilespmem:s19+$0x80];
	_ =	sdelay $0x4  }
0x394: {  	[tilespmem:v17+s14+$0x0] =	vst.idx.msk $0xffff, v16  }
0x395: {  	v17 =	vor.u32 s22, v1;
	v16 =	vld [tilespmem:s21+$0x80];
	_ =	sdelay $0x4  }
0x396: {  	[tilespmem:v17+s14+$0x0] =	vst.idx.msk $0xffff, v16  }
0x397: {  	v17 =	vor.u32 s25, v1;
	v16 =	vld [tilespmem:s24+$0x80];
	_ =	sdelay $0x4  }
0x398: {  	[tilespmem:v17+s14+$0x0] =	vst.idx.msk $0xffff, v16  }
0x399: {  	v17 =	vor.u32 s23, v1;
	v16 =	vld [tilespmem:s26+$0x80];
	_ =	sdelay $0x1  }
0x39a: {  	s7 =	simm.s32 $0x40;
	s0 =	simm.s32 $0x200  }
0x39b: {  	s2 =	simm.s32 $0xB00;
	s1 =	simm.s32 $0x70;
	s9 =	sand.u32 $0x1C00, s0  }
.LBB2_40:
0x39c: {  	p3 =	sne.s32 s2, $0x3F00;
	s7 =	sand.u32 $0x40, s7;
	s8 =	sor.u32 $0x4000, s9  }
0x39d: {  	s9 =	sadd.s32 $0xFFFFFD00, s18;
	s7 =	sor.u32 s7, s8;
	[tilespmem:v17+s14+$0x0] =	vst.idx.msk $0xffff, v16  }
0x39e: {  	v17 =	vor.u32 s9, v1;
	v16 =	vld [tilespmem:s7+$0x80];
	_ =	sdelay $0x2  }
0x39f: {  	s7 =	sadd.s32 $0xFFFFFFE0, s1  }
0x3a0: {  	s7 =	sand.u32 $0x50, s7  }
0x3a1: {  	s9 =	sadd.s32 $0xFFFFFE00, s18;
	s7 =	sor.u32 s7, s8;
	[tilespmem:v17+s14+$0x0] =	vst.idx.msk $0xffff, v16  }
0x3a2: {  	v17 =	vor.u32 s9, v1;
	v16 =	vld [tilespmem:s7+$0x80];
	_ =	sdelay $0x2  }
0x3a3: {  	s7 =	sadd.s32 $0xFFFFFFF0, s1  }
0x3a4: {  	s7 =	sand.u32 $0x60, s7  }
0x3a5: {  	s9 =	sadd.s32 $0xFFFFFF00, s18;
	s7 =	sor.u32 s7, s8;
	[tilespmem:v17+s14+$0x0] =	vst.idx.msk $0xffff, v16  }
0x3a6: {  	v17 =	vor.u32 s9, v1;
	v16 =	vld [tilespmem:s7+$0x80];
	_ =	sdelay $0x3  }
0x3a7: {  	s7 =	sand.u32 $0x70, s1  }
.Ltmp23:
0x3a8: {  	s7 =	sor.u32 s7, s8;
	[tilespmem:v17+s14+$0x0] =	vst.idx.msk $0xffff, v16;
	(pc) =	sbr.rel @p3 .LBB2_40-.Ltmp23, $3  }
0x3a9: {  	v17 =	vor.u32 s18, v1;
	s18 =	smov.u32 s2;
	v16 =	vld [tilespmem:s7+$0x80];
	_ =	sdelay $0x1  }
0x3aa: {  	s0 =	sadd.s32 $0x200, s0;
	s1 =	sadd.s32 $0x40, s1  }
0x3ab: {  	s9 =	sand.u32 $0x1C00, s0;
	s2 =	sadd.s32 $0x400, s2;
	s7 =	sadd.s32 $0xFFFFFFD0, s1  }
0x3ac: {  	_ =	sdelay $0x2  }
0x3ad: {  	s0 =	sand.u32 $0x40, s7;
	s2 =	sor.u32 $0x4000, s9  }
0x3ae: {  	s19 =	sadd.s32 $0xFFFFFD00, s18;
	s0 =	sor.u32 s0, s2;
	[tilespmem:v17+s14+$0x0] =	vst.idx.msk $0xffff, v16  }
0x3af: {  	v17 =	vor.u32 s19, v1;
	v16 =	vld [tilespmem:s0+$0x80];
	_ =	sdelay $0x2  }
0x3b0: {  	s20 =	sadd.s32 $0xFFFFFFE0, s1  }
0x3b1: {  	s0 =	sand.u32 $0x50, s20  }
0x3b2: {  	s21 =	sadd.s32 $0xFFFFFE00, s18;
	s0 =	sor.u32 s0, s2;
	[tilespmem:v17+s14+$0x0] =	vst.idx.msk $0xffff, v16  }
0x3b3: {  	v17 =	vor.u32 s21, v1;
	v16 =	vld [tilespmem:s0+$0x80];
	_ =	sdelay $0x2  }
0x3b4: {  	s22 =	sadd.s32 $0xFFFFFFF0, s1  }
0x3b5: {  	s0 =	sand.u32 $0x60, s22  }
0x3b6: {  	s23 =	sadd.s32 $0xFFFFFF00, s18;
	s0 =	sor.u32 s0, s2;
	[tilespmem:v17+s14+$0x0] =	vst.idx.msk $0xffff, v16  }
0x3b7: {  	v17 =	vor.u32 s23, v1;
	v16 =	vld [tilespmem:s0+$0x80];
	_ =	sdelay $0x3  }
0x3b8: {  	s24 =	sand.u32 $0x70, s1  }
0x3b9: {  	s0 =	sor.u32 s24, s2;
	[tilespmem:v17+s14+$0x0] =	vst.idx.msk $0xffff, v16  }
0x3ba: {  	v17 =	vor.u32 s18, v1;
	v16 =	vld [tilespmem:s0+$0x80];
	_ =	sdelay $0x1  }
0x3bb: {  	s25 =	simm.s32 $0x0  }
0x3bc: {  	s26 =	simm.s32 $0x0;
	s0 =	sand.u32 $0x1C00, s25  }
0x3bd: {  	s1 =	sand.u32 $0x40, s26;
	s0 =	sor.u32 $0x4000, s0  }
0x3be: {  	s20 =	simm.s32 $0x0;
	s19 =	sor.u32 s1, s0;
	[tilespmem:v17+s14+$0x0] =	vst.idx.msk $0xffff, v16  }
0x3bf: {  	v17 =	vor.u32 s20, v2;
	v16 =	vld [tilespmem:s19+$0x100];
	_ =	sdelay $0x2  }
0x3c0: {  	s29 =	simm.s32 $0x10  }
0x3c1: {  	s1 =	sand.u32 $0x50, s29  }
0x3c2: {  	s22 =	simm.s32 $0x100;
	s21 =	sor.u32 s1, s0;
	[tilespmem:v17+s14+$0x0] =	vst.idx.msk $0xffff, v16  }
0x3c3: {  	v17 =	vor.u32 s22, v2;
	v16 =	vld [tilespmem:s21+$0x100];
	_ =	sdelay $0x2  }
0x3c4: {  	s30 =	simm.s32 $0x20  }
0x3c5: {  	s1 =	sand.u32 $0x60, s30  }
0x3c6: {  	s25 =	simm.s32 $0x200;
	s24 =	sor.u32 s1, s0;
	[tilespmem:v17+s14+$0x0] =	vst.idx.msk $0xffff, v16  }
0x3c7: {  	v17 =	vor.u32 s25, v2;
	v16 =	vld [tilespmem:s24+$0x100];
	_ =	sdelay $0x2  }
0x3c8: {  	s31 =	simm.s32 $0x30  }
0x3c9: {  	s1 =	sand.u32 $0x70, s31  }
0x3ca: {  	s23 =	simm.s32 $0x300;
	s26 =	sor.u32 s1, s0;
	[tilespmem:v17+s14+$0x0] =	vst.idx.msk $0xffff, v16  }
0x3cb: {  	v17 =	vor.u32 s23, v2;
	v16 =	vld [tilespmem:s26+$0x100]  }
0x3cc: {  	s28 =	simm.s32 $0x70  }
0x3cd: {  	s7 =	simm.s32 $0x40;
	s2 =	simm.s32 $0xB00;
	s1 =	simm.s32 $0x200  }
0x3ce: {  	s18 =	simm.s32 $0x700;
	s0 =	simm.s32 $0x700;
	s9 =	sand.u32 $0x1C00, s1  }
.LBB2_42:
0x3cf: {  	p3 =	sne.s32 s2, $0x3F00;
	s7 =	sand.u32 $0x40, s7;
	s8 =	sor.u32 $0x4000, s9  }
0x3d0: {  	s9 =	sadd.s32 $0xFFFFFD00, s0;
	s7 =	sor.u32 s7, s8;
	[tilespmem:v17+s14+$0x0] =	vst.idx.msk $0xffff, v16  }
0x3d1: {  	v17 =	vor.u32 s9, v2;
	v16 =	vld [tilespmem:s7+$0x100];
	_ =	sdelay $0x2  }
0x3d2: {  	s7 =	sadd.s32 $0xFFFFFFE0, s28  }
0x3d3: {  	s7 =	sand.u32 $0x50, s7  }
0x3d4: {  	s9 =	sadd.s32 $0xFFFFFE00, s0;
	s7 =	sor.u32 s7, s8;
	[tilespmem:v17+s14+$0x0] =	vst.idx.msk $0xffff, v16  }
0x3d5: {  	v17 =	vor.u32 s9, v2;
	v16 =	vld [tilespmem:s7+$0x100];
	_ =	sdelay $0x2  }
0x3d6: {  	s7 =	sadd.s32 $0xFFFFFFF0, s28  }
0x3d7: {  	s7 =	sand.u32 $0x60, s7  }
0x3d8: {  	s9 =	sadd.s32 $0xFFFFFF00, s0;
	s7 =	sor.u32 s7, s8;
	[tilespmem:v17+s14+$0x0] =	vst.idx.msk $0xffff, v16  }
0x3d9: {  	v17 =	vor.u32 s9, v2;
	v16 =	vld [tilespmem:s7+$0x100];
	_ =	sdelay $0x3  }
0x3da: {  	s7 =	sand.u32 $0x70, s28  }
.Ltmp24:
0x3db: {  	s7 =	sor.u32 s7, s8;
	[tilespmem:v17+s14+$0x0] =	vst.idx.msk $0xffff, v16;
	(pc) =	sbr.rel @p3 .LBB2_42-.Ltmp24, $3  }
0x3dc: {  	v17 =	vor.u32 s0, v2;
	s0 =	smov.u32 s2;
	v16 =	vld [tilespmem:s7+$0x100];
	_ =	sdelay $0x1  }
0x3dd: {  	s1 =	sadd.s32 $0x200, s1;
	s28 =	sadd.s32 $0x40, s28  }
0x3de: {  	s9 =	sand.u32 $0x1C00, s1;
	s2 =	sadd.s32 $0x400, s2;
	s7 =	sadd.s32 $0xFFFFFFD0, s28  }
0x3df: {  	_ =	sdelay $0x2  }
0x3e0: {  	s1 =	sand.u32 $0x40, s7;
	s2 =	sor.u32 $0x4000, s9  }
0x3e1: {  	s9 =	sadd.s32 $0xFFFFFD00, s0;
	s1 =	sor.u32 s1, s2;
	[tilespmem:v17+s14+$0x0] =	vst.idx.msk $0xffff, v16  }
0x3e2: {  	v17 =	vor.u32 s9, v2;
	v16 =	vld [tilespmem:s1+$0x100];
	_ =	sdelay $0x2  }
0x3e3: {  	s10 =	sadd.s32 $0xFFFFFFE0, s28  }
0x3e4: {  	s1 =	sand.u32 $0x50, s10  }
0x3e5: {  	s15 =	sadd.s32 $0xFFFFFE00, s0;
	s1 =	sor.u32 s1, s2;
	[tilespmem:v17+s14+$0x0] =	vst.idx.msk $0xffff, v16  }
0x3e6: {  	v17 =	vor.u32 s15, v2;
	v16 =	vld [tilespmem:s1+$0x100];
	_ =	sdelay $0x2  }
0x3e7: {  	s29 =	sadd.s32 $0xFFFFFFF0, s28  }
0x3e8: {  	s1 =	sand.u32 $0x60, s29  }
0x3e9: {  	s30 =	sadd.s32 $0xFFFFFF00, s0;
	s1 =	sor.u32 s1, s2;
	[tilespmem:v17+s14+$0x0] =	vst.idx.msk $0xffff, v16  }
0x3ea: {  	v17 =	vor.u32 s30, v2;
	v16 =	vld [tilespmem:s1+$0x100];
	_ =	sdelay $0x3  }
0x3eb: {  	s31 =	sand.u32 $0x70, s28  }
0x3ec: {  	s1 =	sor.u32 s31, s2;
	[tilespmem:v17+s14+$0x0] =	vst.idx.msk $0xffff, v16  }
0x3ed: {  	v17 =	vor.u32 s0, v2;
	v16 =	vld [tilespmem:s1+$0x100];
	_ =	sdelay $0x4  }
0x3ee: {  	[tilespmem:v17+s14+$0x0] =	vst.idx.msk $0xffff, v16  }
0x3ef: {  	v17 =	vor.u32 s20, v3;
	v16 =	vld [tilespmem:s19+$0x180];
	_ =	sdelay $0x4  }
0x3f0: {  	[tilespmem:v17+s14+$0x0] =	vst.idx.msk $0xffff, v16  }
0x3f1: {  	v17 =	vor.u32 s22, v3;
	v16 =	vld [tilespmem:s21+$0x180];
	_ =	sdelay $0x4  }
0x3f2: {  	[tilespmem:v17+s14+$0x0] =	vst.idx.msk $0xffff, v16  }
0x3f3: {  	v17 =	vor.u32 s25, v3;
	v16 =	vld [tilespmem:s24+$0x180];
	_ =	sdelay $0x4  }
0x3f4: {  	[tilespmem:v17+s14+$0x0] =	vst.idx.msk $0xffff, v16  }
0x3f5: {  	v17 =	vor.u32 s23, v3;
	v16 =	vld [tilespmem:s26+$0x180];
	_ =	sdelay $0x1  }
0x3f6: {  	s7 =	simm.s32 $0x40;
	s0 =	simm.s32 $0x200  }
0x3f7: {  	s2 =	simm.s32 $0xB00;
	s1 =	simm.s32 $0x70;
	s9 =	sand.u32 $0x1C00, s0  }
.LBB2_44:
0x3f8: {  	p3 =	sne.s32 s2, $0x3F00;
	s7 =	sand.u32 $0x40, s7;
	s8 =	sor.u32 $0x4000, s9  }
0x3f9: {  	s9 =	sadd.s32 $0xFFFFFD00, s18;
	s7 =	sor.u32 s7, s8;
	[tilespmem:v17+s14+$0x0] =	vst.idx.msk $0xffff, v16  }
0x3fa: {  	v17 =	vor.u32 s9, v3;
	v16 =	vld [tilespmem:s7+$0x180];
	_ =	sdelay $0x2  }
0x3fb: {  	s7 =	sadd.s32 $0xFFFFFFE0, s1  }
0x3fc: {  	s7 =	sand.u32 $0x50, s7  }
0x3fd: {  	s9 =	sadd.s32 $0xFFFFFE00, s18;
	s7 =	sor.u32 s7, s8;
	[tilespmem:v17+s14+$0x0] =	vst.idx.msk $0xffff, v16  }
0x3fe: {  	v17 =	vor.u32 s9, v3;
	v16 =	vld [tilespmem:s7+$0x180];
	_ =	sdelay $0x2  }
0x3ff: {  	s7 =	sadd.s32 $0xFFFFFFF0, s1  }
0x400: {  	s7 =	sand.u32 $0x60, s7  }
0x401: {  	s9 =	sadd.s32 $0xFFFFFF00, s18;
	s7 =	sor.u32 s7, s8;
	[tilespmem:v17+s14+$0x0] =	vst.idx.msk $0xffff, v16  }
0x402: {  	v17 =	vor.u32 s9, v3;
	v16 =	vld [tilespmem:s7+$0x180];
	_ =	sdelay $0x3  }
0x403: {  	s7 =	sand.u32 $0x70, s1  }
.Ltmp25:
0x404: {  	s7 =	sor.u32 s7, s8;
	[tilespmem:v17+s14+$0x0] =	vst.idx.msk $0xffff, v16;
	(pc) =	sbr.rel @p3 .LBB2_44-.Ltmp25, $3  }
0x405: {  	v17 =	vor.u32 s18, v3;
	s18 =	smov.u32 s2;
	v16 =	vld [tilespmem:s7+$0x180];
	_ =	sdelay $0x1  }
0x406: {  	s0 =	sadd.s32 $0x200, s0;
	s1 =	sadd.s32 $0x40, s1  }
0x407: {  	s9 =	sand.u32 $0x1C00, s0;
	s2 =	sadd.s32 $0x400, s2;
	s7 =	sadd.s32 $0xFFFFFFD0, s1  }
0x408: {  	_ =	sdelay $0x2  }
0x409: {  	s0 =	sand.u32 $0x40, s7;
	s2 =	sor.u32 $0x4000, s9  }
0x40a: {  	s19 =	sadd.s32 $0xFFFFFD00, s18;
	s0 =	sor.u32 s0, s2;
	[tilespmem:v17+s14+$0x0] =	vst.idx.msk $0xffff, v16  }
0x40b: {  	v17 =	vor.u32 s19, v3;
	v16 =	vld [tilespmem:s0+$0x180];
	_ =	sdelay $0x2  }
0x40c: {  	s20 =	sadd.s32 $0xFFFFFFE0, s1  }
0x40d: {  	s0 =	sand.u32 $0x50, s20  }
0x40e: {  	s21 =	sadd.s32 $0xFFFFFE00, s18;
	s0 =	sor.u32 s0, s2;
	[tilespmem:v17+s14+$0x0] =	vst.idx.msk $0xffff, v16  }
0x40f: {  	v17 =	vor.u32 s21, v3;
	v16 =	vld [tilespmem:s0+$0x180];
	_ =	sdelay $0x2  }
0x410: {  	s22 =	sadd.s32 $0xFFFFFFF0, s1  }
0x411: {  	s0 =	sand.u32 $0x60, s22  }
0x412: {  	s23 =	sadd.s32 $0xFFFFFF00, s18;
	s0 =	sor.u32 s0, s2;
	[tilespmem:v17+s14+$0x0] =	vst.idx.msk $0xffff, v16  }
0x413: {  	v17 =	vor.u32 s23, v3;
	v16 =	vld [tilespmem:s0+$0x180];
	_ =	sdelay $0x3  }
0x414: {  	s24 =	sand.u32 $0x70, s1  }
0x415: {  	s0 =	sor.u32 s24, s2;
	[tilespmem:v17+s14+$0x0] =	vst.idx.msk $0xffff, v16  }
0x416: {  	v17 =	vor.u32 s18, v3;
	v16 =	vld [tilespmem:s0+$0x180]  }
0x417: {  	p3 =	por $0x0, $0x0;
	s0 =	simm.s32 $0x1  }
0x418: {  	s0 =	simm.s32 @!p3 $0x0  }
0x419: {  	s0 =	sshll.u32 s0, $0x6  }
0x41a: {  	s21 =	sadd.s32 $0x0, s0  }
0x41b: {  	s22 =	simm.s32 $0x0;
	s0 =	sor.u32 $0x200, s21;
	[tilespmem:v17+s14+$0x0] =	vst.idx.msk $0xffff, v16  }
0x41c: {  	s19 =	simm.s32 $0x0;
	v17 =	vor.u32 s22, v4;
	v16 =	vld [tilespmem:s0+$0x4000]  }
0x41d: {  	s25 =	sand.u32 $0x7, s19  }
0x41e: {  	s0 =	sshll.u32 s25, $0x4  }
0x41f: {  	s0 =	sadd.s32 $0x0, s0  }
0x420: {  	s23 =	sadd.s32 $0x10, s0  }
0x421: {  	s24 =	simm.s32 $0x100;
	s26 =	sor.u32 $0x200, s23;
	[tilespmem:v17+s14+$0x0] =	vst.idx.msk $0xffff, v16  }
0x422: {  	v17 =	vor.u32 s24, v4;
	v16 =	vld [tilespmem:s26+$0x4000];
	_ =	sdelay $0x1  }
0x423: {  	s31 =	sand.u32 $0x3, s19  }
0x424: {  	s1 =	sshll.u32 s31, $0x5  }
0x425: {  	s26 =	sadd.s32 $0x20, s1  }
0x426: {  	s28 =	simm.s32 $0x200;
	s1 =	sor.u32 $0x200, s26;
	[tilespmem:v17+s14+$0x0] =	vst.idx.msk $0xffff, v16  }
0x427: {  	v17 =	vor.u32 s28, v4;
	v16 =	vld [tilespmem:s1+$0x4000];
	_ =	sdelay $0x3  }
0x428: {  	s7 =	simm.s32 $0x1;
	s29 =	sadd.s32 $0x30, s0  }
0x429: {  	s10 =	simm.s32 $0xB00;
	s25 =	simm.s32 $0x300;
	s0 =	sor.u32 $0x200, s29;
	[tilespmem:v17+s14+$0x0] =	vst.idx.msk $0xffff, v16  }
0x42a: {  	s9 =	simm.s32 $0x0;
	s30 =	simm.s32 $0x700;
	p4 =	por !p3, !p3;
	v17 =	vor.u32 s25, v4;
	v16 =	vld [tilespmem:s0+$0x4000]  }
0x42b: {  	s20 =	simm.s32 $0x20;
	s7 =	simm.s32 @!p4 $0x0;
	s2 =	simm.s32 $0x0  }
0x42c: {  	s18 =	simm.s32 $0x700;
	s1 =	simm.s32 $0x20;
	s0 =	simm.s32 $0x0  }
.LBB2_46:
0x42d: {  	p5 =	sne.s32 s10, $0x3F00;
	s7 =	sshll.u32 s7, $0x6;
	s9 =	sadd.s32 $0x200, s9  }
0x42e: {  	s7 =	sadd.s32 s7, s9  }
0x42f: {  	s8 =	sadd.s32 $0xFFFFFD00, s30;
	s7 =	sor.u32 $0x200, s7;
	[tilespmem:v17+s14+$0x0] =	vst.idx.msk $0xffff, v16  }
0x430: {  	s2 =	sadd.s32 $0x4, s2;
	v17 =	vor.u32 s8, v4;
	v16 =	vld [tilespmem:s7+$0x4000]  }
0x431: {  	s7 =	sand.u32 $0x7, s2  }
0x432: {  	s7 =	sshll.u32 s7, $0x4  }
0x433: {  	s7 =	sadd.s32 s7, s9  }
0x434: {  	s8 =	sadd.s32 $0x10, s7  }
0x435: {  	s15 =	sadd.s32 $0xFFFFFE00, s30;
	s8 =	sor.u32 $0x200, s8;
	[tilespmem:v17+s14+$0x0] =	vst.idx.msk $0xffff, v16  }
0x436: {  	v17 =	vor.u32 s15, v4;
	v16 =	vld [tilespmem:s8+$0x4000]  }
0x437: {  	s0 =	sadd.s32 $0x2, s0  }
0x438: {  	s8 =	sand.u32 $0x3, s0  }
0x439: {  	s1 =	sadd.s32 $0x200, s1;
	s8 =	sshll.u32 s8, $0x5  }
0x43a: {  	s8 =	sadd.s32 s8, s1  }
0x43b: {  	s15 =	sadd.s32 $0xFFFFFF00, s30;
	s8 =	sor.u32 $0x200, s8;
	[tilespmem:v17+s14+$0x0] =	vst.idx.msk $0xffff, v16  }
0x43c: {  	v17 =	vor.u32 s15, v4;
	v16 =	vld [tilespmem:s8+$0x4000];
	_ =	sdelay $0x3  }
.Ltmp26:
0x43d: {  	s7 =	sadd.s32 $0x30, s7;
	(pc) =	sbr.rel @p5 .LBB2_46-.Ltmp26, $4  }
0x43e: {  	s7 =	sor.u32 $0x200, s7;
	[tilespmem:v17+s14+$0x0] =	vst.idx.msk $0xffff, v16  }
0x43f: {  	v17 =	vor.u32 s30, v4;
	s30 =	smov.u32 s10;
	v16 =	vld [tilespmem:s7+$0x4000]  }
0x440: {  	p4 =	por !p4, !p4;
	s7 =	simm.s32 $0x1  }
0x441: {  	s10 =	sadd.s32 $0x400, s10;
	s7 =	simm.s32 @!p4 $0x0  }
0x442: {  	_ =	sdelay $0x1  }
0x443: {  	s7 =	sshll.u32 s7, $0x6;
	s8 =	sadd.s32 $0x200, s9  }
0x444: {  	s7 =	sadd.s32 s7, s8  }
0x445: {  	s31 =	sadd.s32 $0xFFFFFD00, s30;
	s7 =	sor.u32 $0x200, s7;
	[tilespmem:v17+s14+$0x0] =	vst.idx.msk $0xffff, v16  }
0x446: {  	s2 =	sadd.s32 $0x4, s2;
	v17 =	vor.u32 s31, v4;
	v16 =	vld [tilespmem:s7+$0x4000]  }
0x447: {  	s2 =	sand.u32 $0x7, s2  }
0x448: {  	s2 =	sshll.u32 s2, $0x4  }
0x449: {  	s2 =	sadd.s32 s2, s8  }
0x44a: {  	s8 =	sadd.s32 $0x10, s2  }
0x44b: {  	s9 =	sadd.s32 $0xFFFFFE00, s30;
	s7 =	sor.u32 $0x200, s8;
	[tilespmem:v17+s14+$0x0] =	vst.idx.msk $0xffff, v16  }
0x44c: {  	v17 =	vor.u32 s9, v4;
	v16 =	vld [tilespmem:s7+$0x4000]  }
0x44d: {  	s0 =	sadd.s32 $0x2, s0  }
0x44e: {  	s0 =	sand.u32 $0x3, s0  }
0x44f: {  	s1 =	sadd.s32 $0x200, s1;
	s0 =	sshll.u32 s0, $0x5  }
0x450: {  	s0 =	sadd.s32 s0, s1  }
0x451: {  	s10 =	sadd.s32 $0xFFFFFF00, s30;
	s0 =	sor.u32 $0x200, s0;
	[tilespmem:v17+s14+$0x0] =	vst.idx.msk $0xffff, v16  }
0x452: {  	v17 =	vor.u32 s10, v4;
	v16 =	vld [tilespmem:s0+$0x4000];
	_ =	sdelay $0x3  }
0x453: {  	s15 =	sadd.s32 $0x30, s2  }
0x454: {  	s0 =	sor.u32 $0x200, s15;
	[tilespmem:v17+s14+$0x0] =	vst.idx.msk $0xffff, v16  }
0x455: {  	v17 =	vor.u32 s30, v4;
	v16 =	vld [tilespmem:s0+$0x4000];
	_ =	sdelay $0x4  }
0x456: {  	s21 =	sor.u32 $0x280, s21;
	[tilespmem:v17+s14+$0x0] =	vst.idx.msk $0xffff, v16  }
0x457: {  	v17 =	vor.u32 s22, v5;
	v16 =	vld [tilespmem:s21+$0x4000];
	_ =	sdelay $0x4  }
0x458: {  	s23 =	sor.u32 $0x280, s23;
	[tilespmem:v17+s14+$0x0] =	vst.idx.msk $0xffff, v16  }
0x459: {  	v17 =	vor.u32 s24, v5;
	v16 =	vld [tilespmem:s23+$0x4000];
	_ =	sdelay $0x4  }
0x45a: {  	s30 =	sor.u32 $0x280, s26;
	[tilespmem:v17+s14+$0x0] =	vst.idx.msk $0xffff, v16  }
0x45b: {  	v17 =	vor.u32 s28, v5;
	v16 =	vld [tilespmem:s30+$0x4000];
	_ =	sdelay $0x4  }
0x45c: {  	s31 =	sor.u32 $0x280, s29;
	[tilespmem:v17+s14+$0x0] =	vst.idx.msk $0xffff, v16  }
0x45d: {  	v17 =	vor.u32 s25, v5;
	v16 =	vld [tilespmem:s31+$0x4000]  }
0x45e: {  	p3 =	por !p3, !p3;
	s1 =	simm.s32 $0x0;
	s7 =	simm.s32 $0x1  }
0x45f: {  	s2 =	simm.s32 $0xB00;
	s7 =	simm.s32 @!p3 $0x0;
	s0 =	simm.s32 $0x0  }
.LBB2_48:
0x460: {  	p4 =	sne.s32 s2, $0x3F00;
	s7 =	sshll.u32 s7, $0x6;
	s19 =	sadd.s32 $0x200, s19  }
0x461: {  	s7 =	sadd.s32 s7, s19  }
0x462: {  	s8 =	sadd.s32 $0xFFFFFD00, s18;
	s7 =	sor.u32 $0x280, s7;
	[tilespmem:v17+s14+$0x0] =	vst.idx.msk $0xffff, v16  }
0x463: {  	s1 =	sadd.s32 $0x4, s1;
	v17 =	vor.u32 s8, v5;
	v16 =	vld [tilespmem:s7+$0x4000]  }
0x464: {  	s7 =	sand.u32 $0x7, s1  }
0x465: {  	s7 =	sshll.u32 s7, $0x4  }
0x466: {  	s7 =	sadd.s32 s7, s19  }
0x467: {  	s8 =	sadd.s32 $0x10, s7  }
0x468: {  	s9 =	sadd.s32 $0xFFFFFE00, s18;
	s8 =	sor.u32 $0x280, s8;
	[tilespmem:v17+s14+$0x0] =	vst.idx.msk $0xffff, v16  }
0x469: {  	v17 =	vor.u32 s9, v5;
	v16 =	vld [tilespmem:s8+$0x4000]  }
0x46a: {  	s0 =	sadd.s32 $0x2, s0  }
0x46b: {  	s8 =	sand.u32 $0x3, s0  }
0x46c: {  	s20 =	sadd.s32 $0x200, s20;
	s8 =	sshll.u32 s8, $0x5  }
0x46d: {  	s8 =	sadd.s32 s8, s20  }
0x46e: {  	s9 =	sadd.s32 $0xFFFFFF00, s18;
	s8 =	sor.u32 $0x280, s8;
	[tilespmem:v17+s14+$0x0] =	vst.idx.msk $0xffff, v16  }
0x46f: {  	v17 =	vor.u32 s9, v5;
	v16 =	vld [tilespmem:s8+$0x4000];
	_ =	sdelay $0x3  }
.Ltmp27:
0x470: {  	s7 =	sadd.s32 $0x30, s7;
	(pc) =	sbr.rel @p4 .LBB2_48-.Ltmp27, $4  }
0x471: {  	s7 =	sor.u32 $0x280, s7;
	[tilespmem:v17+s14+$0x0] =	vst.idx.msk $0xffff, v16  }
0x472: {  	v17 =	vor.u32 s18, v5;
	s18 =	smov.u32 s2;
	v16 =	vld [tilespmem:s7+$0x4000]  }
0x473: {  	p3 =	por !p3, !p3;
	s7 =	simm.s32 $0x1  }
0x474: {  	s2 =	sadd.s32 $0x400, s2;
	s7 =	simm.s32 @!p3 $0x0  }
0x475: {  	_ =	sdelay $0x1  }
0x476: {  	s2 =	sshll.u32 s7, $0x6;
	s19 =	sadd.s32 $0x200, s19  }
0x477: {  	s2 =	sadd.s32 s2, s19  }
0x478: {  	s8 =	sadd.s32 $0xFFFFFD00, s18;
	s2 =	sor.u32 $0x280, s2;
	[tilespmem:v17+s14+$0x0] =	vst.idx.msk $0xffff, v16  }
0x479: {  	s1 =	sadd.s32 $0x4, s1;
	v17 =	vor.u32 s8, v5;
	v16 =	vld [tilespmem:s2+$0x4000]  }
0x47a: {  	s1 =	sand.u32 $0x7, s1  }
0x47b: {  	s1 =	sshll.u32 s1, $0x4  }
0x47c: {  	s1 =	sadd.s32 s1, s19  }
0x47d: {  	s21 =	sadd.s32 $0x10, s1  }
0x47e: {  	s22 =	sadd.s32 $0xFFFFFE00, s18;
	s2 =	sor.u32 $0x280, s21;
	[tilespmem:v17+s14+$0x0] =	vst.idx.msk $0xffff, v16  }
0x47f: {  	v17 =	vor.u32 s22, v5;
	v16 =	vld [tilespmem:s2+$0x4000]  }
0x480: {  	s0 =	sadd.s32 $0x2, s0  }
0x481: {  	s0 =	sand.u32 $0x3, s0  }
0x482: {  	s23 =	sadd.s32 $0x200, s20;
	s0 =	sshll.u32 s0, $0x5  }
0x483: {  	s0 =	sadd.s32 s0, s23  }
0x484: {  	s24 =	sadd.s32 $0xFFFFFF00, s18;
	s0 =	sor.u32 $0x280, s0;
	[tilespmem:v17+s14+$0x0] =	vst.idx.msk $0xffff, v16  }
0x485: {  	v17 =	vor.u32 s24, v5;
	v16 =	vld [tilespmem:s0+$0x4000];
	_ =	sdelay $0x3  }
0x486: {  	s25 =	sadd.s32 $0x30, s1  }
0x487: {  	s0 =	sor.u32 $0x280, s25;
	[tilespmem:v17+s14+$0x0] =	vst.idx.msk $0xffff, v16  }
0x488: {  	v17 =	vor.u32 s18, v5;
	v16 =	vld [tilespmem:s0+$0x4000]  }
0x489: {  	p3 =	por $0x0, $0x0;
	s0 =	simm.s32 $0x1  }
0x48a: {  	s0 =	simm.s32 @!p3 $0x0  }
0x48b: {  	s0 =	sshll.u32 s0, $0x6  }
0x48c: {  	s0 =	sadd.s32 $0x0, s0  }
0x48d: {  	s21 =	simm.s32 $0x0;
	s0 =	sor.u32 $0x300, s0;
	[tilespmem:v17+s14+$0x0] =	vst.idx.msk $0xffff, v16  }
0x48e: {  	s18 =	simm.s32 $0x0;
	v17 =	vor.u32 s21, v6;
	v16 =	vld [tilespmem:s0+$0x4000]  }
0x48f: {  	s26 =	sand.u32 $0x7, s18  }
0x490: {  	s0 =	sshll.u32 s26, $0x4  }
0x491: {  	s0 =	sadd.s32 $0x0, s0  }
0x492: {  	s22 =	sadd.s32 $0x10, s0  }
0x493: {  	s24 =	simm.s32 $0x100;
	s30 =	sor.u32 $0x300, s22;
	[tilespmem:v17+s14+$0x0] =	vst.idx.msk $0xffff, v16  }
0x494: {  	v17 =	vor.u32 s24, v6;
	v16 =	vld [tilespmem:s30+$0x4000];
	_ =	sdelay $0x1  }
0x495: {  	s31 =	sand.u32 $0x3, s18  }
0x496: {  	s1 =	sshll.u32 s31, $0x5  }
0x497: {  	s25 =	sadd.s32 $0x20, s1  }
0x498: {  	s1 =	sor.u32 $0x300, s25;
	s26 =	simm.s32 $0x200;
	[tilespmem:v17+s14+$0x0] =	vst.idx.msk $0xffff, v16  }
0x499: {  	v17 =	vor.u32 s26, v6;
	v16 =	vld [tilespmem:s1+$0x4000];
	_ =	sdelay $0x3  }
0x49a: {  	s20 =	simm.s32 $0x20;
	s28 =	sadd.s32 $0x30, s0  }
0x49b: {  	s7 =	simm.s32 $0x1;
	s23 =	simm.s32 $0x300;
	s0 =	sor.u32 $0x300, s28;
	[tilespmem:v17+s14+$0x0] =	vst.idx.msk $0xffff, v16  }
0x49c: {  	s10 =	simm.s32 $0xB00;
	s9 =	simm.s32 $0x0;
	s29 =	simm.s32 $0x700;
	v17 =	vor.u32 s23, v6;
	v16 =	vld [tilespmem:s0+$0x4000]  }
0x49d: {  	s19 =	simm.s32 $0x700;
	s2 =	simm.s32 $0x0;
	p3 =	por !p3, !p3  }
0x49e: {  	s7 =	simm.s32 @!p3 $0x0;
	s1 =	simm.s32 $0x20;
	s0 =	simm.s32 $0x0  }
.LBB2_50:
0x49f: {  	p4 =	sne.s32 s10, $0x3F00;
	s7 =	sshll.u32 s7, $0x6;
	s9 =	sadd.s32 $0x200, s9  }
0x4a0: {  	s7 =	sadd.s32 s7, s9  }
0x4a1: {  	s8 =	sadd.s32 $0xFFFFFD00, s29;
	s7 =	sor.u32 $0x300, s7;
	[tilespmem:v17+s14+$0x0] =	vst.idx.msk $0xffff, v16  }
0x4a2: {  	s2 =	sadd.s32 $0x4, s2;
	v17 =	vor.u32 s8, v6;
	v16 =	vld [tilespmem:s7+$0x4000]  }
0x4a3: {  	s7 =	sand.u32 $0x7, s2  }
0x4a4: {  	s7 =	sshll.u32 s7, $0x4  }
0x4a5: {  	s7 =	sadd.s32 s7, s9  }
0x4a6: {  	s8 =	sadd.s32 $0x10, s7  }
0x4a7: {  	s15 =	sadd.s32 $0xFFFFFE00, s29;
	s8 =	sor.u32 $0x300, s8;
	[tilespmem:v17+s14+$0x0] =	vst.idx.msk $0xffff, v16  }
0x4a8: {  	v17 =	vor.u32 s15, v6;
	v16 =	vld [tilespmem:s8+$0x4000]  }
0x4a9: {  	s0 =	sadd.s32 $0x2, s0  }
0x4aa: {  	s8 =	sand.u32 $0x3, s0  }
0x4ab: {  	s1 =	sadd.s32 $0x200, s1;
	s8 =	sshll.u32 s8, $0x5  }
0x4ac: {  	s8 =	sadd.s32 s8, s1  }
0x4ad: {  	s15 =	sadd.s32 $0xFFFFFF00, s29;
	s8 =	sor.u32 $0x300, s8;
	[tilespmem:v17+s14+$0x0] =	vst.idx.msk $0xffff, v16  }
0x4ae: {  	v17 =	vor.u32 s15, v6;
	v16 =	vld [tilespmem:s8+$0x4000];
	_ =	sdelay $0x3  }
.Ltmp28:
0x4af: {  	s7 =	sadd.s32 $0x30, s7;
	(pc) =	sbr.rel @p4 .LBB2_50-.Ltmp28, $4  }
0x4b0: {  	s7 =	sor.u32 $0x300, s7;
	[tilespmem:v17+s14+$0x0] =	vst.idx.msk $0xffff, v16  }
0x4b1: {  	v17 =	vor.u32 s29, v6;
	s29 =	smov.u32 s10;
	v16 =	vld [tilespmem:s7+$0x4000]  }
0x4b2: {  	p3 =	por !p3, !p3;
	s7 =	simm.s32 $0x1  }
0x4b3: {  	s10 =	sadd.s32 $0x400, s10;
	s7 =	simm.s32 @!p3 $0x0  }
0x4b4: {  	_ =	sdelay $0x1  }
0x4b5: {  	s7 =	sshll.u32 s7, $0x6;
	s8 =	sadd.s32 $0x200, s9  }
0x4b6: {  	s7 =	sadd.s32 s7, s8  }
0x4b7: {  	s15 =	sadd.s32 $0xFFFFFD00, s29;
	s7 =	sor.u32 $0x300, s7;
	[tilespmem:v17+s14+$0x0] =	vst.idx.msk $0xffff, v16  }
0x4b8: {  	s2 =	sadd.s32 $0x4, s2;
	v17 =	vor.u32 s15, v6;
	v16 =	vld [tilespmem:s7+$0x4000]  }
0x4b9: {  	s2 =	sand.u32 $0x7, s2  }
0x4ba: {  	s2 =	sshll.u32 s2, $0x4  }
0x4bb: {  	s2 =	sadd.s32 s2, s8  }
0x4bc: {  	s30 =	sadd.s32 $0x10, s2  }
0x4bd: {  	s31 =	sadd.s32 $0xFFFFFE00, s29;
	s7 =	sor.u32 $0x300, s30;
	[tilespmem:v17+s14+$0x0] =	vst.idx.msk $0xffff, v16  }
0x4be: {  	v17 =	vor.u32 s31, v6;
	v16 =	vld [tilespmem:s7+$0x4000]  }
0x4bf: {  	s0 =	sadd.s32 $0x2, s0  }
0x4c0: {  	s0 =	sand.u32 $0x3, s0  }
0x4c1: {  	s1 =	sadd.s32 $0x200, s1;
	s0 =	sshll.u32 s0, $0x5  }
0x4c2: {  	s0 =	sadd.s32 s0, s1  }
0x4c3: {  	s9 =	sadd.s32 $0xFFFFFF00, s29;
	s0 =	sor.u32 $0x300, s0;
	[tilespmem:v17+s14+$0x0] =	vst.idx.msk $0xffff, v16  }
0x4c4: {  	v17 =	vor.u32 s9, v6;
	v16 =	vld [tilespmem:s0+$0x4000];
	_ =	sdelay $0x3  }
0x4c5: {  	s10 =	sadd.s32 $0x30, s2  }
0x4c6: {  	s0 =	sor.u32 $0x300, s10;
	[tilespmem:v17+s14+$0x0] =	vst.idx.msk $0xffff, v16  }
0x4c7: {  	v17 =	vor.u32 s29, v6;
	v16 =	vld [tilespmem:s0+$0x4000];
	_ =	sdelay $0x2  }
0x4c8: {  	s29 =	simm.s32 $0x0  }
0x4c9: {  	s15 =	sor.u32 s29, s18  }
0x4ca: {  	s0 =	sor.u32 $0x380, s15;
	[tilespmem:v17+s14+$0x0] =	vst.idx.msk $0xffff, v16  }
0x4cb: {  	v17 =	vor.u32 s21, v7;
	v16 =	vld [tilespmem:s0+$0x4000];
	_ =	sdelay $0x4  }
0x4cc: {  	s22 =	sor.u32 $0x380, s22;
	[tilespmem:v17+s14+$0x0] =	vst.idx.msk $0xffff, v16  }
0x4cd: {  	v17 =	vor.u32 s24, v7;
	v16 =	vld [tilespmem:s22+$0x4000];
	_ =	sdelay $0x4  }
0x4ce: {  	s30 =	sor.u32 $0x380, s25;
	[tilespmem:v17+s14+$0x0] =	vst.idx.msk $0xffff, v16  }
0x4cf: {  	v17 =	vor.u32 s26, v7;
	v16 =	vld [tilespmem:s30+$0x4000];
	_ =	sdelay $0x4  }
0x4d0: {  	s31 =	sor.u32 $0x380, s28;
	[tilespmem:v17+s14+$0x0] =	vst.idx.msk $0xffff, v16  }
0x4d1: {  	v17 =	vor.u32 s23, v7;
	v16 =	vld [tilespmem:s31+$0x4000];
	_ =	sdelay $0x1  }
0x4d2: {  	s1 =	simm.s32 $0x200;
	s2 =	simm.s32 $0x70;
	s7 =	simm.s32 $0x40  }
0x4d3: {  	s9 =	simm.s32 $0xB00;
	s21 =	simm.s32 $0x30;
	s0 =	simm.s32 $0x0  }
.LBB2_52:
0x4d4: {  	p3 =	sne.s32 s9, $0x3F00;
	s7 =	sor.u32 s7, s1  }
0x4d5: {  	s8 =	sadd.s32 $0xFFFFFD00, s19;
	s7 =	sor.u32 $0x380, s7;
	[tilespmem:v17+s14+$0x0] =	vst.idx.msk $0xffff, v16  }
0x4d6: {  	s18 =	sadd.s32 $0x4, s18;
	v17 =	vor.u32 s8, v7;
	v16 =	vld [tilespmem:s7+$0x4000]  }
0x4d7: {  	s7 =	sand.u32 $0x7, s18  }
0x4d8: {  	s7 =	sshll.u32 s7, $0x4  }
0x4d9: {  	s7 =	sadd.s32 s7, s1  }
0x4da: {  	s8 =	sadd.s32 $0x10, s7  }
0x4db: {  	s10 =	sadd.s32 $0xFFFFFE00, s19;
	s8 =	sor.u32 $0x380, s8;
	[tilespmem:v17+s14+$0x0] =	vst.idx.msk $0xffff, v16  }
0x4dc: {  	v17 =	vor.u32 s10, v7;
	v16 =	vld [tilespmem:s8+$0x4000]  }
0x4dd: {  	s0 =	sadd.s32 $0x2, s0  }
0x4de: {  	s8 =	sand.u32 $0x3, s0  }
0x4df: {  	s20 =	sadd.s32 $0x200, s20;
	s8 =	sshll.u32 s8, $0x5  }
0x4e0: {  	s8 =	sadd.s32 s8, s20  }
0x4e1: {  	s10 =	sadd.s32 $0xFFFFFF00, s19;
	s8 =	sor.u32 $0x380, s8;
	[tilespmem:v17+s14+$0x0] =	vst.idx.msk $0xffff, v16  }
0x4e2: {  	v17 =	vor.u32 s10, v7;
	v16 =	vld [tilespmem:s8+$0x4000];
	_ =	sdelay $0x3  }
0x4e3: {  	s7 =	sadd.s32 $0x30, s7  }
.Ltmp29:
0x4e4: {  	s7 =	sor.u32 $0x380, s7;
	[tilespmem:v17+s14+$0x0] =	vst.idx.msk $0xffff, v16;
	(pc) =	sbr.rel @p3 .LBB2_52-.Ltmp29, $3  }
0x4e5: {  	v17 =	vor.u32 s19, v7;
	s19 =	smov.u32 s9;
	v16 =	vld [tilespmem:s7+$0x4000];
	_ =	sdelay $0x1  }
0x4e6: {  	s2 =	sadd.s32 $0x40, s2  }
0x4e7: {  	s1 =	sadd.s32 $0x200, s1;
	s9 =	sadd.s32 $0x400, s9;
	s7 =	sadd.s32 $0xFFFFFFD0, s2  }
0x4e8: {  	_ =	sdelay $0x2  }
0x4e9: {  	s2 =	sor.u32 s7, s1  }
0x4ea: {  	s9 =	sadd.s32 $0xFFFFFD00, s19;
	s2 =	sor.u32 $0x380, s2;
	[tilespmem:v17+s14+$0x0] =	vst.idx.msk $0xffff, v16  }
0x4eb: {  	s10 =	sadd.s32 $0x4, s18;
	v17 =	vor.u32 s9, v7;
	v16 =	vld [tilespmem:s2+$0x4000]  }
0x4ec: {  	s2 =	sand.u32 $0x7, s10  }
0x4ed: {  	s2 =	sshll.u32 s2, $0x4  }
0x4ee: {  	s15 =	sadd.s32 s2, s1  }
0x4ef: {  	s2 =	sadd.s32 $0x10, s15  }
0x4f0: {  	s18 =	sadd.s32 $0xFFFFFE00, s19;
	s2 =	sor.u32 $0x380, s2;
	[tilespmem:v17+s14+$0x0] =	vst.idx.msk $0xffff, v16  }
0x4f1: {  	v17 =	vor.u32 s18, v7;
	v16 =	vld [tilespmem:s2+$0x4000]  }
0x4f2: {  	s0 =	sadd.s32 $0x2, s0  }
0x4f3: {  	s0 =	sand.u32 $0x3, s0  }
0x4f4: {  	s22 =	sadd.s32 $0x200, s20;
	s0 =	sshll.u32 s0, $0x5  }
0x4f5: {  	s0 =	sadd.s32 s0, s22  }
0x4f6: {  	s23 =	sadd.s32 $0xFFFFFF00, s19;
	s0 =	sor.u32 $0x380, s0;
	[tilespmem:v17+s14+$0x0] =	vst.idx.msk $0xffff, v16  }
0x4f7: {  	v17 =	vor.u32 s23, v7;
	v16 =	vld [tilespmem:s0+$0x4000];
	_ =	sdelay $0x3  }
0x4f8: {  	s24 =	sadd.s32 $0x30, s15  }
0x4f9: {  	s0 =	sor.u32 $0x380, s24;
	[tilespmem:v17+s14+$0x0] =	vst.idx.msk $0xffff, v16  }
0x4fa: {  	v17 =	vor.u32 s19, v7;
	v16 =	vld [tilespmem:s0+$0x4000];
	_ =	sdelay $0x1  }
0x4fb: {  	s25 =	simm.s32 $0x0  }
0x4fc: {  	s20 =	sand.u32 $0x1C00, s25  }
0x4fd: {  	s26 =	sand.u32 $0x40, s29;
	s28 =	sor.u32 $0x6000, s20  }
0x4fe: {  	s22 =	simm.s32 $0x0;
	s0 =	sor.u32 s26, s28;
	[tilespmem:v17+s14+$0x0] =	vst.idx.msk $0xffff, v16  }
0x4ff: {  	v17 =	vor.u32 s22, v8;
	v16 =	vld [tilespmem:s0+$0x0];
	_ =	sdelay $0x2  }
0x500: {  	s29 =	simm.s32 $0x10  }
0x501: {  	s0 =	sand.u32 $0x50, s29  }
0x502: {  	s23 =	simm.s32 $0x100;
	s0 =	sor.u32 s0, s28;
	[tilespmem:v17+s14+$0x0] =	vst.idx.msk $0xffff, v16  }
0x503: {  	v17 =	vor.u32 s23, v8;
	v16 =	vld [tilespmem:s0+$0x0];
	_ =	sdelay $0x2  }
0x504: {  	s30 =	simm.s32 $0x20  }
0x505: {  	s0 =	sand.u32 $0x60, s30  }
0x506: {  	s24 =	simm.s32 $0x200;
	s0 =	sor.u32 s0, s28;
	[tilespmem:v17+s14+$0x0] =	vst.idx.msk $0xffff, v16  }
0x507: {  	v17 =	vor.u32 s24, v8;
	v16 =	vld [tilespmem:s0+$0x0];
	_ =	sdelay $0x3  }
0x508: {  	s31 =	sand.u32 $0x70, s21  }
0x509: {  	s19 =	simm.s32 $0x300;
	s0 =	sor.u32 s31, s28;
	[tilespmem:v17+s14+$0x0] =	vst.idx.msk $0xffff, v16  }
0x50a: {  	v17 =	vor.u32 s19, v8;
	v16 =	vld [tilespmem:s0+$0x0]  }
0x50b: {  	s1 =	simm.s32 $0x200  }
0x50c: {  	s21 =	simm.s32 $0x70;
	s7 =	simm.s32 $0x40;
	s9 =	sand.u32 $0x1C00, s1  }
0x50d: {  	s18 =	simm.s32 $0x700;
	s2 =	simm.s32 $0xB00;
	s0 =	simm.s32 $0x700  }
.LBB2_54:
0x50e: {  	p3 =	sne.s32 s2, $0x3F00;
	s7 =	sand.u32 $0x40, s7;
	s8 =	sor.u32 $0x6000, s9  }
0x50f: {  	s9 =	sadd.s32 $0xFFFFFD00, s0;
	s7 =	sor.u32 s7, s8;
	[tilespmem:v17+s14+$0x0] =	vst.idx.msk $0xffff, v16  }
0x510: {  	v17 =	vor.u32 s9, v8;
	v16 =	vld [tilespmem:s7+$0x0];
	_ =	sdelay $0x2  }
0x511: {  	s7 =	sadd.s32 $0xFFFFFFE0, s21  }
0x512: {  	s7 =	sand.u32 $0x50, s7  }
0x513: {  	s9 =	sadd.s32 $0xFFFFFE00, s0;
	s7 =	sor.u32 s7, s8;
	[tilespmem:v17+s14+$0x0] =	vst.idx.msk $0xffff, v16  }
0x514: {  	v17 =	vor.u32 s9, v8;
	v16 =	vld [tilespmem:s7+$0x0];
	_ =	sdelay $0x2  }
0x515: {  	s7 =	sadd.s32 $0xFFFFFFF0, s21  }
0x516: {  	s7 =	sand.u32 $0x60, s7  }
0x517: {  	s9 =	sadd.s32 $0xFFFFFF00, s0;
	s7 =	sor.u32 s7, s8;
	[tilespmem:v17+s14+$0x0] =	vst.idx.msk $0xffff, v16  }
0x518: {  	v17 =	vor.u32 s9, v8;
	v16 =	vld [tilespmem:s7+$0x0];
	_ =	sdelay $0x3  }
0x519: {  	s7 =	sand.u32 $0x70, s21  }
.Ltmp30:
0x51a: {  	s7 =	sor.u32 s7, s8;
	[tilespmem:v17+s14+$0x0] =	vst.idx.msk $0xffff, v16;
	(pc) =	sbr.rel @p3 .LBB2_54-.Ltmp30, $3  }
0x51b: {  	v17 =	vor.u32 s0, v8;
	s0 =	smov.u32 s2;
	v16 =	vld [tilespmem:s7+$0x0];
	_ =	sdelay $0x1  }
0x51c: {  	s1 =	sadd.s32 $0x200, s1;
	s21 =	sadd.s32 $0x40, s21  }
0x51d: {  	s9 =	sand.u32 $0x1C00, s1;
	s2 =	sadd.s32 $0x400, s2;
	s7 =	sadd.s32 $0xFFFFFFD0, s21  }
0x51e: {  	_ =	sdelay $0x2  }
0x51f: {  	s1 =	sand.u32 $0x40, s7;
	s2 =	sor.u32 $0x6000, s9  }
0x520: {  	s29 =	sadd.s32 $0xFFFFFD00, s0;
	s1 =	sor.u32 s1, s2;
	[tilespmem:v17+s14+$0x0] =	vst.idx.msk $0xffff, v16  }
0x521: {  	v17 =	vor.u32 s29, v8;
	v16 =	vld [tilespmem:s1+$0x0];
	_ =	sdelay $0x2  }
0x522: {  	s30 =	sadd.s32 $0xFFFFFFE0, s21  }
0x523: {  	s1 =	sand.u32 $0x50, s30  }
0x524: {  	s31 =	sadd.s32 $0xFFFFFE00, s0;
	s1 =	sor.u32 s1, s2;
	[tilespmem:v17+s14+$0x0] =	vst.idx.msk $0xffff, v16  }
0x525: {  	v17 =	vor.u32 s31, v8;
	v16 =	vld [tilespmem:s1+$0x0];
	_ =	sdelay $0x2  }
0x526: {  	s7 =	sadd.s32 $0xFFFFFFF0, s21  }
0x527: {  	s1 =	sand.u32 $0x60, s7  }
0x528: {  	s8 =	sadd.s32 $0xFFFFFF00, s0;
	s1 =	sor.u32 s1, s2;
	[tilespmem:v17+s14+$0x0] =	vst.idx.msk $0xffff, v16  }
0x529: {  	v17 =	vor.u32 s8, v8;
	v16 =	vld [tilespmem:s1+$0x0];
	_ =	sdelay $0x3  }
0x52a: {  	s9 =	sand.u32 $0x70, s21  }
0x52b: {  	s1 =	sor.u32 s9, s2;
	[tilespmem:v17+s14+$0x0] =	vst.idx.msk $0xffff, v16  }
0x52c: {  	v17 =	vor.u32 s0, v8;
	v16 =	vld [tilespmem:s1+$0x0];
	_ =	sdelay $0x2  }
0x52d: {  	s10 =	simm.s32 $0x0  }
0x52e: {  	s15 =	sor.u32 $0x6080, s20;
	s21 =	sand.u32 $0x40, s10  }
0x52f: {  	s26 =	sor.u32 s21, s15;
	[tilespmem:v17+s14+$0x0] =	vst.idx.msk $0xffff, v16  }
0x530: {  	v17 =	vor.u32 s22, v9;
	v16 =	vld [tilespmem:s26+$0x0];
	_ =	sdelay $0x2  }
0x531: {  	s28 =	simm.s32 $0x10  }
0x532: {  	s20 =	sand.u32 $0x50, s28  }
0x533: {  	s1 =	sor.u32 s20, s15;
	[tilespmem:v17+s14+$0x0] =	vst.idx.msk $0xffff, v16  }
0x534: {  	v17 =	vor.u32 s23, v9;
	v16 =	vld [tilespmem:s1+$0x0];
	_ =	sdelay $0x2  }
0x535: {  	s29 =	simm.s32 $0x20  }
0x536: {  	s25 =	sand.u32 $0x60, s29  }
0x537: {  	s1 =	sor.u32 s25, s15;
	[tilespmem:v17+s14+$0x0] =	vst.idx.msk $0xffff, v16  }
0x538: {  	v17 =	vor.u32 s24, v9;
	v16 =	vld [tilespmem:s1+$0x0];
	_ =	sdelay $0x2  }
0x539: {  	s30 =	simm.s32 $0x30  }
0x53a: {  	s26 =	sand.u32 $0x70, s30  }
0x53b: {  	s31 =	sor.u32 s26, s15;
	[tilespmem:v17+s14+$0x0] =	vst.idx.msk $0xffff, v16  }
0x53c: {  	v17 =	vor.u32 s19, v9;
	v16 =	vld [tilespmem:s31+$0x0];
	_ =	sdelay $0x1  }
0x53d: {  	s7 =	simm.s32 $0x40;
	s0 =	simm.s32 $0x200  }
0x53e: {  	s2 =	simm.s32 $0xB00;
	s9 =	sand.u32 $0x1C00, s0;
	s1 =	simm.s32 $0x70  }
.LBB2_56:
0x53f: {  	p3 =	sne.s32 s2, $0x3F00;
	s7 =	sand.u32 $0x40, s7;
	s8 =	sor.u32 $0x6080, s9  }
0x540: {  	s9 =	sadd.s32 $0xFFFFFD00, s18;
	s7 =	sor.u32 s7, s8;
	[tilespmem:v17+s14+$0x0] =	vst.idx.msk $0xffff, v16  }
0x541: {  	v17 =	vor.u32 s9, v9;
	v16 =	vld [tilespmem:s7+$0x0];
	_ =	sdelay $0x2  }
0x542: {  	s7 =	sadd.s32 $0xFFFFFFE0, s1  }
0x543: {  	s7 =	sand.u32 $0x50, s7  }
0x544: {  	s9 =	sadd.s32 $0xFFFFFE00, s18;
	s7 =	sor.u32 s7, s8;
	[tilespmem:v17+s14+$0x0] =	vst.idx.msk $0xffff, v16  }
0x545: {  	v17 =	vor.u32 s9, v9;
	v16 =	vld [tilespmem:s7+$0x0];
	_ =	sdelay $0x2  }
0x546: {  	s7 =	sadd.s32 $0xFFFFFFF0, s1  }
0x547: {  	s7 =	sand.u32 $0x60, s7  }
0x548: {  	s9 =	sadd.s32 $0xFFFFFF00, s18;
	s7 =	sor.u32 s7, s8;
	[tilespmem:v17+s14+$0x0] =	vst.idx.msk $0xffff, v16  }
0x549: {  	v17 =	vor.u32 s9, v9;
	v16 =	vld [tilespmem:s7+$0x0];
	_ =	sdelay $0x3  }
0x54a: {  	s7 =	sand.u32 $0x70, s1  }
.Ltmp31:
0x54b: {  	s7 =	sor.u32 s7, s8;
	[tilespmem:v17+s14+$0x0] =	vst.idx.msk $0xffff, v16;
	(pc) =	sbr.rel @p3 .LBB2_56-.Ltmp31, $3  }
0x54c: {  	v17 =	vor.u32 s18, v9;
	s18 =	smov.u32 s2;
	v16 =	vld [tilespmem:s7+$0x0];
	_ =	sdelay $0x1  }
0x54d: {  	s0 =	sadd.s32 $0x200, s0;
	s1 =	sadd.s32 $0x40, s1  }
0x54e: {  	s9 =	sand.u32 $0x1C00, s0;
	s2 =	sadd.s32 $0x400, s2;
	s7 =	sadd.s32 $0xFFFFFFD0, s1  }
0x54f: {  	_ =	sdelay $0x2  }
0x550: {  	s0 =	sand.u32 $0x40, s7;
	s2 =	sor.u32 $0x6080, s9  }
0x551: {  	s10 =	sadd.s32 $0xFFFFFD00, s18;
	s0 =	sor.u32 s0, s2;
	[tilespmem:v17+s14+$0x0] =	vst.idx.msk $0xffff, v16  }
0x552: {  	v17 =	vor.u32 s10, v9;
	v16 =	vld [tilespmem:s0+$0x0];
	_ =	sdelay $0x2  }
0x553: {  	s15 =	sadd.s32 $0xFFFFFFE0, s1  }
0x554: {  	s0 =	sand.u32 $0x50, s15  }
0x555: {  	s19 =	sadd.s32 $0xFFFFFE00, s18;
	s0 =	sor.u32 s0, s2;
	[tilespmem:v17+s14+$0x0] =	vst.idx.msk $0xffff, v16  }
0x556: {  	v17 =	vor.u32 s19, v9;
	v16 =	vld [tilespmem:s0+$0x0];
	_ =	sdelay $0x2  }
0x557: {  	s22 =	sadd.s32 $0xFFFFFFF0, s1  }
0x558: {  	s0 =	sand.u32 $0x60, s22  }
0x559: {  	s23 =	sadd.s32 $0xFFFFFF00, s18;
	s0 =	sor.u32 s0, s2;
	[tilespmem:v17+s14+$0x0] =	vst.idx.msk $0xffff, v16  }
0x55a: {  	v17 =	vor.u32 s23, v9;
	v16 =	vld [tilespmem:s0+$0x0];
	_ =	sdelay $0x3  }
0x55b: {  	s24 =	sand.u32 $0x70, s1  }
0x55c: {  	s0 =	sor.u32 s24, s2;
	[tilespmem:v17+s14+$0x0] =	vst.idx.msk $0xffff, v16  }
0x55d: {  	v17 =	vor.u32 s18, v9;
	v16 =	vld [tilespmem:s0+$0x0];
	_ =	sdelay $0x1  }
0x55e: {  	s28 =	simm.s32 $0x0  }
0x55f: {  	s23 =	sand.u32 $0x1C00, s28  }
0x560: {  	s0 =	sor.u32 $0x6100, s23  }
0x561: {  	s24 =	simm.s32 $0x0;
	s29 =	sor.u32 s21, s0;
	[tilespmem:v17+s14+$0x0] =	vst.idx.msk $0xffff, v16  }
0x562: {  	v17 =	vor.u32 s24, v10;
	v16 =	vld [tilespmem:s29+$0x0];
	_ =	sdelay $0x4  }
0x563: {  	s22 =	simm.s32 $0x100;
	s30 =	sor.u32 s20, s0;
	[tilespmem:v17+s14+$0x0] =	vst.idx.msk $0xffff, v16  }
0x564: {  	v17 =	vor.u32 s22, v10;
	v16 =	vld [tilespmem:s30+$0x0];
	_ =	sdelay $0x4  }
0x565: {  	s31 =	sor.u32 s25, s0;
	s20 =	simm.s32 $0x200;
	[tilespmem:v17+s14+$0x0] =	vst.idx.msk $0xffff, v16  }
0x566: {  	v17 =	vor.u32 s20, v10;
	v16 =	vld [tilespmem:s31+$0x0];
	_ =	sdelay $0x4  }
0x567: {  	s19 =	simm.s32 $0x300;
	s0 =	sor.u32 s26, s0;
	[tilespmem:v17+s14+$0x0] =	vst.idx.msk $0xffff, v16  }
0x568: {  	v17 =	vor.u32 s19, v10;
	v16 =	vld [tilespmem:s0+$0x0]  }
0x569: {  	s1 =	simm.s32 $0x200  }
0x56a: {  	s7 =	simm.s32 $0x40;
	s9 =	sand.u32 $0x1C00, s1;
	s2 =	simm.s32 $0xB00  }
0x56b: {  	s18 =	simm.s32 $0x700;
	s21 =	simm.s32 $0x70;
	s0 =	simm.s32 $0x700  }
.LBB2_58:
0x56c: {  	p3 =	sne.s32 s2, $0x3F00;
	s7 =	sand.u32 $0x40, s7;
	s8 =	sor.u32 $0x6100, s9  }
0x56d: {  	s9 =	sadd.s32 $0xFFFFFD00, s0;
	s7 =	sor.u32 s7, s8;
	[tilespmem:v17+s14+$0x0] =	vst.idx.msk $0xffff, v16  }
0x56e: {  	v17 =	vor.u32 s9, v10;
	v16 =	vld [tilespmem:s7+$0x0];
	_ =	sdelay $0x2  }
0x56f: {  	s7 =	sadd.s32 $0xFFFFFFE0, s21  }
0x570: {  	s7 =	sand.u32 $0x50, s7  }
0x571: {  	s9 =	sadd.s32 $0xFFFFFE00, s0;
	s7 =	sor.u32 s7, s8;
	[tilespmem:v17+s14+$0x0] =	vst.idx.msk $0xffff, v16  }
0x572: {  	v17 =	vor.u32 s9, v10;
	v16 =	vld [tilespmem:s7+$0x0];
	_ =	sdelay $0x2  }
0x573: {  	s7 =	sadd.s32 $0xFFFFFFF0, s21  }
0x574: {  	s7 =	sand.u32 $0x60, s7  }
0x575: {  	s9 =	sadd.s32 $0xFFFFFF00, s0;
	s7 =	sor.u32 s7, s8;
	[tilespmem:v17+s14+$0x0] =	vst.idx.msk $0xffff, v16  }
0x576: {  	v17 =	vor.u32 s9, v10;
	v16 =	vld [tilespmem:s7+$0x0];
	_ =	sdelay $0x3  }
0x577: {  	s7 =	sand.u32 $0x70, s21  }
.Ltmp32:
0x578: {  	s7 =	sor.u32 s7, s8;
	[tilespmem:v17+s14+$0x0] =	vst.idx.msk $0xffff, v16;
	(pc) =	sbr.rel @p3 .LBB2_58-.Ltmp32, $3  }
0x579: {  	v17 =	vor.u32 s0, v10;
	s0 =	smov.u32 s2;
	v16 =	vld [tilespmem:s7+$0x0];
	_ =	sdelay $0x1  }
0x57a: {  	s1 =	sadd.s32 $0x200, s1;
	s21 =	sadd.s32 $0x40, s21  }
0x57b: {  	s9 =	sand.u32 $0x1C00, s1;
	s2 =	sadd.s32 $0x400, s2;
	s7 =	sadd.s32 $0xFFFFFFD0, s21  }
0x57c: {  	_ =	sdelay $0x2  }
0x57d: {  	s1 =	sand.u32 $0x40, s7;
	s2 =	sor.u32 $0x6100, s9  }
0x57e: {  	s29 =	sadd.s32 $0xFFFFFD00, s0;
	s1 =	sor.u32 s1, s2;
	[tilespmem:v17+s14+$0x0] =	vst.idx.msk $0xffff, v16  }
0x57f: {  	v17 =	vor.u32 s29, v10;
	v16 =	vld [tilespmem:s1+$0x0];
	_ =	sdelay $0x2  }
0x580: {  	s30 =	sadd.s32 $0xFFFFFFE0, s21  }
0x581: {  	s1 =	sand.u32 $0x50, s30  }
0x582: {  	s31 =	sadd.s32 $0xFFFFFE00, s0;
	s1 =	sor.u32 s1, s2;
	[tilespmem:v17+s14+$0x0] =	vst.idx.msk $0xffff, v16  }
0x583: {  	v17 =	vor.u32 s31, v10;
	v16 =	vld [tilespmem:s1+$0x0];
	_ =	sdelay $0x2  }
0x584: {  	s7 =	sadd.s32 $0xFFFFFFF0, s21  }
0x585: {  	s1 =	sand.u32 $0x60, s7  }
0x586: {  	s8 =	sadd.s32 $0xFFFFFF00, s0;
	s1 =	sor.u32 s1, s2;
	[tilespmem:v17+s14+$0x0] =	vst.idx.msk $0xffff, v16  }
0x587: {  	v17 =	vor.u32 s8, v10;
	v16 =	vld [tilespmem:s1+$0x0];
	_ =	sdelay $0x3  }
0x588: {  	s9 =	sand.u32 $0x70, s21  }
0x589: {  	s1 =	sor.u32 s9, s2;
	[tilespmem:v17+s14+$0x0] =	vst.idx.msk $0xffff, v16  }
0x58a: {  	v17 =	vor.u32 s0, v10;
	v16 =	vld [tilespmem:s1+$0x0];
	_ =	sdelay $0x2  }
0x58b: {  	s10 =	simm.s32 $0x0  }
0x58c: {  	s15 =	sor.u32 $0x6180, s23;
	s21 =	sand.u32 $0x40, s10  }
0x58d: {  	s25 =	sor.u32 s21, s15;
	[tilespmem:v17+s14+$0x0] =	vst.idx.msk $0xffff, v16  }
0x58e: {  	v17 =	vor.u32 s24, v11;
	v16 =	vld [tilespmem:s25+$0x0];
	_ =	sdelay $0x2  }
0x58f: {  	s26 =	simm.s32 $0x10  }
0x590: {  	s23 =	sand.u32 $0x50, s26  }
0x591: {  	s1 =	sor.u32 s23, s15;
	[tilespmem:v17+s14+$0x0] =	vst.idx.msk $0xffff, v16  }
0x592: {  	v17 =	vor.u32 s22, v11;
	v16 =	vld [tilespmem:s1+$0x0];
	_ =	sdelay $0x2  }
0x593: {  	s29 =	simm.s32 $0x20  }
0x594: {  	s26 =	sand.u32 $0x60, s29  }
0x595: {  	s1 =	sor.u32 s26, s15;
	[tilespmem:v17+s14+$0x0] =	vst.idx.msk $0xffff, v16  }
0x596: {  	v17 =	vor.u32 s20, v11;
	v16 =	vld [tilespmem:s1+$0x0];
	_ =	sdelay $0x2  }
0x597: {  	s30 =	simm.s32 $0x30  }
0x598: {  	s28 =	sand.u32 $0x70, s30  }
0x599: {  	s31 =	sor.u32 s28, s15;
	[tilespmem:v17+s14+$0x0] =	vst.idx.msk $0xffff, v16  }
0x59a: {  	v17 =	vor.u32 s19, v11;
	v16 =	vld [tilespmem:s31+$0x0];
	_ =	sdelay $0x1  }
0x59b: {  	s7 =	simm.s32 $0x40;
	s0 =	simm.s32 $0x200  }
0x59c: {  	s2 =	simm.s32 $0xB00;
	s9 =	sand.u32 $0x1C00, s0;
	s1 =	simm.s32 $0x70  }
.LBB2_60:
0x59d: {  	p3 =	sne.s32 s2, $0x3F00;
	s7 =	sand.u32 $0x40, s7;
	s8 =	sor.u32 $0x6180, s9  }
0x59e: {  	s9 =	sadd.s32 $0xFFFFFD00, s18;
	s7 =	sor.u32 s7, s8;
	[tilespmem:v17+s14+$0x0] =	vst.idx.msk $0xffff, v16  }
0x59f: {  	v17 =	vor.u32 s9, v11;
	v16 =	vld [tilespmem:s7+$0x0];
	_ =	sdelay $0x2  }
0x5a0: {  	s7 =	sadd.s32 $0xFFFFFFE0, s1  }
0x5a1: {  	s7 =	sand.u32 $0x50, s7  }
0x5a2: {  	s9 =	sadd.s32 $0xFFFFFE00, s18;
	s7 =	sor.u32 s7, s8;
	[tilespmem:v17+s14+$0x0] =	vst.idx.msk $0xffff, v16  }
0x5a3: {  	v17 =	vor.u32 s9, v11;
	v16 =	vld [tilespmem:s7+$0x0];
	_ =	sdelay $0x2  }
0x5a4: {  	s7 =	sadd.s32 $0xFFFFFFF0, s1  }
0x5a5: {  	s7 =	sand.u32 $0x60, s7  }
0x5a6: {  	s9 =	sadd.s32 $0xFFFFFF00, s18;
	s7 =	sor.u32 s7, s8;
	[tilespmem:v17+s14+$0x0] =	vst.idx.msk $0xffff, v16  }
0x5a7: {  	v17 =	vor.u32 s9, v11;
	v16 =	vld [tilespmem:s7+$0x0];
	_ =	sdelay $0x3  }
0x5a8: {  	s7 =	sand.u32 $0x70, s1  }
.Ltmp33:
0x5a9: {  	s7 =	sor.u32 s7, s8;
	[tilespmem:v17+s14+$0x0] =	vst.idx.msk $0xffff, v16;
	(pc) =	sbr.rel @p3 .LBB2_60-.Ltmp33, $3  }
0x5aa: {  	v17 =	vor.u32 s18, v11;
	s18 =	smov.u32 s2;
	v16 =	vld [tilespmem:s7+$0x0];
	_ =	sdelay $0x1  }
0x5ab: {  	s0 =	sadd.s32 $0x200, s0;
	s1 =	sadd.s32 $0x40, s1  }
0x5ac: {  	s9 =	sand.u32 $0x1C00, s0;
	s2 =	sadd.s32 $0x400, s2;
	s7 =	sadd.s32 $0xFFFFFFD0, s1  }
0x5ad: {  	_ =	sdelay $0x2  }
0x5ae: {  	s0 =	sand.u32 $0x40, s7;
	s2 =	sor.u32 $0x6180, s9  }
0x5af: {  	s10 =	sadd.s32 $0xFFFFFD00, s18;
	s0 =	sor.u32 s0, s2;
	[tilespmem:v17+s14+$0x0] =	vst.idx.msk $0xffff, v16  }
0x5b0: {  	v17 =	vor.u32 s10, v11;
	v16 =	vld [tilespmem:s0+$0x0];
	_ =	sdelay $0x2  }
0x5b1: {  	s15 =	sadd.s32 $0xFFFFFFE0, s1  }
0x5b2: {  	s0 =	sand.u32 $0x50, s15  }
0x5b3: {  	s19 =	sadd.s32 $0xFFFFFE00, s18;
	s0 =	sor.u32 s0, s2;
	[tilespmem:v17+s14+$0x0] =	vst.idx.msk $0xffff, v16  }
0x5b4: {  	v17 =	vor.u32 s19, v11;
	v16 =	vld [tilespmem:s0+$0x0];
	_ =	sdelay $0x2  }
0x5b5: {  	s20 =	sadd.s32 $0xFFFFFFF0, s1  }
0x5b6: {  	s0 =	sand.u32 $0x60, s20  }
0x5b7: {  	s22 =	sadd.s32 $0xFFFFFF00, s18;
	s0 =	sor.u32 s0, s2;
	[tilespmem:v17+s14+$0x0] =	vst.idx.msk $0xffff, v16  }
0x5b8: {  	v17 =	vor.u32 s22, v11;
	v16 =	vld [tilespmem:s0+$0x0];
	_ =	sdelay $0x3  }
0x5b9: {  	s24 =	sand.u32 $0x70, s1  }
0x5ba: {  	s0 =	sor.u32 s24, s2;
	[tilespmem:v17+s14+$0x0] =	vst.idx.msk $0xffff, v16  }
0x5bb: {  	v17 =	vor.u32 s18, v11;
	v16 =	vld [tilespmem:s0+$0x0];
	_ =	sdelay $0x1  }
0x5bc: {  	s25 =	simm.s32 $0x0  }
0x5bd: {  	s24 =	sand.u32 $0x1C00, s25  }
0x5be: {  	s0 =	sor.u32 $0x6200, s24  }
0x5bf: {  	s25 =	simm.s32 $0x0;
	s29 =	sor.u32 s21, s0;
	[tilespmem:v17+s14+$0x0] =	vst.idx.msk $0xffff, v16  }
0x5c0: {  	v17 =	vor.u32 s25, v12;
	v16 =	vld [tilespmem:s29+$0x0];
	_ =	sdelay $0x4  }
0x5c1: {  	s22 =	simm.s32 $0x100;
	s30 =	sor.u32 s23, s0;
	[tilespmem:v17+s14+$0x0] =	vst.idx.msk $0xffff, v16  }
0x5c2: {  	v17 =	vor.u32 s22, v12;
	v16 =	vld [tilespmem:s30+$0x0];
	_ =	sdelay $0x4  }
0x5c3: {  	s20 =	simm.s32 $0x200;
	s31 =	sor.u32 s26, s0;
	[tilespmem:v17+s14+$0x0] =	vst.idx.msk $0xffff, v16  }
0x5c4: {  	v17 =	vor.u32 s20, v12;
	v16 =	vld [tilespmem:s31+$0x0];
	_ =	sdelay $0x4  }
0x5c5: {  	s19 =	simm.s32 $0x300;
	s0 =	sor.u32 s28, s0;
	[tilespmem:v17+s14+$0x0] =	vst.idx.msk $0xffff, v16  }
0x5c6: {  	v17 =	vor.u32 s19, v12;
	v16 =	vld [tilespmem:s0+$0x0]  }
0x5c7: {  	s1 =	simm.s32 $0x200  }
0x5c8: {  	s7 =	simm.s32 $0x40;
	s9 =	sand.u32 $0x1C00, s1;
	s2 =	simm.s32 $0xB00  }
0x5c9: {  	s18 =	simm.s32 $0x700;
	s21 =	simm.s32 $0x70;
	s0 =	simm.s32 $0x700  }
.LBB2_62:
0x5ca: {  	p3 =	sne.s32 s2, $0x3F00;
	s7 =	sand.u32 $0x40, s7;
	s8 =	sor.u32 $0x6200, s9  }
0x5cb: {  	s9 =	sadd.s32 $0xFFFFFD00, s0;
	s7 =	sor.u32 s7, s8;
	[tilespmem:v17+s14+$0x0] =	vst.idx.msk $0xffff, v16  }
0x5cc: {  	v17 =	vor.u32 s9, v12;
	v16 =	vld [tilespmem:s7+$0x0];
	_ =	sdelay $0x2  }
0x5cd: {  	s7 =	sadd.s32 $0xFFFFFFE0, s21  }
0x5ce: {  	s7 =	sand.u32 $0x50, s7  }
0x5cf: {  	s9 =	sadd.s32 $0xFFFFFE00, s0;
	s7 =	sor.u32 s7, s8;
	[tilespmem:v17+s14+$0x0] =	vst.idx.msk $0xffff, v16  }
0x5d0: {  	v17 =	vor.u32 s9, v12;
	v16 =	vld [tilespmem:s7+$0x0];
	_ =	sdelay $0x2  }
0x5d1: {  	s7 =	sadd.s32 $0xFFFFFFF0, s21  }
0x5d2: {  	s7 =	sand.u32 $0x60, s7  }
0x5d3: {  	s9 =	sadd.s32 $0xFFFFFF00, s0;
	s7 =	sor.u32 s7, s8;
	[tilespmem:v17+s14+$0x0] =	vst.idx.msk $0xffff, v16  }
0x5d4: {  	v17 =	vor.u32 s9, v12;
	v16 =	vld [tilespmem:s7+$0x0];
	_ =	sdelay $0x3  }
0x5d5: {  	s7 =	sand.u32 $0x70, s21  }
.Ltmp34:
0x5d6: {  	s7 =	sor.u32 s7, s8;
	[tilespmem:v17+s14+$0x0] =	vst.idx.msk $0xffff, v16;
	(pc) =	sbr.rel @p3 .LBB2_62-.Ltmp34, $3  }
0x5d7: {  	v17 =	vor.u32 s0, v12;
	s0 =	smov.u32 s2;
	v16 =	vld [tilespmem:s7+$0x0];
	_ =	sdelay $0x1  }
0x5d8: {  	s1 =	sadd.s32 $0x200, s1;
	s21 =	sadd.s32 $0x40, s21  }
0x5d9: {  	s9 =	sand.u32 $0x1C00, s1;
	s2 =	sadd.s32 $0x400, s2;
	s7 =	sadd.s32 $0xFFFFFFD0, s21  }
0x5da: {  	_ =	sdelay $0x2  }
0x5db: {  	s1 =	sand.u32 $0x40, s7;
	s2 =	sor.u32 $0x6200, s9  }
0x5dc: {  	s29 =	sadd.s32 $0xFFFFFD00, s0;
	s1 =	sor.u32 s1, s2;
	[tilespmem:v17+s14+$0x0] =	vst.idx.msk $0xffff, v16  }
0x5dd: {  	v17 =	vor.u32 s29, v12;
	v16 =	vld [tilespmem:s1+$0x0];
	_ =	sdelay $0x2  }
0x5de: {  	s30 =	sadd.s32 $0xFFFFFFE0, s21  }
0x5df: {  	s1 =	sand.u32 $0x50, s30  }
0x5e0: {  	s31 =	sadd.s32 $0xFFFFFE00, s0;
	s1 =	sor.u32 s1, s2;
	[tilespmem:v17+s14+$0x0] =	vst.idx.msk $0xffff, v16  }
0x5e1: {  	v17 =	vor.u32 s31, v12;
	v16 =	vld [tilespmem:s1+$0x0];
	_ =	sdelay $0x2  }
0x5e2: {  	s7 =	sadd.s32 $0xFFFFFFF0, s21  }
0x5e3: {  	s1 =	sand.u32 $0x60, s7  }
0x5e4: {  	s8 =	sadd.s32 $0xFFFFFF00, s0;
	s1 =	sor.u32 s1, s2;
	[tilespmem:v17+s14+$0x0] =	vst.idx.msk $0xffff, v16  }
0x5e5: {  	v17 =	vor.u32 s8, v12;
	v16 =	vld [tilespmem:s1+$0x0];
	_ =	sdelay $0x3  }
0x5e6: {  	s9 =	sand.u32 $0x70, s21  }
0x5e7: {  	s1 =	sor.u32 s9, s2;
	[tilespmem:v17+s14+$0x0] =	vst.idx.msk $0xffff, v16  }
0x5e8: {  	v17 =	vor.u32 s0, v12;
	v16 =	vld [tilespmem:s1+$0x0];
	_ =	sdelay $0x2  }
0x5e9: {  	s10 =	simm.s32 $0x0  }
0x5ea: {  	s15 =	sor.u32 $0x6280, s24;
	s21 =	sand.u32 $0x40, s10  }
0x5eb: {  	s26 =	sor.u32 s21, s15;
	[tilespmem:v17+s14+$0x0] =	vst.idx.msk $0xffff, v16  }
0x5ec: {  	v17 =	vor.u32 s25, v13;
	v16 =	vld [tilespmem:s26+$0x0];
	_ =	sdelay $0x2  }
0x5ed: {  	s28 =	simm.s32 $0x10  }
0x5ee: {  	s23 =	sand.u32 $0x50, s28  }
0x5ef: {  	s1 =	sor.u32 s23, s15;
	[tilespmem:v17+s14+$0x0] =	vst.idx.msk $0xffff, v16  }
0x5f0: {  	v17 =	vor.u32 s22, v13;
	v16 =	vld [tilespmem:s1+$0x0];
	_ =	sdelay $0x2  }
0x5f1: {  	s29 =	simm.s32 $0x20  }
0x5f2: {  	s22 =	sand.u32 $0x60, s29  }
0x5f3: {  	s1 =	sor.u32 s22, s15;
	[tilespmem:v17+s14+$0x0] =	vst.idx.msk $0xffff, v16  }
0x5f4: {  	v17 =	vor.u32 s20, v13;
	v16 =	vld [tilespmem:s1+$0x0];
	_ =	sdelay $0x2  }
0x5f5: {  	s30 =	simm.s32 $0x30  }
0x5f6: {  	s24 =	sand.u32 $0x70, s30  }
0x5f7: {  	s31 =	sor.u32 s24, s15;
	[tilespmem:v17+s14+$0x0] =	vst.idx.msk $0xffff, v16  }
0x5f8: {  	v17 =	vor.u32 s19, v13;
	v16 =	vld [tilespmem:s31+$0x0];
	_ =	sdelay $0x1  }
0x5f9: {  	s7 =	simm.s32 $0x40;
	s0 =	simm.s32 $0x200  }
0x5fa: {  	s2 =	simm.s32 $0xB00;
	s9 =	sand.u32 $0x1C00, s0;
	s1 =	simm.s32 $0x70  }
.LBB2_64:
0x5fb: {  	p3 =	sne.s32 s2, $0x3F00;
	s7 =	sand.u32 $0x40, s7;
	s8 =	sor.u32 $0x6280, s9  }
0x5fc: {  	s9 =	sadd.s32 $0xFFFFFD00, s18;
	s7 =	sor.u32 s7, s8;
	[tilespmem:v17+s14+$0x0] =	vst.idx.msk $0xffff, v16  }
0x5fd: {  	v17 =	vor.u32 s9, v13;
	v16 =	vld [tilespmem:s7+$0x0];
	_ =	sdelay $0x2  }
0x5fe: {  	s7 =	sadd.s32 $0xFFFFFFE0, s1  }
0x5ff: {  	s7 =	sand.u32 $0x50, s7  }
0x600: {  	s9 =	sadd.s32 $0xFFFFFE00, s18;
	s7 =	sor.u32 s7, s8;
	[tilespmem:v17+s14+$0x0] =	vst.idx.msk $0xffff, v16  }
0x601: {  	v17 =	vor.u32 s9, v13;
	v16 =	vld [tilespmem:s7+$0x0];
	_ =	sdelay $0x2  }
0x602: {  	s7 =	sadd.s32 $0xFFFFFFF0, s1  }
0x603: {  	s7 =	sand.u32 $0x60, s7  }
0x604: {  	s9 =	sadd.s32 $0xFFFFFF00, s18;
	s7 =	sor.u32 s7, s8;
	[tilespmem:v17+s14+$0x0] =	vst.idx.msk $0xffff, v16  }
0x605: {  	v17 =	vor.u32 s9, v13;
	v16 =	vld [tilespmem:s7+$0x0];
	_ =	sdelay $0x3  }
0x606: {  	s7 =	sand.u32 $0x70, s1  }
.Ltmp35:
0x607: {  	s7 =	sor.u32 s7, s8;
	[tilespmem:v17+s14+$0x0] =	vst.idx.msk $0xffff, v16;
	(pc) =	sbr.rel @p3 .LBB2_64-.Ltmp35, $3  }
0x608: {  	v17 =	vor.u32 s18, v13;
	s18 =	smov.u32 s2;
	v16 =	vld [tilespmem:s7+$0x0];
	_ =	sdelay $0x1  }
0x609: {  	s0 =	sadd.s32 $0x200, s0;
	s1 =	sadd.s32 $0x40, s1  }
0x60a: {  	s9 =	sand.u32 $0x1C00, s0;
	s2 =	sadd.s32 $0x400, s2;
	s7 =	sadd.s32 $0xFFFFFFD0, s1  }
0x60b: {  	_ =	sdelay $0x2  }
0x60c: {  	s0 =	sand.u32 $0x40, s7;
	s2 =	sor.u32 $0x6280, s9  }
0x60d: {  	s10 =	sadd.s32 $0xFFFFFD00, s18;
	s0 =	sor.u32 s0, s2;
	[tilespmem:v17+s14+$0x0] =	vst.idx.msk $0xffff, v16  }
0x60e: {  	v17 =	vor.u32 s10, v13;
	v16 =	vld [tilespmem:s0+$0x0];
	_ =	sdelay $0x2  }
0x60f: {  	s15 =	sadd.s32 $0xFFFFFFE0, s1  }
0x610: {  	s0 =	sand.u32 $0x50, s15  }
0x611: {  	s19 =	sadd.s32 $0xFFFFFE00, s18;
	s0 =	sor.u32 s0, s2;
	[tilespmem:v17+s14+$0x0] =	vst.idx.msk $0xffff, v16  }
0x612: {  	v17 =	vor.u32 s19, v13;
	v16 =	vld [tilespmem:s0+$0x0];
	_ =	sdelay $0x2  }
0x613: {  	s20 =	sadd.s32 $0xFFFFFFF0, s1  }
0x614: {  	s0 =	sand.u32 $0x60, s20  }
0x615: {  	s25 =	sadd.s32 $0xFFFFFF00, s18;
	s0 =	sor.u32 s0, s2;
	[tilespmem:v17+s14+$0x0] =	vst.idx.msk $0xffff, v16  }
0x616: {  	v17 =	vor.u32 s25, v13;
	v16 =	vld [tilespmem:s0+$0x0];
	_ =	sdelay $0x3  }
0x617: {  	s26 =	sand.u32 $0x70, s1  }
0x618: {  	s0 =	sor.u32 s26, s2;
	[tilespmem:v17+s14+$0x0] =	vst.idx.msk $0xffff, v16  }
0x619: {  	v17 =	vor.u32 s18, v13;
	v16 =	vld [tilespmem:s0+$0x0];
	_ =	sdelay $0x1  }
0x61a: {  	s28 =	simm.s32 $0x0  }
0x61b: {  	s25 =	sand.u32 $0x1C00, s28  }
0x61c: {  	s0 =	sor.u32 $0x6300, s25  }
0x61d: {  	s26 =	simm.s32 $0x0;
	s29 =	sor.u32 s21, s0;
	[tilespmem:v17+s14+$0x0] =	vst.idx.msk $0xffff, v16  }
0x61e: {  	v17 =	vor.u32 s26, v14;
	v16 =	vld [tilespmem:s29+$0x0];
	_ =	sdelay $0x4  }
0x61f: {  	s30 =	sor.u32 s23, s0;
	s21 =	simm.s32 $0x100;
	[tilespmem:v17+s14+$0x0] =	vst.idx.msk $0xffff, v16  }
0x620: {  	v17 =	vor.u32 s21, v14;
	v16 =	vld [tilespmem:s30+$0x0];
	_ =	sdelay $0x4  }
0x621: {  	s20 =	simm.s32 $0x200;
	s31 =	sor.u32 s22, s0;
	[tilespmem:v17+s14+$0x0] =	vst.idx.msk $0xffff, v16  }
0x622: {  	v17 =	vor.u32 s20, v14;
	v16 =	vld [tilespmem:s31+$0x0];
	_ =	sdelay $0x4  }
0x623: {  	s19 =	simm.s32 $0x300;
	s0 =	sor.u32 s24, s0;
	[tilespmem:v17+s14+$0x0] =	vst.idx.msk $0xffff, v16  }
0x624: {  	v17 =	vor.u32 s19, v14;
	v16 =	vld [tilespmem:s0+$0x0]  }
0x625: {  	s1 =	simm.s32 $0x70  }
0x626: {  	s7 =	simm.s32 $0x40;
	s9 =	simm.s32 $0xB00;
	s2 =	simm.s32 $0x200  }
0x627: {  	s10 =	sand.u32 $0x1C00, s2;
	s18 =	simm.s32 $0x700;
	s0 =	simm.s32 $0x700  }
.LBB2_66:
0x628: {  	p3 =	sne.s32 s9, $0x3F00;
	s7 =	sand.u32 $0x40, s7;
	s8 =	sor.u32 $0x6300, s10  }
0x629: {  	s10 =	sadd.s32 $0xFFFFFD00, s0;
	s7 =	sor.u32 s7, s8;
	[tilespmem:v17+s14+$0x0] =	vst.idx.msk $0xffff, v16  }
0x62a: {  	v17 =	vor.u32 s10, v14;
	v16 =	vld [tilespmem:s7+$0x0];
	_ =	sdelay $0x2  }
0x62b: {  	s7 =	sadd.s32 $0xFFFFFFE0, s1  }
0x62c: {  	s7 =	sand.u32 $0x50, s7  }
0x62d: {  	s10 =	sadd.s32 $0xFFFFFE00, s0;
	s7 =	sor.u32 s7, s8;
	[tilespmem:v17+s14+$0x0] =	vst.idx.msk $0xffff, v16  }
0x62e: {  	v17 =	vor.u32 s10, v14;
	v16 =	vld [tilespmem:s7+$0x0];
	_ =	sdelay $0x2  }
0x62f: {  	s7 =	sadd.s32 $0xFFFFFFF0, s1  }
0x630: {  	s7 =	sand.u32 $0x60, s7  }
0x631: {  	s10 =	sadd.s32 $0xFFFFFF00, s0;
	s7 =	sor.u32 s7, s8;
	[tilespmem:v17+s14+$0x0] =	vst.idx.msk $0xffff, v16  }
0x632: {  	v17 =	vor.u32 s10, v14;
	v16 =	vld [tilespmem:s7+$0x0];
	_ =	sdelay $0x3  }
0x633: {  	s7 =	sand.u32 $0x70, s1  }
.Ltmp36:
0x634: {  	s7 =	sor.u32 s7, s8;
	[tilespmem:v17+s14+$0x0] =	vst.idx.msk $0xffff, v16;
	(pc) =	sbr.rel @p3 .LBB2_66-.Ltmp36, $3  }
0x635: {  	v17 =	vor.u32 s0, v14;
	s0 =	smov.u32 s9;
	v16 =	vld [tilespmem:s7+$0x0];
	_ =	sdelay $0x1  }
0x636: {  	s2 =	sadd.s32 $0x200, s2;
	s1 =	sadd.s32 $0x40, s1  }
0x637: {  	s10 =	sand.u32 $0x1C00, s2;
	s9 =	sadd.s32 $0x400, s9;
	s7 =	sadd.s32 $0xFFFFFFD0, s1  }
0x638: {  	_ =	sdelay $0x2  }
0x639: {  	s2 =	sand.u32 $0x40, s7;
	s31 =	sor.u32 $0x6300, s10  }
0x63a: {  	s8 =	sadd.s32 $0xFFFFFD00, s0;
	s2 =	sor.u32 s2, s31;
	[tilespmem:v17+s14+$0x0] =	vst.idx.msk $0xffff, v16  }
0x63b: {  	v17 =	vor.u32 s8, v14;
	v16 =	vld [tilespmem:s2+$0x0];
	_ =	sdelay $0x2  }
0x63c: {  	s9 =	sadd.s32 $0xFFFFFFE0, s1  }
0x63d: {  	s2 =	sand.u32 $0x50, s9  }
0x63e: {  	s10 =	sadd.s32 $0xFFFFFE00, s0;
	s2 =	sor.u32 s2, s31;
	[tilespmem:v17+s14+$0x0] =	vst.idx.msk $0xffff, v16  }
0x63f: {  	v17 =	vor.u32 s10, v14;
	v16 =	vld [tilespmem:s2+$0x0];
	_ =	sdelay $0x2  }
0x640: {  	s15 =	sadd.s32 $0xFFFFFFF0, s1  }
0x641: {  	s2 =	sand.u32 $0x60, s15  }
0x642: {  	s22 =	sadd.s32 $0xFFFFFF00, s0;
	s2 =	sor.u32 s2, s31;
	[tilespmem:v17+s14+$0x0] =	vst.idx.msk $0xffff, v16  }
0x643: {  	v17 =	vor.u32 s22, v14;
	v16 =	vld [tilespmem:s2+$0x0];
	_ =	sdelay $0x3  }
0x644: {  	s23 =	sand.u32 $0x70, s1  }
0x645: {  	s1 =	sor.u32 s23, s31;
	[tilespmem:v17+s14+$0x0] =	vst.idx.msk $0xffff, v16  }
0x646: {  	v17 =	vor.u32 s0, v14;
	v16 =	vld [tilespmem:s1+$0x0];
	_ =	sdelay $0x2  }
0x647: {  	s24 =	simm.s32 $0x0  }
0x648: {  	s25 =	sor.u32 $0x6380, s25;
	s0 =	sand.u32 $0x40, s24  }
0x649: {  	s0 =	sor.u32 s0, s25;
	[tilespmem:v17+s14+$0x0] =	vst.idx.msk $0xffff, v16  }
0x64a: {  	v17 =	vor.u32 s26, v15;
	v16 =	vld [tilespmem:s0+$0x0];
	_ =	sdelay $0x2  }
0x64b: {  	s28 =	simm.s32 $0x10  }
0x64c: {  	s0 =	sand.u32 $0x50, s28  }
0x64d: {  	s0 =	sor.u32 s0, s25;
	[tilespmem:v17+s14+$0x0] =	vst.idx.msk $0xffff, v16  }
0x64e: {  	v17 =	vor.u32 s21, v15;
	v16 =	vld [tilespmem:s0+$0x0];
	_ =	sdelay $0x2  }
0x64f: {  	s29 =	simm.s32 $0x20  }
0x650: {  	s0 =	sand.u32 $0x60, s29  }
0x651: {  	s0 =	sor.u32 s0, s25;
	[tilespmem:v17+s14+$0x0] =	vst.idx.msk $0xffff, v16  }
0x652: {  	v17 =	vor.u32 s20, v15;
	v16 =	vld [tilespmem:s0+$0x0];
	_ =	sdelay $0x2  }
0x653: {  	s30 =	simm.s32 $0x30  }
0x654: {  	s0 =	sand.u32 $0x70, s30  }
0x655: {  	s31 =	sor.u32 s0, s25;
	[tilespmem:v17+s14+$0x0] =	vst.idx.msk $0xffff, v16  }
0x656: {  	v17 =	vor.u32 s19, v15;
	v16 =	vld [tilespmem:s31+$0x0];
	_ =	sdelay $0x1  }
0x657: {  	s7 =	simm.s32 $0x40;
	s0 =	simm.s32 $0x200  }
0x658: {  	s2 =	simm.s32 $0xB00;
	s1 =	simm.s32 $0x70;
	s9 =	sand.u32 $0x1C00, s0  }
.LBB2_68:
0x659: {  	p3 =	sne.s32 s2, $0x3F00;
	s7 =	sand.u32 $0x40, s7;
	s8 =	sor.u32 $0x6380, s9  }
0x65a: {  	s9 =	sadd.s32 $0xFFFFFD00, s18;
	s7 =	sor.u32 s7, s8;
	[tilespmem:v17+s14+$0x0] =	vst.idx.msk $0xffff, v16  }
0x65b: {  	v17 =	vor.u32 s9, v15;
	v16 =	vld [tilespmem:s7+$0x0];
	_ =	sdelay $0x2  }
0x65c: {  	s7 =	sadd.s32 $0xFFFFFFE0, s1  }
0x65d: {  	s7 =	sand.u32 $0x50, s7  }
0x65e: {  	s9 =	sadd.s32 $0xFFFFFE00, s18;
	s7 =	sor.u32 s7, s8;
	[tilespmem:v17+s14+$0x0] =	vst.idx.msk $0xffff, v16  }
0x65f: {  	v17 =	vor.u32 s9, v15;
	v16 =	vld [tilespmem:s7+$0x0];
	_ =	sdelay $0x2  }
0x660: {  	s7 =	sadd.s32 $0xFFFFFFF0, s1  }
0x661: {  	s7 =	sand.u32 $0x60, s7  }
0x662: {  	s9 =	sadd.s32 $0xFFFFFF00, s18;
	s7 =	sor.u32 s7, s8;
	[tilespmem:v17+s14+$0x0] =	vst.idx.msk $0xffff, v16  }
0x663: {  	v17 =	vor.u32 s9, v15;
	v16 =	vld [tilespmem:s7+$0x0];
	_ =	sdelay $0x3  }
0x664: {  	s7 =	sand.u32 $0x70, s1  }
.Ltmp37:
0x665: {  	s7 =	sor.u32 s7, s8;
	[tilespmem:v17+s14+$0x0] =	vst.idx.msk $0xffff, v16;
	(pc) =	sbr.rel @p3 .LBB2_68-.Ltmp37, $3  }
0x666: {  	v17 =	vor.u32 s18, v15;
	s18 =	smov.u32 s2;
	v16 =	vld [tilespmem:s7+$0x0];
	_ =	sdelay $0x1  }
0x667: {  	s0 =	sadd.s32 $0x200, s0;
	s1 =	sadd.s32 $0x40, s1  }
0x668: {  	s9 =	sand.u32 $0x1C00, s0;
	s2 =	sadd.s32 $0x400, s2;
	s7 =	sadd.s32 $0xFFFFFFD0, s1  }
0x669: {  	_ =	sdelay $0x2  }
0x66a: {  	s0 =	sand.u32 $0x40, s7;
	s2 =	sor.u32 $0x6380, s9  }
0x66b: {  	s24 =	sadd.s32 $0xFFFFFD00, s18;
	s0 =	sor.u32 s0, s2;
	[tilespmem:v17+s14+$0x0] =	vst.idx.msk $0xffff, v16  }
0x66c: {  	v17 =	vor.u32 s24, v15;
	v16 =	vld [tilespmem:s0+$0x0];
	_ =	sdelay $0x2  }
0x66d: {  	s25 =	sadd.s32 $0xFFFFFFE0, s1  }
0x66e: {  	s0 =	sand.u32 $0x50, s25  }
0x66f: {  	s26 =	sadd.s32 $0xFFFFFE00, s18;
	s0 =	sor.u32 s0, s2;
	[tilespmem:v17+s14+$0x0] =	vst.idx.msk $0xffff, v16  }
0x670: {  	v17 =	vor.u32 s26, v15;
	v16 =	vld [tilespmem:s0+$0x0];
	_ =	sdelay $0x2  }
0x671: {  	s28 =	sadd.s32 $0xFFFFFFF0, s1  }
0x672: {  	s0 =	sand.u32 $0x60, s28  }
0x673: {  	s29 =	sadd.s32 $0xFFFFFF00, s18;
	s0 =	sor.u32 s0, s2;
	[tilespmem:v17+s14+$0x0] =	vst.idx.msk $0xffff, v16  }
0x674: {  	v17 =	vor.u32 s29, v15;
	v16 =	vld [tilespmem:s0+$0x0];
	_ =	sdelay $0x3  }
0x675: {  	s30 =	sand.u32 $0x70, s1  }
0x676: {  	s0 =	sor.u32 s30, s2;
	[tilespmem:v17+s14+$0x0] =	vst.idx.msk $0xffff, v16  }
0x677: {  	v17 =	vor.u32 s18, v15;
	v16 =	vld [tilespmem:s0+$0x0];
	_ =	sdelay $0x1  }
.Ltmp38:
0x678: {  	_ = 	snop;
	(pc) =	sbr.rel .LBB2_70-.Ltmp38, $4  }
0x679: {  	_ = 	snop  }
0x67a: {  	s31 =	sshll.u32 s17, $0x10  }
0x67b: {  	s0 =	sadd.s32 s31, s6;
	[tilespmem:v17+s14+$0x0] =	vst.idx.msk $0xffff, v16  }
0x67c: {  	[hbm4b:s0+s3] =	stream.linear.scatter [tilespmem:s14], [sflag:$0x4], $0x4000, $0x38;
	[tilespmem:$0x10400] =	vst v63  }
.LBB2_72:
0x67d: {  	_ =	sfence.sel $0x180000  }
0x67e: {  	[bflag:$0x0] =	sbarrier.arrive $0xFFFF  }
0x67f: {  	_ =	strace $0x90000047  }
0x680: {  	s0 =	stileid.u32;
	[bflag:$0x2] =	sbarrier.arrive $0xFFFF  }
0x681: {  	p0 =	sne.s32 s0, $0x0;
	s0 =	rddreg [dreg:$0x3]  }
0x682: {  	s0 =	sadd.s32 @!p0 $0x100000, s0  }
0x683: {  	[sflag:s0] =	ssyncadd.tile.s32 @!p0 $0x1;
	_ =	shalt  }
.Lfunc_end2:
_tile_overlayer_lowered:
.L_overlay_start_2:
0x684: {  	(tag) =	ssettag $0x2  }
0x685: {  	s0 =	rddreg [dreg:$0x0];
	s2 =	stileid.u32  }
0x686: {  	s1 =	rddreg [dreg:$0x1];
	p0 =	sne.s32 s2, $0x0  }
0x687: {  	s3 =	rddreg [dreg:$0x2];
	[bflag:$0x3] =	sbarrier.arrive $0xFFFF;
	s2 =	simm.s32 @!p0 $0x1C05  }
0x688: {  	[timem:s3], [sflag:s2] =	dma.local @!p0 [hbm:s0], s1  }
0x689: {  	s0 =	simm.s32 @!p0 $0x5  }
0x68a: {  	_ =	swait.ge @!p0 [sflag:s0], s1  }
0x68b: {  	s1 =	ssub.s32 @!p0 $0x0, s1;
	[sflag:s0] =	ssyncset.done @!p0 $0x0  }
0x68c: {  	[sflag:s0] =	ssyncadd.s32 @!p0 s1  }
0x68d: {  	[bflag:$0x3] =	sbarrier.arrive $0xFFFF  }
0x68e: {  	_ =	shalt  }

// kernel: kernel.8.cloned.1.call-start
scs
__scs_entry_jumppad:
0x0: {  	(pc) =	sbr.rel $0x88, $3  }
0x1: {  	(tag) =	ssettag $0x0;
	lr =	simm.s32 $0x1  }
0x2: {  	[smem:$0x3F9B] =	sst lr;
	_ =	strace $0xD0000000  }
0x3: {  	_ = 	snop  }
0x4: {  	_ = 	snop  }
0x5: {  	_ = 	snop  }
0x6: {  	_ = 	snop  }
0x7: {  	_ = 	snop  }
__scs_overlays_trampoline_lowered:
0x8: {  	[smem:$0x3FAA] =	sst s0  }
0x9: {  	[smem:$0x3FAB] =	sst s1  }
0xa: {  	[smem:$0x3FAC] =	sst s2  }
0xb: {  	[smem:$0x3FAD] =	sst s3  }
0xc: {  	[smem:$0x3FAE] =	sst s4  }
0xd: {  	[smem:$0x3FAF] =	sst s5  }
0xe: {  	[smem:$0x3FB0] =	sst s6  }
0xf: {  	[smem:$0x3FB1] =	sst s7  }
0x10: {  	[smem:$0x3FB2] =	sst s8  }
0x11: {  	[smem:$0x3FB3] =	sst s9;
	s0 =	simm.s32 @!p0 $0x0  }
0x12: {  	s1 =	sld [smem:$0x3F99];
	s0 =	simm.s32 @p0 $0x1  }
0x13: {  	[smem:$0x3FB4] =	sst s0;
	s0 =	simm.s32 @!p1 $0x0  }
0x14: {  	s2 =	sld [smem:$0x3F98];
	s0 =	simm.s32 @p1 $0x1  }
0x15: {  	[smem:$0x3FB5] =	sst s0;
	s0 =	simm.s32 @!p2 $0x0  }
0x16: {  	s3 =	sld [smem:$0x3FDB];
	s0 =	simm.s32 @p2 $0x1  }
0x17: {  	s4 =	simm.s32 $0x1BF5;
	[smem:$0x3FB7] =	sst s0  }
0x18: {  	s0 =	sld [smem:$0x3F9A];
	_ =	swait.ge [sflag:s4], $0x0  }
0x19: {  	s7 =	sld [smem:$0x3F9B]  }
0x1a: {  	s8 =	sadd.s32 $0xFFFFE003, lr  }
0x1b: {  	s9 =	sadd.s32 $0xFFFFFEF7, lr;
	s5 =	simm.s32 $0xFFFFFFFF;
	p2 =	slt.u32 s8, $0xFFFFF086  }
0x1c: {  	p1 =	slt.u32 s9, $0xF7A;
	s5 =	simm.s32 @!p2 $0x0  }
0x1d: {  	s5 =	simm.s32 @p1 $0x1;
	p0 =	seq.s32 s7, s2  }
0x1e: {  	s7 =	smul.u32 @!p0 $0xF7A, s2;
	p2 =	seq.s32 @!p0 s5, $0x0  }
0x1f: {  	s9 =	smul.u32 $0xF7A, s1;
	s8 =	simm.s32 @!p0 $0x1BF5;
	p2 =	por !p2, p0  }
0x20: {  	[sflag:s8] =	ssyncset.s32 @!p0 $0xFFFFF086;
	s6 =	sadd.s32 @!p0 s3, s7;
	s7 =	simm.s32 @!p0 $0x108  }
0x21: {  	s3 =	sadd.s32 s3, s9;
	s6 =	sadd.s32 @!p0 $0x88, s6;
	s7 =	simm.s32 @p2 $0x1082  }
0x22: {  	[simem:s7], [sflag:s8] =	dma.local @!p0 [hbm:s6], $0xF7A  }
0x23: {  	s9 =	sor.u32 $0xD0000000, s2;
	s6 =	simm.s32 $0x108;
	_ =	swait.ge @!p0 [sflag:s8], $0x0  }
0x24: {  	s3 =	sadd.s32 $0x88, s3;
	s6 =	simm.s32 @!p1 $0x1082;
	[sflag:s4] =	ssyncset.s32 $0xFFFFF086  }
0x25: {  	[simem:s6], [sflag:s4] =	dma.local [hbm:s3], $0xF7A  }
0x26: {  	[smem:$0x3F9B] =	sst s1;
	(tag) =	ssettag s2;
	_ =	strace s9  }
0x27: {  	s1 =	sld [smem:$0x3FAB]  }
0x28: {  	s2 =	sld [smem:$0x3FAC]  }
0x29: {  	s4 =	sld [smem:$0x3FAE]  }
0x2a: {  	p0 =	seq.s32 s5, $0x0;
	s5 =	sld [smem:$0x3FAF]  }
0x2b: {  	s6 =	sld [smem:$0x3FB0]  }
0x2c: {  	s7 =	sld [smem:$0x3FB1]  }
0x2d: {  	s3 =	simm.s32 $0x108;
	s8 =	sld [smem:$0x3FB2]  }
0x2e: {  	s3 =	simm.s32 @!p0 $0x1082;
	s9 =	sld [smem:$0x3FB3]  }
0x2f: {  	lr =	sadd.s32 s0, s3;
	s0 =	sld [smem:$0x3FAA]  }
0x30: {  	s3 =	sld [smem:$0x3FAD]  }
0x31: {  	[smem:$0x3FB6] =	sst s10  }
0x32: {  	s10 =	sld [smem:$0x3FB4];
	_ =	sdelay $0x3  }
0x33: {  	p0 =	seq.s32 s10, $0x1;
	s10 =	sld [smem:$0x3FB6];
	_ =	sdelay $0x3  }
0x34: {  	[smem:$0x3FB6] =	sst s10  }
0x35: {  	s10 =	sld [smem:$0x3FB5];
	_ =	sdelay $0x3  }
0x36: {  	p1 =	seq.s32 s10, $0x1;
	s10 =	sld [smem:$0x3FB6];
	_ =	sdelay $0x3  }
0x37: {  	[smem:$0x3FB6] =	sst s10  }
0x38: {  	s10 =	sld [smem:$0x3FB7]  }
0x39: {  	_ = 	snop;
	(pc) =	sbr.ind lr, $3  }
0x3a: {  	_ = 	snop  }
0x3b: {  	_ = 	snop  }
0x3c: {  	p2 =	seq.s32 s10, $0x1;
	s10 =	sld [smem:$0x3FB6]  }
0x3d: {  	_ =	shalt  }
0x3e: {  	_ =	shalt  }
0x3f: {  	_ =	shalt  }
0x40: {  	_ =	shalt  }
0x41: {  	_ =	shalt  }
0x42: {  	_ =	shalt  }
0x43: {  	_ =	shalt  }
0x44: {  	_ =	shalt  }
0x45: {  	_ =	shalt  }
0x46: {  	_ =	shalt  }
0x47: {  	_ =	shalt  }
0x48: {  	_ =	shalt  }
0x49: {  	_ =	shalt  }
0x4a: {  	_ =	shalt  }
0x4b: {  	_ =	shalt  }
0x4c: {  	_ =	shalt  }
0x4d: {  	_ =	shalt  }
0x4e: {  	_ =	shalt  }
0x4f: {  	_ =	shalt  }
0x50: {  	_ =	shalt  }
0x51: {  	_ =	shalt  }
0x52: {  	_ =	shalt  }
0x53: {  	_ =	shalt  }
0x54: {  	_ =	shalt  }
0x55: {  	_ =	shalt  }
0x56: {  	_ =	shalt  }
0x57: {  	_ =	shalt  }
0x58: {  	_ =	shalt  }
0x59: {  	_ =	shalt  }
0x5a: {  	_ =	shalt  }
0x5b: {  	_ =	shalt  }
0x5c: {  	_ =	shalt  }
0x5d: {  	_ =	shalt  }
0x5e: {  	_ =	shalt  }
0x5f: {  	_ =	shalt  }
0x60: {  	_ =	shalt  }
0x61: {  	_ =	shalt  }
0x62: {  	_ =	shalt  }
0x63: {  	_ =	shalt  }
0x64: {  	_ =	shalt  }
0x65: {  	_ =	shalt  }
0x66: {  	_ =	shalt  }
0x67: {  	_ =	shalt  }
0x68: {  	_ =	shalt  }
0x69: {  	_ =	shalt  }
0x6a: {  	_ =	shalt  }
0x6b: {  	_ =	shalt  }
0x6c: {  	_ =	shalt  }
0x6d: {  	_ =	shalt  }
0x6e: {  	_ =	shalt  }
0x6f: {  	_ =	shalt  }
0x70: {  	_ =	shalt  }
0x71: {  	_ =	shalt  }
0x72: {  	_ =	shalt  }
0x73: {  	_ =	shalt  }
0x74: {  	_ =	shalt  }
0x75: {  	_ =	shalt  }
0x76: {  	_ =	shalt  }
0x77: {  	_ =	shalt  }
0x78: {  	_ =	shalt  }
0x79: {  	_ =	shalt  }
0x7a: {  	_ =	shalt  }
0x7b: {  	_ =	shalt  }
0x7c: {  	_ =	shalt  }
0x7d: {  	_ =	shalt  }
0x7e: {  	_ =	shalt  }
0x7f: {  	_ =	shalt  }
0x80: {  	_ =	shalt  }
0x81: {  	_ =	shalt  }
0x82: {  	_ =	shalt  }
0x83: {  	_ =	shalt  }
0x84: {  	_ =	shalt  }
0x85: {  	_ =	shalt  }
0x86: {  	_ =	shalt  }
0x87: {  	_ =	shalt  }
.Lfunc_end0:
.L_simem_size_0:
called_computation.1_lowered:
.L_overlay_start_0:
0x88: {  	s2 =	sld [smem:$0x3FD9]  }
0x89: {  	s3 =	sld [smem:$0x3FFE];
	_ =	sdelay $0x1  }
0x8a: {  	s1 =	srdreg.scid  }
0x8b: {  	s0 =	sand.u32 $0x1, s1  }
0x8c: {  	s16 =	sshll.u32 s0, $0xA;
	s2 =	sadd.s32 s3, s2  }
0x8d: {  	s2 =	sadd.s32 s2, s16  }
0x8e: {  	[smem:$0x3FC2] =	sst s2  }
0x8f: {  	_ = 	snop  }
0x90: {  	(tm) =	ssettm $0x1  }
0x91: {  	s17 =	sld [smem:$0x3FFB];
	_ =	sdelay $0x3  }
0x92: {  	_ =	strace s17  }
0x93: {  	s2 =	sld [smem:$0x3FFC];
	_ =	sdelay $0x3  }
0x94: {  	_ =	strace s2  }
0x95: {  	s2 =	sld [smem:$0x3FFD];
	_ =	sdelay $0x3  }
0x96: {  	_ =	strace s2  }
0x97: {  	_ =	strace $0x8FFFFFFF  }
0x98: {  	s18 =	sld [smem:$0x3FDB];
	_ =	sdelay $0x1  }
0x99: {  	s19 =	simm.s32 $_scs_section_size  }
0x9a: {  	s4 =	simm.s32 $_size__tile_overlayer_lowered;
	s5 =	simm.s32 $_tile_overlayer_lowered  }
0x9b: {  	s22 =	simm.s32 $0x1BFF;
	s21 =	sshll.u32 s5, $0x1;
	s2 =	sadd.s32 s19, s18  }
0x9c: {  	s6 =	simm.s32 $0x0;
	s20 =	sshll.u32 s4, $0x1;
	s4 =	sadd.s32 s21, s2  }
0x9d: {  	[timem:s6], [sflag:s22] =	dma.local [hbm:s4], s20  }
0x9e: {  	_ =	swait.ge [sflag:s22], s20  }
0x9f: {  	s3 =	ssub.s32 $0x0, s20;
	[sflag:s22] =	ssyncset.done $0x0  }
0xa0: {  	[sflag:s22] =	ssyncadd.s32 s3;
	_ =	sdelay $0x1  }
0xa1: {  	s23 =	simm.s32 $0x1B8B  }
0xa2: {  	_ =	swait.ge [sflag:s23], $0x1  }
0xa3: {  	[sflag:s23] =	ssyncset.done $0x0  }
0xa4: {  	s25 =	simm.s32 $0x1B8E;
	s24 =	sld [smem:$0x3FFE];
	[sflag:s23] =	ssyncadd.s32 $0xFFFFFFFF  }
0xa5: {  	s26 =	simm.s32 $execute0_lowered;
	[smem:$0x3FD2] =	sst s25  }
0xa6: {  	s4 =	sshll.u32 s26, $0x1;
	_ =	strace $0x80000049;
	[dreg:$0x1] =	wrdreg $0xFFFFFFFF  }
0xa7: {  	s28 =	simm.s32 $_size_execute0_lowered;
	s2 =	sadd.s32 s2, s4;
	[dreg:$0x0] =	wrdreg $0x0  }
0xa8: {  	s4 =	sshll.u32 s28, $0x1;
	[dreg:$0x2] =	wrdreg s2  }
0xa9: {  	[dreg:$0x3] =	wrdreg s4  }
0xaa: {  	[dreg:$0x4] =	wrdreg $0xC0  }
0xab: {  	_ =	task [dreg:s6], $0x5FFFF  }
0xac: {  	[dreg:$0x1] =	wrdreg $0xFFFFFFFF  }
0xad: {  	[dreg:$0x0] =	wrdreg $0x60  }
0xae: {  	[dreg:$0x2] =	wrdreg s24  }
0xaf: {  	[dreg:$0x3] =	wrdreg $0x9  }
0xb0: {  	_ =	task.clear_ibuf [dreg:s6], $0x4FFFF;
	_ =	strace $0x90000049  }
0xb1: {  	s29 =	simm.s32 $0x9;
	_ =	strace $0x8000004B  }
0xb2: {  	_ =	swait.ge [sflag:s29], $0x1  }
0xb3: {  	[sflag:s29] =	ssyncadd.s32 $0xFFFFFFFF  }
0xb4: {  	_ =	strace $0x9000004B  }
0xb5: {  	_ =	sfence  }
0xb6: {  	s30 =	sld [smem:$0x0];
	_ =	sdelay $0x2  }
0xb7: {  	s31 =	sshll.u32 s1, $0xD;
	s1 =	sshrl.u32 s1, $0x2  }
0xb8: {  	s3 =	sand.u32 $0x4000, s31;
	s1 =	sadd.s32 s1, s30  }
0xb9: {  	s0 =	sor.u32 s3, s0;
	s1 =	sshll.u32 s1, $0x11  }
0xba: {  	s0 =	sor.u32 s1, s0  }
0xbb: {  	s0 =	sadd.s32 $0x8F2B, s0  }
0xbc: {  	[sflag:s0] =	ssyncadd.remote.s32 $0x1  }
0xbd: {  	_ =	sfence.sel $0xFFFF  }
0xbe: {  	[dreg:$0x0] =	wrdreg $0xFFFFFFFF;
	(pc) =	sbr.abs _section_cstart, $3  }
0xbf: {  	[dreg:$0x1] =	wrdreg $0xFFFFFFFF  }
0xc0: {  	_ =	task.clear_ibuf [dreg:s6], $0x2FFFF;
	_ =	strace $0x9FFFFFFF  }
0xc1: {  	(tm) =	ssettm $0x7FFFFFFF  }
tec
execute0_lowered:
.L_overlay_start_1:
0x0: {  	(tag) =	ssettag $0x1  }
0x1: {  	s1 =	srdreg.scid  }
0x2: {  	s0 =	stileid.u32;
	s4 =	rddreg [dreg:$0x0]  }
0x3: {  	s2 =	simm.s32 $0x0;
	s31 =	simm.s32 $0x3C00;
	s10 =	simm.s32 $0x4400  }
0x4: {  	s9 =	simm.s32 $0x3400;
	s11 =	simm.s32 $0x5400;
	s12 =	simm.s32 $0x5C00  }
0x5: {  	s13 =	simm.s32 $0x6400;
	s14 =	simm.s32 $0x6C00;
	s15 =	simm.s32 $0x7400  }
0x6: {  	s16 =	simm.s32 $0x7C00;
	s17 =	simm.s32 $0x8400;
	s18 =	simm.s32 $0x8C00  }
0x7: {  	s19 =	simm.s32 $0x9400;
	s20 =	simm.s32 $0x1;
	s21 =	simm.s32 $0x0  }
0x8: {  	s3 =	sand.u32 $0x1, s1;
	s5 =	sshll.u32 s0, $0x1;
	s1 =	rddreg [dreg:$0x1]  }
0x9: {  	[smem:$0x7FF] =	sst s2;
	s6 =	smul.u32 $0xD000, s0;
	s5 =	sor.u32 s3, s5  }
0xa: {  	_ =	strace $0x8000004A;
	s7 =	ssub.s32 $0x2, s3;
	[dreg:$0x2] =	wrdreg s31  }
0xb: {  	s8 =	smul.u32 $0x6800, s3;
	s3 =	sadd.s32 $0x1000, s4;
	[dreg:$0x3] =	wrdreg s10  }
0xc: {  	s5 =	smul.u32 $0x680, s5;
	s6 =	sadd.s32 s6, s4;
	s30 =	sshrl.u32 s7, $0x1  }
0xd: {  	s10 =	simm.s32 $0x4C00;
	s7 =	ssub.s32 s7, s30;
	s6 =	sadd.s32 s8, s6  }
0xe: {  	s8 =	simm.s32 $0x80;
	s5 =	sadd.s32 s5, s4;
	s6 =	sadd.s32 $0x503A00, s6  }
0xf: {  	s4 =	sadd.s32 $0x4F6A00, s5;
	s5 =	smax.u32 s7, $0x1;
	s7 =	simm.s32 $0x2  }
.LBB2_1:
0x10: {  	[tilespmem:s2], [sflag:$0x2] =	stream.linear.gather [hbm4b:s4+s2], $0x3400, $0x38;
	[tilespmem:$0x9C00] =	vst v63  }
0x11: {  	_ =	swait.ge [sflag:s7], $0x3400  }
0x12: {  	[sflag:s7] =	ssyncset.done $0x0  }
0x13: {  	s22 =	simm.s32 $0x0;
	[sflag:s7] =	ssyncadd.s32 $0xFFFFCC00  }
0x14: {  	[tilespmem:s9], [sflag:$0x1] =	stream.indirect.gather [hbm4b:s3+s8], $0x10, s22, s8, $0xb8;
	[tilespmem:$0x9C00] =	vst v63  }
0x15: {  	s28 =	simm.s32 $0x80;
	s23 =	rddreg [dreg:$0x2]  }
0x16: {  	[tilespmem:s23], [sflag:$0x1] =	stream.indirect.gather [hbm4b:s3+s8], $0x10, s28, s8, $0xb8;
	[tilespmem:$0x9C00] =	vst v63  }
0x17: {  	s29 =	simm.s32 $0x100;
	s24 =	rddreg [dreg:$0x3]  }
0x18: {  	[tilespmem:s24], [sflag:$0x1] =	stream.indirect.gather [hbm4b:s3+s8], $0x10, s29, s8, $0xb8;
	[tilespmem:$0x9C00] =	vst v63  }
0x19: {  	s30 =	simm.s32 $0x180  }
0x1a: {  	[tilespmem:s10], [sflag:$0x1] =	stream.indirect.gather [hbm4b:s3+s8], $0x10, s30, s8, $0xb8;
	[tilespmem:$0x9C00] =	vst v63  }
0x1b: {  	s31 =	simm.s32 $0x200  }
0x1c: {  	[tilespmem:s11], [sflag:$0x1] =	stream.indirect.gather [hbm4b:s3+s8], $0x10, s31, s8, $0xb8;
	[tilespmem:$0x9C00] =	vst v63  }
0x1d: {  	s23 =	simm.s32 $0x280  }
0x1e: {  	[tilespmem:s12], [sflag:$0x1] =	stream.indirect.gather [hbm4b:s3+s8], $0x10, s23, s8, $0xb8;
	[tilespmem:$0x9C00] =	vst v63  }
0x1f: {  	s24 =	simm.s32 $0x300  }
0x20: {  	[tilespmem:s13], [sflag:$0x1] =	stream.indirect.gather [hbm4b:s3+s8], $0x10, s24, s8, $0xb8;
	[tilespmem:$0x9C00] =	vst v63  }
0x21: {  	s25 =	simm.s32 $0x380  }
0x22: {  	[tilespmem:s14], [sflag:$0x1] =	stream.indirect.gather [hbm4b:s3+s8], $0x10, s25, s8, $0xb8;
	[tilespmem:$0x9C00] =	vst v63  }
0x23: {  	s26 =	simm.s32 $0x400  }
0x24: {  	[tilespmem:s15], [sflag:$0x1] =	stream.indirect.gather [hbm4b:s3+s8], $0x10, s26, s8, $0xb8;
	[tilespmem:$0x9C00] =	vst v63  }
0x25: {  	s28 =	simm.s32 $0x480  }
0x26: {  	[tilespmem:s16], [sflag:$0x1] =	stream.indirect.gather [hbm4b:s3+s8], $0x10, s28, s8, $0xb8;
	[tilespmem:$0x9C00] =	vst v63  }
0x27: {  	s29 =	simm.s32 $0x500  }
0x28: {  	[tilespmem:s17], [sflag:$0x1] =	stream.indirect.gather [hbm4b:s3+s8], $0x10, s29, s8, $0xb8;
	[tilespmem:$0x9C00] =	vst v63  }
0x29: {  	s30 =	simm.s32 $0x580  }
0x2a: {  	[tilespmem:s18], [sflag:$0x1] =	stream.indirect.gather [hbm4b:s3+s8], $0x10, s30, s8, $0xb8;
	[tilespmem:$0x9C00] =	vst v63  }
0x2b: {  	s31 =	simm.s32 $0x600  }
0x2c: {  	[tilespmem:s19], [sflag:$0x1] =	stream.indirect.gather [hbm4b:s3+s8], $0x10, s31, s8, $0xb8;
	[tilespmem:$0x9C00] =	vst v63  }
0x2d: {  	_ =	swait.ge [sflag:s20], $0x800  }
0x2e: {  	[sflag:s20] =	ssyncset.done $0x0  }
0x2f: {  	[sflag:s20] =	ssyncadd.s32 $0xFFFFF800  }
0x30: {  	_ =	swait.ge [sflag:s20], $0x800  }
0x31: {  	[sflag:s20] =	ssyncset.done $0x0  }
0x32: {  	[sflag:s20] =	ssyncadd.s32 $0xFFFFF800  }
0x33: {  	_ =	swait.ge [sflag:s20], $0x800  }
0x34: {  	[sflag:s20] =	ssyncset.done $0x0  }
0x35: {  	[sflag:s20] =	ssyncadd.s32 $0xFFFFF800  }
0x36: {  	_ =	swait.ge [sflag:s20], $0x800  }
0x37: {  	[sflag:s20] =	ssyncset.done $0x0  }
0x38: {  	[sflag:s20] =	ssyncadd.s32 $0xFFFFF800  }
0x39: {  	_ =	swait.ge [sflag:s20], $0x800  }
0x3a: {  	[sflag:s20] =	ssyncset.done $0x0  }
0x3b: {  	[sflag:s20] =	ssyncadd.s32 $0xFFFFF800  }
0x3c: {  	_ =	swait.ge [sflag:s20], $0x800  }
0x3d: {  	[sflag:s20] =	ssyncset.done $0x0  }
0x3e: {  	[sflag:s20] =	ssyncadd.s32 $0xFFFFF800  }
0x3f: {  	_ =	swait.ge [sflag:s20], $0x800  }
0x40: {  	[sflag:s20] =	ssyncset.done $0x0  }
0x41: {  	[sflag:s20] =	ssyncadd.s32 $0xFFFFF800  }
0x42: {  	_ =	swait.ge [sflag:s20], $0x800  }
0x43: {  	[sflag:s20] =	ssyncset.done $0x0  }
0x44: {  	[sflag:s20] =	ssyncadd.s32 $0xFFFFF800  }
0x45: {  	_ =	swait.ge [sflag:s20], $0x800  }
0x46: {  	[sflag:s20] =	ssyncset.done $0x0  }
0x47: {  	[sflag:s20] =	ssyncadd.s32 $0xFFFFF800  }
0x48: {  	_ =	swait.ge [sflag:s20], $0x800  }
0x49: {  	[sflag:s20] =	ssyncset.done $0x0  }
0x4a: {  	[sflag:s20] =	ssyncadd.s32 $0xFFFFF800  }
0x4b: {  	_ =	swait.ge [sflag:s20], $0x800  }
0x4c: {  	[sflag:s20] =	ssyncset.done $0x0  }
0x4d: {  	[sflag:s20] =	ssyncadd.s32 $0xFFFFF800  }
0x4e: {  	_ =	swait.ge [sflag:s20], $0x800  }
0x4f: {  	[sflag:s20] =	ssyncset.done $0x0  }
0x50: {  	[sflag:s20] =	ssyncadd.s32 $0xFFFFF800  }
0x51: {  	_ =	swait.ge [sflag:s20], $0x800  }
0x52: {  	[sflag:s20] =	ssyncset.done $0x0  }
0x53: {  	[sflag:s20] =	ssyncadd.s32 $0xFFFFF800  }
0x54: {  	[hbm4b:s6+s2] =	stream.linear.scatter [tilespmem:s9], [sflag:$0x2], $0x6800, $0x38;
	[tilespmem:$0x9C00] =	vst v63  }
0x55: {  	s22 =	sadd.s32 $0xD00, s6;
	_ =	swait.ge [sflag:s7], $0x6800  }
0x56: {  	s23 =	simm.s32 $0x1A00;
	s25 =	simm.s32 $0x3400;
	[sflag:s7] =	ssyncset.done $0x0  }
.LBB2_2:
0x57: {  	s26 =	sshra.s32 s23, $0x2;
	[sflag:s7] =	ssyncadd.s32 $0xFFFF9800  }
0x58: {  	[tilespmem:s9], [sflag:$0x1] =	stream.indirect.gather [hbm4b:s3+s8], $0x10, s26, s8, $0xb8;
	[tilespmem:$0x9C00] =	vst v63  }
0x59: {  	s28 =	rddreg [dreg:$0x2];
	s29 =	sadd.s32 $0x80, s26  }
0x5a: {  	[tilespmem:s28], [sflag:$0x1] =	stream.indirect.gather [hbm4b:s3+s8], $0x10, s29, s8, $0xb8;
	[tilespmem:$0x9C00] =	vst v63  }
0x5b: {  	s30 =	rddreg [dreg:$0x3];
	s29 =	sadd.s32 $0x100, s26  }
0x5c: {  	[tilespmem:s30], [sflag:$0x1] =	stream.indirect.gather [hbm4b:s3+s8], $0x10, s29, s8, $0xb8;
	[tilespmem:$0x9C00] =	vst v63  }
0x5d: {  	s30 =	sadd.s32 $0x180, s26  }
0x5e: {  	[tilespmem:s10], [sflag:$0x1] =	stream.indirect.gather [hbm4b:s3+s8], $0x10, s30, s8, $0xb8;
	[tilespmem:$0x9C00] =	vst v63  }
0x5f: {  	s31 =	sadd.s32 $0x200, s26  }
0x60: {  	[tilespmem:s11], [sflag:$0x1] =	stream.indirect.gather [hbm4b:s3+s8], $0x10, s31, s8, $0xb8;
	[tilespmem:$0x9C00] =	vst v63  }
0x61: {  	s28 =	sadd.s32 $0x280, s26  }
0x62: {  	[tilespmem:s12], [sflag:$0x1] =	stream.indirect.gather [hbm4b:s3+s8], $0x10, s28, s8, $0xb8;
	[tilespmem:$0x9C00] =	vst v63  }
0x63: {  	s29 =	sadd.s32 $0x300, s26  }
0x64: {  	[tilespmem:s13], [sflag:$0x1] =	stream.indirect.gather [hbm4b:s3+s8], $0x10, s29, s8, $0xb8;
	[tilespmem:$0x9C00] =	vst v63  }
0x65: {  	s30 =	sadd.s32 $0x380, s26  }
0x66: {  	[tilespmem:s14], [sflag:$0x1] =	stream.indirect.gather [hbm4b:s3+s8], $0x10, s30, s8, $0xb8;
	[tilespmem:$0x9C00] =	vst v63  }
0x67: {  	s31 =	sadd.s32 $0x400, s26  }
0x68: {  	[tilespmem:s15], [sflag:$0x1] =	stream.indirect.gather [hbm4b:s3+s8], $0x10, s31, s8, $0xb8;
	[tilespmem:$0x9C00] =	vst v63  }
0x69: {  	s28 =	sadd.s32 $0x480, s26  }
0x6a: {  	[tilespmem:s16], [sflag:$0x1] =	stream.indirect.gather [hbm4b:s3+s8], $0x10, s28, s8, $0xb8;
	[tilespmem:$0x9C00] =	vst v63  }
0x6b: {  	s29 =	sadd.s32 $0x500, s26  }
0x6c: {  	[tilespmem:s17], [sflag:$0x1] =	stream.indirect.gather [hbm4b:s3+s8], $0x10, s29, s8, $0xb8;
	[tilespmem:$0x9C00] =	vst v63  }
0x6d: {  	s30 =	sadd.s32 $0x580, s26  }
0x6e: {  	[tilespmem:s18], [sflag:$0x1] =	stream.indirect.gather [hbm4b:s3+s8], $0x10, s30, s8, $0xb8;
	[tilespmem:$0x9C00] =	vst v63  }
0x6f: {  	s31 =	sadd.s32 $0x600, s26  }
0x70: {  	[tilespmem:s19], [sflag:$0x1] =	stream.indirect.gather [hbm4b:s3+s8], $0x10, s31, s8, $0xb8;
	[tilespmem:$0x9C00] =	vst v63  }
0x71: {  	_ =	swait.ge [sflag:s20], $0x800  }
0x72: {  	[sflag:s20] =	ssyncset.done $0x0  }
0x73: {  	[sflag:s20] =	ssyncadd.s32 $0xFFFFF800  }
0x74: {  	_ =	swait.ge [sflag:s20], $0x800  }
0x75: {  	[sflag:s20] =	ssyncset.done $0x0  }
0x76: {  	[sflag:s20] =	ssyncadd.s32 $0xFFFFF800  }
0x77: {  	_ =	swait.ge [sflag:s20], $0x800  }
0x78: {  	[sflag:s20] =	ssyncset.done $0x0  }
0x79: {  	[sflag:s20] =	ssyncadd.s32 $0xFFFFF800  }
0x7a: {  	_ =	swait.ge [sflag:s20], $0x800  }
0x7b: {  	[sflag:s20] =	ssyncset.done $0x0  }
0x7c: {  	[sflag:s20] =	ssyncadd.s32 $0xFFFFF800  }
0x7d: {  	_ =	swait.ge [sflag:s20], $0x800  }
0x7e: {  	[sflag:s20] =	ssyncset.done $0x0  }
0x7f: {  	[sflag:s20] =	ssyncadd.s32 $0xFFFFF800  }
0x80: {  	_ =	swait.ge [sflag:s20], $0x800  }
0x81: {  	[sflag:s20] =	ssyncset.done $0x0  }
0x82: {  	[sflag:s20] =	ssyncadd.s32 $0xFFFFF800  }
0x83: {  	_ =	swait.ge [sflag:s20], $0x800  }
0x84: {  	[sflag:s20] =	ssyncset.done $0x0  }
0x85: {  	[sflag:s20] =	ssyncadd.s32 $0xFFFFF800  }
0x86: {  	_ =	swait.ge [sflag:s20], $0x800  }
0x87: {  	[sflag:s20] =	ssyncset.done $0x0  }
0x88: {  	[sflag:s20] =	ssyncadd.s32 $0xFFFFF800  }
0x89: {  	_ =	swait.ge [sflag:s20], $0x800  }
0x8a: {  	[sflag:s20] =	ssyncset.done $0x0  }
0x8b: {  	[sflag:s20] =	ssyncadd.s32 $0xFFFFF800  }
0x8c: {  	_ =	swait.ge [sflag:s20], $0x800  }
0x8d: {  	[sflag:s20] =	ssyncset.done $0x0  }
0x8e: {  	[sflag:s20] =	ssyncadd.s32 $0xFFFFF800  }
0x8f: {  	_ =	swait.ge [sflag:s20], $0x800  }
0x90: {  	[sflag:s20] =	ssyncset.done $0x0  }
0x91: {  	[sflag:s20] =	ssyncadd.s32 $0xFFFFF800  }
0x92: {  	_ =	swait.ge [sflag:s20], $0x800  }
0x93: {  	[sflag:s20] =	ssyncset.done $0x0  }
0x94: {  	[sflag:s20] =	ssyncadd.s32 $0xFFFFF800  }
0x95: {  	p0 =	sne.s32 s25, $0xB600;
	_ =	swait.ge [sflag:s20], $0x800  }
.Ltmp0:
0x96: {  	[sflag:s20] =	ssyncset.done $0x0;
	(pc) =	sbr.rel @p0 .LBB2_2-.Ltmp0, $4  }
0x97: {  	[sflag:s20] =	ssyncadd.s32 $0xFFFFF800  }
0x98: {  	[hbm4b:s22+s2] =	stream.linear.scatter [tilespmem:s9], [sflag:$0x2], $0x6800, $0x38;
	[tilespmem:$0x9C00] =	vst v63  }
0x99: {  	s23 =	smov.u32 s25;
	s24 =	sadd.s32 $0x1A00, s25;
	_ =	swait.ge [sflag:s7], $0x6800  }
0x9a: {  	s25 =	smov.u32 s24;
	s22 =	sadd.s32 $0xD00, s22;
	[sflag:s7] =	ssyncset.done $0x0  }
0x9b: {  	s23 =	sshra.s32 s23, $0x2;
	[sflag:s7] =	ssyncadd.s32 $0xFFFF9800  }
0x9c: {  	[tilespmem:s9], [sflag:$0x1] =	stream.indirect.gather [hbm4b:s3+s8], $0x10, s23, s8, $0xb8;
	[tilespmem:$0x9C00] =	vst v63  }
0x9d: {  	s24 =	rddreg [dreg:$0x2];
	s25 =	sadd.s32 $0x80, s23  }
0x9e: {  	[tilespmem:s24], [sflag:$0x1] =	stream.indirect.gather [hbm4b:s3+s8], $0x10, s25, s8, $0xb8;
	[tilespmem:$0x9C00] =	vst v63  }
0x9f: {  	s26 =	rddreg [dreg:$0x3];
	s28 =	sadd.s32 $0x100, s23  }
0xa0: {  	[tilespmem:s26], [sflag:$0x1] =	stream.indirect.gather [hbm4b:s3+s8], $0x10, s28, s8, $0xb8;
	[tilespmem:$0x9C00] =	vst v63  }
0xa1: {  	s29 =	sadd.s32 $0x180, s23  }
0xa2: {  	[tilespmem:s10], [sflag:$0x1] =	stream.indirect.gather [hbm4b:s3+s8], $0x10, s29, s8, $0xb8;
	[tilespmem:$0x9C00] =	vst v63  }
0xa3: {  	s30 =	sadd.s32 $0x200, s23  }
0xa4: {  	[tilespmem:s11], [sflag:$0x1] =	stream.indirect.gather [hbm4b:s3+s8], $0x10, s30, s8, $0xb8;
	[tilespmem:$0x9C00] =	vst v63  }
0xa5: {  	s31 =	sadd.s32 $0x280, s23  }
0xa6: {  	[tilespmem:s12], [sflag:$0x1] =	stream.indirect.gather [hbm4b:s3+s8], $0x10, s31, s8, $0xb8;
	[tilespmem:$0x9C00] =	vst v63  }
0xa7: {  	s25 =	sadd.s32 $0x300, s23  }
0xa8: {  	[tilespmem:s13], [sflag:$0x1] =	stream.indirect.gather [hbm4b:s3+s8], $0x10, s25, s8, $0xb8;
	[tilespmem:$0x9C00] =	vst v63  }
0xa9: {  	s26 =	sadd.s32 $0x380, s23  }
0xaa: {  	[tilespmem:s14], [sflag:$0x1] =	stream.indirect.gather [hbm4b:s3+s8], $0x10, s26, s8, $0xb8;
	[tilespmem:$0x9C00] =	vst v63  }
0xab: {  	s28 =	sadd.s32 $0x400, s23  }
0xac: {  	[tilespmem:s15], [sflag:$0x1] =	stream.indirect.gather [hbm4b:s3+s8], $0x10, s28, s8, $0xb8;
	[tilespmem:$0x9C00] =	vst v63  }
0xad: {  	s29 =	sadd.s32 $0x480, s23  }
0xae: {  	[tilespmem:s16], [sflag:$0x1] =	stream.indirect.gather [hbm4b:s3+s8], $0x10, s29, s8, $0xb8;
	[tilespmem:$0x9C00] =	vst v63  }
0xaf: {  	s30 =	sadd.s32 $0x500, s23  }
0xb0: {  	[tilespmem:s17], [sflag:$0x1] =	stream.indirect.gather [hbm4b:s3+s8], $0x10, s30, s8, $0xb8;
	[tilespmem:$0x9C00] =	vst v63  }
0xb1: {  	s31 =	sadd.s32 $0x580, s23  }
0xb2: {  	[tilespmem:s18], [sflag:$0x1] =	stream.indirect.gather [hbm4b:s3+s8], $0x10, s31, s8, $0xb8;
	[tilespmem:$0x9C00] =	vst v63  }
0xb3: {  	s23 =	sadd.s32 $0x600, s23  }
0xb4: {  	[tilespmem:s19], [sflag:$0x1] =	stream.indirect.gather [hbm4b:s3+s8], $0x10, s23, s8, $0xb8;
	[tilespmem:$0x9C00] =	vst v63  }
0xb5: {  	_ =	swait.ge [sflag:s20], $0x800  }
0xb6: {  	[sflag:s20] =	ssyncset.done $0x0  }
0xb7: {  	[sflag:s20] =	ssyncadd.s32 $0xFFFFF800  }
0xb8: {  	_ =	swait.ge [sflag:s20], $0x800  }
0xb9: {  	[sflag:s20] =	ssyncset.done $0x0  }
0xba: {  	[sflag:s20] =	ssyncadd.s32 $0xFFFFF800  }
0xbb: {  	_ =	swait.ge [sflag:s20], $0x800  }
0xbc: {  	[sflag:s20] =	ssyncset.done $0x0  }
0xbd: {  	[sflag:s20] =	ssyncadd.s32 $0xFFFFF800  }
0xbe: {  	_ =	swait.ge [sflag:s20], $0x800  }
0xbf: {  	[sflag:s20] =	ssyncset.done $0x0  }
0xc0: {  	[sflag:s20] =	ssyncadd.s32 $0xFFFFF800  }
0xc1: {  	_ =	swait.ge [sflag:s20], $0x800  }
0xc2: {  	[sflag:s20] =	ssyncset.done $0x0  }
0xc3: {  	[sflag:s20] =	ssyncadd.s32 $0xFFFFF800  }
0xc4: {  	_ =	swait.ge [sflag:s20], $0x800  }
0xc5: {  	[sflag:s20] =	ssyncset.done $0x0  }
0xc6: {  	[sflag:s20] =	ssyncadd.s32 $0xFFFFF800  }
0xc7: {  	_ =	swait.ge [sflag:s20], $0x800  }
0xc8: {  	[sflag:s20] =	ssyncset.done $0x0  }
0xc9: {  	[sflag:s20] =	ssyncadd.s32 $0xFFFFF800  }
0xca: {  	_ =	swait.ge [sflag:s20], $0x800  }
0xcb: {  	[sflag:s20] =	ssyncset.done $0x0  }
0xcc: {  	[sflag:s20] =	ssyncadd.s32 $0xFFFFF800  }
0xcd: {  	_ =	swait.ge [sflag:s20], $0x800  }
0xce: {  	[sflag:s20] =	ssyncset.done $0x0  }
0xcf: {  	[sflag:s20] =	ssyncadd.s32 $0xFFFFF800  }
0xd0: {  	_ =	swait.ge [sflag:s20], $0x800  }
0xd1: {  	[sflag:s20] =	ssyncset.done $0x0  }
0xd2: {  	[sflag:s20] =	ssyncadd.s32 $0xFFFFF800  }
0xd3: {  	_ =	swait.ge [sflag:s20], $0x800  }
0xd4: {  	[sflag:s20] =	ssyncset.done $0x0  }
0xd5: {  	[sflag:s20] =	ssyncadd.s32 $0xFFFFF800  }
0xd6: {  	_ =	swait.ge [sflag:s20], $0x800  }
0xd7: {  	[sflag:s20] =	ssyncset.done $0x0  }
0xd8: {  	[sflag:s20] =	ssyncadd.s32 $0xFFFFF800  }
0xd9: {  	s21 =	sadd.s32 $0x1, s21;
	_ =	swait.ge [sflag:s20], $0x800  }
0xda: {  	p0 =	sne.s32 s21, s5;
	[sflag:s20] =	ssyncset.done $0x0  }
.Ltmp1:
0xdb: {  	[sflag:s20] =	ssyncadd.s32 $0xFFFFF800;
	(pc) =	sbr.rel @p0 .LBB2_1-.Ltmp1, $4  }
0xdc: {  	[hbm4b:s22+s2] =	stream.linear.scatter [tilespmem:s9], [sflag:$0x2], $0x6800, $0x38;
	[tilespmem:$0x9C00] =	vst v63  }
0xdd: {  	_ =	swait.ge [sflag:s7], $0x6800  }
0xde: {  	[sflag:s7] =	ssyncset.done $0x0  }
0xdf: {  	[sflag:s7] =	ssyncadd.s32 $0xFFFF9800  }
0xe0: {  	_ =	sfence.sel $0x180000  }
0xe1: {  	[bflag:$0x0] =	sbarrier.arrive $0xFFFF  }
0xe2: {  	p0 =	sne.s32 s0, $0x0;
	_ =	strace $0x9000004A  }
0xe3: {  	s0 =	sadd.s32 @!p0 $0x100000, s1;
	[bflag:$0x2] =	sbarrier.arrive $0xFFFF  }
0xe4: {  	[sflag:s0] =	ssyncadd.tile.s32 @!p0 $0x1;
	_ =	shalt  }
.Lfunc_end2:
_tile_overlayer_lowered:
.L_overlay_start_2:
0xe5: {  	(tag) =	ssettag $0x2  }
0xe6: {  	s0 =	rddreg [dreg:$0x0];
	s2 =	stileid.u32  }
0xe7: {  	s1 =	rddreg [dreg:$0x1];
	p0 =	sne.s32 s2, $0x0  }
0xe8: {  	s3 =	rddreg [dreg:$0x2];
	[bflag:$0x3] =	sbarrier.arrive $0xFFFF;
	s2 =	simm.s32 @!p0 $0x1C02  }
0xe9: {  	[timem:s3], [sflag:s2] =	dma.local @!p0 [hbm:s0], s1  }
0xea: {  	s0 =	simm.s32 @!p0 $0x2  }
0xeb: {  	_ =	swait.ge @!p0 [sflag:s0], s1  }
0xec: {  	s1 =	ssub.s32 @!p0 $0x0, s1;
	[sflag:s0] =	ssyncset.done @!p0 $0x0  }
0xed: {  	[sflag:s0] =	ssyncadd.s32 @!p0 s1  }
0xee: {  	[bflag:$0x3] =	sbarrier.arrive $0xFFFF  }
0xef: {  	_ =	shalt  }

</sc_bundles>
